<compile_context>
chip_gen: v7x
topology: tpu7x:2x2x1
jax: 0.10.2.dev20260603
libtpu: 0.0.44.dev20260713+nightly
codegen_flags: <defaults>
</compile_context>

<pallas_src>
import functools
import math

import jax
import jax.numpy as jnp
from jax import lax
from jax.experimental import pallas as pl
from jax.experimental.pallas import tpu as pltpu
from jax.experimental.pallas import tpu_sc as plsc

N = 10000
NG = 64
H = 128
E = 320000

NPAD = 10240
BM = 1024
NB = NPAD // BM
B = 64
NWORK = 32
EPW = 158 * B
EPAD = NWORK * EPW
ROWS_PER_SUB = NPAD // 16
NDR = NPAD // 128
NDR_PER_SUB = NDR // 16
NCOMB = 21 * 32

_f32 = jnp.float32



def _prep_body(x_ref, cat_ref, e0_ref, e1_ref, e2_ref, h0_ref):
    cat = cat_ref[...]
    emb = jnp.zeros((BM, H), _f32)
    for t, (ref, w) in enumerate([(e0_ref, 104), (e1_ref, 56), (e2_ref, 24)]):
        ids = cat[:, t:t + 1]
        oh = (ids == lax.broadcasted_iota(jnp.int32, (BM, w), 1)).astype(_f32)
        emb = emb + jnp.dot(oh, ref[...], preferred_element_type=_f32)
    h0_ref[...] = jnp.concatenate([x_ref[...], emb], axis=1)


def _proj_body(h_ref, wq_ref, bq_ref, wk_ref, bk_ref, wv_ref, bv_ref,
               ws_ref, bs_ref, q_ref, k_ref, v_ref, s_ref):
    h = h_ref[...]
    scale = 1.0 / math.sqrt(float(H))
    q_ref[...] = (jnp.dot(h, wq_ref[...], preferred_element_type=_f32)
                  + bq_ref[...]) * scale
    k_ref[...] = jnp.dot(h, wk_ref[...], preferred_element_type=_f32) + bk_ref[...]
    v_ref[...] = jnp.dot(h, wv_ref[...], preferred_element_type=_f32) + bv_ref[...]
    s_ref[...] = jnp.dot(h, ws_ref[...], preferred_element_type=_f32) + bs_ref[...]


def _embproj_body(ifc_ref, rpc_ref, weif_ref, werp_ref, comb_ref):
    ifp = jnp.dot(ifc_ref[...], weif_ref[...], preferred_element_type=_f32)
    rpp = jnp.dot(rpc_ref[...], werp_ref[...], preferred_element_type=_f32)
    for a0 in range(21):
        comb_ref[pl.ds(a0 * 32, 32), :] = rpp + ifp[a0:a0 + 1, :]


def _combine_body(acc_ref, den_ref, s_ref, o_ref, ps_ref, pq_ref):
    a = acc_ref[0] + acc_ref[1]
    d = den_ref[0] + den_ref[1]
    o = a / (d + 1e-16) + s_ref[...]
    rid = pl.program_id(0) * BM + lax.broadcasted_iota(jnp.int32, (BM, H), 0)
    o = jnp.where(rid < N, o, 0.0)
    o_ref[...] = o
    ps_ref[...] = jnp.sum(o, axis=0, keepdims=True).reshape(1, 1, H)
    pq_ref[...] = jnp.sum(o * o, axis=0, keepdims=True).reshape(1, 1, H)


def _bn_body(o_ref, ps_ref, pq_ref, g_ref, b_ref, h_ref):
    mu = jnp.sum(ps_ref[...], axis=0) / float(N)
    var = jnp.sum(pq_ref[...], axis=0) / float(N) - mu * mu
    hn = g_ref[...] * (o_ref[...] - mu) / jnp.sqrt(var + 1e-5) + b_ref[...]
    h_ref[...] = jnp.maximum(hn, 0.0)


def _pool_body(h_ref, pp_ref, pn_ref, bt_ref, wl_ref, bl_ref,
               lo_ref, macc_ref):
    h = h_ref[...]
    lo_ref[...] = jnp.dot(h, wl_ref[...], preferred_element_type=_f32) + bl_ref[...]
    h2 = h * pp_ref[...] / pn_ref[...]
    oh = (bt_ref[...] == lax.broadcasted_iota(jnp.int32, (BM, NG), 1)).astype(_f32)
    contrib = lax.dot_general(oh, h2, (((0,), (0,)), ((), ())),
                              preferred_element_type=_f32)

    @pl.when(pl.program_id(0) == 0)
    def _():
        macc_ref[...] = jnp.zeros_like(macc_ref)

    macc_ref[...] += contrib


def _mlp_body(macc_ref, eid_ref, emb_ref, wg1_ref, bg1_ref, wg2_ref,
              bg2_ref, g_ref):
    ids = eid_ref[...]
    oh = (ids == lax.broadcasted_iota(jnp.int32, (NG, 1008), 1)).astype(_f32)
    ent = jnp.dot(oh, emb_ref[...], preferred_element_type=_f32)
    gc = jnp.concatenate([macc_ref[...], ent], axis=1)
    t = jnp.maximum(jnp.dot(gc, wg1_ref[...], preferred_element_type=_f32)
                    + bg1_ref[...], 0.0)
    g_ref[...] = jnp.dot(t, wg2_ref[...], preferred_element_type=_f32) + bg2_ref[...]


def _row_spec(shape):
    return pl.BlockSpec(shape, lambda i: (i,) + (0,) * (len(shape) - 1))


def _full_spec(shape):
    return pl.BlockSpec(shape, lambda i: (0,) * len(shape))



_sc_mesh = plsc.VectorSubcoreMesh(core_axis_name="c", subcore_axis_name="s")


@functools.partial(
    pl.kernel,
    mesh=_sc_mesh,
    out_type=(jax.ShapeDtypeStruct((2, NPAD, H), _f32),
              jax.ShapeDtypeStruct((2, NDR, H), _f32)),
    scratch_types=[
        pltpu.VMEM((3 * B,), jnp.int32),
        pltpu.VMEM((B,), jnp.int32),
        pltpu.VMEM((B,), jnp.int32),
        pltpu.VMEM((B,), jnp.int32),
        pltpu.VMEM((B, H), _f32),
        pltpu.VMEM((B, H), _f32),
        pltpu.VMEM((B, H), _f32),
        pltpu.VMEM((B, H), _f32),
        pltpu.VMEM((B * 16,), _f32),
        pltpu.VMEM((B * 16,), _f32),
        pltpu.VMEM((NPAD,), _f32),
        pltpu.VMEM((NDR // 2,), jnp.int32),
        pltpu.VMEM((NDR // 2,), jnp.int32),
        pltpu.VMEM_SHARED((NPAD, H), _f32),
        pltpu.VMEM_SHARED((NDR, H), _f32),
        pltpu.SemaphoreType.DMA,
    ],
    compiler_params=pltpu.CompilerParams(needs_layout_passes=False),
)
def _sc_edge(q_hbm, k_hbm, v_hbm, comb_hbm, pk_hbm,
             zeros_hbm, zeros1_hbm, diota_a_hbm, diota_b_hbm, msg_out,
             den_out,
             idx_v, src_v, dst_v, cidx_v, qr, kr, vr, cr, dotb, eab,
             denoml, didx_a, didx_b, acc, dacc, sem):
    cid = lax.axis_index("c")
    sid = lax.axis_index("s")
    wid = sid * 2 + cid

    pltpu.sync_copy(zeros_hbm.at[pl.ds(sid * ROWS_PER_SUB, ROWS_PER_SUB)],
                    acc.at[pl.ds(sid * ROWS_PER_SUB, ROWS_PER_SUB)])
    @pl.when(sid == 0)
    def _():
        pltpu.sync_copy(zeros_hbm.at[pl.ds(0, NDR)], dacc)

    pltpu.sync_copy(zeros1_hbm, denoml)
    pltpu.sync_copy(diota_a_hbm, didx_a)
    pltpu.sync_copy(diota_b_hbm, didx_b)
    plsc.subcore_barrier()

    def chunk(ci, carry):
        gi = wid * (EPW // B) + ci
        pltpu.sync_copy(pk_hbm.at[pl.ds(gi * 3 * B, 3 * B)], idx_v)
        for r in range(B // 16):
            src_v[pl.ds(r * 16, 16)] = idx_v[pl.ds(r * 16, 16)]
            dst_v[pl.ds(r * 16, 16)] = idx_v[pl.ds(B + r * 16, 16)]
            cidx_v[pl.ds(r * 16, 16)] = idx_v[pl.ds(2 * B + r * 16, 16)]
        cps = [pltpu.async_copy(q_hbm.at[dst_v], qr, sem),
               pltpu.async_copy(k_hbm.at[src_v], kr, sem),
               pltpu.async_copy(comb_hbm.at[cidx_v], cr, sem),
               pltpu.async_copy(v_hbm.at[src_v], vr, sem)]
        for cp in cps:
            cp.wait()

        def edge1(e, ecarry):
            dot = jnp.zeros((16,), _f32)
            for j in range(8):
                sl = pl.ds(16 * j, 16)
                dot = dot + qr[e, sl] * (kr[e, sl] + cr[e, sl])
            dotb[pl.ds(e * 16, 16)] = dot
            return ecarry

        lax.fori_loop(0, B, edge1, 0)

        def grp(g, gcarry):
            strided = lax.broadcasted_iota(jnp.int32, (16,), 0) * 16
            alpha = jnp.zeros((16,), _f32)
            for l in range(16):
                alpha = alpha + plsc.load_gather(
                    dotb, [strided + (g * 256 + l)])
            ea16 = jnp.exp(alpha)
            d16 = dst_v[pl.ds(g * 16, 16)]
            plsc.addupdate_scatter(denoml, [d16], ea16)
            for l in range(16):
                plsc.store_scatter(eab, [strided + (g * 256 + l)], ea16)
            return gcarry

        lax.fori_loop(0, B // 16, grp, 0)

        def edge2(e, ecarry):
            ea = eab[pl.ds(e * 16, 16)]
            for j in range(8):
                sl = pl.ds(16 * j, 16)
                cr[e, sl] = (vr[e, sl] + cr[e, sl]) * ea
            return ecarry

        lax.fori_loop(0, B, edge2, 0)
        pltpu.sync_copy(cr, acc.at[dst_v], add=True)
        return carry

    lax.fori_loop(0, EPW // B, chunk, 0)

    for half, didx in ((0, didx_a), (1, didx_b)):
        def stage(r, scarry, half=half):
            base = (half * (NDR // 2) + r) * 128
            for j in range(8):
                qr[r, pl.ds(16 * j, 16)] = denoml[pl.ds(base + 16 * j, 16)]
            return scarry

        lax.fori_loop(0, NDR // 2, stage, 0)
        pltpu.sync_copy(qr.at[pl.ds(0, NDR // 2)], dacc.at[didx], add=True)
    plsc.subcore_barrier()
    pltpu.sync_copy(acc.at[pl.ds(sid * ROWS_PER_SUB, ROWS_PER_SUB)],
                    msg_out.at[cid, pl.ds(sid * ROWS_PER_SUB, ROWS_PER_SUB)])

    @pl.when(sid == 0)
    def _():
        pltpu.sync_copy(dacc, den_out.at[cid])



def _pad_rows(a, rows, value=0):
    return jnp.pad(a, ((0, rows - a.shape[0]),) + ((0, 0),) * (a.ndim - 1),
                   constant_values=value)


def kernel(x, cat_X, edge_index, edge_attr, pattern_num_nodes, pattern_probs,
           entry_id, batch, params):
    p = params
    x_p = _pad_rows(x.astype(_f32), NPAD)
    cat_p = _pad_rows(cat_X.astype(jnp.int32), NPAD)
    e0 = _pad_rows(p['cat_emb0'], 104)
    e1 = _pad_rows(p['cat_emb1'], 56)
    e2 = _pad_rows(p['cat_emb2'], 24)

    h = pl.pallas_call(
        _prep_body,
        grid=(NB,),
        in_specs=[_row_spec((BM, 128)), _row_spec((BM, 3)),
                  _full_spec((104, H)), _full_spec((56, H)), _full_spec((24, H))],
        out_specs=_row_spec((BM, 256)),
        out_shape=jax.ShapeDtypeStruct((NPAD, 256), _f32),
    )(x_p, cat_p, e0, e1, e2)

    src = edge_index[0].astype(jnp.int32)
    dst = edge_index[1].astype(jnp.int32)
    a0 = edge_attr[:, 0].astype(jnp.int32)
    a1 = edge_attr[:, 1].astype(jnp.int32)
    cidx = a0 * 32 + a1
    src_p = jnp.pad(src, (0, EPAD - E))
    dst_p = jnp.pad(dst, (0, EPAD - E), constant_values=N)
    cidx_p = jnp.pad(cidx, (0, EPAD - E))
    nchunks = EPAD // B
    pk_p = jnp.stack([src_p.reshape(nchunks, B), dst_p.reshape(nchunks, B),
                      cidx_p.reshape(nchunks, B)], axis=1).reshape(-1)
    zeros_acc = jnp.zeros((NPAD, H), _f32)
    zeros1 = jnp.zeros((NPAD,), _f32)
    diota_a = jnp.arange(NDR // 2, dtype=jnp.int32)
    diota_b = jnp.arange(NDR // 2, NDR, dtype=jnp.int32)

    iface_p = p['interface_emb'][:32]
    rpc_p = _pad_rows(p['rpctype_emb'], 32)

    for i in range(3):
        cin = 256 if i == 0 else 128
        bq = p['bq%d' % i].reshape(1, H)
        bk = p['bk%d' % i].reshape(1, H)
        bv = p['bv%d' % i].reshape(1, H)
        bs = p['bs%d' % i].reshape(1, H)
        q, k, v, s = pl.pallas_call(
            _proj_body,
            grid=(NB,),
            in_specs=[_row_spec((BM, cin))] + [
                _full_spec(sh) for sh in
                [(cin, H), (1, H), (cin, H), (1, H), (cin, H), (1, H),
                 (cin, H), (1, H)]],
            out_specs=[_row_spec((BM, H))] * 4,
            out_shape=[jax.ShapeDtypeStruct((NPAD, H), _f32)] * 4,
        )(h, p['Wq%d' % i], bq, p['Wk%d' % i], bk, p['Wv%d' % i], bv,
          p['Ws%d' % i], bs)

        We = p['We%d' % i]
        comb = pl.pallas_call(
            _embproj_body,
            out_shape=jax.ShapeDtypeStruct((NCOMB, H), _f32),
        )(iface_p, rpc_p, We[:H], We[H:])

        msg2, den2 = _sc_edge(q, k, v, comb, pk_p,
                              zeros_acc, zeros1, diota_a, diota_b)
        denf = den2.reshape(2, NPAD, 1)

        o, ps, pq = pl.pallas_call(
            _combine_body,
            grid=(NB,),
            in_specs=[pl.BlockSpec((2, BM, H), lambda i: (0, i, 0)),
                      pl.BlockSpec((2, BM, 1), lambda i: (0, i, 0)),
                      _row_spec((BM, H))],
            out_specs=[_row_spec((BM, H)),
                       pl.BlockSpec((1, 1, H), lambda i: (i, 0, 0)),
                       pl.BlockSpec((1, 1, H), lambda i: (i, 0, 0))],
            out_shape=[jax.ShapeDtypeStruct((NPAD, H), _f32),
                       jax.ShapeDtypeStruct((NB, 1, H), _f32),
                       jax.ShapeDtypeStruct((NB, 1, H), _f32)],
        )(msg2, denf, s)

        if i < 2:
            h = pl.pallas_call(
                _bn_body,
                grid=(NB,),
                in_specs=[_row_spec((BM, H)), _full_spec((NB, 1, H)),
                          _full_spec((NB, 1, H)), _full_spec((1, H)),
                          _full_spec((1, H))],
                out_specs=_row_spec((BM, H)),
                out_shape=jax.ShapeDtypeStruct((NPAD, H), _f32),
            )(o, ps, pq, p['gamma%d' % i].reshape(1, H),
              p['beta%d' % i].reshape(1, H))
        else:
            h = o

    pp_p = _pad_rows(pattern_probs.astype(_f32), NPAD, 1.0)
    pn_p = _pad_rows(pattern_num_nodes.astype(_f32), NPAD, 1.0)
    bt_p = _pad_rows(batch.astype(jnp.int32).reshape(-1, 1), NPAD, NG)

    lo, macc = pl.pallas_call(
        _pool_body,
        grid=(NB,),
        in_specs=[_row_spec((BM, H)), _row_spec((BM, 1)), _row_spec((BM, 1)),
                  _row_spec((BM, 1)), _full_spec((H, 1)), _full_spec((1, 1))],
        out_specs=[_row_spec((BM, 1)), _full_spec((NG, H))],
        out_shape=[jax.ShapeDtypeStruct((NPAD, 1), _f32),
                   jax.ShapeDtypeStruct((NG, H), _f32)],
    )(h, pp_p, pn_p, bt_p, p['W_local'], p['b_local'].reshape(1, 1))

    g = pl.pallas_call(
        _mlp_body,
        out_shape=jax.ShapeDtypeStruct((NG, 1), _f32),
    )(macc, entry_id.astype(jnp.int32).reshape(NG, 1),
      _pad_rows(p['entry_emb'], 1008), p['Wg1'], p['bg1'].reshape(1, H),
      p['Wg2'], p['bg2'].reshape(1, 1))

    return (g, lo[:N])

# --- scband reference (transcript-rebuilt; emitter-appended) ---
"""Pipeline reference for scband-sagedeterministic-81724637709033 (READ-ONLY COPY).

The authoritative reference and input builder live on the scoring server;
editing this copy changes nothing except your own understanding.
"""

import jax, jax.numpy as jnp
import numpy as np

N = 10000
E = 320000
IN_CH = 128
H = 128
CAT_DIMS = [100, 50, 20]
NG = 64
ENTRY_MAX = 1000
IFACE_MAX = 500
RPC_MAX = 20

_SEED = 0

def _k(i):
    return jax.random.fold_in(jax.random.key(_SEED), i)

def _nrm(i, shape):
    return jax.random.normal(_k(i), shape, dtype=jnp.float32) * 0.05

def _make_params():
    p = {}
    ins = [IN_CH + H, H, H]
    j = 100
    for i, cin in enumerate(ins):
        p['Wq%d' % i] = _nrm(j, (cin, H)); j += 1
        p['bq%d' % i] = jnp.zeros((H,), dtype=jnp.float32)
        p['Wk%d' % i] = _nrm(j, (cin, H)); j += 1
        p['bk%d' % i] = jnp.zeros((H,), dtype=jnp.float32)
        p['Wv%d' % i] = _nrm(j, (cin, H)); j += 1
        p['bv%d' % i] = jnp.zeros((H,), dtype=jnp.float32)
        p['We%d' % i] = _nrm(j, (2 * H, H)); j += 1
        p['Ws%d' % i] = _nrm(j, (cin, H)); j += 1
        p['bs%d' % i] = jnp.zeros((H,), dtype=jnp.float32)
    for i in range(2):
        p['gamma%d' % i] = jnp.ones((H,), dtype=jnp.float32)
        p['beta%d' % i] = jnp.zeros((H,), dtype=jnp.float32)
    for i, c in enumerate(CAT_DIMS):
        p['cat_emb%d' % i] = _nrm(j, (c, H)); j += 1
    p['entry_emb'] = _nrm(j, (ENTRY_MAX + 1, H)); j += 1
    p['interface_emb'] = _nrm(j, (IFACE_MAX + 1, H)); j += 1
    p['rpctype_emb'] = _nrm(j, (RPC_MAX + 1, H)); j += 1
    p['W_local'] = _nrm(j, (H, 1)); j += 1
    p['b_local'] = jnp.zeros((1,), dtype=jnp.float32)
    p['Wg1'] = _nrm(j, (2 * H, H)); j += 1
    p['bg1'] = jnp.zeros((H,), dtype=jnp.float32)
    p['Wg2'] = _nrm(j, (H, 1)); j += 1
    p['bg2'] = jnp.zeros((1,), dtype=jnp.float32)
    return p

def setup_inputs(seed=0):
    global _SEED
    _SEED = seed
    inp = {}
    inp['x'] = jax.random.normal(_k(1), (N, IN_CH), dtype=jnp.float32)
    inp['cat_X'] = jax.random.randint(_k(2), (N, len(CAT_DIMS)), 0, min(CAT_DIMS))
    inp['edge_index'] = jax.random.randint(_k(3), (2, E), 0, N)
    inp['edge_attr'] = jax.random.randint(_k(4), (E, 2), 0, RPC_MAX + 1)
    inp['pattern_num_nodes'] = jnp.ones((N, 1), dtype=jnp.float32)
    inp['pattern_probs'] = jax.random.uniform(_k(5), (N, 1), dtype=jnp.float32)
    inp['entry_id'] = jax.random.randint(_k(6), (NG,), 0, ENTRY_MAX + 1)
    inp['batch'] = jnp.sort(jax.random.randint(_k(7), (N,), 0, NG))
    inp['params'] = _make_params()
    return inp

def _tconv(h, src, dst, e, p, i, n):
    # PyG TransformerConv, heads=1, concat=True, edge added to both key and value
    q = h @ p['Wq%d' % i] + p['bq%d' % i]
    k = h @ p['Wk%d' % i] + p['bk%d' % i]
    v = h @ p['Wv%d' % i] + p['bv%d' % i]
    ee = e @ p['We%d' % i]
    k_j = k[src] + ee
    v_j = v[src] + ee
    alpha = jnp.sum(q[dst] * k_j, axis=-1) / jnp.sqrt(float(H))
    amax = jax.ops.segment_max(alpha, dst, num_segments=n)
    amax = jnp.where(jnp.isfinite(amax), amax, 0.0)
    ea = jnp.exp(alpha - amax[dst])
    denom = jax.ops.segment_sum(ea, dst, num_segments=n)
    w = ea / (denom[dst] + 1e-16)
    out = jax.ops.segment_sum(v_j * w[:, None], dst, num_segments=n)
    return out + h @ p['Ws%d' % i] + p['bs%d' % i]

def _bn(h, gamma, beta):
    mu = jnp.mean(h, axis=0)
    var = jnp.var(h, axis=0)
    return gamma * (h - mu) / jnp.sqrt(var + 1e-5) + beta

def _forward(x, cat_X, edge_index, edge_attr, pattern_num_nodes, pattern_probs, entry_id, batch, p):
    cat_embeds = 0.0
    for i in range(len(CAT_DIMS)):
        cat_embeds = cat_embeds + p['cat_emb%d' % i][cat_X[:, i]]
    h = jnp.concatenate([x, cat_embeds], axis=1)
    e = jnp.concatenate([p['interface_emb'][edge_attr[:, 0]], p['rpctype_emb'][edge_attr[:, 1]]], axis=1)
    src = edge_index[0]
    dst = edge_index[1]
    for i in range(2):
        h = _tconv(h, src, dst, e, p, i, N)
        h = _bn(h, p['gamma%d' % i], p['beta%d' % i])
        h = jax.nn.relu(h)
        # dropout p=0.0 -> identity
    h = _tconv(h, src, dst, e, p, 2, N)
    local_predict = h @ p['W_local'] + p['b_local']
    h2 = h * pattern_probs / pattern_num_nodes
    mean_x = jax.ops.segment_sum(h2, batch, num_segments=NG)
    g = jnp.concatenate([mean_x, p['entry_emb'][entry_id]], axis=1)
    g = jax.nn.relu(g @ p['Wg1'] + p['bg1']) @ p['Wg2'] + p['bg2']
    return (g, local_predict)

def reference(x, cat_X, edge_index, edge_attr, pattern_num_nodes, pattern_probs, entry_id, batch, params):
    return _forward(x, cat_X, edge_index, edge_attr, pattern_num_nodes, pattern_probs, entry_id, batch, params)

if __name__ == "__main__":
    import jax
    _d = setup_inputs()
    print(jax.jit(kernel)(*tuple(_d.values())))

</pallas_src>

<mosaic_0001>
#map = affine_map<(d0, d1) -> (0, 0)>
#map1 = affine_map<(d0, d1) -> (0)>
#map2 = affine_map<(d0, d1) -> (0, 0, 0)>
module attributes {stable_mosaic.version = 14 : i64} {
  func.func @_sc_edge(%arg0: i32, %arg1: i32, %arg2: memref<10240x128xf32, #tpu.memory_space<hbm>>, %arg3: memref<10240x128xf32, #tpu.memory_space<hbm>>, %arg4: memref<10240x128xf32, #tpu.memory_space<hbm>>, %arg5: memref<672x128xf32, #tpu.memory_space<hbm>>, %arg6: memref<970752xi32, #tpu.memory_space<hbm>>, %arg7: memref<10240x128xf32, #tpu.memory_space<hbm>>, %arg8: memref<10240xf32, #tpu.memory_space<hbm>>, %arg9: memref<40xi32, #tpu.memory_space<hbm>>, %arg10: memref<40xi32, #tpu.memory_space<hbm>>, %arg11: memref<2x10240x128xf32, #tpu.memory_space<hbm>>, %arg12: memref<2x80x128xf32, #tpu.memory_space<hbm>>, %arg13: memref<192xi32, #tpu.memory_space<vmem>>, %arg14: memref<64xi32, #tpu.memory_space<vmem>>, %arg15: memref<64xi32, #tpu.memory_space<vmem>>, %arg16: memref<64xi32, #tpu.memory_space<vmem>>, %arg17: memref<64x128xf32, #tpu.memory_space<vmem>>, %arg18: memref<64x128xf32, #tpu.memory_space<vmem>>, %arg19: memref<64x128xf32, #tpu.memory_space<vmem>>, %arg20: memref<64x128xf32, #tpu.memory_space<vmem>>, %arg21: memref<1024xf32, #tpu.memory_space<vmem>>, %arg22: memref<1024xf32, #tpu.memory_space<vmem>>, %arg23: memref<10240xf32, #tpu.memory_space<vmem>>, %arg24: memref<40xi32, #tpu.memory_space<vmem>>, %arg25: memref<40xi32, #tpu.memory_space<vmem>>, %arg26: memref<10240x128xf32, #tpu.memory_space<vmem_shared>>, %arg27: memref<80x128xf32, #tpu.memory_space<vmem_shared>>, %arg28: memref<!tpu.dma_semaphore, #tpu.memory_space<semaphore_mem>>) attributes {dimension_semantics = [#tpu.dimension_semantics<core_parallel>, #tpu.dimension_semantics<subcore_parallel>], iteration_bounds = array<i64: 2, 16>, scalar_prefetch = 0 : i64, scratch_operands = 16 : i64, tpu.core_type = #tpu.core_type<sc_vector_subcore>, window_params = [{transform_indices = #map}, {transform_indices = #map}, {transform_indices = #map}, {transform_indices = #map}, {transform_indices = #map1}, {transform_indices = #map}, {transform_indices = #map1}, {transform_indices = #map1}, {transform_indices = #map1}, {transform_indices = #map2}, {transform_indices = #map2}]} {
    %mul3A = arith.constant 2 : i32
    %mul3A_0 = arith.muli %arg1, %mul3A : i32
    %add3A = arith.addi %mul3A_0, %arg0 : i32
    %mul3A_1 = arith.constant 640 : i32
    %mul3A_2 = arith.muli %arg1, %mul3A_1 : i32
    %mul3A_3 = arith.constant 640 : i32
    %mul3A_4 = arith.muli %arg1, %mul3A_3 : i32
    "tpu.region"() ({
      %run_scoped3A = tpu.sem_alloc : memref<!tpu.dma_semaphore, #tpu.memory_space<semaphore_mem>>
      %dma_start3A = arith.constant 0 : i32
      %dma_start3A_34 = tpu.memref_slice %arg26[%mul3A_4, %dma_start3A] : memref<10240x128xf32, #tpu.memory_space<vmem_shared>> -> memref<640x128xf32, #tpu.memory_space<vmem_shared>>
      %dma_start3A_35 = arith.constant 0 : i32
      %dma_start3A_36 = tpu.memref_slice %arg7[%mul3A_2, %dma_start3A_35] : memref<10240x128xf32, #tpu.memory_space<hbm>> -> memref<640x128xf32, #tpu.memory_space<hbm>>
      tpu.enqueue_dma source(%dma_start3A_36 : memref<640x128xf32, #tpu.memory_space<hbm>>) target(%dma_start3A_34 : memref<640x128xf32, #tpu.memory_space<vmem_shared>>) target_semaphore(%run_scoped3A : memref<!tpu.dma_semaphore, #tpu.memory_space<semaphore_mem>>)
      %dma_wait3A = arith.constant 0 : i32
      %dma_wait3A_37 = tpu.memref_slice %arg26[%mul3A_4, %dma_wait3A] : memref<10240x128xf32, #tpu.memory_space<vmem_shared>> -> memref<640x128xf32, #tpu.memory_space<vmem_shared>>
      %dma_wait3A_38 = arith.constant 0 : i32
      %dma_wait3A_39 = tpu.memref_slice %arg7[%mul3A_2, %dma_wait3A_38] : memref<10240x128xf32, #tpu.memory_space<hbm>> -> memref<640x128xf32, #tpu.memory_space<hbm>>
      tpu.wait_dma2 semaphore(%run_scoped3A : memref<!tpu.dma_semaphore, #tpu.memory_space<semaphore_mem>>) src(%dma_wait3A_39 : memref<640x128xf32, #tpu.memory_space<hbm>>) dst(%dma_wait3A_37 : memref<640x128xf32, #tpu.memory_space<vmem_shared>>)
      tpu.yield
    }) : () -> ()
    %eq3A = arith.constant 0 : i32
    %eq3A_5 = arith.cmpi eq, %arg1, %eq3A : i32
    %convert_element_type3A = arith.extui %eq3A_5 : i1 to i32
    %cond3A = arith.constant 0 : i32
    %cond3A_6 = arith.cmpi ne, %convert_element_type3A, %cond3A : i32
    scf.if %cond3A_6 {
      "tpu.region"() ({
        %run_scoped3A = tpu.sem_alloc : memref<!tpu.dma_semaphore, #tpu.memory_space<semaphore_mem>>
        %dma_start3A = arith.constant 0 : i32
        %dma_start3A_34 = arith.constant 0 : i32
        %dma_start3A_35 = tpu.memref_slice %arg7[%dma_start3A, %dma_start3A_34] : memref<10240x128xf32, #tpu.memory_space<hbm>> -> memref<80x128xf32, #tpu.memory_space<hbm>>
        tpu.enqueue_dma source(%dma_start3A_35 : memref<80x128xf32, #tpu.memory_space<hbm>>) target(%arg27 : memref<80x128xf32, #tpu.memory_space<vmem_shared>>) target_semaphore(%run_scoped3A : memref<!tpu.dma_semaphore, #tpu.memory_space<semaphore_mem>>)
        %dma_wait3A = arith.constant 0 : i32
        %dma_wait3A_36 = arith.constant 0 : i32
        %dma_wait3A_37 = tpu.memref_slice %arg7[%dma_wait3A, %dma_wait3A_36] : memref<10240x128xf32, #tpu.memory_space<hbm>> -> memref<80x128xf32, #tpu.memory_space<hbm>>
        tpu.wait_dma2 semaphore(%run_scoped3A : memref<!tpu.dma_semaphore, #tpu.memory_space<semaphore_mem>>) src(%dma_wait3A_37 : memref<80x128xf32, #tpu.memory_space<hbm>>) dst(%arg27 : memref<80x128xf32, #tpu.memory_space<vmem_shared>>)
        tpu.yield
      }) : () -> ()
    } else {
    }
    "tpu.region"() ({
      %run_scoped3A = tpu.sem_alloc : memref<!tpu.dma_semaphore, #tpu.memory_space<semaphore_mem>>
      tpu.enqueue_dma source(%arg8 : memref<10240xf32, #tpu.memory_space<hbm>>) target(%arg23 : memref<10240xf32, #tpu.memory_space<vmem>>) target_semaphore(%run_scoped3A : memref<!tpu.dma_semaphore, #tpu.memory_space<semaphore_mem>>)
      tpu.wait_dma2 semaphore(%run_scoped3A : memref<!tpu.dma_semaphore, #tpu.memory_space<semaphore_mem>>) src(%arg8 : memref<10240xf32, #tpu.memory_space<hbm>>) dst(%arg23 : memref<10240xf32, #tpu.memory_space<vmem>>)
      tpu.yield
    }) : () -> ()
    "tpu.region"() ({
      %run_scoped3A = tpu.sem_alloc : memref<!tpu.dma_semaphore, #tpu.memory_space<semaphore_mem>>
      tpu.enqueue_dma source(%arg9 : memref<40xi32, #tpu.memory_space<hbm>>) target(%arg24 : memref<40xi32, #tpu.memory_space<vmem>>) target_semaphore(%run_scoped3A : memref<!tpu.dma_semaphore, #tpu.memory_space<semaphore_mem>>)
      tpu.wait_dma2 semaphore(%run_scoped3A : memref<!tpu.dma_semaphore, #tpu.memory_space<semaphore_mem>>) src(%arg9 : memref<40xi32, #tpu.memory_space<hbm>>) dst(%arg24 : memref<40xi32, #tpu.memory_space<vmem>>)
      tpu.yield
    }) : () -> ()
    "tpu.region"() ({
      %run_scoped3A = tpu.sem_alloc : memref<!tpu.dma_semaphore, #tpu.memory_space<semaphore_mem>>
      tpu.enqueue_dma source(%arg10 : memref<40xi32, #tpu.memory_space<hbm>>) target(%arg25 : memref<40xi32, #tpu.memory_space<vmem>>) target_semaphore(%run_scoped3A : memref<!tpu.dma_semaphore, #tpu.memory_space<semaphore_mem>>)
      tpu.wait_dma2 semaphore(%run_scoped3A : memref<!tpu.dma_semaphore, #tpu.memory_space<semaphore_mem>>) src(%arg10 : memref<40xi32, #tpu.memory_space<hbm>>) dst(%arg25 : memref<40xi32, #tpu.memory_space<vmem>>)
      tpu.yield
    }) : () -> ()
    %barrier3A = arith.constant 0 : index
    tpu.barrier barrier_id(%barrier3A)
    %scan3A = arith.constant 0 : i32
    %scan3A_7 = arith.constant 0 : i32
    %scan3A_8 = arith.constant 158 : i32
    %scan3A_9 = arith.addi %scan3A_7, %scan3A_8 : i32
    %scan3A_10 = arith.constant 1 : i32
    scf.for %scan3A_34 = %scan3A_7 to %scan3A_9 step %scan3A_10  : i32 {
      %mul3A_35 = arith.constant 158 : i32
      %mul3A_36 = arith.muli %add3A, %mul3A_35 : i32
      %add3A_37 = arith.addi %mul3A_36, %scan3A_34 : i32
      %mul3A_38 = arith.constant 3 : i32
      %mul3A_39 = arith.muli %add3A_37, %mul3A_38 : i32
      %mul3A_40 = arith.constant 64 : i32
      %mul3A_41 = arith.muli %mul3A_39, %mul3A_40 : i32
      "tpu.region"() ({
        %run_scoped3A = tpu.sem_alloc : memref<!tpu.dma_semaphore, #tpu.memory_space<semaphore_mem>>
        %dma_start3A_128 = tpu.memref_slice %arg6[%mul3A_41] : memref<970752xi32, #tpu.memory_space<hbm>> -> memref<192xi32, #tpu.memory_space<hbm>>
        %dma_start3A_129 = tpu.memref_slice %arg6[%mul3A_41] : memref<970752xi32, #tpu.memory_space<hbm>> -> memref<192xi32, #tpu.memory_space<hbm>>
        tpu.enqueue_dma source(%dma_start3A_129 : memref<192xi32, #tpu.memory_space<hbm>>) target(%arg13 : memref<192xi32, #tpu.memory_space<vmem>>) target_semaphore(%run_scoped3A : memref<!tpu.dma_semaphore, #tpu.memory_space<semaphore_mem>>)
        %dma_wait3A_130 = tpu.memref_slice %arg6[%mul3A_41] : memref<970752xi32, #tpu.memory_space<hbm>> -> memref<192xi32, #tpu.memory_space<hbm>>
        %dma_wait3A_131 = tpu.memref_slice %arg6[%mul3A_41] : memref<970752xi32, #tpu.memory_space<hbm>> -> memref<192xi32, #tpu.memory_space<hbm>>
        tpu.wait_dma2 semaphore(%run_scoped3A : memref<!tpu.dma_semaphore, #tpu.memory_space<semaphore_mem>>) src(%dma_wait3A_131 : memref<192xi32, #tpu.memory_space<hbm>>) dst(%arg13 : memref<192xi32, #tpu.memory_space<vmem>>)
        tpu.yield
      }) : () -> ()
      %get3A = arith.constant 0 : index
      %get3A_42 = tpu.vector_load %arg13[%get3A] {strides = array<i32>} : memref<192xi32, #tpu.memory_space<vmem>>, vector<16xi32>,
      %swap3A = arith.constant 0 : index
      %swap3A_43 = tpu.vector_load %arg14[%swap3A] {strides = array<i32>} : memref<64xi32, #tpu.memory_space<vmem>>, vector<16xi32>,
      tpu.vector_store %arg14[%swap3A], %get3A_42 {strides = array<i32>} : memref<64xi32, #tpu.memory_space<vmem>>, vector<16xi32>,
      %get3A_44 = arith.constant 64 : index
      %get3A_45 = tpu.vector_load %arg13[%get3A_44] {strides = array<i32>} : memref<192xi32, #tpu.memory_space<vmem>>, vector<16xi32>,
      %swap3A_46 = arith.constant 0 : index
      %swap3A_47 = tpu.vector_load %arg15[%swap3A_46] {strides = array<i32>} : memref<64xi32, #tpu.memory_space<vmem>>, vector<16xi32>,
      tpu.vector_store %arg15[%swap3A_46], %get3A_45 {strides = array<i32>} : memref<64xi32, #tpu.memory_space<vmem>>, vector<16xi32>,
      %get3A_48 = arith.constant 128 : index
      %get3A_49 = tpu.vector_load %arg13[%get3A_48] {strides = array<i32>} : memref<192xi32, #tpu.memory_space<vmem>>, vector<16xi32>,
      %swap3A_50 = arith.constant 0 : index
      %swap3A_51 = tpu.vector_load %arg16[%swap3A_50] {strides = array<i32>} : memref<64xi32, #tpu.memory_space<vmem>>, vector<16xi32>,
      tpu.vector_store %arg16[%swap3A_50], %get3A_49 {strides = array<i32>} : memref<64xi32, #tpu.memory_space<vmem>>, vector<16xi32>,
      %get3A_52 = arith.constant 16 : index
      %get3A_53 = tpu.vector_load %arg13[%get3A_52] {strides = array<i32>} : memref<192xi32, #tpu.memory_space<vmem>>, vector<16xi32>,
      %swap3A_54 = arith.constant 16 : index
      %swap3A_55 = tpu.vector_load %arg14[%swap3A_54] {strides = array<i32>} : memref<64xi32, #tpu.memory_space<vmem>>, vector<16xi32>,
      tpu.vector_store %arg14[%swap3A_54], %get3A_53 {strides = array<i32>} : memref<64xi32, #tpu.memory_space<vmem>>, vector<16xi32>,
      %get3A_56 = arith.constant 80 : index
      %get3A_57 = tpu.vector_load %arg13[%get3A_56] {strides = array<i32>} : memref<192xi32, #tpu.memory_space<vmem>>, vector<16xi32>,
      %swap3A_58 = arith.constant 16 : index
      %swap3A_59 = tpu.vector_load %arg15[%swap3A_58] {strides = array<i32>} : memref<64xi32, #tpu.memory_space<vmem>>, vector<16xi32>,
      tpu.vector_store %arg15[%swap3A_58], %get3A_57 {strides = array<i32>} : memref<64xi32, #tpu.memory_space<vmem>>, vector<16xi32>,
      %get3A_60 = arith.constant 144 : index
      %get3A_61 = tpu.vector_load %arg13[%get3A_60] {strides = array<i32>} : memref<192xi32, #tpu.memory_space<vmem>>, vector<16xi32>,
      %swap3A_62 = arith.constant 16 : index
      %swap3A_63 = tpu.vector_load %arg16[%swap3A_62] {strides = array<i32>} : memref<64xi32, #tpu.memory_space<vmem>>, vector<16xi32>,
      tpu.vector_store %arg16[%swap3A_62], %get3A_61 {strides = array<i32>} : memref<64xi32, #tpu.memory_space<vmem>>, vector<16xi32>,
      %get3A_64 = arith.constant 32 : index
      %get3A_65 = tpu.vector_load %arg13[%get3A_64] {strides = array<i32>} : memref<192xi32, #tpu.memory_space<vmem>>, vector<16xi32>,
      %swap3A_66 = arith.constant 32 : index
      %swap3A_67 = tpu.vector_load %arg14[%swap3A_66] {strides = array<i32>} : memref<64xi32, #tpu.memory_space<vmem>>, vector<16xi32>,
      tpu.vector_store %arg14[%swap3A_66], %get3A_65 {strides = array<i32>} : memref<64xi32, #tpu.memory_space<vmem>>, vector<16xi32>,
      %get3A_68 = arith.constant 96 : index
      %get3A_69 = tpu.vector_load %arg13[%get3A_68] {strides = array<i32>} : memref<192xi32, #tpu.memory_space<vmem>>, vector<16xi32>,
      %swap3A_70 = arith.constant 32 : index
      %swap3A_71 = tpu.vector_load %arg15[%swap3A_70] {strides = array<i32>} : memref<64xi32, #tpu.memory_space<vmem>>, vector<16xi32>,
      tpu.vector_store %arg15[%swap3A_70], %get3A_69 {strides = array<i32>} : memref<64xi32, #tpu.memory_space<vmem>>, vector<16xi32>,
      %get3A_72 = arith.constant 160 : index
      %get3A_73 = tpu.vector_load %arg13[%get3A_72] {strides = array<i32>} : memref<192xi32, #tpu.memory_space<vmem>>, vector<16xi32>,
      %swap3A_74 = arith.constant 32 : index
      %swap3A_75 = tpu.vector_load %arg16[%swap3A_74] {strides = array<i32>} : memref<64xi32, #tpu.memory_space<vmem>>, vector<16xi32>,
      tpu.vector_store %arg16[%swap3A_74], %get3A_73 {strides = array<i32>} : memref<64xi32, #tpu.memory_space<vmem>>, vector<16xi32>,
      %get3A_76 = arith.constant 48 : index
      %get3A_77 = tpu.vector_load %arg13[%get3A_76] {strides = array<i32>} : memref<192xi32, #tpu.memory_space<vmem>>, vector<16xi32>,
      %swap3A_78 = arith.constant 48 : index
      %swap3A_79 = tpu.vector_load %arg14[%swap3A_78] {strides = array<i32>} : memref<64xi32, #tpu.memory_space<vmem>>, vector<16xi32>,
      tpu.vector_store %arg14[%swap3A_78], %get3A_77 {strides = array<i32>} : memref<64xi32, #tpu.memory_space<vmem>>, vector<16xi32>,
      %get3A_80 = arith.constant 112 : index
      %get3A_81 = tpu.vector_load %arg13[%get3A_80] {strides = array<i32>} : memref<192xi32, #tpu.memory_space<vmem>>, vector<16xi32>,
      %swap3A_82 = arith.constant 48 : index
      %swap3A_83 = tpu.vector_load %arg15[%swap3A_82] {strides = array<i32>} : memref<64xi32, #tpu.memory_space<vmem>>, vector<16xi32>,
      tpu.vector_store %arg15[%swap3A_82], %get3A_81 {strides = array<i32>} : memref<64xi32, #tpu.memory_space<vmem>>, vector<16xi32>,
      %get3A_84 = arith.constant 176 : index
      %get3A_85 = tpu.vector_load %arg13[%get3A_84] {strides = array<i32>} : memref<192xi32, #tpu.memory_space<vmem>>, vector<16xi32>,
      %swap3A_86 = arith.constant 48 : index
      %swap3A_87 = tpu.vector_load %arg16[%swap3A_86] {strides = array<i32>} : memref<64xi32, #tpu.memory_space<vmem>>, vector<16xi32>,
      tpu.vector_store %arg16[%swap3A_86], %get3A_85 {strides = array<i32>} : memref<64xi32, #tpu.memory_space<vmem>>, vector<16xi32>,
      %dma_start3A = arith.constant 0 : i32
      %dma_start3A_88 = arith.constant 0 : i32
      %dma_start3A_89 = tpu.memref_slice %arg2[%dma_start3A, %dma_start3A_88] : memref<10240x128xf32, #tpu.memory_space<hbm>> -> memref<10240x128xf32, #tpu.memory_space<hbm>>
      tpu.enqueue_indirect_dma source(%dma_start3A_89 : memref<10240x128xf32, #tpu.memory_space<hbm>>) target(%arg17 : memref<64x128xf32, #tpu.memory_space<vmem>>) offsets(%arg15 : memref<64xi32, #tpu.memory_space<vmem>>) semaphore(%arg28 : memref<!tpu.dma_semaphore, #tpu.memory_space<semaphore_mem>>)
      %dma_start3A_90 = arith.constant 0 : i32
      %dma_start3A_91 = arith.constant 0 : i32
      %dma_start3A_92 = tpu.memref_slice %arg3[%dma_start3A_90, %dma_start3A_91] : memref<10240x128xf32, #tpu.memory_space<hbm>> -> memref<10240x128xf32, #tpu.memory_space<hbm>>
      tpu.enqueue_indirect_dma source(%dma_start3A_92 : memref<10240x128xf32, #tpu.memory_space<hbm>>) target(%arg18 : memref<64x128xf32, #tpu.memory_space<vmem>>) offsets(%arg14 : memref<64xi32, #tpu.memory_space<vmem>>) semaphore(%arg28 : memref<!tpu.dma_semaphore, #tpu.memory_space<semaphore_mem>>)
      %dma_start3A_93 = arith.constant 0 : i32
      %dma_start3A_94 = arith.constant 0 : i32
      %dma_start3A_95 = tpu.memref_slice %arg5[%dma_start3A_93, %dma_start3A_94] : memref<672x128xf32, #tpu.memory_space<hbm>> -> memref<672x128xf32, #tpu.memory_space<hbm>>
      tpu.enqueue_indirect_dma source(%dma_start3A_95 : memref<672x128xf32, #tpu.memory_space<hbm>>) target(%arg20 : memref<64x128xf32, #tpu.memory_space<vmem>>) offsets(%arg16 : memref<64xi32, #tpu.memory_space<vmem>>) semaphore(%arg28 : memref<!tpu.dma_semaphore, #tpu.memory_space<semaphore_mem>>)
      %dma_start3A_96 = arith.constant 0 : i32
      %dma_start3A_97 = arith.constant 0 : i32
      %dma_start3A_98 = tpu.memref_slice %arg4[%dma_start3A_96, %dma_start3A_97] : memref<10240x128xf32, #tpu.memory_space<hbm>> -> memref<10240x128xf32, #tpu.memory_space<hbm>>
      tpu.enqueue_indirect_dma source(%dma_start3A_98 : memref<10240x128xf32, #tpu.memory_space<hbm>>) target(%arg19 : memref<64x128xf32, #tpu.memory_space<vmem>>) offsets(%arg14 : memref<64xi32, #tpu.memory_space<vmem>>) semaphore(%arg28 : memref<!tpu.dma_semaphore, #tpu.memory_space<semaphore_mem>>)
      %dma_wait3A = arith.constant 0 : i32
      %dma_wait3A_99 = arith.constant 0 : i32
      %dma_wait3A_100 = tpu.memref_slice %arg2[%dma_wait3A, %dma_wait3A_99] : memref<10240x128xf32, #tpu.memory_space<hbm>> -> memref<10240x128xf32, #tpu.memory_space<hbm>>
      tpu.wait_indirect_dma semaphore(%arg28 : memref<!tpu.dma_semaphore, #tpu.memory_space<semaphore_mem>>) src(%dma_wait3A_100 : memref<10240x128xf32, #tpu.memory_space<hbm>>) dst(%arg17 : memref<64x128xf32, #tpu.memory_space<vmem>>)
      %dma_wait3A_101 = arith.constant 0 : i32
      %dma_wait3A_102 = arith.constant 0 : i32
      %dma_wait3A_103 = tpu.memref_slice %arg3[%dma_wait3A_101, %dma_wait3A_102] : memref<10240x128xf32, #tpu.memory_space<hbm>> -> memref<10240x128xf32, #tpu.memory_space<hbm>>
      tpu.wait_indirect_dma semaphore(%arg28 : memref<!tpu.dma_semaphore, #tpu.memory_space<semaphore_mem>>) src(%dma_wait3A_103 : memref<10240x128xf32, #tpu.memory_space<hbm>>) dst(%arg18 : memref<64x128xf32, #tpu.memory_space<vmem>>)
      %dma_wait3A_104 = arith.constant 0 : i32
      %dma_wait3A_105 = arith.constant 0 : i32
      %dma_wait3A_106 = tpu.memref_slice %arg5[%dma_wait3A_104, %dma_wait3A_105] : memref<672x128xf32, #tpu.memory_space<hbm>> -> memref<672x128xf32, #tpu.memory_space<hbm>>
      tpu.wait_indirect_dma semaphore(%arg28 : memref<!tpu.dma_semaphore, #tpu.memory_space<semaphore_mem>>) src(%dma_wait3A_106 : memref<672x128xf32, #tpu.memory_space<hbm>>) dst(%arg20 : memref<64x128xf32, #tpu.memory_space<vmem>>)
      %dma_wait3A_107 = arith.constant 0 : i32
      %dma_wait3A_108 = arith.constant 0 : i32
      %dma_wait3A_109 = tpu.memref_slice %arg4[%dma_wait3A_107, %dma_wait3A_108] : memref<10240x128xf32, #tpu.memory_space<hbm>> -> memref<10240x128xf32, #tpu.memory_space<hbm>>
      tpu.wait_indirect_dma semaphore(%arg28 : memref<!tpu.dma_semaphore, #tpu.memory_space<semaphore_mem>>) src(%dma_wait3A_109 : memref<10240x128xf32, #tpu.memory_space<hbm>>) dst(%arg19 : memref<64x128xf32, #tpu.memory_space<vmem>>)
      %scan3A_110 = arith.constant 0 : i32
      %scan3A_111 = arith.constant 0 : i32
      %scan3A_112 = arith.constant 64 : i32
      %scan3A_113 = arith.addi %scan3A_111, %scan3A_112 : i32
      %scan3A_114 = arith.constant 1 : i32
      scf.for %scan3A_128 = %scan3A_111 to %scan3A_113 step %scan3A_114  : i32 {
        %broadcast_in_dim3A = arith.constant 0.000000e+00 : f32
        %broadcast_in_dim3A_129 = vector.broadcast %broadcast_in_dim3A : f32 to vector<16xf32>
        %get3A_130 = arith.index_cast %scan3A_128 : i32 to index
        %get3A_131 = arith.constant 0 : index
        %get3A_132 = tpu.vector_load %arg17[%get3A_130, %get3A_131] {strides = array<i32>} : memref<64x128xf32, #tpu.memory_space<vmem>>, vector<16xf32>,
        %get3A_133 = arith.index_cast %scan3A_128 : i32 to index
        %get3A_134 = arith.constant 0 : index
        %get3A_135 = tpu.vector_load %arg18[%get3A_133, %get3A_134] {strides = array<i32>} : memref<64x128xf32, #tpu.memory_space<vmem>>, vector<16xf32>,
        %get3A_136 = arith.index_cast %scan3A_128 : i32 to index
        %get3A_137 = arith.constant 0 : index
        %get3A_138 = tpu.vector_load %arg20[%get3A_136, %get3A_137] {strides = array<i32>} : memref<64x128xf32, #tpu.memory_space<vmem>>, vector<16xf32>,
        %add3A_139 = arith.addf %get3A_135, %get3A_138 : vector<16xf32>
        %mul3A_140 = arith.mulf %get3A_132, %add3A_139 : vector<16xf32>
        %add3A_141 = arith.addf %broadcast_in_dim3A_129, %mul3A_140 : vector<16xf32>
        %get3A_142 = arith.index_cast %scan3A_128 : i32 to index
        %get3A_143 = arith.constant 16 : index
        %get3A_144 = tpu.vector_load %arg17[%get3A_142, %get3A_143] {strides = array<i32>} : memref<64x128xf32, #tpu.memory_space<vmem>>, vector<16xf32>,
        %get3A_145 = arith.index_cast %scan3A_128 : i32 to index
        %get3A_146 = arith.constant 16 : index
        %get3A_147 = tpu.vector_load %arg18[%get3A_145, %get3A_146] {strides = array<i32>} : memref<64x128xf32, #tpu.memory_space<vmem>>, vector<16xf32>,
        %get3A_148 = arith.index_cast %scan3A_128 : i32 to index
        %get3A_149 = arith.constant 16 : index
        %get3A_150 = tpu.vector_load %arg20[%get3A_148, %get3A_149] {strides = array<i32>} : memref<64x128xf32, #tpu.memory_space<vmem>>, vector<16xf32>,
        %add3A_151 = arith.addf %get3A_147, %get3A_150 : vector<16xf32>
        %mul3A_152 = arith.mulf %get3A_144, %add3A_151 : vector<16xf32>
        %add3A_153 = arith.addf %add3A_141, %mul3A_152 : vector<16xf32>
        %get3A_154 = arith.index_cast %scan3A_128 : i32 to index
        %get3A_155 = arith.constant 32 : index
        %get3A_156 = tpu.vector_load %arg17[%get3A_154, %get3A_155] {strides = array<i32>} : memref<64x128xf32, #tpu.memory_space<vmem>>, vector<16xf32>,
        %get3A_157 = arith.index_cast %scan3A_128 : i32 to index
        %get3A_158 = arith.constant 32 : index
        %get3A_159 = tpu.vector_load %arg18[%get3A_157, %get3A_158] {strides = array<i32>} : memref<64x128xf32, #tpu.memory_space<vmem>>, vector<16xf32>,
        %get3A_160 = arith.index_cast %scan3A_128 : i32 to index
        %get3A_161 = arith.constant 32 : index
        %get3A_162 = tpu.vector_load %arg20[%get3A_160, %get3A_161] {strides = array<i32>} : memref<64x128xf32, #tpu.memory_space<vmem>>, vector<16xf32>,
        %add3A_163 = arith.addf %get3A_159, %get3A_162 : vector<16xf32>
        %mul3A_164 = arith.mulf %get3A_156, %add3A_163 : vector<16xf32>
        %add3A_165 = arith.addf %add3A_153, %mul3A_164 : vector<16xf32>
        %get3A_166 = arith.index_cast %scan3A_128 : i32 to index
        %get3A_167 = arith.constant 48 : index
        %get3A_168 = tpu.vector_load %arg17[%get3A_166, %get3A_167] {strides = array<i32>} : memref<64x128xf32, #tpu.memory_space<vmem>>, vector<16xf32>,
        %get3A_169 = arith.index_cast %scan3A_128 : i32 to index
        %get3A_170 = arith.constant 48 : index
        %get3A_171 = tpu.vector_load %arg18[%get3A_169, %get3A_170] {strides = array<i32>} : memref<64x128xf32, #tpu.memory_space<vmem>>, vector<16xf32>,
        %get3A_172 = arith.index_cast %scan3A_128 : i32 to index
        %get3A_173 = arith.constant 48 : index
        %get3A_174 = tpu.vector_load %arg20[%get3A_172, %get3A_173] {strides = array<i32>} : memref<64x128xf32, #tpu.memory_space<vmem>>, vector<16xf32>,
        %add3A_175 = arith.addf %get3A_171, %get3A_174 : vector<16xf32>
        %mul3A_176 = arith.mulf %get3A_168, %add3A_175 : vector<16xf32>
        %add3A_177 = arith.addf %add3A_165, %mul3A_176 : vector<16xf32>
        %get3A_178 = arith.index_cast %scan3A_128 : i32 to index
        %get3A_179 = arith.constant 64 : index
        %get3A_180 = tpu.vector_load %arg17[%get3A_178, %get3A_179] {strides = array<i32>} : memref<64x128xf32, #tpu.memory_space<vmem>>, vector<16xf32>,
        %get3A_181 = arith.index_cast %scan3A_128 : i32 to index
        %get3A_182 = arith.constant 64 : index
        %get3A_183 = tpu.vector_load %arg18[%get3A_181, %get3A_182] {strides = array<i32>} : memref<64x128xf32, #tpu.memory_space<vmem>>, vector<16xf32>,
        %get3A_184 = arith.index_cast %scan3A_128 : i32 to index
        %get3A_185 = arith.constant 64 : index
        %get3A_186 = tpu.vector_load %arg20[%get3A_184, %get3A_185] {strides = array<i32>} : memref<64x128xf32, #tpu.memory_space<vmem>>, vector<16xf32>,
        %add3A_187 = arith.addf %get3A_183, %get3A_186 : vector<16xf32>
        %mul3A_188 = arith.mulf %get3A_180, %add3A_187 : vector<16xf32>
        %add3A_189 = arith.addf %add3A_177, %mul3A_188 : vector<16xf32>
        %get3A_190 = arith.index_cast %scan3A_128 : i32 to index
        %get3A_191 = arith.constant 80 : index
        %get3A_192 = tpu.vector_load %arg17[%get3A_190, %get3A_191] {strides = array<i32>} : memref<64x128xf32, #tpu.memory_space<vmem>>, vector<16xf32>,
        %get3A_193 = arith.index_cast %scan3A_128 : i32 to index
        %get3A_194 = arith.constant 80 : index
        %get3A_195 = tpu.vector_load %arg18[%get3A_193, %get3A_194] {strides = array<i32>} : memref<64x128xf32, #tpu.memory_space<vmem>>, vector<16xf32>,
        %get3A_196 = arith.index_cast %scan3A_128 : i32 to index
        %get3A_197 = arith.constant 80 : index
        %get3A_198 = tpu.vector_load %arg20[%get3A_196, %get3A_197] {strides = array<i32>} : memref<64x128xf32, #tpu.memory_space<vmem>>, vector<16xf32>,
        %add3A_199 = arith.addf %get3A_195, %get3A_198 : vector<16xf32>
        %mul3A_200 = arith.mulf %get3A_192, %add3A_199 : vector<16xf32>
        %add3A_201 = arith.addf %add3A_189, %mul3A_200 : vector<16xf32>
        %get3A_202 = arith.index_cast %scan3A_128 : i32 to index
        %get3A_203 = arith.constant 96 : index
        %get3A_204 = tpu.vector_load %arg17[%get3A_202, %get3A_203] {strides = array<i32>} : memref<64x128xf32, #tpu.memory_space<vmem>>, vector<16xf32>,
        %get3A_205 = arith.index_cast %scan3A_128 : i32 to index
        %get3A_206 = arith.constant 96 : index
        %get3A_207 = tpu.vector_load %arg18[%get3A_205, %get3A_206] {strides = array<i32>} : memref<64x128xf32, #tpu.memory_space<vmem>>, vector<16xf32>,
        %get3A_208 = arith.index_cast %scan3A_128 : i32 to index
        %get3A_209 = arith.constant 96 : index
        %get3A_210 = tpu.vector_load %arg20[%get3A_208, %get3A_209] {strides = array<i32>} : memref<64x128xf32, #tpu.memory_space<vmem>>, vector<16xf32>,
        %add3A_211 = arith.addf %get3A_207, %get3A_210 : vector<16xf32>
        %mul3A_212 = arith.mulf %get3A_204, %add3A_211 : vector<16xf32>
        %add3A_213 = arith.addf %add3A_201, %mul3A_212 : vector<16xf32>
        %get3A_214 = arith.index_cast %scan3A_128 : i32 to index
        %get3A_215 = arith.constant 112 : index
        %get3A_216 = tpu.vector_load %arg17[%get3A_214, %get3A_215] {strides = array<i32>} : memref<64x128xf32, #tpu.memory_space<vmem>>, vector<16xf32>,
        %get3A_217 = arith.index_cast %scan3A_128 : i32 to index
        %get3A_218 = arith.constant 112 : index
        %get3A_219 = tpu.vector_load %arg18[%get3A_217, %get3A_218] {strides = array<i32>} : memref<64x128xf32, #tpu.memory_space<vmem>>, vector<16xf32>,
        %get3A_220 = arith.index_cast %scan3A_128 : i32 to index
        %get3A_221 = arith.constant 112 : index
        %get3A_222 = tpu.vector_load %arg20[%get3A_220, %get3A_221] {strides = array<i32>} : memref<64x128xf32, #tpu.memory_space<vmem>>, vector<16xf32>,
        %add3A_223 = arith.addf %get3A_219, %get3A_222 : vector<16xf32>
        %mul3A_224 = arith.mulf %get3A_216, %add3A_223 : vector<16xf32>
        %add3A_225 = arith.addf %add3A_213, %mul3A_224 : vector<16xf32>
        %mul3A_226 = arith.constant 16 : i32
        %mul3A_227 = arith.muli %scan3A_128, %mul3A_226 : i32
        %swap3A_228 = arith.index_cast %mul3A_227 : i32 to index
        %swap3A_229 = tpu.vector_load %arg21[%swap3A_228] {strides = array<i32>} : memref<1024xf32, #tpu.memory_space<vmem>>, vector<16xf32>,
        tpu.vector_store %arg21[%swap3A_228], %add3A_225 {strides = array<i32>} : memref<1024xf32, #tpu.memory_space<vmem>>, vector<16xf32>,
      }
      %scan3A_115 = arith.constant 64 : i32
      %scan3A_116 = arith.constant 0 : i32
      %scan3A_117 = arith.constant 0 : i32
      %scan3A_118 = arith.constant 4 : i32
      %scan3A_119 = arith.addi %scan3A_117, %scan3A_118 : i32
      %scan3A_120 = arith.constant 1 : i32
      scf.for %scan3A_128 = %scan3A_117 to %scan3A_119 step %scan3A_120  : i32 {
        %iota3A = tpu.iota {dimensions = array<i32: 0>} : vector<16xi32>
        %mul3A_129 = arith.constant 16 : i32
        %mul3A_130 = vector.broadcast %mul3A_129 : i32 to vector<16xi32>
        %mul3A_131 = arith.muli %iota3A, %mul3A_130 : vector<16xi32>
        %broadcast_in_dim3A = arith.constant 0.000000e+00 : f32
        %broadcast_in_dim3A_132 = vector.broadcast %broadcast_in_dim3A : f32 to vector<16xf32>
        %mul3A_133 = arith.constant 256 : i32
        %mul3A_134 = arith.muli %scan3A_128, %mul3A_133 : i32
        %add3A_135 = arith.constant 0 : i32
        %add3A_136 = arith.addi %mul3A_134, %add3A_135 : i32
        %add3A_137 = vector.broadcast %add3A_136 : i32 to vector<16xi32>
        %add3A_138 = arith.addi %mul3A_131, %add3A_137 : vector<16xi32>
        %gather3A = tpu.vector_load_idx %arg21[%add3A_138] : memref<1024xf32, #tpu.memory_space<vmem>>[vector<16xi32>], vector<16xf32>,
        %add3A_139 = arith.addf %broadcast_in_dim3A_132, %gather3A : vector<16xf32>
        %mul3A_140 = arith.constant 256 : i32
        %mul3A_141 = arith.muli %scan3A_128, %mul3A_140 : i32
        %add3A_142 = arith.constant 1 : i32
        %add3A_143 = arith.addi %mul3A_141, %add3A_142 : i32
        %add3A_144 = vector.broadcast %add3A_143 : i32 to vector<16xi32>
        %add3A_145 = arith.addi %mul3A_131, %add3A_144 : vector<16xi32>
        %gather3A_146 = tpu.vector_load_idx %arg21[%add3A_145] : memref<1024xf32, #tpu.memory_space<vmem>>[vector<16xi32>], vector<16xf32>,
        %add3A_147 = arith.addf %add3A_139, %gather3A_146 : vector<16xf32>
        %mul3A_148 = arith.constant 256 : i32
        %mul3A_149 = arith.muli %scan3A_128, %mul3A_148 : i32
        %add3A_150 = arith.constant 2 : i32
        %add3A_151 = arith.addi %mul3A_149, %add3A_150 : i32
        %add3A_152 = vector.broadcast %add3A_151 : i32 to vector<16xi32>
        %add3A_153 = arith.addi %mul3A_131, %add3A_152 : vector<16xi32>
        %gather3A_154 = tpu.vector_load_idx %arg21[%add3A_153] : memref<1024xf32, #tpu.memory_space<vmem>>[vector<16xi32>], vector<16xf32>,
        %add3A_155 = arith.addf %add3A_147, %gather3A_154 : vector<16xf32>
        %mul3A_156 = arith.constant 256 : i32
        %mul3A_157 = arith.muli %scan3A_128, %mul3A_156 : i32
        %add3A_158 = arith.constant 3 : i32
        %add3A_159 = arith.addi %mul3A_157, %add3A_158 : i32
        %add3A_160 = vector.broadcast %add3A_159 : i32 to vector<16xi32>
        %add3A_161 = arith.addi %mul3A_131, %add3A_160 : vector<16xi32>
        %gather3A_162 = tpu.vector_load_idx %arg21[%add3A_161] : memref<1024xf32, #tpu.memory_space<vmem>>[vector<16xi32>], vector<16xf32>,
        %add3A_163 = arith.addf %add3A_155, %gather3A_162 : vector<16xf32>
        %mul3A_164 = arith.constant 256 : i32
        %mul3A_165 = arith.muli %scan3A_128, %mul3A_164 : i32
        %add3A_166 = arith.constant 4 : i32
        %add3A_167 = arith.addi %mul3A_165, %add3A_166 : i32
        %add3A_168 = vector.broadcast %add3A_167 : i32 to vector<16xi32>
        %add3A_169 = arith.addi %mul3A_131, %add3A_168 : vector<16xi32>
        %gather3A_170 = tpu.vector_load_idx %arg21[%add3A_169] : memref<1024xf32, #tpu.memory_space<vmem>>[vector<16xi32>], vector<16xf32>,
        %add3A_171 = arith.addf %add3A_163, %gather3A_170 : vector<16xf32>
        %mul3A_172 = arith.constant 256 : i32
        %mul3A_173 = arith.muli %scan3A_128, %mul3A_172 : i32
        %add3A_174 = arith.constant 5 : i32
        %add3A_175 = arith.addi %mul3A_173, %add3A_174 : i32
        %add3A_176 = vector.broadcast %add3A_175 : i32 to vector<16xi32>
        %add3A_177 = arith.addi %mul3A_131, %add3A_176 : vector<16xi32>
        %gather3A_178 = tpu.vector_load_idx %arg21[%add3A_177] : memref<1024xf32, #tpu.memory_space<vmem>>[vector<16xi32>], vector<16xf32>,
        %add3A_179 = arith.addf %add3A_171, %gather3A_178 : vector<16xf32>
        %mul3A_180 = arith.constant 256 : i32
        %mul3A_181 = arith.muli %scan3A_128, %mul3A_180 : i32
        %add3A_182 = arith.constant 6 : i32
        %add3A_183 = arith.addi %mul3A_181, %add3A_182 : i32
        %add3A_184 = vector.broadcast %add3A_183 : i32 to vector<16xi32>
        %add3A_185 = arith.addi %mul3A_131, %add3A_184 : vector<16xi32>
        %gather3A_186 = tpu.vector_load_idx %arg21[%add3A_185] : memref<1024xf32, #tpu.memory_space<vmem>>[vector<16xi32>], vector<16xf32>,
        %add3A_187 = arith.addf %add3A_179, %gather3A_186 : vector<16xf32>
        %mul3A_188 = arith.constant 256 : i32
        %mul3A_189 = arith.muli %scan3A_128, %mul3A_188 : i32
        %add3A_190 = arith.constant 7 : i32
        %add3A_191 = arith.addi %mul3A_189, %add3A_190 : i32
        %add3A_192 = vector.broadcast %add3A_191 : i32 to vector<16xi32>
        %add3A_193 = arith.addi %mul3A_131, %add3A_192 : vector<16xi32>
        %gather3A_194 = tpu.vector_load_idx %arg21[%add3A_193] : memref<1024xf32, #tpu.memory_space<vmem>>[vector<16xi32>], vector<16xf32>,
        %add3A_195 = arith.addf %add3A_187, %gather3A_194 : vector<16xf32>
        %mul3A_196 = arith.constant 256 : i32
        %mul3A_197 = arith.muli %scan3A_128, %mul3A_196 : i32
        %add3A_198 = arith.constant 8 : i32
        %add3A_199 = arith.addi %mul3A_197, %add3A_198 : i32
        %add3A_200 = vector.broadcast %add3A_199 : i32 to vector<16xi32>
        %add3A_201 = arith.addi %mul3A_131, %add3A_200 : vector<16xi32>
        %gather3A_202 = tpu.vector_load_idx %arg21[%add3A_201] : memref<1024xf32, #tpu.memory_space<vmem>>[vector<16xi32>], vector<16xf32>,
        %add3A_203 = arith.addf %add3A_195, %gather3A_202 : vector<16xf32>
        %mul3A_204 = arith.constant 256 : i32
        %mul3A_205 = arith.muli %scan3A_128, %mul3A_204 : i32
        %add3A_206 = arith.constant 9 : i32
        %add3A_207 = arith.addi %mul3A_205, %add3A_206 : i32
        %add3A_208 = vector.broadcast %add3A_207 : i32 to vector<16xi32>
        %add3A_209 = arith.addi %mul3A_131, %add3A_208 : vector<16xi32>
        %gather3A_210 = tpu.vector_load_idx %arg21[%add3A_209] : memref<1024xf32, #tpu.memory_space<vmem>>[vector<16xi32>], vector<16xf32>,
        %add3A_211 = arith.addf %add3A_203, %gather3A_210 : vector<16xf32>
        %mul3A_212 = arith.constant 256 : i32
        %mul3A_213 = arith.muli %scan3A_128, %mul3A_212 : i32
        %add3A_214 = arith.constant 10 : i32
        %add3A_215 = arith.addi %mul3A_213, %add3A_214 : i32
        %add3A_216 = vector.broadcast %add3A_215 : i32 to vector<16xi32>
        %add3A_217 = arith.addi %mul3A_131, %add3A_216 : vector<16xi32>
        %gather3A_218 = tpu.vector_load_idx %arg21[%add3A_217] : memref<1024xf32, #tpu.memory_space<vmem>>[vector<16xi32>], vector<16xf32>,
        %add3A_219 = arith.addf %add3A_211, %gather3A_218 : vector<16xf32>
        %mul3A_220 = arith.constant 256 : i32
        %mul3A_221 = arith.muli %scan3A_128, %mul3A_220 : i32
        %add3A_222 = arith.constant 11 : i32
        %add3A_223 = arith.addi %mul3A_221, %add3A_222 : i32
        %add3A_224 = vector.broadcast %add3A_223 : i32 to vector<16xi32>
        %add3A_225 = arith.addi %mul3A_131, %add3A_224 : vector<16xi32>
        %gather3A_226 = tpu.vector_load_idx %arg21[%add3A_225] : memref<1024xf32, #tpu.memory_space<vmem>>[vector<16xi32>], vector<16xf32>,
        %add3A_227 = arith.addf %add3A_219, %gather3A_226 : vector<16xf32>
        %mul3A_228 = arith.constant 256 : i32
        %mul3A_229 = arith.muli %scan3A_128, %mul3A_228 : i32
        %add3A_230 = arith.constant 12 : i32
        %add3A_231 = arith.addi %mul3A_229, %add3A_230 : i32
        %add3A_232 = vector.broadcast %add3A_231 : i32 to vector<16xi32>
        %add3A_233 = arith.addi %mul3A_131, %add3A_232 : vector<16xi32>
        %gather3A_234 = tpu.vector_load_idx %arg21[%add3A_233] : memref<1024xf32, #tpu.memory_space<vmem>>[vector<16xi32>], vector<16xf32>,
        %add3A_235 = arith.addf %add3A_227, %gather3A_234 : vector<16xf32>
        %mul3A_236 = arith.constant 256 : i32
        %mul3A_237 = arith.muli %scan3A_128, %mul3A_236 : i32
        %add3A_238 = arith.constant 13 : i32
        %add3A_239 = arith.addi %mul3A_237, %add3A_238 : i32
        %add3A_240 = vector.broadcast %add3A_239 : i32 to vector<16xi32>
        %add3A_241 = arith.addi %mul3A_131, %add3A_240 : vector<16xi32>
        %gather3A_242 = tpu.vector_load_idx %arg21[%add3A_241] : memref<1024xf32, #tpu.memory_space<vmem>>[vector<16xi32>], vector<16xf32>,
        %add3A_243 = arith.addf %add3A_235, %gather3A_242 : vector<16xf32>
        %mul3A_244 = arith.constant 256 : i32
        %mul3A_245 = arith.muli %scan3A_128, %mul3A_244 : i32
        %add3A_246 = arith.constant 14 : i32
        %add3A_247 = arith.addi %mul3A_245, %add3A_246 : i32
        %add3A_248 = vector.broadcast %add3A_247 : i32 to vector<16xi32>
        %add3A_249 = arith.addi %mul3A_131, %add3A_248 : vector<16xi32>
        %gather3A_250 = tpu.vector_load_idx %arg21[%add3A_249] : memref<1024xf32, #tpu.memory_space<vmem>>[vector<16xi32>], vector<16xf32>,
        %add3A_251 = arith.addf %add3A_243, %gather3A_250 : vector<16xf32>
        %mul3A_252 = arith.constant 256 : i32
        %mul3A_253 = arith.muli %scan3A_128, %mul3A_252 : i32
        %add3A_254 = arith.constant 15 : i32
        %add3A_255 = arith.addi %mul3A_253, %add3A_254 : i32
        %add3A_256 = vector.broadcast %add3A_255 : i32 to vector<16xi32>
        %add3A_257 = arith.addi %mul3A_131, %add3A_256 : vector<16xi32>
        %gather3A_258 = tpu.vector_load_idx %arg21[%add3A_257] : memref<1024xf32, #tpu.memory_space<vmem>>[vector<16xi32>], vector<16xf32>,
        %add3A_259 = arith.addf %add3A_251, %gather3A_258 : vector<16xf32>
        %exp3A = math.exp %add3A_259 : vector<16xf32>
        %mul3A_260 = arith.constant 16 : i32
        %mul3A_261 = arith.muli %scan3A_128, %mul3A_260 : i32
        %get3A_262 = arith.index_cast %mul3A_261 : i32 to index
        %get3A_263 = tpu.vector_load %arg15[%get3A_262] {strides = array<i32>} : memref<64xi32, #tpu.memory_space<vmem>>, vector<16xi32>,
        tpu.vector_store_idx %arg23[%get3A_263], %exp3A {add = true} : memref<10240xf32, #tpu.memory_space<vmem>>[vector<16xi32>], vector<16xf32>,
        %mul3A_264 = arith.constant 256 : i32
        %mul3A_265 = arith.muli %scan3A_128, %mul3A_264 : i32
        %add3A_266 = arith.constant 0 : i32
        %add3A_267 = arith.addi %mul3A_265, %add3A_266 : i32
        %add3A_268 = vector.broadcast %add3A_267 : i32 to vector<16xi32>
        %add3A_269 = arith.addi %mul3A_131, %add3A_268 : vector<16xi32>
        tpu.vector_store_idx %arg22[%add3A_269], %exp3A : memref<1024xf32, #tpu.memory_space<vmem>>[vector<16xi32>], vector<16xf32>,
        %mul3A_270 = arith.constant 256 : i32
        %mul3A_271 = arith.muli %scan3A_128, %mul3A_270 : i32
        %add3A_272 = arith.constant 1 : i32
        %add3A_273 = arith.addi %mul3A_271, %add3A_272 : i32
        %add3A_274 = vector.broadcast %add3A_273 : i32 to vector<16xi32>
        %add3A_275 = arith.addi %mul3A_131, %add3A_274 : vector<16xi32>
        tpu.vector_store_idx %arg22[%add3A_275], %exp3A : memref<1024xf32, #tpu.memory_space<vmem>>[vector<16xi32>], vector<16xf32>,
        %mul3A_276 = arith.constant 256 : i32
        %mul3A_277 = arith.muli %scan3A_128, %mul3A_276 : i32
        %add3A_278 = arith.constant 2 : i32
        %add3A_279 = arith.addi %mul3A_277, %add3A_278 : i32
        %add3A_280 = vector.broadcast %add3A_279 : i32 to vector<16xi32>
        %add3A_281 = arith.addi %mul3A_131, %add3A_280 : vector<16xi32>
        tpu.vector_store_idx %arg22[%add3A_281], %exp3A : memref<1024xf32, #tpu.memory_space<vmem>>[vector<16xi32>], vector<16xf32>,
        %mul3A_282 = arith.constant 256 : i32
        %mul3A_283 = arith.muli %scan3A_128, %mul3A_282 : i32
        %add3A_284 = arith.constant 3 : i32
        %add3A_285 = arith.addi %mul3A_283, %add3A_284 : i32
        %add3A_286 = vector.broadcast %add3A_285 : i32 to vector<16xi32>
        %add3A_287 = arith.addi %mul3A_131, %add3A_286 : vector<16xi32>
        tpu.vector_store_idx %arg22[%add3A_287], %exp3A : memref<1024xf32, #tpu.memory_space<vmem>>[vector<16xi32>], vector<16xf32>,
        %mul3A_288 = arith.constant 256 : i32
        %mul3A_289 = arith.muli %scan3A_128, %mul3A_288 : i32
        %add3A_290 = arith.constant 4 : i32
        %add3A_291 = arith.addi %mul3A_289, %add3A_290 : i32
        %add3A_292 = vector.broadcast %add3A_291 : i32 to vector<16xi32>
        %add3A_293 = arith.addi %mul3A_131, %add3A_292 : vector<16xi32>
        tpu.vector_store_idx %arg22[%add3A_293], %exp3A : memref<1024xf32, #tpu.memory_space<vmem>>[vector<16xi32>], vector<16xf32>,
        %mul3A_294 = arith.constant 256 : i32
        %mul3A_295 = arith.muli %scan3A_128, %mul3A_294 : i32
        %add3A_296 = arith.constant 5 : i32
        %add3A_297 = arith.addi %mul3A_295, %add3A_296 : i32
        %add3A_298 = vector.broadcast %add3A_297 : i32 to vector<16xi32>
        %add3A_299 = arith.addi %mul3A_131, %add3A_298 : vector<16xi32>
        tpu.vector_store_idx %arg22[%add3A_299], %exp3A : memref<1024xf32, #tpu.memory_space<vmem>>[vector<16xi32>], vector<16xf32>,
        %mul3A_300 = arith.constant 256 : i32
        %mul3A_301 = arith.muli %scan3A_128, %mul3A_300 : i32
        %add3A_302 = arith.constant 6 : i32
        %add3A_303 = arith.addi %mul3A_301, %add3A_302 : i32
        %add3A_304 = vector.broadcast %add3A_303 : i32 to vector<16xi32>
        %add3A_305 = arith.addi %mul3A_131, %add3A_304 : vector<16xi32>
        tpu.vector_store_idx %arg22[%add3A_305], %exp3A : memref<1024xf32, #tpu.memory_space<vmem>>[vector<16xi32>], vector<16xf32>,
        %mul3A_306 = arith.constant 256 : i32
        %mul3A_307 = arith.muli %scan3A_128, %mul3A_306 : i32
        %add3A_308 = arith.constant 7 : i32
        %add3A_309 = arith.addi %mul3A_307, %add3A_308 : i32
        %add3A_310 = vector.broadcast %add3A_309 : i32 to vector<16xi32>
        %add3A_311 = arith.addi %mul3A_131, %add3A_310 : vector<16xi32>
        tpu.vector_store_idx %arg22[%add3A_311], %exp3A : memref<1024xf32, #tpu.memory_space<vmem>>[vector<16xi32>], vector<16xf32>,
        %mul3A_312 = arith.constant 256 : i32
        %mul3A_313 = arith.muli %scan3A_128, %mul3A_312 : i32
        %add3A_314 = arith.constant 8 : i32
        %add3A_315 = arith.addi %mul3A_313, %add3A_314 : i32
        %add3A_316 = vector.broadcast %add3A_315 : i32 to vector<16xi32>
        %add3A_317 = arith.addi %mul3A_131, %add3A_316 : vector<16xi32>
        tpu.vector_store_idx %arg22[%add3A_317], %exp3A : memref<1024xf32, #tpu.memory_space<vmem>>[vector<16xi32>], vector<16xf32>,
        %mul3A_318 = arith.constant 256 : i32
        %mul3A_319 = arith.muli %scan3A_128, %mul3A_318 : i32
        %add3A_320 = arith.constant 9 : i32
        %add3A_321 = arith.addi %mul3A_319, %add3A_320 : i32
        %add3A_322 = vector.broadcast %add3A_321 : i32 to vector<16xi32>
        %add3A_323 = arith.addi %mul3A_131, %add3A_322 : vector<16xi32>
        tpu.vector_store_idx %arg22[%add3A_323], %exp3A : memref<1024xf32, #tpu.memory_space<vmem>>[vector<16xi32>], vector<16xf32>,
        %mul3A_324 = arith.constant 256 : i32
        %mul3A_325 = arith.muli %scan3A_128, %mul3A_324 : i32
        %add3A_326 = arith.constant 10 : i32
        %add3A_327 = arith.addi %mul3A_325, %add3A_326 : i32
        %add3A_328 = vector.broadcast %add3A_327 : i32 to vector<16xi32>
        %add3A_329 = arith.addi %mul3A_131, %add3A_328 : vector<16xi32>
        tpu.vector_store_idx %arg22[%add3A_329], %exp3A : memref<1024xf32, #tpu.memory_space<vmem>>[vector<16xi32>], vector<16xf32>,
        %mul3A_330 = arith.constant 256 : i32
        %mul3A_331 = arith.muli %scan3A_128, %mul3A_330 : i32
        %add3A_332 = arith.constant 11 : i32
        %add3A_333 = arith.addi %mul3A_331, %add3A_332 : i32
        %add3A_334 = vector.broadcast %add3A_333 : i32 to vector<16xi32>
        %add3A_335 = arith.addi %mul3A_131, %add3A_334 : vector<16xi32>
        tpu.vector_store_idx %arg22[%add3A_335], %exp3A : memref<1024xf32, #tpu.memory_space<vmem>>[vector<16xi32>], vector<16xf32>,
        %mul3A_336 = arith.constant 256 : i32
        %mul3A_337 = arith.muli %scan3A_128, %mul3A_336 : i32
        %add3A_338 = arith.constant 12 : i32
        %add3A_339 = arith.addi %mul3A_337, %add3A_338 : i32
        %add3A_340 = vector.broadcast %add3A_339 : i32 to vector<16xi32>
        %add3A_341 = arith.addi %mul3A_131, %add3A_340 : vector<16xi32>
        tpu.vector_store_idx %arg22[%add3A_341], %exp3A : memref<1024xf32, #tpu.memory_space<vmem>>[vector<16xi32>], vector<16xf32>,
        %mul3A_342 = arith.constant 256 : i32
        %mul3A_343 = arith.muli %scan3A_128, %mul3A_342 : i32
        %add3A_344 = arith.constant 13 : i32
        %add3A_345 = arith.addi %mul3A_343, %add3A_344 : i32
        %add3A_346 = vector.broadcast %add3A_345 : i32 to vector<16xi32>
        %add3A_347 = arith.addi %mul3A_131, %add3A_346 : vector<16xi32>
        tpu.vector_store_idx %arg22[%add3A_347], %exp3A : memref<1024xf32, #tpu.memory_space<vmem>>[vector<16xi32>], vector<16xf32>,
        %mul3A_348 = arith.constant 256 : i32
        %mul3A_349 = arith.muli %scan3A_128, %mul3A_348 : i32
        %add3A_350 = arith.constant 14 : i32
        %add3A_351 = arith.addi %mul3A_349, %add3A_350 : i32
        %add3A_352 = vector.broadcast %add3A_351 : i32 to vector<16xi32>
        %add3A_353 = arith.addi %mul3A_131, %add3A_352 : vector<16xi32>
        tpu.vector_store_idx %arg22[%add3A_353], %exp3A : memref<1024xf32, #tpu.memory_space<vmem>>[vector<16xi32>], vector<16xf32>,
        %mul3A_354 = arith.constant 256 : i32
        %mul3A_355 = arith.muli %scan3A_128, %mul3A_354 : i32
        %add3A_356 = arith.constant 15 : i32
        %add3A_357 = arith.addi %mul3A_355, %add3A_356 : i32
        %add3A_358 = vector.broadcast %add3A_357 : i32 to vector<16xi32>
        %add3A_359 = arith.addi %mul3A_131, %add3A_358 : vector<16xi32>
        tpu.vector_store_idx %arg22[%add3A_359], %exp3A : memref<1024xf32, #tpu.memory_space<vmem>>[vector<16xi32>], vector<16xf32>,
      }
      %scan3A_121 = arith.constant 4 : i32
      %scan3A_122 = arith.constant 0 : i32
      %scan3A_123 = arith.constant 0 : i32
      %scan3A_124 = arith.constant 64 : i32
      %scan3A_125 = arith.addi %scan3A_123, %scan3A_124 : i32
      %scan3A_126 = arith.constant 1 : i32
      scf.for %scan3A_128 = %scan3A_123 to %scan3A_125 step %scan3A_126  : i32 {
        %mul3A_129 = arith.constant 16 : i32
        %mul3A_130 = arith.muli %scan3A_128, %mul3A_129 : i32
        %get3A_131 = arith.index_cast %mul3A_130 : i32 to index
        %get3A_132 = tpu.vector_load %arg22[%get3A_131] {strides = array<i32>} : memref<1024xf32, #tpu.memory_space<vmem>>, vector<16xf32>,
        %get3A_133 = arith.index_cast %scan3A_128 : i32 to index
        %get3A_134 = arith.constant 0 : index
        %get3A_135 = tpu.vector_load %arg19[%get3A_133, %get3A_134] {strides = array<i32>} : memref<64x128xf32, #tpu.memory_space<vmem>>, vector<16xf32>,
        %get3A_136 = arith.index_cast %scan3A_128 : i32 to index
        %get3A_137 = arith.constant 0 : index
        %get3A_138 = tpu.vector_load %arg20[%get3A_136, %get3A_137] {strides = array<i32>} : memref<64x128xf32, #tpu.memory_space<vmem>>, vector<16xf32>,
        %add3A_139 = arith.addf %get3A_135, %get3A_138 : vector<16xf32>
        %mul3A_140 = arith.mulf %add3A_139, %get3A_132 : vector<16xf32>
        %swap3A_141 = arith.index_cast %scan3A_128 : i32 to index
        %swap3A_142 = arith.constant 0 : index
        %swap3A_143 = tpu.vector_load %arg20[%swap3A_141, %swap3A_142] {strides = array<i32>} : memref<64x128xf32, #tpu.memory_space<vmem>>, vector<16xf32>,
        tpu.vector_store %arg20[%swap3A_141, %swap3A_142], %mul3A_140 {strides = array<i32>} : memref<64x128xf32, #tpu.memory_space<vmem>>, vector<16xf32>,
        %get3A_144 = arith.index_cast %scan3A_128 : i32 to index
        %get3A_145 = arith.constant 16 : index
        %get3A_146 = tpu.vector_load %arg19[%get3A_144, %get3A_145] {strides = array<i32>} : memref<64x128xf32, #tpu.memory_space<vmem>>, vector<16xf32>,
        %get3A_147 = arith.index_cast %scan3A_128 : i32 to index
        %get3A_148 = arith.constant 16 : index
        %get3A_149 = tpu.vector_load %arg20[%get3A_147, %get3A_148] {strides = array<i32>} : memref<64x128xf32, #tpu.memory_space<vmem>>, vector<16xf32>,
        %add3A_150 = arith.addf %get3A_146, %get3A_149 : vector<16xf32>
        %mul3A_151 = arith.mulf %add3A_150, %get3A_132 : vector<16xf32>
        %swap3A_152 = arith.index_cast %scan3A_128 : i32 to index
        %swap3A_153 = arith.constant 16 : index
        %swap3A_154 = tpu.vector_load %arg20[%swap3A_152, %swap3A_153] {strides = array<i32>} : memref<64x128xf32, #tpu.memory_space<vmem>>, vector<16xf32>,
        tpu.vector_store %arg20[%swap3A_152, %swap3A_153], %mul3A_151 {strides = array<i32>} : memref<64x128xf32, #tpu.memory_space<vmem>>, vector<16xf32>,
        %get3A_155 = arith.index_cast %scan3A_128 : i32 to index
        %get3A_156 = arith.constant 32 : index
        %get3A_157 = tpu.vector_load %arg19[%get3A_155, %get3A_156] {strides = array<i32>} : memref<64x128xf32, #tpu.memory_space<vmem>>, vector<16xf32>,
        %get3A_158 = arith.index_cast %scan3A_128 : i32 to index
        %get3A_159 = arith.constant 32 : index
        %get3A_160 = tpu.vector_load %arg20[%get3A_158, %get3A_159] {strides = array<i32>} : memref<64x128xf32, #tpu.memory_space<vmem>>, vector<16xf32>,
        %add3A_161 = arith.addf %get3A_157, %get3A_160 : vector<16xf32>
        %mul3A_162 = arith.mulf %add3A_161, %get3A_132 : vector<16xf32>
        %swap3A_163 = arith.index_cast %scan3A_128 : i32 to index
        %swap3A_164 = arith.constant 32 : index
        %swap3A_165 = tpu.vector_load %arg20[%swap3A_163, %swap3A_164] {strides = array<i32>} : memref<64x128xf32, #tpu.memory_space<vmem>>, vector<16xf32>,
        tpu.vector_store %arg20[%swap3A_163, %swap3A_164], %mul3A_162 {strides = array<i32>} : memref<64x128xf32, #tpu.memory_space<vmem>>, vector<16xf32>,
        %get3A_166 = arith.index_cast %scan3A_128 : i32 to index
        %get3A_167 = arith.constant 48 : index
        %get3A_168 = tpu.vector_load %arg19[%get3A_166, %get3A_167] {strides = array<i32>} : memref<64x128xf32, #tpu.memory_space<vmem>>, vector<16xf32>,
        %get3A_169 = arith.index_cast %scan3A_128 : i32 to index
        %get3A_170 = arith.constant 48 : index
        %get3A_171 = tpu.vector_load %arg20[%get3A_169, %get3A_170] {strides = array<i32>} : memref<64x128xf32, #tpu.memory_space<vmem>>, vector<16xf32>,
        %add3A_172 = arith.addf %get3A_168, %get3A_171 : vector<16xf32>
        %mul3A_173 = arith.mulf %add3A_172, %get3A_132 : vector<16xf32>
        %swap3A_174 = arith.index_cast %scan3A_128 : i32 to index
        %swap3A_175 = arith.constant 48 : index
        %swap3A_176 = tpu.vector_load %arg20[%swap3A_174, %swap3A_175] {strides = array<i32>} : memref<64x128xf32, #tpu.memory_space<vmem>>, vector<16xf32>,
        tpu.vector_store %arg20[%swap3A_174, %swap3A_175], %mul3A_173 {strides = array<i32>} : memref<64x128xf32, #tpu.memory_space<vmem>>, vector<16xf32>,
        %get3A_177 = arith.index_cast %scan3A_128 : i32 to index
        %get3A_178 = arith.constant 64 : index
        %get3A_179 = tpu.vector_load %arg19[%get3A_177, %get3A_178] {strides = array<i32>} : memref<64x128xf32, #tpu.memory_space<vmem>>, vector<16xf32>,
        %get3A_180 = arith.index_cast %scan3A_128 : i32 to index
        %get3A_181 = arith.constant 64 : index
        %get3A_182 = tpu.vector_load %arg20[%get3A_180, %get3A_181] {strides = array<i32>} : memref<64x128xf32, #tpu.memory_space<vmem>>, vector<16xf32>,
        %add3A_183 = arith.addf %get3A_179, %get3A_182 : vector<16xf32>
        %mul3A_184 = arith.mulf %add3A_183, %get3A_132 : vector<16xf32>
        %swap3A_185 = arith.index_cast %scan3A_128 : i32 to index
        %swap3A_186 = arith.constant 64 : index
        %swap3A_187 = tpu.vector_load %arg20[%swap3A_185, %swap3A_186] {strides = array<i32>} : memref<64x128xf32, #tpu.memory_space<vmem>>, vector<16xf32>,
        tpu.vector_store %arg20[%swap3A_185, %swap3A_186], %mul3A_184 {strides = array<i32>} : memref<64x128xf32, #tpu.memory_space<vmem>>, vector<16xf32>,
        %get3A_188 = arith.index_cast %scan3A_128 : i32 to index
        %get3A_189 = arith.constant 80 : index
        %get3A_190 = tpu.vector_load %arg19[%get3A_188, %get3A_189] {strides = array<i32>} : memref<64x128xf32, #tpu.memory_space<vmem>>, vector<16xf32>,
        %get3A_191 = arith.index_cast %scan3A_128 : i32 to index
        %get3A_192 = arith.constant 80 : index
        %get3A_193 = tpu.vector_load %arg20[%get3A_191, %get3A_192] {strides = array<i32>} : memref<64x128xf32, #tpu.memory_space<vmem>>, vector<16xf32>,
        %add3A_194 = arith.addf %get3A_190, %get3A_193 : vector<16xf32>
        %mul3A_195 = arith.mulf %add3A_194, %get3A_132 : vector<16xf32>
        %swap3A_196 = arith.index_cast %scan3A_128 : i32 to index
        %swap3A_197 = arith.constant 80 : index
        %swap3A_198 = tpu.vector_load %arg20[%swap3A_196, %swap3A_197] {strides = array<i32>} : memref<64x128xf32, #tpu.memory_space<vmem>>, vector<16xf32>,
        tpu.vector_store %arg20[%swap3A_196, %swap3A_197], %mul3A_195 {strides = array<i32>} : memref<64x128xf32, #tpu.memory_space<vmem>>, vector<16xf32>,
        %get3A_199 = arith.index_cast %scan3A_128 : i32 to index
        %get3A_200 = arith.constant 96 : index
        %get3A_201 = tpu.vector_load %arg19[%get3A_199, %get3A_200] {strides = array<i32>} : memref<64x128xf32, #tpu.memory_space<vmem>>, vector<16xf32>,
        %get3A_202 = arith.index_cast %scan3A_128 : i32 to index
        %get3A_203 = arith.constant 96 : index
        %get3A_204 = tpu.vector_load %arg20[%get3A_202, %get3A_203] {strides = array<i32>} : memref<64x128xf32, #tpu.memory_space<vmem>>, vector<16xf32>,
        %add3A_205 = arith.addf %get3A_201, %get3A_204 : vector<16xf32>
        %mul3A_206 = arith.mulf %add3A_205, %get3A_132 : vector<16xf32>
        %swap3A_207 = arith.index_cast %scan3A_128 : i32 to index
        %swap3A_208 = arith.constant 96 : index
        %swap3A_209 = tpu.vector_load %arg20[%swap3A_207, %swap3A_208] {strides = array<i32>} : memref<64x128xf32, #tpu.memory_space<vmem>>, vector<16xf32>,
        tpu.vector_store %arg20[%swap3A_207, %swap3A_208], %mul3A_206 {strides = array<i32>} : memref<64x128xf32, #tpu.memory_space<vmem>>, vector<16xf32>,
        %get3A_210 = arith.index_cast %scan3A_128 : i32 to index
        %get3A_211 = arith.constant 112 : index
        %get3A_212 = tpu.vector_load %arg19[%get3A_210, %get3A_211] {strides = array<i32>} : memref<64x128xf32, #tpu.memory_space<vmem>>, vector<16xf32>,
        %get3A_213 = arith.index_cast %scan3A_128 : i32 to index
        %get3A_214 = arith.constant 112 : index
        %get3A_215 = tpu.vector_load %arg20[%get3A_213, %get3A_214] {strides = array<i32>} : memref<64x128xf32, #tpu.memory_space<vmem>>, vector<16xf32>,
        %add3A_216 = arith.addf %get3A_212, %get3A_215 : vector<16xf32>
        %mul3A_217 = arith.mulf %add3A_216, %get3A_132 : vector<16xf32>
        %swap3A_218 = arith.index_cast %scan3A_128 : i32 to index
        %swap3A_219 = arith.constant 112 : index
        %swap3A_220 = tpu.vector_load %arg20[%swap3A_218, %swap3A_219] {strides = array<i32>} : memref<64x128xf32, #tpu.memory_space<vmem>>, vector<16xf32>,
        tpu.vector_store %arg20[%swap3A_218, %swap3A_219], %mul3A_217 {strides = array<i32>} : memref<64x128xf32, #tpu.memory_space<vmem>>, vector<16xf32>,
      }
      %scan3A_127 = arith.constant 64 : i32
      "tpu.region"() ({
        %run_scoped3A = tpu.sem_alloc : memref<!tpu.dma_semaphore, #tpu.memory_space<semaphore_mem>>
        %dma_start3A_128 = arith.constant 0 : i32
        %dma_start3A_129 = arith.constant 0 : i32
        %dma_start3A_130 = tpu.memref_slice %arg26[%dma_start3A_128, %dma_start3A_129] : memref<10240x128xf32, #tpu.memory_space<vmem_shared>> -> memref<10240x128xf32, #tpu.memory_space<vmem_shared>>
        tpu.enqueue_indirect_dma source(%arg20 : memref<64x128xf32, #tpu.memory_space<vmem>>) target(%dma_start3A_130 : memref<10240x128xf32, #tpu.memory_space<vmem_shared>>) offsets(%arg15 : memref<64xi32, #tpu.memory_space<vmem>>) semaphore(%run_scoped3A : memref<!tpu.dma_semaphore, #tpu.memory_space<semaphore_mem>>) {add = true}
        %dma_wait3A_131 = arith.constant 0 : i32
        %dma_wait3A_132 = arith.constant 0 : i32
        %dma_wait3A_133 = tpu.memref_slice %arg26[%dma_wait3A_131, %dma_wait3A_132] : memref<10240x128xf32, #tpu.memory_space<vmem_shared>> -> memref<10240x128xf32, #tpu.memory_space<vmem_shared>>
        tpu.wait_indirect_dma semaphore(%run_scoped3A : memref<!tpu.dma_semaphore, #tpu.memory_space<semaphore_mem>>) src(%arg20 : memref<64x128xf32, #tpu.memory_space<vmem>>) dst(%dma_wait3A_133 : memref<10240x128xf32, #tpu.memory_space<vmem_shared>>)
        tpu.yield
      }) : () -> ()
    }
    %scan3A_11 = arith.constant 158 : i32
    %scan3A_12 = arith.constant 0 : i32
    %scan3A_13 = arith.constant 0 : i32
    %scan3A_14 = arith.constant 40 : i32
    %scan3A_15 = arith.addi %scan3A_13, %scan3A_14 : i32
    %scan3A_16 = arith.constant 1 : i32
    scf.for %scan3A_34 = %scan3A_13 to %scan3A_15 step %scan3A_16  : i32 {
      %add3A_35 = arith.constant 0 : i32
      %add3A_36 = arith.addi %add3A_35, %scan3A_34 : i32
      %mul3A_37 = arith.constant 128 : i32
      %mul3A_38 = arith.muli %add3A_36, %mul3A_37 : i32
      %add3A_39 = arith.constant 0 : i32
      %add3A_40 = arith.addi %mul3A_38, %add3A_39 : i32
      %get3A = arith.index_cast %add3A_40 : i32 to index
      %get3A_41 = tpu.vector_load %arg23[%get3A] {strides = array<i32>} : memref<10240xf32, #tpu.memory_space<vmem>>, vector<16xf32>,
      %swap3A = arith.index_cast %scan3A_34 : i32 to index
      %swap3A_42 = arith.constant 0 : index
      %swap3A_43 = tpu.vector_load %arg17[%swap3A, %swap3A_42] {strides = array<i32>} : memref<64x128xf32, #tpu.memory_space<vmem>>, vector<16xf32>,
      tpu.vector_store %arg17[%swap3A, %swap3A_42], %get3A_41 {strides = array<i32>} : memref<64x128xf32, #tpu.memory_space<vmem>>, vector<16xf32>,
      %add3A_44 = arith.constant 16 : i32
      %add3A_45 = arith.addi %mul3A_38, %add3A_44 : i32
      %get3A_46 = arith.index_cast %add3A_45 : i32 to index
      %get3A_47 = tpu.vector_load %arg23[%get3A_46] {strides = array<i32>} : memref<10240xf32, #tpu.memory_space<vmem>>, vector<16xf32>,
      %swap3A_48 = arith.index_cast %scan3A_34 : i32 to index
      %swap3A_49 = arith.constant 16 : index
      %swap3A_50 = tpu.vector_load %arg17[%swap3A_48, %swap3A_49] {strides = array<i32>} : memref<64x128xf32, #tpu.memory_space<vmem>>, vector<16xf32>,
      tpu.vector_store %arg17[%swap3A_48, %swap3A_49], %get3A_47 {strides = array<i32>} : memref<64x128xf32, #tpu.memory_space<vmem>>, vector<16xf32>,
      %add3A_51 = arith.constant 32 : i32
      %add3A_52 = arith.addi %mul3A_38, %add3A_51 : i32
      %get3A_53 = arith.index_cast %add3A_52 : i32 to index
      %get3A_54 = tpu.vector_load %arg23[%get3A_53] {strides = array<i32>} : memref<10240xf32, #tpu.memory_space<vmem>>, vector<16xf32>,
      %swap3A_55 = arith.index_cast %scan3A_34 : i32 to index
      %swap3A_56 = arith.constant 32 : index
      %swap3A_57 = tpu.vector_load %arg17[%swap3A_55, %swap3A_56] {strides = array<i32>} : memref<64x128xf32, #tpu.memory_space<vmem>>, vector<16xf32>,
      tpu.vector_store %arg17[%swap3A_55, %swap3A_56], %get3A_54 {strides = array<i32>} : memref<64x128xf32, #tpu.memory_space<vmem>>, vector<16xf32>,
      %add3A_58 = arith.constant 48 : i32
      %add3A_59 = arith.addi %mul3A_38, %add3A_58 : i32
      %get3A_60 = arith.index_cast %add3A_59 : i32 to index
      %get3A_61 = tpu.vector_load %arg23[%get3A_60] {strides = array<i32>} : memref<10240xf32, #tpu.memory_space<vmem>>, vector<16xf32>,
      %swap3A_62 = arith.index_cast %scan3A_34 : i32 to index
      %swap3A_63 = arith.constant 48 : index
      %swap3A_64 = tpu.vector_load %arg17[%swap3A_62, %swap3A_63] {strides = array<i32>} : memref<64x128xf32, #tpu.memory_space<vmem>>, vector<16xf32>,
      tpu.vector_store %arg17[%swap3A_62, %swap3A_63], %get3A_61 {strides = array<i32>} : memref<64x128xf32, #tpu.memory_space<vmem>>, vector<16xf32>,
      %add3A_65 = arith.constant 64 : i32
      %add3A_66 = arith.addi %mul3A_38, %add3A_65 : i32
      %get3A_67 = arith.index_cast %add3A_66 : i32 to index
      %get3A_68 = tpu.vector_load %arg23[%get3A_67] {strides = array<i32>} : memref<10240xf32, #tpu.memory_space<vmem>>, vector<16xf32>,
      %swap3A_69 = arith.index_cast %scan3A_34 : i32 to index
      %swap3A_70 = arith.constant 64 : index
      %swap3A_71 = tpu.vector_load %arg17[%swap3A_69, %swap3A_70] {strides = array<i32>} : memref<64x128xf32, #tpu.memory_space<vmem>>, vector<16xf32>,
      tpu.vector_store %arg17[%swap3A_69, %swap3A_70], %get3A_68 {strides = array<i32>} : memref<64x128xf32, #tpu.memory_space<vmem>>, vector<16xf32>,
      %add3A_72 = arith.constant 80 : i32
      %add3A_73 = arith.addi %mul3A_38, %add3A_72 : i32
      %get3A_74 = arith.index_cast %add3A_73 : i32 to index
      %get3A_75 = tpu.vector_load %arg23[%get3A_74] {strides = array<i32>} : memref<10240xf32, #tpu.memory_space<vmem>>, vector<16xf32>,
      %swap3A_76 = arith.index_cast %scan3A_34 : i32 to index
      %swap3A_77 = arith.constant 80 : index
      %swap3A_78 = tpu.vector_load %arg17[%swap3A_76, %swap3A_77] {strides = array<i32>} : memref<64x128xf32, #tpu.memory_space<vmem>>, vector<16xf32>,
      tpu.vector_store %arg17[%swap3A_76, %swap3A_77], %get3A_75 {strides = array<i32>} : memref<64x128xf32, #tpu.memory_space<vmem>>, vector<16xf32>,
      %add3A_79 = arith.constant 96 : i32
      %add3A_80 = arith.addi %mul3A_38, %add3A_79 : i32
      %get3A_81 = arith.index_cast %add3A_80 : i32 to index
      %get3A_82 = tpu.vector_load %arg23[%get3A_81] {strides = array<i32>} : memref<10240xf32, #tpu.memory_space<vmem>>, vector<16xf32>,
      %swap3A_83 = arith.index_cast %scan3A_34 : i32 to index
      %swap3A_84 = arith.constant 96 : index
      %swap3A_85 = tpu.vector_load %arg17[%swap3A_83, %swap3A_84] {strides = array<i32>} : memref<64x128xf32, #tpu.memory_space<vmem>>, vector<16xf32>,
      tpu.vector_store %arg17[%swap3A_83, %swap3A_84], %get3A_82 {strides = array<i32>} : memref<64x128xf32, #tpu.memory_space<vmem>>, vector<16xf32>,
      %add3A_86 = arith.constant 112 : i32
      %add3A_87 = arith.addi %mul3A_38, %add3A_86 : i32
      %get3A_88 = arith.index_cast %add3A_87 : i32 to index
      %get3A_89 = tpu.vector_load %arg23[%get3A_88] {strides = array<i32>} : memref<10240xf32, #tpu.memory_space<vmem>>, vector<16xf32>,
      %swap3A_90 = arith.index_cast %scan3A_34 : i32 to index
      %swap3A_91 = arith.constant 112 : index
      %swap3A_92 = tpu.vector_load %arg17[%swap3A_90, %swap3A_91] {strides = array<i32>} : memref<64x128xf32, #tpu.memory_space<vmem>>, vector<16xf32>,
      tpu.vector_store %arg17[%swap3A_90, %swap3A_91], %get3A_89 {strides = array<i32>} : memref<64x128xf32, #tpu.memory_space<vmem>>, vector<16xf32>,
    }
    %scan3A_17 = arith.constant 40 : i32
    "tpu.region"() ({
      %run_scoped3A = tpu.sem_alloc : memref<!tpu.dma_semaphore, #tpu.memory_space<semaphore_mem>>
      %dma_start3A = arith.constant 0 : i32
      %dma_start3A_34 = arith.constant 0 : i32
      %dma_start3A_35 = tpu.memref_slice %arg17[%dma_start3A, %dma_start3A_34] : memref<64x128xf32, #tpu.memory_space<vmem>> -> memref<40x128xf32, #tpu.memory_space<vmem>>
      %dma_start3A_36 = arith.constant 0 : i32
      %dma_start3A_37 = arith.constant 0 : i32
      %dma_start3A_38 = tpu.memref_slice %arg27[%dma_start3A_36, %dma_start3A_37] : memref<80x128xf32, #tpu.memory_space<vmem_shared>> -> memref<80x128xf32, #tpu.memory_space<vmem_shared>>
      tpu.enqueue_indirect_dma source(%dma_start3A_35 : memref<40x128xf32, #tpu.memory_space<vmem>>) target(%dma_start3A_38 : memref<80x128xf32, #tpu.memory_space<vmem_shared>>) offsets(%arg24 : memref<40xi32, #tpu.memory_space<vmem>>) semaphore(%run_scoped3A : memref<!tpu.dma_semaphore, #tpu.memory_space<semaphore_mem>>) {add = true}
      %dma_wait3A = arith.constant 0 : i32
      %dma_wait3A_39 = arith.constant 0 : i32
      %dma_wait3A_40 = tpu.memref_slice %arg17[%dma_wait3A, %dma_wait3A_39] : memref<64x128xf32, #tpu.memory_space<vmem>> -> memref<40x128xf32, #tpu.memory_space<vmem>>
      %dma_wait3A_41 = arith.constant 0 : i32
      %dma_wait3A_42 = arith.constant 0 : i32
      %dma_wait3A_43 = tpu.memref_slice %arg27[%dma_wait3A_41, %dma_wait3A_42] : memref<80x128xf32, #tpu.memory_space<vmem_shared>> -> memref<80x128xf32, #tpu.memory_space<vmem_shared>>
      tpu.wait_indirect_dma semaphore(%run_scoped3A : memref<!tpu.dma_semaphore, #tpu.memory_space<semaphore_mem>>) src(%dma_wait3A_40 : memref<40x128xf32, #tpu.memory_space<vmem>>) dst(%dma_wait3A_43 : memref<80x128xf32, #tpu.memory_space<vmem_shared>>)
      tpu.yield
    }) : () -> ()
    %scan3A_18 = arith.constant 0 : i32
    %scan3A_19 = arith.constant 0 : i32
    %scan3A_20 = arith.constant 40 : i32
    %scan3A_21 = arith.addi %scan3A_19, %scan3A_20 : i32
    %scan3A_22 = arith.constant 1 : i32
    scf.for %scan3A_34 = %scan3A_19 to %scan3A_21 step %scan3A_22  : i32 {
      %add3A_35 = arith.constant 40 : i32
      %add3A_36 = arith.addi %add3A_35, %scan3A_34 : i32
      %mul3A_37 = arith.constant 128 : i32
      %mul3A_38 = arith.muli %add3A_36, %mul3A_37 : i32
      %add3A_39 = arith.constant 0 : i32
      %add3A_40 = arith.addi %mul3A_38, %add3A_39 : i32
      %get3A = arith.index_cast %add3A_40 : i32 to index
      %get3A_41 = tpu.vector_load %arg23[%get3A] {strides = array<i32>} : memref<10240xf32, #tpu.memory_space<vmem>>, vector<16xf32>,
      %swap3A = arith.index_cast %scan3A_34 : i32 to index
      %swap3A_42 = arith.constant 0 : index
      %swap3A_43 = tpu.vector_load %arg17[%swap3A, %swap3A_42] {strides = array<i32>} : memref<64x128xf32, #tpu.memory_space<vmem>>, vector<16xf32>,
      tpu.vector_store %arg17[%swap3A, %swap3A_42], %get3A_41 {strides = array<i32>} : memref<64x128xf32, #tpu.memory_space<vmem>>, vector<16xf32>,
      %add3A_44 = arith.constant 16 : i32
      %add3A_45 = arith.addi %mul3A_38, %add3A_44 : i32
      %get3A_46 = arith.index_cast %add3A_45 : i32 to index
      %get3A_47 = tpu.vector_load %arg23[%get3A_46] {strides = array<i32>} : memref<10240xf32, #tpu.memory_space<vmem>>, vector<16xf32>,
      %swap3A_48 = arith.index_cast %scan3A_34 : i32 to index
      %swap3A_49 = arith.constant 16 : index
      %swap3A_50 = tpu.vector_load %arg17[%swap3A_48, %swap3A_49] {strides = array<i32>} : memref<64x128xf32, #tpu.memory_space<vmem>>, vector<16xf32>,
      tpu.vector_store %arg17[%swap3A_48, %swap3A_49], %get3A_47 {strides = array<i32>} : memref<64x128xf32, #tpu.memory_space<vmem>>, vector<16xf32>,
      %add3A_51 = arith.constant 32 : i32
      %add3A_52 = arith.addi %mul3A_38, %add3A_51 : i32
      %get3A_53 = arith.index_cast %add3A_52 : i32 to index
      %get3A_54 = tpu.vector_load %arg23[%get3A_53] {strides = array<i32>} : memref<10240xf32, #tpu.memory_space<vmem>>, vector<16xf32>,
      %swap3A_55 = arith.index_cast %scan3A_34 : i32 to index
      %swap3A_56 = arith.constant 32 : index
      %swap3A_57 = tpu.vector_load %arg17[%swap3A_55, %swap3A_56] {strides = array<i32>} : memref<64x128xf32, #tpu.memory_space<vmem>>, vector<16xf32>,
      tpu.vector_store %arg17[%swap3A_55, %swap3A_56], %get3A_54 {strides = array<i32>} : memref<64x128xf32, #tpu.memory_space<vmem>>, vector<16xf32>,
      %add3A_58 = arith.constant 48 : i32
      %add3A_59 = arith.addi %mul3A_38, %add3A_58 : i32
      %get3A_60 = arith.index_cast %add3A_59 : i32 to index
      %get3A_61 = tpu.vector_load %arg23[%get3A_60] {strides = array<i32>} : memref<10240xf32, #tpu.memory_space<vmem>>, vector<16xf32>,
      %swap3A_62 = arith.index_cast %scan3A_34 : i32 to index
      %swap3A_63 = arith.constant 48 : index
      %swap3A_64 = tpu.vector_load %arg17[%swap3A_62, %swap3A_63] {strides = array<i32>} : memref<64x128xf32, #tpu.memory_space<vmem>>, vector<16xf32>,
      tpu.vector_store %arg17[%swap3A_62, %swap3A_63], %get3A_61 {strides = array<i32>} : memref<64x128xf32, #tpu.memory_space<vmem>>, vector<16xf32>,
      %add3A_65 = arith.constant 64 : i32
      %add3A_66 = arith.addi %mul3A_38, %add3A_65 : i32
      %get3A_67 = arith.index_cast %add3A_66 : i32 to index
      %get3A_68 = tpu.vector_load %arg23[%get3A_67] {strides = array<i32>} : memref<10240xf32, #tpu.memory_space<vmem>>, vector<16xf32>,
      %swap3A_69 = arith.index_cast %scan3A_34 : i32 to index
      %swap3A_70 = arith.constant 64 : index
      %swap3A_71 = tpu.vector_load %arg17[%swap3A_69, %swap3A_70] {strides = array<i32>} : memref<64x128xf32, #tpu.memory_space<vmem>>, vector<16xf32>,
      tpu.vector_store %arg17[%swap3A_69, %swap3A_70], %get3A_68 {strides = array<i32>} : memref<64x128xf32, #tpu.memory_space<vmem>>, vector<16xf32>,
      %add3A_72 = arith.constant 80 : i32
      %add3A_73 = arith.addi %mul3A_38, %add3A_72 : i32
      %get3A_74 = arith.index_cast %add3A_73 : i32 to index
      %get3A_75 = tpu.vector_load %arg23[%get3A_74] {strides = array<i32>} : memref<10240xf32, #tpu.memory_space<vmem>>, vector<16xf32>,
      %swap3A_76 = arith.index_cast %scan3A_34 : i32 to index
      %swap3A_77 = arith.constant 80 : index
      %swap3A_78 = tpu.vector_load %arg17[%swap3A_76, %swap3A_77] {strides = array<i32>} : memref<64x128xf32, #tpu.memory_space<vmem>>, vector<16xf32>,
      tpu.vector_store %arg17[%swap3A_76, %swap3A_77], %get3A_75 {strides = array<i32>} : memref<64x128xf32, #tpu.memory_space<vmem>>, vector<16xf32>,
      %add3A_79 = arith.constant 96 : i32
      %add3A_80 = arith.addi %mul3A_38, %add3A_79 : i32
      %get3A_81 = arith.index_cast %add3A_80 : i32 to index
      %get3A_82 = tpu.vector_load %arg23[%get3A_81] {strides = array<i32>} : memref<10240xf32, #tpu.memory_space<vmem>>, vector<16xf32>,
      %swap3A_83 = arith.index_cast %scan3A_34 : i32 to index
      %swap3A_84 = arith.constant 96 : index
      %swap3A_85 = tpu.vector_load %arg17[%swap3A_83, %swap3A_84] {strides = array<i32>} : memref<64x128xf32, #tpu.memory_space<vmem>>, vector<16xf32>,
      tpu.vector_store %arg17[%swap3A_83, %swap3A_84], %get3A_82 {strides = array<i32>} : memref<64x128xf32, #tpu.memory_space<vmem>>, vector<16xf32>,
      %add3A_86 = arith.constant 112 : i32
      %add3A_87 = arith.addi %mul3A_38, %add3A_86 : i32
      %get3A_88 = arith.index_cast %add3A_87 : i32 to index
      %get3A_89 = tpu.vector_load %arg23[%get3A_88] {strides = array<i32>} : memref<10240xf32, #tpu.memory_space<vmem>>, vector<16xf32>,
      %swap3A_90 = arith.index_cast %scan3A_34 : i32 to index
      %swap3A_91 = arith.constant 112 : index
      %swap3A_92 = tpu.vector_load %arg17[%swap3A_90, %swap3A_91] {strides = array<i32>} : memref<64x128xf32, #tpu.memory_space<vmem>>, vector<16xf32>,
      tpu.vector_store %arg17[%swap3A_90, %swap3A_91], %get3A_89 {strides = array<i32>} : memref<64x128xf32, #tpu.memory_space<vmem>>, vector<16xf32>,
    }
    %scan3A_23 = arith.constant 40 : i32
    "tpu.region"() ({
      %run_scoped3A = tpu.sem_alloc : memref<!tpu.dma_semaphore, #tpu.memory_space<semaphore_mem>>
      %dma_start3A = arith.constant 0 : i32
      %dma_start3A_34 = arith.constant 0 : i32
      %dma_start3A_35 = tpu.memref_slice %arg17[%dma_start3A, %dma_start3A_34] : memref<64x128xf32, #tpu.memory_space<vmem>> -> memref<40x128xf32, #tpu.memory_space<vmem>>
      %dma_start3A_36 = arith.constant 0 : i32
      %dma_start3A_37 = arith.constant 0 : i32
      %dma_start3A_38 = tpu.memref_slice %arg27[%dma_start3A_36, %dma_start3A_37] : memref<80x128xf32, #tpu.memory_space<vmem_shared>> -> memref<80x128xf32, #tpu.memory_space<vmem_shared>>
      tpu.enqueue_indirect_dma source(%dma_start3A_35 : memref<40x128xf32, #tpu.memory_space<vmem>>) target(%dma_start3A_38 : memref<80x128xf32, #tpu.memory_space<vmem_shared>>) offsets(%arg25 : memref<40xi32, #tpu.memory_space<vmem>>) semaphore(%run_scoped3A : memref<!tpu.dma_semaphore, #tpu.memory_space<semaphore_mem>>) {add = true}
      %dma_wait3A = arith.constant 0 : i32
      %dma_wait3A_39 = arith.constant 0 : i32
      %dma_wait3A_40 = tpu.memref_slice %arg17[%dma_wait3A, %dma_wait3A_39] : memref<64x128xf32, #tpu.memory_space<vmem>> -> memref<40x128xf32, #tpu.memory_space<vmem>>
      %dma_wait3A_41 = arith.constant 0 : i32
      %dma_wait3A_42 = arith.constant 0 : i32
      %dma_wait3A_43 = tpu.memref_slice %arg27[%dma_wait3A_41, %dma_wait3A_42] : memref<80x128xf32, #tpu.memory_space<vmem_shared>> -> memref<80x128xf32, #tpu.memory_space<vmem_shared>>
      tpu.wait_indirect_dma semaphore(%run_scoped3A : memref<!tpu.dma_semaphore, #tpu.memory_space<semaphore_mem>>) src(%dma_wait3A_40 : memref<40x128xf32, #tpu.memory_space<vmem>>) dst(%dma_wait3A_43 : memref<80x128xf32, #tpu.memory_space<vmem_shared>>)
      tpu.yield
    }) : () -> ()
    %barrier3A_24 = arith.constant 0 : index
    tpu.barrier barrier_id(%barrier3A_24)
    %mul3A_25 = arith.constant 640 : i32
    %mul3A_26 = arith.muli %arg1, %mul3A_25 : i32
    %mul3A_27 = arith.constant 640 : i32
    %mul3A_28 = arith.muli %arg1, %mul3A_27 : i32
    "tpu.region"() ({
      %run_scoped3A = tpu.sem_alloc : memref<!tpu.dma_semaphore, #tpu.memory_space<semaphore_mem>>
      %dma_start3A = arith.constant 0 : i32
      %dma_start3A_34 = tpu.memref_slice %arg11[%arg0, %mul3A_28, %dma_start3A] : memref<2x10240x128xf32, #tpu.memory_space<hbm>> -> memref<1x640x128xf32, #tpu.memory_space<hbm>>
      %dma_start3A_35 = tpu.memref_squeeze %dma_start3A_34 : memref<1x640x128xf32, #tpu.memory_space<hbm>> -> memref<640x128xf32, #tpu.memory_space<hbm>>
      %dma_start3A_36 = arith.constant 0 : i32
      %dma_start3A_37 = tpu.memref_slice %arg26[%mul3A_26, %dma_start3A_36] : memref<10240x128xf32, #tpu.memory_space<vmem_shared>> -> memref<640x128xf32, #tpu.memory_space<vmem_shared>>
      tpu.enqueue_dma source(%dma_start3A_37 : memref<640x128xf32, #tpu.memory_space<vmem_shared>>) target(%dma_start3A_35 : memref<640x128xf32, #tpu.memory_space<hbm>>) target_semaphore(%run_scoped3A : memref<!tpu.dma_semaphore, #tpu.memory_space<semaphore_mem>>)
      %dma_wait3A = arith.constant 0 : i32
      %dma_wait3A_38 = tpu.memref_slice %arg11[%arg0, %mul3A_28, %dma_wait3A] : memref<2x10240x128xf32, #tpu.memory_space<hbm>> -> memref<1x640x128xf32, #tpu.memory_space<hbm>>
      %dma_wait3A_39 = tpu.memref_squeeze %dma_wait3A_38 : memref<1x640x128xf32, #tpu.memory_space<hbm>> -> memref<640x128xf32, #tpu.memory_space<hbm>>
      %dma_wait3A_40 = arith.constant 0 : i32
      %dma_wait3A_41 = tpu.memref_slice %arg26[%mul3A_26, %dma_wait3A_40] : memref<10240x128xf32, #tpu.memory_space<vmem_shared>> -> memref<640x128xf32, #tpu.memory_space<vmem_shared>>
      tpu.wait_dma2 semaphore(%run_scoped3A : memref<!tpu.dma_semaphore, #tpu.memory_space<semaphore_mem>>) src(%dma_wait3A_41 : memref<640x128xf32, #tpu.memory_space<vmem_shared>>) dst(%dma_wait3A_39 : memref<640x128xf32, #tpu.memory_space<hbm>>)
      tpu.yield
    }) : () -> ()
    %eq3A_29 = arith.constant 0 : i32
    %eq3A_30 = arith.cmpi eq, %arg1, %eq3A_29 : i32
    %convert_element_type3A_31 = arith.extui %eq3A_30 : i1 to i32
    %cond3A_32 = arith.constant 0 : i32
    %cond3A_33 = arith.cmpi ne, %convert_element_type3A_31, %cond3A_32 : i32
    scf.if %cond3A_33 {
      "tpu.region"() ({
        %run_scoped3A = tpu.sem_alloc : memref<!tpu.dma_semaphore, #tpu.memory_space<semaphore_mem>>
        %dma_start3A = arith.constant 0 : i32
        %dma_start3A_34 = arith.constant 0 : i32
        %dma_start3A_35 = tpu.memref_slice %arg12[%arg0, %dma_start3A, %dma_start3A_34] : memref<2x80x128xf32, #tpu.memory_space<hbm>> -> memref<1x80x128xf32, #tpu.memory_space<hbm>>
        %dma_start3A_36 = tpu.memref_squeeze %dma_start3A_35 : memref<1x80x128xf32, #tpu.memory_space<hbm>> -> memref<80x128xf32, #tpu.memory_space<hbm>>
        tpu.enqueue_dma source(%arg27 : memref<80x128xf32, #tpu.memory_space<vmem_shared>>) target(%dma_start3A_36 : memref<80x128xf32, #tpu.memory_space<hbm>>) target_semaphore(%run_scoped3A : memref<!tpu.dma_semaphore, #tpu.memory_space<semaphore_mem>>)
        %dma_wait3A = arith.constant 0 : i32
        %dma_wait3A_37 = arith.constant 0 : i32
        %dma_wait3A_38 = tpu.memref_slice %arg12[%arg0, %dma_wait3A, %dma_wait3A_37] : memref<2x80x128xf32, #tpu.memory_space<hbm>> -> memref<1x80x128xf32, #tpu.memory_space<hbm>>
        %dma_wait3A_39 = tpu.memref_squeeze %dma_wait3A_38 : memref<1x80x128xf32, #tpu.memory_space<hbm>> -> memref<80x128xf32, #tpu.memory_space<hbm>>
        tpu.wait_dma2 semaphore(%run_scoped3A : memref<!tpu.dma_semaphore, #tpu.memory_space<semaphore_mem>>) src(%arg27 : memref<80x128xf32, #tpu.memory_space<vmem_shared>>) dst(%dma_wait3A_39 : memref<80x128xf32, #tpu.memory_space<hbm>>)
        tpu.yield
      }) : () -> ()
    } else {
    }
    return
  }
}

#map = affine_map<(d0, d1) -> (0, 0)>
#map1 = affine_map<(d0, d1) -> (0)>
#map2 = affine_map<(d0, d1) -> (0, 0, 0)>
module attributes {stable_mosaic.version = 14 : i64} {
  func.func @_sc_edge(%arg0: i32, %arg1: i32, %arg2: memref<10240x128xf32, #tpu.memory_space<hbm>>, %arg3: memref<10240x128xf32, #tpu.memory_space<hbm>>, %arg4: memref<10240x128xf32, #tpu.memory_space<hbm>>, %arg5: memref<672x128xf32, #tpu.memory_space<hbm>>, %arg6: memref<970752xi32, #tpu.memory_space<hbm>>, %arg7: memref<10240x128xf32, #tpu.memory_space<hbm>>, %arg8: memref<10240xf32, #tpu.memory_space<hbm>>, %arg9: memref<40xi32, #tpu.memory_space<hbm>>, %arg10: memref<40xi32, #tpu.memory_space<hbm>>, %arg11: memref<2x10240x128xf32, #tpu.memory_space<hbm>>, %arg12: memref<2x80x128xf32, #tpu.memory_space<hbm>>, %arg13: memref<192xi32, #tpu.memory_space<vmem>>, %arg14: memref<64xi32, #tpu.memory_space<vmem>>, %arg15: memref<64xi32, #tpu.memory_space<vmem>>, %arg16: memref<64xi32, #tpu.memory_space<vmem>>, %arg17: memref<64x128xf32, #tpu.memory_space<vmem>>, %arg18: memref<64x128xf32, #tpu.memory_space<vmem>>, %arg19: memref<64x128xf32, #tpu.memory_space<vmem>>, %arg20: memref<64x128xf32, #tpu.memory_space<vmem>>, %arg21: memref<1024xf32, #tpu.memory_space<vmem>>, %arg22: memref<1024xf32, #tpu.memory_space<vmem>>, %arg23: memref<10240xf32, #tpu.memory_space<vmem>>, %arg24: memref<40xi32, #tpu.memory_space<vmem>>, %arg25: memref<40xi32, #tpu.memory_space<vmem>>, %arg26: memref<10240x128xf32, #tpu.memory_space<vmem_shared>>, %arg27: memref<80x128xf32, #tpu.memory_space<vmem_shared>>, %arg28: memref<!tpu.dma_semaphore, #tpu.memory_space<semaphore_mem>>) attributes {dimension_semantics = [#tpu.dimension_semantics<core_parallel>, #tpu.dimension_semantics<subcore_parallel>], iteration_bounds = array<i64: 2, 16>, scalar_prefetch = 0 : i64, scratch_operands = 16 : i64, tpu.core_type = #tpu.core_type<sc_vector_subcore>, window_params = [{transform_indices = #map}, {transform_indices = #map}, {transform_indices = #map}, {transform_indices = #map}, {transform_indices = #map1}, {transform_indices = #map}, {transform_indices = #map1}, {transform_indices = #map1}, {transform_indices = #map1}, {transform_indices = #map2}, {transform_indices = #map2}]} {
    %mul3A = arith.constant 2 : i32
    %mul3A_0 = arith.muli %arg1, %mul3A : i32
    %add3A = arith.addi %mul3A_0, %arg0 : i32
    %mul3A_1 = arith.constant 640 : i32
    %mul3A_2 = arith.muli %arg1, %mul3A_1 : i32
    %mul3A_3 = arith.constant 640 : i32
    %mul3A_4 = arith.muli %arg1, %mul3A_3 : i32
    "tpu.region"() ({
      %run_scoped3A = tpu.sem_alloc : memref<!tpu.dma_semaphore, #tpu.memory_space<semaphore_mem>>
      %dma_start3A = arith.constant 0 : i32
      %dma_start3A_34 = tpu.memref_slice %arg26[%mul3A_4, %dma_start3A] : memref<10240x128xf32, #tpu.memory_space<vmem_shared>> -> memref<640x128xf32, #tpu.memory_space<vmem_shared>>
      %dma_start3A_35 = arith.constant 0 : i32
      %dma_start3A_36 = tpu.memref_slice %arg7[%mul3A_2, %dma_start3A_35] : memref<10240x128xf32, #tpu.memory_space<hbm>> -> memref<640x128xf32, #tpu.memory_space<hbm>>
      tpu.enqueue_dma source(%dma_start3A_36 : memref<640x128xf32, #tpu.memory_space<hbm>>) target(%dma_start3A_34 : memref<640x128xf32, #tpu.memory_space<vmem_shared>>) target_semaphore(%run_scoped3A : memref<!tpu.dma_semaphore, #tpu.memory_space<semaphore_mem>>)
      %dma_wait3A = arith.constant 0 : i32
      %dma_wait3A_37 = tpu.memref_slice %arg26[%mul3A_4, %dma_wait3A] : memref<10240x128xf32, #tpu.memory_space<vmem_shared>> -> memref<640x128xf32, #tpu.memory_space<vmem_shared>>
      %dma_wait3A_38 = arith.constant 0 : i32
      %dma_wait3A_39 = tpu.memref_slice %arg7[%mul3A_2, %dma_wait3A_38] : memref<10240x128xf32, #tpu.memory_space<hbm>> -> memref<640x128xf32, #tpu.memory_space<hbm>>
      tpu.wait_dma2 semaphore(%run_scoped3A : memref<!tpu.dma_semaphore, #tpu.memory_space<semaphore_mem>>) src(%dma_wait3A_39 : memref<640x128xf32, #tpu.memory_space<hbm>>) dst(%dma_wait3A_37 : memref<640x128xf32, #tpu.memory_space<vmem_shared>>)
      tpu.yield
    }) : () -> ()
    %eq3A = arith.constant 0 : i32
    %eq3A_5 = arith.cmpi eq, %arg1, %eq3A : i32
    %convert_element_type3A = arith.extui %eq3A_5 : i1 to i32
    %cond3A = arith.constant 0 : i32
    %cond3A_6 = arith.cmpi ne, %convert_element_type3A, %cond3A : i32
    scf.if %cond3A_6 {
      "tpu.region"() ({
        %run_scoped3A = tpu.sem_alloc : memref<!tpu.dma_semaphore, #tpu.memory_space<semaphore_mem>>
        %dma_start3A = arith.constant 0 : i32
        %dma_start3A_34 = arith.constant 0 : i32
        %dma_start3A_35 = tpu.memref_slice %arg7[%dma_start3A, %dma_start3A_34] : memref<10240x128xf32, #tpu.memory_space<hbm>> -> memref<80x128xf32, #tpu.memory_space<hbm>>
        tpu.enqueue_dma source(%dma_start3A_35 : memref<80x128xf32, #tpu.memory_space<hbm>>) target(%arg27 : memref<80x128xf32, #tpu.memory_space<vmem_shared>>) target_semaphore(%run_scoped3A : memref<!tpu.dma_semaphore, #tpu.memory_space<semaphore_mem>>)
        %dma_wait3A = arith.constant 0 : i32
        %dma_wait3A_36 = arith.constant 0 : i32
        %dma_wait3A_37 = tpu.memref_slice %arg7[%dma_wait3A, %dma_wait3A_36] : memref<10240x128xf32, #tpu.memory_space<hbm>> -> memref<80x128xf32, #tpu.memory_space<hbm>>
        tpu.wait_dma2 semaphore(%run_scoped3A : memref<!tpu.dma_semaphore, #tpu.memory_space<semaphore_mem>>) src(%dma_wait3A_37 : memref<80x128xf32, #tpu.memory_space<hbm>>) dst(%arg27 : memref<80x128xf32, #tpu.memory_space<vmem_shared>>)
        tpu.yield
      }) : () -> ()
    } else {
    }
    "tpu.region"() ({
      %run_scoped3A = tpu.sem_alloc : memref<!tpu.dma_semaphore, #tpu.memory_space<semaphore_mem>>
      tpu.enqueue_dma source(%arg8 : memref<10240xf32, #tpu.memory_space<hbm>>) target(%arg23 : memref<10240xf32, #tpu.memory_space<vmem>>) target_semaphore(%run_scoped3A : memref<!tpu.dma_semaphore, #tpu.memory_space<semaphore_mem>>)
      tpu.wait_dma2 semaphore(%run_scoped3A : memref<!tpu.dma_semaphore, #tpu.memory_space<semaphore_mem>>) src(%arg8 : memref<10240xf32, #tpu.memory_space<hbm>>) dst(%arg23 : memref<10240xf32, #tpu.memory_space<vmem>>)
      tpu.yield
    }) : () -> ()
    "tpu.region"() ({
      %run_scoped3A = tpu.sem_alloc : memref<!tpu.dma_semaphore, #tpu.memory_space<semaphore_mem>>
      tpu.enqueue_dma source(%arg9 : memref<40xi32, #tpu.memory_space<hbm>>) target(%arg24 : memref<40xi32, #tpu.memory_space<vmem>>) target_semaphore(%run_scoped3A : memref<!tpu.dma_semaphore, #tpu.memory_space<semaphore_mem>>)
      tpu.wait_dma2 semaphore(%run_scoped3A : memref<!tpu.dma_semaphore, #tpu.memory_space<semaphore_mem>>) src(%arg9 : memref<40xi32, #tpu.memory_space<hbm>>) dst(%arg24 : memref<40xi32, #tpu.memory_space<vmem>>)
      tpu.yield
    }) : () -> ()
    "tpu.region"() ({
      %run_scoped3A = tpu.sem_alloc : memref<!tpu.dma_semaphore, #tpu.memory_space<semaphore_mem>>
      tpu.enqueue_dma source(%arg10 : memref<40xi32, #tpu.memory_space<hbm>>) target(%arg25 : memref<40xi32, #tpu.memory_space<vmem>>) target_semaphore(%run_scoped3A : memref<!tpu.dma_semaphore, #tpu.memory_space<semaphore_mem>>)
      tpu.wait_dma2 semaphore(%run_scoped3A : memref<!tpu.dma_semaphore, #tpu.memory_space<semaphore_mem>>) src(%arg10 : memref<40xi32, #tpu.memory_space<hbm>>) dst(%arg25 : memref<40xi32, #tpu.memory_space<vmem>>)
      tpu.yield
    }) : () -> ()
    %barrier3A = arith.constant 0 : index
    tpu.barrier barrier_id(%barrier3A)
    %scan3A = arith.constant 0 : i32
    %scan3A_7 = arith.constant 0 : i32
    %scan3A_8 = arith.constant 158 : i32
    %scan3A_9 = arith.addi %scan3A_7, %scan3A_8 : i32
    %scan3A_10 = arith.constant 1 : i32
    scf.for %scan3A_34 = %scan3A_7 to %scan3A_9 step %scan3A_10  : i32 {
      %mul3A_35 = arith.constant 158 : i32
      %mul3A_36 = arith.muli %add3A, %mul3A_35 : i32
      %add3A_37 = arith.addi %mul3A_36, %scan3A_34 : i32
      %mul3A_38 = arith.constant 3 : i32
      %mul3A_39 = arith.muli %add3A_37, %mul3A_38 : i32
      %mul3A_40 = arith.constant 64 : i32
      %mul3A_41 = arith.muli %mul3A_39, %mul3A_40 : i32
      "tpu.region"() ({
        %run_scoped3A = tpu.sem_alloc : memref<!tpu.dma_semaphore, #tpu.memory_space<semaphore_mem>>
        %dma_start3A_128 = tpu.memref_slice %arg6[%mul3A_41] : memref<970752xi32, #tpu.memory_space<hbm>> -> memref<192xi32, #tpu.memory_space<hbm>>
        %dma_start3A_129 = tpu.memref_slice %arg6[%mul3A_41] : memref<970752xi32, #tpu.memory_space<hbm>> -> memref<192xi32, #tpu.memory_space<hbm>>
        tpu.enqueue_dma source(%dma_start3A_129 : memref<192xi32, #tpu.memory_space<hbm>>) target(%arg13 : memref<192xi32, #tpu.memory_space<vmem>>) target_semaphore(%run_scoped3A : memref<!tpu.dma_semaphore, #tpu.memory_space<semaphore_mem>>)
        %dma_wait3A_130 = tpu.memref_slice %arg6[%mul3A_41] : memref<970752xi32, #tpu.memory_space<hbm>> -> memref<192xi32, #tpu.memory_space<hbm>>
        %dma_wait3A_131 = tpu.memref_slice %arg6[%mul3A_41] : memref<970752xi32, #tpu.memory_space<hbm>> -> memref<192xi32, #tpu.memory_space<hbm>>
        tpu.wait_dma2 semaphore(%run_scoped3A : memref<!tpu.dma_semaphore, #tpu.memory_space<semaphore_mem>>) src(%dma_wait3A_131 : memref<192xi32, #tpu.memory_space<hbm>>) dst(%arg13 : memref<192xi32, #tpu.memory_space<vmem>>)
        tpu.yield
      }) : () -> ()
      %get3A = arith.constant 0 : index
      %get3A_42 = tpu.vector_load %arg13[%get3A] {strides = array<i32>} : memref<192xi32, #tpu.memory_space<vmem>>, vector<16xi32>,
      %swap3A = arith.constant 0 : index
      %swap3A_43 = tpu.vector_load %arg14[%swap3A] {strides = array<i32>} : memref<64xi32, #tpu.memory_space<vmem>>, vector<16xi32>,
      tpu.vector_store %arg14[%swap3A], %get3A_42 {strides = array<i32>} : memref<64xi32, #tpu.memory_space<vmem>>, vector<16xi32>,
      %get3A_44 = arith.constant 64 : index
      %get3A_45 = tpu.vector_load %arg13[%get3A_44] {strides = array<i32>} : memref<192xi32, #tpu.memory_space<vmem>>, vector<16xi32>,
      %swap3A_46 = arith.constant 0 : index
      %swap3A_47 = tpu.vector_load %arg15[%swap3A_46] {strides = array<i32>} : memref<64xi32, #tpu.memory_space<vmem>>, vector<16xi32>,
      tpu.vector_store %arg15[%swap3A_46], %get3A_45 {strides = array<i32>} : memref<64xi32, #tpu.memory_space<vmem>>, vector<16xi32>,
      %get3A_48 = arith.constant 128 : index
      %get3A_49 = tpu.vector_load %arg13[%get3A_48] {strides = array<i32>} : memref<192xi32, #tpu.memory_space<vmem>>, vector<16xi32>,
      %swap3A_50 = arith.constant 0 : index
      %swap3A_51 = tpu.vector_load %arg16[%swap3A_50] {strides = array<i32>} : memref<64xi32, #tpu.memory_space<vmem>>, vector<16xi32>,
      tpu.vector_store %arg16[%swap3A_50], %get3A_49 {strides = array<i32>} : memref<64xi32, #tpu.memory_space<vmem>>, vector<16xi32>,
      %get3A_52 = arith.constant 16 : index
      %get3A_53 = tpu.vector_load %arg13[%get3A_52] {strides = array<i32>} : memref<192xi32, #tpu.memory_space<vmem>>, vector<16xi32>,
      %swap3A_54 = arith.constant 16 : index
      %swap3A_55 = tpu.vector_load %arg14[%swap3A_54] {strides = array<i32>} : memref<64xi32, #tpu.memory_space<vmem>>, vector<16xi32>,
      tpu.vector_store %arg14[%swap3A_54], %get3A_53 {strides = array<i32>} : memref<64xi32, #tpu.memory_space<vmem>>, vector<16xi32>,
      %get3A_56 = arith.constant 80 : index
      %get3A_57 = tpu.vector_load %arg13[%get3A_56] {strides = array<i32>} : memref<192xi32, #tpu.memory_space<vmem>>, vector<16xi32>,
      %swap3A_58 = arith.constant 16 : index
      %swap3A_59 = tpu.vector_load %arg15[%swap3A_58] {strides = array<i32>} : memref<64xi32, #tpu.memory_space<vmem>>, vector<16xi32>,
      tpu.vector_store %arg15[%swap3A_58], %get3A_57 {strides = array<i32>} : memref<64xi32, #tpu.memory_space<vmem>>, vector<16xi32>,
      %get3A_60 = arith.constant 144 : index
      %get3A_61 = tpu.vector_load %arg13[%get3A_60] {strides = array<i32>} : memref<192xi32, #tpu.memory_space<vmem>>, vector<16xi32>,
      %swap3A_62 = arith.constant 16 : index
      %swap3A_63 = tpu.vector_load %arg16[%swap3A_62] {strides = array<i32>} : memref<64xi32, #tpu.memory_space<vmem>>, vector<16xi32>,
      tpu.vector_store %arg16[%swap3A_62], %get3A_61 {strides = array<i32>} : memref<64xi32, #tpu.memory_space<vmem>>, vector<16xi32>,
      %get3A_64 = arith.constant 32 : index
      %get3A_65 = tpu.vector_load %arg13[%get3A_64] {strides = array<i32>} : memref<192xi32, #tpu.memory_space<vmem>>, vector<16xi32>,
      %swap3A_66 = arith.constant 32 : index
      %swap3A_67 = tpu.vector_load %arg14[%swap3A_66] {strides = array<i32>} : memref<64xi32, #tpu.memory_space<vmem>>, vector<16xi32>,
      tpu.vector_store %arg14[%swap3A_66], %get3A_65 {strides = array<i32>} : memref<64xi32, #tpu.memory_space<vmem>>, vector<16xi32>,
      %get3A_68 = arith.constant 96 : index
      %get3A_69 = tpu.vector_load %arg13[%get3A_68] {strides = array<i32>} : memref<192xi32, #tpu.memory_space<vmem>>, vector<16xi32>,
      %swap3A_70 = arith.constant 32 : index
      %swap3A_71 = tpu.vector_load %arg15[%swap3A_70] {strides = array<i32>} : memref<64xi32, #tpu.memory_space<vmem>>, vector<16xi32>,
      tpu.vector_store %arg15[%swap3A_70], %get3A_69 {strides = array<i32>} : memref<64xi32, #tpu.memory_space<vmem>>, vector<16xi32>,
      %get3A_72 = arith.constant 160 : index
      %get3A_73 = tpu.vector_load %arg13[%get3A_72] {strides = array<i32>} : memref<192xi32, #tpu.memory_space<vmem>>, vector<16xi32>,
      %swap3A_74 = arith.constant 32 : index
      %swap3A_75 = tpu.vector_load %arg16[%swap3A_74] {strides = array<i32>} : memref<64xi32, #tpu.memory_space<vmem>>, vector<16xi32>,
      tpu.vector_store %arg16[%swap3A_74], %get3A_73 {strides = array<i32>} : memref<64xi32, #tpu.memory_space<vmem>>, vector<16xi32>,
      %get3A_76 = arith.constant 48 : index
      %get3A_77 = tpu.vector_load %arg13[%get3A_76] {strides = array<i32>} : memref<192xi32, #tpu.memory_space<vmem>>, vector<16xi32>,
      %swap3A_78 = arith.constant 48 : index
      %swap3A_79 = tpu.vector_load %arg14[%swap3A_78] {strides = array<i32>} : memref<64xi32, #tpu.memory_space<vmem>>, vector<16xi32>,
      tpu.vector_store %arg14[%swap3A_78], %get3A_77 {strides = array<i32>} : memref<64xi32, #tpu.memory_space<vmem>>, vector<16xi32>,
      %get3A_80 = arith.constant 112 : index
      %get3A_81 = tpu.vector_load %arg13[%get3A_80] {strides = array<i32>} : memref<192xi32, #tpu.memory_space<vmem>>, vector<16xi32>,
      %swap3A_82 = arith.constant 48 : index
      %swap3A_83 = tpu.vector_load %arg15[%swap3A_82] {strides = array<i32>} : memref<64xi32, #tpu.memory_space<vmem>>, vector<16xi32>,
      tpu.vector_store %arg15[%swap3A_82], %get3A_81 {strides = array<i32>} : memref<64xi32, #tpu.memory_space<vmem>>, vector<16xi32>,
      %get3A_84 = arith.constant 176 : index
      %get3A_85 = tpu.vector_load %arg13[%get3A_84] {strides = array<i32>} : memref<192xi32, #tpu.memory_space<vmem>>, vector<16xi32>,
      %swap3A_86 = arith.constant 48 : index
      %swap3A_87 = tpu.vector_load %arg16[%swap3A_86] {strides = array<i32>} : memref<64xi32, #tpu.memory_space<vmem>>, vector<16xi32>,
      tpu.vector_store %arg16[%swap3A_86], %get3A_85 {strides = array<i32>} : memref<64xi32, #tpu.memory_space<vmem>>, vector<16xi32>,
      %dma_start3A = arith.constant 0 : i32
      %dma_start3A_88 = arith.constant 0 : i32
      %dma_start3A_89 = tpu.memref_slice %arg2[%dma_start3A, %dma_start3A_88] : memref<10240x128xf32, #tpu.memory_space<hbm>> -> memref<10240x128xf32, #tpu.memory_space<hbm>>
      tpu.enqueue_indirect_dma source(%dma_start3A_89 : memref<10240x128xf32, #tpu.memory_space<hbm>>) target(%arg17 : memref<64x128xf32, #tpu.memory_space<vmem>>) offsets(%arg15 : memref<64xi32, #tpu.memory_space<vmem>>) semaphore(%arg28 : memref<!tpu.dma_semaphore, #tpu.memory_space<semaphore_mem>>)
      %dma_start3A_90 = arith.constant 0 : i32
      %dma_start3A_91 = arith.constant 0 : i32
      %dma_start3A_92 = tpu.memref_slice %arg3[%dma_start3A_90, %dma_start3A_91] : memref<10240x128xf32, #tpu.memory_space<hbm>> -> memref<10240x128xf32, #tpu.memory_space<hbm>>
      tpu.enqueue_indirect_dma source(%dma_start3A_92 : memref<10240x128xf32, #tpu.memory_space<hbm>>) target(%arg18 : memref<64x128xf32, #tpu.memory_space<vmem>>) offsets(%arg14 : memref<64xi32, #tpu.memory_space<vmem>>) semaphore(%arg28 : memref<!tpu.dma_semaphore, #tpu.memory_space<semaphore_mem>>)
      %dma_start3A_93 = arith.constant 0 : i32
      %dma_start3A_94 = arith.constant 0 : i32
      %dma_start3A_95 = tpu.memref_slice %arg5[%dma_start3A_93, %dma_start3A_94] : memref<672x128xf32, #tpu.memory_space<hbm>> -> memref<672x128xf32, #tpu.memory_space<hbm>>
      tpu.enqueue_indirect_dma source(%dma_start3A_95 : memref<672x128xf32, #tpu.memory_space<hbm>>) target(%arg20 : memref<64x128xf32, #tpu.memory_space<vmem>>) offsets(%arg16 : memref<64xi32, #tpu.memory_space<vmem>>) semaphore(%arg28 : memref<!tpu.dma_semaphore, #tpu.memory_space<semaphore_mem>>)
      %dma_start3A_96 = arith.constant 0 : i32
      %dma_start3A_97 = arith.constant 0 : i32
      %dma_start3A_98 = tpu.memref_slice %arg4[%dma_start3A_96, %dma_start3A_97] : memref<10240x128xf32, #tpu.memory_space<hbm>> -> memref<10240x128xf32, #tpu.memory_space<hbm>>
      tpu.enqueue_indirect_dma source(%dma_start3A_98 : memref<10240x128xf32, #tpu.memory_space<hbm>>) target(%arg19 : memref<64x128xf32, #tpu.memory_space<vmem>>) offsets(%arg14 : memref<64xi32, #tpu.memory_space<vmem>>) semaphore(%arg28 : memref<!tpu.dma_semaphore, #tpu.memory_space<semaphore_mem>>)
      %dma_wait3A = arith.constant 0 : i32
      %dma_wait3A_99 = arith.constant 0 : i32
      %dma_wait3A_100 = tpu.memref_slice %arg2[%dma_wait3A, %dma_wait3A_99] : memref<10240x128xf32, #tpu.memory_space<hbm>> -> memref<10240x128xf32, #tpu.memory_space<hbm>>
      tpu.wait_indirect_dma semaphore(%arg28 : memref<!tpu.dma_semaphore, #tpu.memory_space<semaphore_mem>>) src(%dma_wait3A_100 : memref<10240x128xf32, #tpu.memory_space<hbm>>) dst(%arg17 : memref<64x128xf32, #tpu.memory_space<vmem>>)
      %dma_wait3A_101 = arith.constant 0 : i32
      %dma_wait3A_102 = arith.constant 0 : i32
      %dma_wait3A_103 = tpu.memref_slice %arg3[%dma_wait3A_101, %dma_wait3A_102] : memref<10240x128xf32, #tpu.memory_space<hbm>> -> memref<10240x128xf32, #tpu.memory_space<hbm>>
      tpu.wait_indirect_dma semaphore(%arg28 : memref<!tpu.dma_semaphore, #tpu.memory_space<semaphore_mem>>) src(%dma_wait3A_103 : memref<10240x128xf32, #tpu.memory_space<hbm>>) dst(%arg18 : memref<64x128xf32, #tpu.memory_space<vmem>>)
      %dma_wait3A_104 = arith.constant 0 : i32
      %dma_wait3A_105 = arith.constant 0 : i32
      %dma_wait3A_106 = tpu.memref_slice %arg5[%dma_wait3A_104, %dma_wait3A_105] : memref<672x128xf32, #tpu.memory_space<hbm>> -> memref<672x128xf32, #tpu.memory_space<hbm>>
      tpu.wait_indirect_dma semaphore(%arg28 : memref<!tpu.dma_semaphore, #tpu.memory_space<semaphore_mem>>) src(%dma_wait3A_106 : memref<672x128xf32, #tpu.memory_space<hbm>>) dst(%arg20 : memref<64x128xf32, #tpu.memory_space<vmem>>)
      %dma_wait3A_107 = arith.constant 0 : i32
      %dma_wait3A_108 = arith.constant 0 : i32
      %dma_wait3A_109 = tpu.memref_slice %arg4[%dma_wait3A_107, %dma_wait3A_108] : memref<10240x128xf32, #tpu.memory_space<hbm>> -> memref<10240x128xf32, #tpu.memory_space<hbm>>
      tpu.wait_indirect_dma semaphore(%arg28 : memref<!tpu.dma_semaphore, #tpu.memory_space<semaphore_mem>>) src(%dma_wait3A_109 : memref<10240x128xf32, #tpu.memory_space<hbm>>) dst(%arg19 : memref<64x128xf32, #tpu.memory_space<vmem>>)
      %scan3A_110 = arith.constant 0 : i32
      %scan3A_111 = arith.constant 0 : i32
      %scan3A_112 = arith.constant 64 : i32
      %scan3A_113 = arith.addi %scan3A_111, %scan3A_112 : i32
      %scan3A_114 = arith.constant 1 : i32
      scf.for %scan3A_128 = %scan3A_111 to %scan3A_113 step %scan3A_114  : i32 {
        %broadcast_in_dim3A = arith.constant 0.000000e+00 : f32
        %broadcast_in_dim3A_129 = vector.broadcast %broadcast_in_dim3A : f32 to vector<16xf32>
        %get3A_130 = arith.index_cast %scan3A_128 : i32 to index
        %get3A_131 = arith.constant 0 : index
        %get3A_132 = tpu.vector_load %arg17[%get3A_130, %get3A_131] {strides = array<i32>} : memref<64x128xf32, #tpu.memory_space<vmem>>, vector<16xf32>,
        %get3A_133 = arith.index_cast %scan3A_128 : i32 to index
        %get3A_134 = arith.constant 0 : index
        %get3A_135 = tpu.vector_load %arg18[%get3A_133, %get3A_134] {strides = array<i32>} : memref<64x128xf32, #tpu.memory_space<vmem>>, vector<16xf32>,
        %get3A_136 = arith.index_cast %scan3A_128 : i32 to index
        %get3A_137 = arith.constant 0 : index
        %get3A_138 = tpu.vector_load %arg20[%get3A_136, %get3A_137] {strides = array<i32>} : memref<64x128xf32, #tpu.memory_space<vmem>>, vector<16xf32>,
        %add3A_139 = arith.addf %get3A_135, %get3A_138 : vector<16xf32>
        %mul3A_140 = arith.mulf %get3A_132, %add3A_139 : vector<16xf32>
        %add3A_141 = arith.addf %broadcast_in_dim3A_129, %mul3A_140 : vector<16xf32>
        %get3A_142 = arith.index_cast %scan3A_128 : i32 to index
        %get3A_143 = arith.constant 16 : index
        %get3A_144 = tpu.vector_load %arg17[%get3A_142, %get3A_143] {strides = array<i32>} : memref<64x128xf32, #tpu.memory_space<vmem>>, vector<16xf32>,
        %get3A_145 = arith.index_cast %scan3A_128 : i32 to index
        %get3A_146 = arith.constant 16 : index
        %get3A_147 = tpu.vector_load %arg18[%get3A_145, %get3A_146] {strides = array<i32>} : memref<64x128xf32, #tpu.memory_space<vmem>>, vector<16xf32>,
        %get3A_148 = arith.index_cast %scan3A_128 : i32 to index
        %get3A_149 = arith.constant 16 : index
        %get3A_150 = tpu.vector_load %arg20[%get3A_148, %get3A_149] {strides = array<i32>} : memref<64x128xf32, #tpu.memory_space<vmem>>, vector<16xf32>,
        %add3A_151 = arith.addf %get3A_147, %get3A_150 : vector<16xf32>
        %mul3A_152 = arith.mulf %get3A_144, %add3A_151 : vector<16xf32>
        %add3A_153 = arith.addf %add3A_141, %mul3A_152 : vector<16xf32>
        %get3A_154 = arith.index_cast %scan3A_128 : i32 to index
        %get3A_155 = arith.constant 32 : index
        %get3A_156 = tpu.vector_load %arg17[%get3A_154, %get3A_155] {strides = array<i32>} : memref<64x128xf32, #tpu.memory_space<vmem>>, vector<16xf32>,
        %get3A_157 = arith.index_cast %scan3A_128 : i32 to index
        %get3A_158 = arith.constant 32 : index
        %get3A_159 = tpu.vector_load %arg18[%get3A_157, %get3A_158] {strides = array<i32>} : memref<64x128xf32, #tpu.memory_space<vmem>>, vector<16xf32>,
        %get3A_160 = arith.index_cast %scan3A_128 : i32 to index
        %get3A_161 = arith.constant 32 : index
        %get3A_162 = tpu.vector_load %arg20[%get3A_160, %get3A_161] {strides = array<i32>} : memref<64x128xf32, #tpu.memory_space<vmem>>, vector<16xf32>,
        %add3A_163 = arith.addf %get3A_159, %get3A_162 : vector<16xf32>
        %mul3A_164 = arith.mulf %get3A_156, %add3A_163 : vector<16xf32>
        %add3A_165 = arith.addf %add3A_153, %mul3A_164 : vector<16xf32>
        %get3A_166 = arith.index_cast %scan3A_128 : i32 to index
        %get3A_167 = arith.constant 48 : index
        %get3A_168 = tpu.vector_load %arg17[%get3A_166, %get3A_167] {strides = array<i32>} : memref<64x128xf32, #tpu.memory_space<vmem>>, vector<16xf32>,
        %get3A_169 = arith.index_cast %scan3A_128 : i32 to index
        %get3A_170 = arith.constant 48 : index
        %get3A_171 = tpu.vector_load %arg18[%get3A_169, %get3A_170] {strides = array<i32>} : memref<64x128xf32, #tpu.memory_space<vmem>>, vector<16xf32>,
        %get3A_172 = arith.index_cast %scan3A_128 : i32 to index
        %get3A_173 = arith.constant 48 : index
        %get3A_174 = tpu.vector_load %arg20[%get3A_172, %get3A_173] {strides = array<i32>} : memref<64x128xf32, #tpu.memory_space<vmem>>, vector<16xf32>,
        %add3A_175 = arith.addf %get3A_171, %get3A_174 : vector<16xf32>
        %mul3A_176 = arith.mulf %get3A_168, %add3A_175 : vector<16xf32>
        %add3A_177 = arith.addf %add3A_165, %mul3A_176 : vector<16xf32>
        %get3A_178 = arith.index_cast %scan3A_128 : i32 to index
        %get3A_179 = arith.constant 64 : index
        %get3A_180 = tpu.vector_load %arg17[%get3A_178, %get3A_179] {strides = array<i32>} : memref<64x128xf32, #tpu.memory_space<vmem>>, vector<16xf32>,
        %get3A_181 = arith.index_cast %scan3A_128 : i32 to index
        %get3A_182 = arith.constant 64 : index
        %get3A_183 = tpu.vector_load %arg18[%get3A_181, %get3A_182] {strides = array<i32>} : memref<64x128xf32, #tpu.memory_space<vmem>>, vector<16xf32>,
        %get3A_184 = arith.index_cast %scan3A_128 : i32 to index
        %get3A_185 = arith.constant 64 : index
        %get3A_186 = tpu.vector_load %arg20[%get3A_184, %get3A_185] {strides = array<i32>} : memref<64x128xf32, #tpu.memory_space<vmem>>, vector<16xf32>,
        %add3A_187 = arith.addf %get3A_183, %get3A_186 : vector<16xf32>
        %mul3A_188 = arith.mulf %get3A_180, %add3A_187 : vector<16xf32>
        %add3A_189 = arith.addf %add3A_177, %mul3A_188 : vector<16xf32>
        %get3A_190 = arith.index_cast %scan3A_128 : i32 to index
        %get3A_191 = arith.constant 80 : index
        %get3A_192 = tpu.vector_load %arg17[%get3A_190, %get3A_191] {strides = array<i32>} : memref<64x128xf32, #tpu.memory_space<vmem>>, vector<16xf32>,
        %get3A_193 = arith.index_cast %scan3A_128 : i32 to index
        %get3A_194 = arith.constant 80 : index
        %get3A_195 = tpu.vector_load %arg18[%get3A_193, %get3A_194] {strides = array<i32>} : memref<64x128xf32, #tpu.memory_space<vmem>>, vector<16xf32>,
        %get3A_196 = arith.index_cast %scan3A_128 : i32 to index
        %get3A_197 = arith.constant 80 : index
        %get3A_198 = tpu.vector_load %arg20[%get3A_196, %get3A_197] {strides = array<i32>} : memref<64x128xf32, #tpu.memory_space<vmem>>, vector<16xf32>,
        %add3A_199 = arith.addf %get3A_195, %get3A_198 : vector<16xf32>
        %mul3A_200 = arith.mulf %get3A_192, %add3A_199 : vector<16xf32>
        %add3A_201 = arith.addf %add3A_189, %mul3A_200 : vector<16xf32>
        %get3A_202 = arith.index_cast %scan3A_128 : i32 to index
        %get3A_203 = arith.constant 96 : index
        %get3A_204 = tpu.vector_load %arg17[%get3A_202, %get3A_203] {strides = array<i32>} : memref<64x128xf32, #tpu.memory_space<vmem>>, vector<16xf32>,
        %get3A_205 = arith.index_cast %scan3A_128 : i32 to index
        %get3A_206 = arith.constant 96 : index
        %get3A_207 = tpu.vector_load %arg18[%get3A_205, %get3A_206] {strides = array<i32>} : memref<64x128xf32, #tpu.memory_space<vmem>>, vector<16xf32>,
        %get3A_208 = arith.index_cast %scan3A_128 : i32 to index
        %get3A_209 = arith.constant 96 : index
        %get3A_210 = tpu.vector_load %arg20[%get3A_208, %get3A_209] {strides = array<i32>} : memref<64x128xf32, #tpu.memory_space<vmem>>, vector<16xf32>,
        %add3A_211 = arith.addf %get3A_207, %get3A_210 : vector<16xf32>
        %mul3A_212 = arith.mulf %get3A_204, %add3A_211 : vector<16xf32>
        %add3A_213 = arith.addf %add3A_201, %mul3A_212 : vector<16xf32>
        %get3A_214 = arith.index_cast %scan3A_128 : i32 to index
        %get3A_215 = arith.constant 112 : index
        %get3A_216 = tpu.vector_load %arg17[%get3A_214, %get3A_215] {strides = array<i32>} : memref<64x128xf32, #tpu.memory_space<vmem>>, vector<16xf32>,
        %get3A_217 = arith.index_cast %scan3A_128 : i32 to index
        %get3A_218 = arith.constant 112 : index
        %get3A_219 = tpu.vector_load %arg18[%get3A_217, %get3A_218] {strides = array<i32>} : memref<64x128xf32, #tpu.memory_space<vmem>>, vector<16xf32>,
        %get3A_220 = arith.index_cast %scan3A_128 : i32 to index
        %get3A_221 = arith.constant 112 : index
        %get3A_222 = tpu.vector_load %arg20[%get3A_220, %get3A_221] {strides = array<i32>} : memref<64x128xf32, #tpu.memory_space<vmem>>, vector<16xf32>,
        %add3A_223 = arith.addf %get3A_219, %get3A_222 : vector<16xf32>
        %mul3A_224 = arith.mulf %get3A_216, %add3A_223 : vector<16xf32>
        %add3A_225 = arith.addf %add3A_213, %mul3A_224 : vector<16xf32>
        %mul3A_226 = arith.constant 16 : i32
        %mul3A_227 = arith.muli %scan3A_128, %mul3A_226 : i32
        %swap3A_228 = arith.index_cast %mul3A_227 : i32 to index
        %swap3A_229 = tpu.vector_load %arg21[%swap3A_228] {strides = array<i32>} : memref<1024xf32, #tpu.memory_space<vmem>>, vector<16xf32>,
        tpu.vector_store %arg21[%swap3A_228], %add3A_225 {strides = array<i32>} : memref<1024xf32, #tpu.memory_space<vmem>>, vector<16xf32>,
      }
      %scan3A_115 = arith.constant 64 : i32
      %scan3A_116 = arith.constant 0 : i32
      %scan3A_117 = arith.constant 0 : i32
      %scan3A_118 = arith.constant 4 : i32
      %scan3A_119 = arith.addi %scan3A_117, %scan3A_118 : i32
      %scan3A_120 = arith.constant 1 : i32
      scf.for %scan3A_128 = %scan3A_117 to %scan3A_119 step %scan3A_120  : i32 {
        %iota3A = tpu.iota {dimensions = array<i32: 0>} : vector<16xi32>
        %mul3A_129 = arith.constant 16 : i32
        %mul3A_130 = vector.broadcast %mul3A_129 : i32 to vector<16xi32>
        %mul3A_131 = arith.muli %iota3A, %mul3A_130 : vector<16xi32>
        %broadcast_in_dim3A = arith.constant 0.000000e+00 : f32
        %broadcast_in_dim3A_132 = vector.broadcast %broadcast_in_dim3A : f32 to vector<16xf32>
        %mul3A_133 = arith.constant 256 : i32
        %mul3A_134 = arith.muli %scan3A_128, %mul3A_133 : i32
        %add3A_135 = arith.constant 0 : i32
        %add3A_136 = arith.addi %mul3A_134, %add3A_135 : i32
        %add3A_137 = vector.broadcast %add3A_136 : i32 to vector<16xi32>
        %add3A_138 = arith.addi %mul3A_131, %add3A_137 : vector<16xi32>
        %gather3A = tpu.vector_load_idx %arg21[%add3A_138] : memref<1024xf32, #tpu.memory_space<vmem>>[vector<16xi32>], vector<16xf32>,
        %add3A_139 = arith.addf %broadcast_in_dim3A_132, %gather3A : vector<16xf32>
        %mul3A_140 = arith.constant 256 : i32
        %mul3A_141 = arith.muli %scan3A_128, %mul3A_140 : i32
        %add3A_142 = arith.constant 1 : i32
        %add3A_143 = arith.addi %mul3A_141, %add3A_142 : i32
        %add3A_144 = vector.broadcast %add3A_143 : i32 to vector<16xi32>
        %add3A_145 = arith.addi %mul3A_131, %add3A_144 : vector<16xi32>
        %gather3A_146 = tpu.vector_load_idx %arg21[%add3A_145] : memref<1024xf32, #tpu.memory_space<vmem>>[vector<16xi32>], vector<16xf32>,
        %add3A_147 = arith.addf %add3A_139, %gather3A_146 : vector<16xf32>
        %mul3A_148 = arith.constant 256 : i32
        %mul3A_149 = arith.muli %scan3A_128, %mul3A_148 : i32
        %add3A_150 = arith.constant 2 : i32
        %add3A_151 = arith.addi %mul3A_149, %add3A_150 : i32
        %add3A_152 = vector.broadcast %add3A_151 : i32 to vector<16xi32>
        %add3A_153 = arith.addi %mul3A_131, %add3A_152 : vector<16xi32>
        %gather3A_154 = tpu.vector_load_idx %arg21[%add3A_153] : memref<1024xf32, #tpu.memory_space<vmem>>[vector<16xi32>], vector<16xf32>,
        %add3A_155 = arith.addf %add3A_147, %gather3A_154 : vector<16xf32>
        %mul3A_156 = arith.constant 256 : i32
        %mul3A_157 = arith.muli %scan3A_128, %mul3A_156 : i32
        %add3A_158 = arith.constant 3 : i32
        %add3A_159 = arith.addi %mul3A_157, %add3A_158 : i32
        %add3A_160 = vector.broadcast %add3A_159 : i32 to vector<16xi32>
        %add3A_161 = arith.addi %mul3A_131, %add3A_160 : vector<16xi32>
        %gather3A_162 = tpu.vector_load_idx %arg21[%add3A_161] : memref<1024xf32, #tpu.memory_space<vmem>>[vector<16xi32>], vector<16xf32>,
        %add3A_163 = arith.addf %add3A_155, %gather3A_162 : vector<16xf32>
        %mul3A_164 = arith.constant 256 : i32
        %mul3A_165 = arith.muli %scan3A_128, %mul3A_164 : i32
        %add3A_166 = arith.constant 4 : i32
        %add3A_167 = arith.addi %mul3A_165, %add3A_166 : i32
        %add3A_168 = vector.broadcast %add3A_167 : i32 to vector<16xi32>
        %add3A_169 = arith.addi %mul3A_131, %add3A_168 : vector<16xi32>
        %gather3A_170 = tpu.vector_load_idx %arg21[%add3A_169] : memref<1024xf32, #tpu.memory_space<vmem>>[vector<16xi32>], vector<16xf32>,
        %add3A_171 = arith.addf %add3A_163, %gather3A_170 : vector<16xf32>
        %mul3A_172 = arith.constant 256 : i32
        %mul3A_173 = arith.muli %scan3A_128, %mul3A_172 : i32
        %add3A_174 = arith.constant 5 : i32
        %add3A_175 = arith.addi %mul3A_173, %add3A_174 : i32
        %add3A_176 = vector.broadcast %add3A_175 : i32 to vector<16xi32>
        %add3A_177 = arith.addi %mul3A_131, %add3A_176 : vector<16xi32>
        %gather3A_178 = tpu.vector_load_idx %arg21[%add3A_177] : memref<1024xf32, #tpu.memory_space<vmem>>[vector<16xi32>], vector<16xf32>,
        %add3A_179 = arith.addf %add3A_171, %gather3A_178 : vector<16xf32>
        %mul3A_180 = arith.constant 256 : i32
        %mul3A_181 = arith.muli %scan3A_128, %mul3A_180 : i32
        %add3A_182 = arith.constant 6 : i32
        %add3A_183 = arith.addi %mul3A_181, %add3A_182 : i32
        %add3A_184 = vector.broadcast %add3A_183 : i32 to vector<16xi32>
        %add3A_185 = arith.addi %mul3A_131, %add3A_184 : vector<16xi32>
        %gather3A_186 = tpu.vector_load_idx %arg21[%add3A_185] : memref<1024xf32, #tpu.memory_space<vmem>>[vector<16xi32>], vector<16xf32>,
        %add3A_187 = arith.addf %add3A_179, %gather3A_186 : vector<16xf32>
        %mul3A_188 = arith.constant 256 : i32
        %mul3A_189 = arith.muli %scan3A_128, %mul3A_188 : i32
        %add3A_190 = arith.constant 7 : i32
        %add3A_191 = arith.addi %mul3A_189, %add3A_190 : i32
        %add3A_192 = vector.broadcast %add3A_191 : i32 to vector<16xi32>
        %add3A_193 = arith.addi %mul3A_131, %add3A_192 : vector<16xi32>
        %gather3A_194 = tpu.vector_load_idx %arg21[%add3A_193] : memref<1024xf32, #tpu.memory_space<vmem>>[vector<16xi32>], vector<16xf32>,
        %add3A_195 = arith.addf %add3A_187, %gather3A_194 : vector<16xf32>
        %mul3A_196 = arith.constant 256 : i32
        %mul3A_197 = arith.muli %scan3A_128, %mul3A_196 : i32
        %add3A_198 = arith.constant 8 : i32
        %add3A_199 = arith.addi %mul3A_197, %add3A_198 : i32
        %add3A_200 = vector.broadcast %add3A_199 : i32 to vector<16xi32>
        %add3A_201 = arith.addi %mul3A_131, %add3A_200 : vector<16xi32>
        %gather3A_202 = tpu.vector_load_idx %arg21[%add3A_201] : memref<1024xf32, #tpu.memory_space<vmem>>[vector<16xi32>], vector<16xf32>,
        %add3A_203 = arith.addf %add3A_195, %gather3A_202 : vector<16xf32>
        %mul3A_204 = arith.constant 256 : i32
        %mul3A_205 = arith.muli %scan3A_128, %mul3A_204 : i32
        %add3A_206 = arith.constant 9 : i32
        %add3A_207 = arith.addi %mul3A_205, %add3A_206 : i32
        %add3A_208 = vector.broadcast %add3A_207 : i32 to vector<16xi32>
        %add3A_209 = arith.addi %mul3A_131, %add3A_208 : vector<16xi32>
        %gather3A_210 = tpu.vector_load_idx %arg21[%add3A_209] : memref<1024xf32, #tpu.memory_space<vmem>>[vector<16xi32>], vector<16xf32>,
        %add3A_211 = arith.addf %add3A_203, %gather3A_210 : vector<16xf32>
        %mul3A_212 = arith.constant 256 : i32
        %mul3A_213 = arith.muli %scan3A_128, %mul3A_212 : i32
        %add3A_214 = arith.constant 10 : i32
        %add3A_215 = arith.addi %mul3A_213, %add3A_214 : i32
        %add3A_216 = vector.broadcast %add3A_215 : i32 to vector<16xi32>
        %add3A_217 = arith.addi %mul3A_131, %add3A_216 : vector<16xi32>
        %gather3A_218 = tpu.vector_load_idx %arg21[%add3A_217] : memref<1024xf32, #tpu.memory_space<vmem>>[vector<16xi32>], vector<16xf32>,
        %add3A_219 = arith.addf %add3A_211, %gather3A_218 : vector<16xf32>
        %mul3A_220 = arith.constant 256 : i32
        %mul3A_221 = arith.muli %scan3A_128, %mul3A_220 : i32
        %add3A_222 = arith.constant 11 : i32
        %add3A_223 = arith.addi %mul3A_221, %add3A_222 : i32
        %add3A_224 = vector.broadcast %add3A_223 : i32 to vector<16xi32>
        %add3A_225 = arith.addi %mul3A_131, %add3A_224 : vector<16xi32>
        %gather3A_226 = tpu.vector_load_idx %arg21[%add3A_225] : memref<1024xf32, #tpu.memory_space<vmem>>[vector<16xi32>], vector<16xf32>,
        %add3A_227 = arith.addf %add3A_219, %gather3A_226 : vector<16xf32>
        %mul3A_228 = arith.constant 256 : i32
        %mul3A_229 = arith.muli %scan3A_128, %mul3A_228 : i32
        %add3A_230 = arith.constant 12 : i32
        %add3A_231 = arith.addi %mul3A_229, %add3A_230 : i32
        %add3A_232 = vector.broadcast %add3A_231 : i32 to vector<16xi32>
        %add3A_233 = arith.addi %mul3A_131, %add3A_232 : vector<16xi32>
        %gather3A_234 = tpu.vector_load_idx %arg21[%add3A_233] : memref<1024xf32, #tpu.memory_space<vmem>>[vector<16xi32>], vector<16xf32>,
        %add3A_235 = arith.addf %add3A_227, %gather3A_234 : vector<16xf32>
        %mul3A_236 = arith.constant 256 : i32
        %mul3A_237 = arith.muli %scan3A_128, %mul3A_236 : i32
        %add3A_238 = arith.constant 13 : i32
        %add3A_239 = arith.addi %mul3A_237, %add3A_238 : i32
        %add3A_240 = vector.broadcast %add3A_239 : i32 to vector<16xi32>
        %add3A_241 = arith.addi %mul3A_131, %add3A_240 : vector<16xi32>
        %gather3A_242 = tpu.vector_load_idx %arg21[%add3A_241] : memref<1024xf32, #tpu.memory_space<vmem>>[vector<16xi32>], vector<16xf32>,
        %add3A_243 = arith.addf %add3A_235, %gather3A_242 : vector<16xf32>
        %mul3A_244 = arith.constant 256 : i32
        %mul3A_245 = arith.muli %scan3A_128, %mul3A_244 : i32
        %add3A_246 = arith.constant 14 : i32
        %add3A_247 = arith.addi %mul3A_245, %add3A_246 : i32
        %add3A_248 = vector.broadcast %add3A_247 : i32 to vector<16xi32>
        %add3A_249 = arith.addi %mul3A_131, %add3A_248 : vector<16xi32>
        %gather3A_250 = tpu.vector_load_idx %arg21[%add3A_249] : memref<1024xf32, #tpu.memory_space<vmem>>[vector<16xi32>], vector<16xf32>,
        %add3A_251 = arith.addf %add3A_243, %gather3A_250 : vector<16xf32>
        %mul3A_252 = arith.constant 256 : i32
        %mul3A_253 = arith.muli %scan3A_128, %mul3A_252 : i32
        %add3A_254 = arith.constant 15 : i32
        %add3A_255 = arith.addi %mul3A_253, %add3A_254 : i32
        %add3A_256 = vector.broadcast %add3A_255 : i32 to vector<16xi32>
        %add3A_257 = arith.addi %mul3A_131, %add3A_256 : vector<16xi32>
        %gather3A_258 = tpu.vector_load_idx %arg21[%add3A_257] : memref<1024xf32, #tpu.memory_space<vmem>>[vector<16xi32>], vector<16xf32>,
        %add3A_259 = arith.addf %add3A_251, %gather3A_258 : vector<16xf32>
        %exp3A = math.exp %add3A_259 : vector<16xf32>
        %mul3A_260 = arith.constant 16 : i32
        %mul3A_261 = arith.muli %scan3A_128, %mul3A_260 : i32
        %get3A_262 = arith.index_cast %mul3A_261 : i32 to index
        %get3A_263 = tpu.vector_load %arg15[%get3A_262] {strides = array<i32>} : memref<64xi32, #tpu.memory_space<vmem>>, vector<16xi32>,
        tpu.vector_store_idx %arg23[%get3A_263], %exp3A {add = true} : memref<10240xf32, #tpu.memory_space<vmem>>[vector<16xi32>], vector<16xf32>,
        %mul3A_264 = arith.constant 256 : i32
        %mul3A_265 = arith.muli %scan3A_128, %mul3A_264 : i32
        %add3A_266 = arith.constant 0 : i32
        %add3A_267 = arith.addi %mul3A_265, %add3A_266 : i32
        %add3A_268 = vector.broadcast %add3A_267 : i32 to vector<16xi32>
        %add3A_269 = arith.addi %mul3A_131, %add3A_268 : vector<16xi32>
        tpu.vector_store_idx %arg22[%add3A_269], %exp3A : memref<1024xf32, #tpu.memory_space<vmem>>[vector<16xi32>], vector<16xf32>,
        %mul3A_270 = arith.constant 256 : i32
        %mul3A_271 = arith.muli %scan3A_128, %mul3A_270 : i32
        %add3A_272 = arith.constant 1 : i32
        %add3A_273 = arith.addi %mul3A_271, %add3A_272 : i32
        %add3A_274 = vector.broadcast %add3A_273 : i32 to vector<16xi32>
        %add3A_275 = arith.addi %mul3A_131, %add3A_274 : vector<16xi32>
        tpu.vector_store_idx %arg22[%add3A_275], %exp3A : memref<1024xf32, #tpu.memory_space<vmem>>[vector<16xi32>], vector<16xf32>,
        %mul3A_276 = arith.constant 256 : i32
        %mul3A_277 = arith.muli %scan3A_128, %mul3A_276 : i32
        %add3A_278 = arith.constant 2 : i32
        %add3A_279 = arith.addi %mul3A_277, %add3A_278 : i32
        %add3A_280 = vector.broadcast %add3A_279 : i32 to vector<16xi32>
        %add3A_281 = arith.addi %mul3A_131, %add3A_280 : vector<16xi32>
        tpu.vector_store_idx %arg22[%add3A_281], %exp3A : memref<1024xf32, #tpu.memory_space<vmem>>[vector<16xi32>], vector<16xf32>,
        %mul3A_282 = arith.constant 256 : i32
        %mul3A_283 = arith.muli %scan3A_128, %mul3A_282 : i32
        %add3A_284 = arith.constant 3 : i32
        %add3A_285 = arith.addi %mul3A_283, %add3A_284 : i32
        %add3A_286 = vector.broadcast %add3A_285 : i32 to vector<16xi32>
        %add3A_287 = arith.addi %mul3A_131, %add3A_286 : vector<16xi32>
        tpu.vector_store_idx %arg22[%add3A_287], %exp3A : memref<1024xf32, #tpu.memory_space<vmem>>[vector<16xi32>], vector<16xf32>,
        %mul3A_288 = arith.constant 256 : i32
        %mul3A_289 = arith.muli %scan3A_128, %mul3A_288 : i32
        %add3A_290 = arith.constant 4 : i32
        %add3A_291 = arith.addi %mul3A_289, %add3A_290 : i32
        %add3A_292 = vector.broadcast %add3A_291 : i32 to vector<16xi32>
        %add3A_293 = arith.addi %mul3A_131, %add3A_292 : vector<16xi32>
        tpu.vector_store_idx %arg22[%add3A_293], %exp3A : memref<1024xf32, #tpu.memory_space<vmem>>[vector<16xi32>], vector<16xf32>,
        %mul3A_294 = arith.constant 256 : i32
        %mul3A_295 = arith.muli %scan3A_128, %mul3A_294 : i32
        %add3A_296 = arith.constant 5 : i32
        %add3A_297 = arith.addi %mul3A_295, %add3A_296 : i32
        %add3A_298 = vector.broadcast %add3A_297 : i32 to vector<16xi32>
        %add3A_299 = arith.addi %mul3A_131, %add3A_298 : vector<16xi32>
        tpu.vector_store_idx %arg22[%add3A_299], %exp3A : memref<1024xf32, #tpu.memory_space<vmem>>[vector<16xi32>], vector<16xf32>,
        %mul3A_300 = arith.constant 256 : i32
        %mul3A_301 = arith.muli %scan3A_128, %mul3A_300 : i32
        %add3A_302 = arith.constant 6 : i32
        %add3A_303 = arith.addi %mul3A_301, %add3A_302 : i32
        %add3A_304 = vector.broadcast %add3A_303 : i32 to vector<16xi32>
        %add3A_305 = arith.addi %mul3A_131, %add3A_304 : vector<16xi32>
        tpu.vector_store_idx %arg22[%add3A_305], %exp3A : memref<1024xf32, #tpu.memory_space<vmem>>[vector<16xi32>], vector<16xf32>,
        %mul3A_306 = arith.constant 256 : i32
        %mul3A_307 = arith.muli %scan3A_128, %mul3A_306 : i32
        %add3A_308 = arith.constant 7 : i32
        %add3A_309 = arith.addi %mul3A_307, %add3A_308 : i32
        %add3A_310 = vector.broadcast %add3A_309 : i32 to vector<16xi32>
        %add3A_311 = arith.addi %mul3A_131, %add3A_310 : vector<16xi32>
        tpu.vector_store_idx %arg22[%add3A_311], %exp3A : memref<1024xf32, #tpu.memory_space<vmem>>[vector<16xi32>], vector<16xf32>,
        %mul3A_312 = arith.constant 256 : i32
        %mul3A_313 = arith.muli %scan3A_128, %mul3A_312 : i32
        %add3A_314 = arith.constant 8 : i32
        %add3A_315 = arith.addi %mul3A_313, %add3A_314 : i32
        %add3A_316 = vector.broadcast %add3A_315 : i32 to vector<16xi32>
        %add3A_317 = arith.addi %mul3A_131, %add3A_316 : vector<16xi32>
        tpu.vector_store_idx %arg22[%add3A_317], %exp3A : memref<1024xf32, #tpu.memory_space<vmem>>[vector<16xi32>], vector<16xf32>,
        %mul3A_318 = arith.constant 256 : i32
        %mul3A_319 = arith.muli %scan3A_128, %mul3A_318 : i32
        %add3A_320 = arith.constant 9 : i32
        %add3A_321 = arith.addi %mul3A_319, %add3A_320 : i32
        %add3A_322 = vector.broadcast %add3A_321 : i32 to vector<16xi32>
        %add3A_323 = arith.addi %mul3A_131, %add3A_322 : vector<16xi32>
        tpu.vector_store_idx %arg22[%add3A_323], %exp3A : memref<1024xf32, #tpu.memory_space<vmem>>[vector<16xi32>], vector<16xf32>,
        %mul3A_324 = arith.constant 256 : i32
        %mul3A_325 = arith.muli %scan3A_128, %mul3A_324 : i32
        %add3A_326 = arith.constant 10 : i32
        %add3A_327 = arith.addi %mul3A_325, %add3A_326 : i32
        %add3A_328 = vector.broadcast %add3A_327 : i32 to vector<16xi32>
        %add3A_329 = arith.addi %mul3A_131, %add3A_328 : vector<16xi32>
        tpu.vector_store_idx %arg22[%add3A_329], %exp3A : memref<1024xf32, #tpu.memory_space<vmem>>[vector<16xi32>], vector<16xf32>,
        %mul3A_330 = arith.constant 256 : i32
        %mul3A_331 = arith.muli %scan3A_128, %mul3A_330 : i32
        %add3A_332 = arith.constant 11 : i32
        %add3A_333 = arith.addi %mul3A_331, %add3A_332 : i32
        %add3A_334 = vector.broadcast %add3A_333 : i32 to vector<16xi32>
        %add3A_335 = arith.addi %mul3A_131, %add3A_334 : vector<16xi32>
        tpu.vector_store_idx %arg22[%add3A_335], %exp3A : memref<1024xf32, #tpu.memory_space<vmem>>[vector<16xi32>], vector<16xf32>,
        %mul3A_336 = arith.constant 256 : i32
        %mul3A_337 = arith.muli %scan3A_128, %mul3A_336 : i32
        %add3A_338 = arith.constant 12 : i32
        %add3A_339 = arith.addi %mul3A_337, %add3A_338 : i32
        %add3A_340 = vector.broadcast %add3A_339 : i32 to vector<16xi32>
        %add3A_341 = arith.addi %mul3A_131, %add3A_340 : vector<16xi32>
        tpu.vector_store_idx %arg22[%add3A_341], %exp3A : memref<1024xf32, #tpu.memory_space<vmem>>[vector<16xi32>], vector<16xf32>,
        %mul3A_342 = arith.constant 256 : i32
        %mul3A_343 = arith.muli %scan3A_128, %mul3A_342 : i32
        %add3A_344 = arith.constant 13 : i32
        %add3A_345 = arith.addi %mul3A_343, %add3A_344 : i32
        %add3A_346 = vector.broadcast %add3A_345 : i32 to vector<16xi32>
        %add3A_347 = arith.addi %mul3A_131, %add3A_346 : vector<16xi32>
        tpu.vector_store_idx %arg22[%add3A_347], %exp3A : memref<1024xf32, #tpu.memory_space<vmem>>[vector<16xi32>], vector<16xf32>,
        %mul3A_348 = arith.constant 256 : i32
        %mul3A_349 = arith.muli %scan3A_128, %mul3A_348 : i32
        %add3A_350 = arith.constant 14 : i32
        %add3A_351 = arith.addi %mul3A_349, %add3A_350 : i32
        %add3A_352 = vector.broadcast %add3A_351 : i32 to vector<16xi32>
        %add3A_353 = arith.addi %mul3A_131, %add3A_352 : vector<16xi32>
        tpu.vector_store_idx %arg22[%add3A_353], %exp3A : memref<1024xf32, #tpu.memory_space<vmem>>[vector<16xi32>], vector<16xf32>,
        %mul3A_354 = arith.constant 256 : i32
        %mul3A_355 = arith.muli %scan3A_128, %mul3A_354 : i32
        %add3A_356 = arith.constant 15 : i32
        %add3A_357 = arith.addi %mul3A_355, %add3A_356 : i32
        %add3A_358 = vector.broadcast %add3A_357 : i32 to vector<16xi32>
        %add3A_359 = arith.addi %mul3A_131, %add3A_358 : vector<16xi32>
        tpu.vector_store_idx %arg22[%add3A_359], %exp3A : memref<1024xf32, #tpu.memory_space<vmem>>[vector<16xi32>], vector<16xf32>,
      }
      %scan3A_121 = arith.constant 4 : i32
      %scan3A_122 = arith.constant 0 : i32
      %scan3A_123 = arith.constant 0 : i32
      %scan3A_124 = arith.constant 64 : i32
      %scan3A_125 = arith.addi %scan3A_123, %scan3A_124 : i32
      %scan3A_126 = arith.constant 1 : i32
      scf.for %scan3A_128 = %scan3A_123 to %scan3A_125 step %scan3A_126  : i32 {
        %mul3A_129 = arith.constant 16 : i32
        %mul3A_130 = arith.muli %scan3A_128, %mul3A_129 : i32
        %get3A_131 = arith.index_cast %mul3A_130 : i32 to index
        %get3A_132 = tpu.vector_load %arg22[%get3A_131] {strides = array<i32>} : memref<1024xf32, #tpu.memory_space<vmem>>, vector<16xf32>,
        %get3A_133 = arith.index_cast %scan3A_128 : i32 to index
        %get3A_134 = arith.constant 0 : index
        %get3A_135 = tpu.vector_load %arg19[%get3A_133, %get3A_134] {strides = array<i32>} : memref<64x128xf32, #tpu.memory_space<vmem>>, vector<16xf32>,
        %get3A_136 = arith.index_cast %scan3A_128 : i32 to index
        %get3A_137 = arith.constant 0 : index
        %get3A_138 = tpu.vector_load %arg20[%get3A_136, %get3A_137] {strides = array<i32>} : memref<64x128xf32, #tpu.memory_space<vmem>>, vector<16xf32>,
        %add3A_139 = arith.addf %get3A_135, %get3A_138 : vector<16xf32>
        %mul3A_140 = arith.mulf %add3A_139, %get3A_132 : vector<16xf32>
        %swap3A_141 = arith.index_cast %scan3A_128 : i32 to index
        %swap3A_142 = arith.constant 0 : index
        %swap3A_143 = tpu.vector_load %arg20[%swap3A_141, %swap3A_142] {strides = array<i32>} : memref<64x128xf32, #tpu.memory_space<vmem>>, vector<16xf32>,
        tpu.vector_store %arg20[%swap3A_141, %swap3A_142], %mul3A_140 {strides = array<i32>} : memref<64x128xf32, #tpu.memory_space<vmem>>, vector<16xf32>,
        %get3A_144 = arith.index_cast %scan3A_128 : i32 to index
        %get3A_145 = arith.constant 16 : index
        %get3A_146 = tpu.vector_load %arg19[%get3A_144, %get3A_145] {strides = array<i32>} : memref<64x128xf32, #tpu.memory_space<vmem>>, vector<16xf32>,
        %get3A_147 = arith.index_cast %scan3A_128 : i32 to index
        %get3A_148 = arith.constant 16 : index
        %get3A_149 = tpu.vector_load %arg20[%get3A_147, %get3A_148] {strides = array<i32>} : memref<64x128xf32, #tpu.memory_space<vmem>>, vector<16xf32>,
        %add3A_150 = arith.addf %get3A_146, %get3A_149 : vector<16xf32>
        %mul3A_151 = arith.mulf %add3A_150, %get3A_132 : vector<16xf32>
        %swap3A_152 = arith.index_cast %scan3A_128 : i32 to index
        %swap3A_153 = arith.constant 16 : index
        %swap3A_154 = tpu.vector_load %arg20[%swap3A_152, %swap3A_153] {strides = array<i32>} : memref<64x128xf32, #tpu.memory_space<vmem>>, vector<16xf32>,
        tpu.vector_store %arg20[%swap3A_152, %swap3A_153], %mul3A_151 {strides = array<i32>} : memref<64x128xf32, #tpu.memory_space<vmem>>, vector<16xf32>,
        %get3A_155 = arith.index_cast %scan3A_128 : i32 to index
        %get3A_156 = arith.constant 32 : index
        %get3A_157 = tpu.vector_load %arg19[%get3A_155, %get3A_156] {strides = array<i32>} : memref<64x128xf32, #tpu.memory_space<vmem>>, vector<16xf32>,
        %get3A_158 = arith.index_cast %scan3A_128 : i32 to index
        %get3A_159 = arith.constant 32 : index
        %get3A_160 = tpu.vector_load %arg20[%get3A_158, %get3A_159] {strides = array<i32>} : memref<64x128xf32, #tpu.memory_space<vmem>>, vector<16xf32>,
        %add3A_161 = arith.addf %get3A_157, %get3A_160 : vector<16xf32>
        %mul3A_162 = arith.mulf %add3A_161, %get3A_132 : vector<16xf32>
        %swap3A_163 = arith.index_cast %scan3A_128 : i32 to index
        %swap3A_164 = arith.constant 32 : index
        %swap3A_165 = tpu.vector_load %arg20[%swap3A_163, %swap3A_164] {strides = array<i32>} : memref<64x128xf32, #tpu.memory_space<vmem>>, vector<16xf32>,
        tpu.vector_store %arg20[%swap3A_163, %swap3A_164], %mul3A_162 {strides = array<i32>} : memref<64x128xf32, #tpu.memory_space<vmem>>, vector<16xf32>,
        %get3A_166 = arith.index_cast %scan3A_128 : i32 to index
        %get3A_167 = arith.constant 48 : index
        %get3A_168 = tpu.vector_load %arg19[%get3A_166, %get3A_167] {strides = array<i32>} : memref<64x128xf32, #tpu.memory_space<vmem>>, vector<16xf32>,
        %get3A_169 = arith.index_cast %scan3A_128 : i32 to index
        %get3A_170 = arith.constant 48 : index
        %get3A_171 = tpu.vector_load %arg20[%get3A_169, %get3A_170] {strides = array<i32>} : memref<64x128xf32, #tpu.memory_space<vmem>>, vector<16xf32>,
        %add3A_172 = arith.addf %get3A_168, %get3A_171 : vector<16xf32>
        %mul3A_173 = arith.mulf %add3A_172, %get3A_132 : vector<16xf32>
        %swap3A_174 = arith.index_cast %scan3A_128 : i32 to index
        %swap3A_175 = arith.constant 48 : index
        %swap3A_176 = tpu.vector_load %arg20[%swap3A_174, %swap3A_175] {strides = array<i32>} : memref<64x128xf32, #tpu.memory_space<vmem>>, vector<16xf32>,
        tpu.vector_store %arg20[%swap3A_174, %swap3A_175], %mul3A_173 {strides = array<i32>} : memref<64x128xf32, #tpu.memory_space<vmem>>, vector<16xf32>,
        %get3A_177 = arith.index_cast %scan3A_128 : i32 to index
        %get3A_178 = arith.constant 64 : index
        %get3A_179 = tpu.vector_load %arg19[%get3A_177, %get3A_178] {strides = array<i32>} : memref<64x128xf32, #tpu.memory_space<vmem>>, vector<16xf32>,
        %get3A_180 = arith.index_cast %scan3A_128 : i32 to index
        %get3A_181 = arith.constant 64 : index
        %get3A_182 = tpu.vector_load %arg20[%get3A_180, %get3A_181] {strides = array<i32>} : memref<64x128xf32, #tpu.memory_space<vmem>>, vector<16xf32>,
        %add3A_183 = arith.addf %get3A_179, %get3A_182 : vector<16xf32>
        %mul3A_184 = arith.mulf %add3A_183, %get3A_132 : vector<16xf32>
        %swap3A_185 = arith.index_cast %scan3A_128 : i32 to index
        %swap3A_186 = arith.constant 64 : index
        %swap3A_187 = tpu.vector_load %arg20[%swap3A_185, %swap3A_186] {strides = array<i32>} : memref<64x128xf32, #tpu.memory_space<vmem>>, vector<16xf32>,
        tpu.vector_store %arg20[%swap3A_185, %swap3A_186], %mul3A_184 {strides = array<i32>} : memref<64x128xf32, #tpu.memory_space<vmem>>, vector<16xf32>,
        %get3A_188 = arith.index_cast %scan3A_128 : i32 to index
        %get3A_189 = arith.constant 80 : index
        %get3A_190 = tpu.vector_load %arg19[%get3A_188, %get3A_189] {strides = array<i32>} : memref<64x128xf32, #tpu.memory_space<vmem>>, vector<16xf32>,
        %get3A_191 = arith.index_cast %scan3A_128 : i32 to index
        %get3A_192 = arith.constant 80 : index
        %get3A_193 = tpu.vector_load %arg20[%get3A_191, %get3A_192] {strides = array<i32>} : memref<64x128xf32, #tpu.memory_space<vmem>>, vector<16xf32>,
        %add3A_194 = arith.addf %get3A_190, %get3A_193 : vector<16xf32>
        %mul3A_195 = arith.mulf %add3A_194, %get3A_132 : vector<16xf32>
        %swap3A_196 = arith.index_cast %scan3A_128 : i32 to index
        %swap3A_197 = arith.constant 80 : index
        %swap3A_198 = tpu.vector_load %arg20[%swap3A_196, %swap3A_197] {strides = array<i32>} : memref<64x128xf32, #tpu.memory_space<vmem>>, vector<16xf32>,
        tpu.vector_store %arg20[%swap3A_196, %swap3A_197], %mul3A_195 {strides = array<i32>} : memref<64x128xf32, #tpu.memory_space<vmem>>, vector<16xf32>,
        %get3A_199 = arith.index_cast %scan3A_128 : i32 to index
        %get3A_200 = arith.constant 96 : index
        %get3A_201 = tpu.vector_load %arg19[%get3A_199, %get3A_200] {strides = array<i32>} : memref<64x128xf32, #tpu.memory_space<vmem>>, vector<16xf32>,
        %get3A_202 = arith.index_cast %scan3A_128 : i32 to index
        %get3A_203 = arith.constant 96 : index
        %get3A_204 = tpu.vector_load %arg20[%get3A_202, %get3A_203] {strides = array<i32>} : memref<64x128xf32, #tpu.memory_space<vmem>>, vector<16xf32>,
        %add3A_205 = arith.addf %get3A_201, %get3A_204 : vector<16xf32>
        %mul3A_206 = arith.mulf %add3A_205, %get3A_132 : vector<16xf32>
        %swap3A_207 = arith.index_cast %scan3A_128 : i32 to index
        %swap3A_208 = arith.constant 96 : index
        %swap3A_209 = tpu.vector_load %arg20[%swap3A_207, %swap3A_208] {strides = array<i32>} : memref<64x128xf32, #tpu.memory_space<vmem>>, vector<16xf32>,
        tpu.vector_store %arg20[%swap3A_207, %swap3A_208], %mul3A_206 {strides = array<i32>} : memref<64x128xf32, #tpu.memory_space<vmem>>, vector<16xf32>,
        %get3A_210 = arith.index_cast %scan3A_128 : i32 to index
        %get3A_211 = arith.constant 112 : index
        %get3A_212 = tpu.vector_load %arg19[%get3A_210, %get3A_211] {strides = array<i32>} : memref<64x128xf32, #tpu.memory_space<vmem>>, vector<16xf32>,
        %get3A_213 = arith.index_cast %scan3A_128 : i32 to index
        %get3A_214 = arith.constant 112 : index
        %get3A_215 = tpu.vector_load %arg20[%get3A_213, %get3A_214] {strides = array<i32>} : memref<64x128xf32, #tpu.memory_space<vmem>>, vector<16xf32>,
        %add3A_216 = arith.addf %get3A_212, %get3A_215 : vector<16xf32>
        %mul3A_217 = arith.mulf %add3A_216, %get3A_132 : vector<16xf32>
        %swap3A_218 = arith.index_cast %scan3A_128 : i32 to index
        %swap3A_219 = arith.constant 112 : index
        %swap3A_220 = tpu.vector_load %arg20[%swap3A_218, %swap3A_219] {strides = array<i32>} : memref<64x128xf32, #tpu.memory_space<vmem>>, vector<16xf32>,
        tpu.vector_store %arg20[%swap3A_218, %swap3A_219], %mul3A_217 {strides = array<i32>} : memref<64x128xf32, #tpu.memory_space<vmem>>, vector<16xf32>,
      }
      %scan3A_127 = arith.constant 64 : i32
      "tpu.region"() ({
        %run_scoped3A = tpu.sem_alloc : memref<!tpu.dma_semaphore, #tpu.memory_space<semaphore_mem>>
        %dma_start3A_128 = arith.constant 0 : i32
        %dma_start3A_129 = arith.constant 0 : i32
        %dma_start3A_130 = tpu.memref_slice %arg26[%dma_start3A_128, %dma_start3A_129] : memref<10240x128xf32, #tpu.memory_space<vmem_shared>> -> memref<10240x128xf32, #tpu.memory_space<vmem_shared>>
        tpu.enqueue_indirect_dma source(%arg20 : memref<64x128xf32, #tpu.memory_space<vmem>>) target(%dma_start3A_130 : memref<10240x128xf32, #tpu.memory_space<vmem_shared>>) offsets(%arg15 : memref<64xi32, #tpu.memory_space<vmem>>) semaphore(%run_scoped3A : memref<!tpu.dma_semaphore, #tpu.memory_space<semaphore_mem>>) {add = true}
        %dma_wait3A_131 = arith.constant 0 : i32
        %dma_wait3A_132 = arith.constant 0 : i32
        %dma_wait3A_133 = tpu.memref_slice %arg26[%dma_wait3A_131, %dma_wait3A_132] : memref<10240x128xf32, #tpu.memory_space<vmem_shared>> -> memref<10240x128xf32, #tpu.memory_space<vmem_shared>>
        tpu.wait_indirect_dma semaphore(%run_scoped3A : memref<!tpu.dma_semaphore, #tpu.memory_space<semaphore_mem>>) src(%arg20 : memref<64x128xf32, #tpu.memory_space<vmem>>) dst(%dma_wait3A_133 : memref<10240x128xf32, #tpu.memory_space<vmem_shared>>)
        tpu.yield
      }) : () -> ()
    }
    %scan3A_11 = arith.constant 158 : i32
    %scan3A_12 = arith.constant 0 : i32
    %scan3A_13 = arith.constant 0 : i32
    %scan3A_14 = arith.constant 40 : i32
    %scan3A_15 = arith.addi %scan3A_13, %scan3A_14 : i32
    %scan3A_16 = arith.constant 1 : i32
    scf.for %scan3A_34 = %scan3A_13 to %scan3A_15 step %scan3A_16  : i32 {
      %add3A_35 = arith.constant 0 : i32
      %add3A_36 = arith.addi %add3A_35, %scan3A_34 : i32
      %mul3A_37 = arith.constant 128 : i32
      %mul3A_38 = arith.muli %add3A_36, %mul3A_37 : i32
      %add3A_39 = arith.constant 0 : i32
      %add3A_40 = arith.addi %mul3A_38, %add3A_39 : i32
      %get3A = arith.index_cast %add3A_40 : i32 to index
      %get3A_41 = tpu.vector_load %arg23[%get3A] {strides = array<i32>} : memref<10240xf32, #tpu.memory_space<vmem>>, vector<16xf32>,
      %swap3A = arith.index_cast %scan3A_34 : i32 to index
      %swap3A_42 = arith.constant 0 : index
      %swap3A_43 = tpu.vector_load %arg17[%swap3A, %swap3A_42] {strides = array<i32>} : memref<64x128xf32, #tpu.memory_space<vmem>>, vector<16xf32>,
      tpu.vector_store %arg17[%swap3A, %swap3A_42], %get3A_41 {strides = array<i32>} : memref<64x128xf32, #tpu.memory_space<vmem>>, vector<16xf32>,
      %add3A_44 = arith.constant 16 : i32
      %add3A_45 = arith.addi %mul3A_38, %add3A_44 : i32
      %get3A_46 = arith.index_cast %add3A_45 : i32 to index
      %get3A_47 = tpu.vector_load %arg23[%get3A_46] {strides = array<i32>} : memref<10240xf32, #tpu.memory_space<vmem>>, vector<16xf32>,
      %swap3A_48 = arith.index_cast %scan3A_34 : i32 to index
      %swap3A_49 = arith.constant 16 : index
      %swap3A_50 = tpu.vector_load %arg17[%swap3A_48, %swap3A_49] {strides = array<i32>} : memref<64x128xf32, #tpu.memory_space<vmem>>, vector<16xf32>,
      tpu.vector_store %arg17[%swap3A_48, %swap3A_49], %get3A_47 {strides = array<i32>} : memref<64x128xf32, #tpu.memory_space<vmem>>, vector<16xf32>,
      %add3A_51 = arith.constant 32 : i32
      %add3A_52 = arith.addi %mul3A_38, %add3A_51 : i32
      %get3A_53 = arith.index_cast %add3A_52 : i32 to index
      %get3A_54 = tpu.vector_load %arg23[%get3A_53] {strides = array<i32>} : memref<10240xf32, #tpu.memory_space<vmem>>, vector<16xf32>,
      %swap3A_55 = arith.index_cast %scan3A_34 : i32 to index
      %swap3A_56 = arith.constant 32 : index
      %swap3A_57 = tpu.vector_load %arg17[%swap3A_55, %swap3A_56] {strides = array<i32>} : memref<64x128xf32, #tpu.memory_space<vmem>>, vector<16xf32>,
      tpu.vector_store %arg17[%swap3A_55, %swap3A_56], %get3A_54 {strides = array<i32>} : memref<64x128xf32, #tpu.memory_space<vmem>>, vector<16xf32>,
      %add3A_58 = arith.constant 48 : i32
      %add3A_59 = arith.addi %mul3A_38, %add3A_58 : i32
      %get3A_60 = arith.index_cast %add3A_59 : i32 to index
      %get3A_61 = tpu.vector_load %arg23[%get3A_60] {strides = array<i32>} : memref<10240xf32, #tpu.memory_space<vmem>>, vector<16xf32>,
      %swap3A_62 = arith.index_cast %scan3A_34 : i32 to index
      %swap3A_63 = arith.constant 48 : index
      %swap3A_64 = tpu.vector_load %arg17[%swap3A_62, %swap3A_63] {strides = array<i32>} : memref<64x128xf32, #tpu.memory_space<vmem>>, vector<16xf32>,
      tpu.vector_store %arg17[%swap3A_62, %swap3A_63], %get3A_61 {strides = array<i32>} : memref<64x128xf32, #tpu.memory_space<vmem>>, vector<16xf32>,
      %add3A_65 = arith.constant 64 : i32
      %add3A_66 = arith.addi %mul3A_38, %add3A_65 : i32
      %get3A_67 = arith.index_cast %add3A_66 : i32 to index
      %get3A_68 = tpu.vector_load %arg23[%get3A_67] {strides = array<i32>} : memref<10240xf32, #tpu.memory_space<vmem>>, vector<16xf32>,
      %swap3A_69 = arith.index_cast %scan3A_34 : i32 to index
      %swap3A_70 = arith.constant 64 : index
      %swap3A_71 = tpu.vector_load %arg17[%swap3A_69, %swap3A_70] {strides = array<i32>} : memref<64x128xf32, #tpu.memory_space<vmem>>, vector<16xf32>,
      tpu.vector_store %arg17[%swap3A_69, %swap3A_70], %get3A_68 {strides = array<i32>} : memref<64x128xf32, #tpu.memory_space<vmem>>, vector<16xf32>,
      %add3A_72 = arith.constant 80 : i32
      %add3A_73 = arith.addi %mul3A_38, %add3A_72 : i32
      %get3A_74 = arith.index_cast %add3A_73 : i32 to index
      %get3A_75 = tpu.vector_load %arg23[%get3A_74] {strides = array<i32>} : memref<10240xf32, #tpu.memory_space<vmem>>, vector<16xf32>,
      %swap3A_76 = arith.index_cast %scan3A_34 : i32 to index
      %swap3A_77 = arith.constant 80 : index
      %swap3A_78 = tpu.vector_load %arg17[%swap3A_76, %swap3A_77] {strides = array<i32>} : memref<64x128xf32, #tpu.memory_space<vmem>>, vector<16xf32>,
      tpu.vector_store %arg17[%swap3A_76, %swap3A_77], %get3A_75 {strides = array<i32>} : memref<64x128xf32, #tpu.memory_space<vmem>>, vector<16xf32>,
      %add3A_79 = arith.constant 96 : i32
      %add3A_80 = arith.addi %mul3A_38, %add3A_79 : i32
      %get3A_81 = arith.index_cast %add3A_80 : i32 to index
      %get3A_82 = tpu.vector_load %arg23[%get3A_81] {strides = array<i32>} : memref<10240xf32, #tpu.memory_space<vmem>>, vector<16xf32>,
      %swap3A_83 = arith.index_cast %scan3A_34 : i32 to index
      %swap3A_84 = arith.constant 96 : index
      %swap3A_85 = tpu.vector_load %arg17[%swap3A_83, %swap3A_84] {strides = array<i32>} : memref<64x128xf32, #tpu.memory_space<vmem>>, vector<16xf32>,
      tpu.vector_store %arg17[%swap3A_83, %swap3A_84], %get3A_82 {strides = array<i32>} : memref<64x128xf32, #tpu.memory_space<vmem>>, vector<16xf32>,
      %add3A_86 = arith.constant 112 : i32
      %add3A_87 = arith.addi %mul3A_38, %add3A_86 : i32
      %get3A_88 = arith.index_cast %add3A_87 : i32 to index
      %get3A_89 = tpu.vector_load %arg23[%get3A_88] {strides = array<i32>} : memref<10240xf32, #tpu.memory_space<vmem>>, vector<16xf32>,
      %swap3A_90 = arith.index_cast %scan3A_34 : i32 to index
      %swap3A_91 = arith.constant 112 : index
      %swap3A_92 = tpu.vector_load %arg17[%swap3A_90, %swap3A_91] {strides = array<i32>} : memref<64x128xf32, #tpu.memory_space<vmem>>, vector<16xf32>,
      tpu.vector_store %arg17[%swap3A_90, %swap3A_91], %get3A_89 {strides = array<i32>} : memref<64x128xf32, #tpu.memory_space<vmem>>, vector<16xf32>,
    }
    %scan3A_17 = arith.constant 40 : i32
    "tpu.region"() ({
      %run_scoped3A = tpu.sem_alloc : memref<!tpu.dma_semaphore, #tpu.memory_space<semaphore_mem>>
      %dma_start3A = arith.constant 0 : i32
      %dma_start3A_34 = arith.constant 0 : i32
      %dma_start3A_35 = tpu.memref_slice %arg17[%dma_start3A, %dma_start3A_34] : memref<64x128xf32, #tpu.memory_space<vmem>> -> memref<40x128xf32, #tpu.memory_space<vmem>>
      %dma_start3A_36 = arith.constant 0 : i32
      %dma_start3A_37 = arith.constant 0 : i32
      %dma_start3A_38 = tpu.memref_slice %arg27[%dma_start3A_36, %dma_start3A_37] : memref<80x128xf32, #tpu.memory_space<vmem_shared>> -> memref<80x128xf32, #tpu.memory_space<vmem_shared>>
      tpu.enqueue_indirect_dma source(%dma_start3A_35 : memref<40x128xf32, #tpu.memory_space<vmem>>) target(%dma_start3A_38 : memref<80x128xf32, #tpu.memory_space<vmem_shared>>) offsets(%arg24 : memref<40xi32, #tpu.memory_space<vmem>>) semaphore(%run_scoped3A : memref<!tpu.dma_semaphore, #tpu.memory_space<semaphore_mem>>) {add = true}
      %dma_wait3A = arith.constant 0 : i32
      %dma_wait3A_39 = arith.constant 0 : i32
      %dma_wait3A_40 = tpu.memref_slice %arg17[%dma_wait3A, %dma_wait3A_39] : memref<64x128xf32, #tpu.memory_space<vmem>> -> memref<40x128xf32, #tpu.memory_space<vmem>>
      %dma_wait3A_41 = arith.constant 0 : i32
      %dma_wait3A_42 = arith.constant 0 : i32
      %dma_wait3A_43 = tpu.memref_slice %arg27[%dma_wait3A_41, %dma_wait3A_42] : memref<80x128xf32, #tpu.memory_space<vmem_shared>> -> memref<80x128xf32, #tpu.memory_space<vmem_shared>>
      tpu.wait_indirect_dma semaphore(%run_scoped3A : memref<!tpu.dma_semaphore, #tpu.memory_space<semaphore_mem>>) src(%dma_wait3A_40 : memref<40x128xf32, #tpu.memory_space<vmem>>) dst(%dma_wait3A_43 : memref<80x128xf32, #tpu.memory_space<vmem_shared>>)
      tpu.yield
    }) : () -> ()
    %scan3A_18 = arith.constant 0 : i32
    %scan3A_19 = arith.constant 0 : i32
    %scan3A_20 = arith.constant 40 : i32
    %scan3A_21 = arith.addi %scan3A_19, %scan3A_20 : i32
    %scan3A_22 = arith.constant 1 : i32
    scf.for %scan3A_34 = %scan3A_19 to %scan3A_21 step %scan3A_22  : i32 {
      %add3A_35 = arith.constant 40 : i32
      %add3A_36 = arith.addi %add3A_35, %scan3A_34 : i32
      %mul3A_37 = arith.constant 128 : i32
      %mul3A_38 = arith.muli %add3A_36, %mul3A_37 : i32
      %add3A_39 = arith.constant 0 : i32
      %add3A_40 = arith.addi %mul3A_38, %add3A_39 : i32
      %get3A = arith.index_cast %add3A_40 : i32 to index
      %get3A_41 = tpu.vector_load %arg23[%get3A] {strides = array<i32>} : memref<10240xf32, #tpu.memory_space<vmem>>, vector<16xf32>,
      %swap3A = arith.index_cast %scan3A_34 : i32 to index
      %swap3A_42 = arith.constant 0 : index
      %swap3A_43 = tpu.vector_load %arg17[%swap3A, %swap3A_42] {strides = array<i32>} : memref<64x128xf32, #tpu.memory_space<vmem>>, vector<16xf32>,
      tpu.vector_store %arg17[%swap3A, %swap3A_42], %get3A_41 {strides = array<i32>} : memref<64x128xf32, #tpu.memory_space<vmem>>, vector<16xf32>,
      %add3A_44 = arith.constant 16 : i32
      %add3A_45 = arith.addi %mul3A_38, %add3A_44 : i32
      %get3A_46 = arith.index_cast %add3A_45 : i32 to index
      %get3A_47 = tpu.vector_load %arg23[%get3A_46] {strides = array<i32>} : memref<10240xf32, #tpu.memory_space<vmem>>, vector<16xf32>,
      %swap3A_48 = arith.index_cast %scan3A_34 : i32 to index
      %swap3A_49 = arith.constant 16 : index
      %swap3A_50 = tpu.vector_load %arg17[%swap3A_48, %swap3A_49] {strides = array<i32>} : memref<64x128xf32, #tpu.memory_space<vmem>>, vector<16xf32>,
      tpu.vector_store %arg17[%swap3A_48, %swap3A_49], %get3A_47 {strides = array<i32>} : memref<64x128xf32, #tpu.memory_space<vmem>>, vector<16xf32>,
      %add3A_51 = arith.constant 32 : i32
      %add3A_52 = arith.addi %mul3A_38, %add3A_51 : i32
      %get3A_53 = arith.index_cast %add3A_52 : i32 to index
      %get3A_54 = tpu.vector_load %arg23[%get3A_53] {strides = array<i32>} : memref<10240xf32, #tpu.memory_space<vmem>>, vector<16xf32>,
      %swap3A_55 = arith.index_cast %scan3A_34 : i32 to index
      %swap3A_56 = arith.constant 32 : index
      %swap3A_57 = tpu.vector_load %arg17[%swap3A_55, %swap3A_56] {strides = array<i32>} : memref<64x128xf32, #tpu.memory_space<vmem>>, vector<16xf32>,
      tpu.vector_store %arg17[%swap3A_55, %swap3A_56], %get3A_54 {strides = array<i32>} : memref<64x128xf32, #tpu.memory_space<vmem>>, vector<16xf32>,
      %add3A_58 = arith.constant 48 : i32
      %add3A_59 = arith.addi %mul3A_38, %add3A_58 : i32
      %get3A_60 = arith.index_cast %add3A_59 : i32 to index
      %get3A_61 = tpu.vector_load %arg23[%get3A_60] {strides = array<i32>} : memref<10240xf32, #tpu.memory_space<vmem>>, vector<16xf32>,
      %swap3A_62 = arith.index_cast %scan3A_34 : i32 to index
      %swap3A_63 = arith.constant 48 : index
      %swap3A_64 = tpu.vector_load %arg17[%swap3A_62, %swap3A_63] {strides = array<i32>} : memref<64x128xf32, #tpu.memory_space<vmem>>, vector<16xf32>,
      tpu.vector_store %arg17[%swap3A_62, %swap3A_63], %get3A_61 {strides = array<i32>} : memref<64x128xf32, #tpu.memory_space<vmem>>, vector<16xf32>,
      %add3A_65 = arith.constant 64 : i32
      %add3A_66 = arith.addi %mul3A_38, %add3A_65 : i32
      %get3A_67 = arith.index_cast %add3A_66 : i32 to index
      %get3A_68 = tpu.vector_load %arg23[%get3A_67] {strides = array<i32>} : memref<10240xf32, #tpu.memory_space<vmem>>, vector<16xf32>,
      %swap3A_69 = arith.index_cast %scan3A_34 : i32 to index
      %swap3A_70 = arith.constant 64 : index
      %swap3A_71 = tpu.vector_load %arg17[%swap3A_69, %swap3A_70] {strides = array<i32>} : memref<64x128xf32, #tpu.memory_space<vmem>>, vector<16xf32>,
      tpu.vector_store %arg17[%swap3A_69, %swap3A_70], %get3A_68 {strides = array<i32>} : memref<64x128xf32, #tpu.memory_space<vmem>>, vector<16xf32>,
      %add3A_72 = arith.constant 80 : i32
      %add3A_73 = arith.addi %mul3A_38, %add3A_72 : i32
      %get3A_74 = arith.index_cast %add3A_73 : i32 to index
      %get3A_75 = tpu.vector_load %arg23[%get3A_74] {strides = array<i32>} : memref<10240xf32, #tpu.memory_space<vmem>>, vector<16xf32>,
      %swap3A_76 = arith.index_cast %scan3A_34 : i32 to index
      %swap3A_77 = arith.constant 80 : index
      %swap3A_78 = tpu.vector_load %arg17[%swap3A_76, %swap3A_77] {strides = array<i32>} : memref<64x128xf32, #tpu.memory_space<vmem>>, vector<16xf32>,
      tpu.vector_store %arg17[%swap3A_76, %swap3A_77], %get3A_75 {strides = array<i32>} : memref<64x128xf32, #tpu.memory_space<vmem>>, vector<16xf32>,
      %add3A_79 = arith.constant 96 : i32
      %add3A_80 = arith.addi %mul3A_38, %add3A_79 : i32
      %get3A_81 = arith.index_cast %add3A_80 : i32 to index
      %get3A_82 = tpu.vector_load %arg23[%get3A_81] {strides = array<i32>} : memref<10240xf32, #tpu.memory_space<vmem>>, vector<16xf32>,
      %swap3A_83 = arith.index_cast %scan3A_34 : i32 to index
      %swap3A_84 = arith.constant 96 : index
      %swap3A_85 = tpu.vector_load %arg17[%swap3A_83, %swap3A_84] {strides = array<i32>} : memref<64x128xf32, #tpu.memory_space<vmem>>, vector<16xf32>,
      tpu.vector_store %arg17[%swap3A_83, %swap3A_84], %get3A_82 {strides = array<i32>} : memref<64x128xf32, #tpu.memory_space<vmem>>, vector<16xf32>,
      %add3A_86 = arith.constant 112 : i32
      %add3A_87 = arith.addi %mul3A_38, %add3A_86 : i32
      %get3A_88 = arith.index_cast %add3A_87 : i32 to index
      %get3A_89 = tpu.vector_load %arg23[%get3A_88] {strides = array<i32>} : memref<10240xf32, #tpu.memory_space<vmem>>, vector<16xf32>,
      %swap3A_90 = arith.index_cast %scan3A_34 : i32 to index
      %swap3A_91 = arith.constant 112 : index
      %swap3A_92 = tpu.vector_load %arg17[%swap3A_90, %swap3A_91] {strides = array<i32>} : memref<64x128xf32, #tpu.memory_space<vmem>>, vector<16xf32>,
      tpu.vector_store %arg17[%swap3A_90, %swap3A_91], %get3A_89 {strides = array<i32>} : memref<64x128xf32, #tpu.memory_space<vmem>>, vector<16xf32>,
    }
    %scan3A_23 = arith.constant 40 : i32
    "tpu.region"() ({
      %run_scoped3A = tpu.sem_alloc : memref<!tpu.dma_semaphore, #tpu.memory_space<semaphore_mem>>
      %dma_start3A = arith.constant 0 : i32
      %dma_start3A_34 = arith.constant 0 : i32
      %dma_start3A_35 = tpu.memref_slice %arg17[%dma_start3A, %dma_start3A_34] : memref<64x128xf32, #tpu.memory_space<vmem>> -> memref<40x128xf32, #tpu.memory_space<vmem>>
      %dma_start3A_36 = arith.constant 0 : i32
      %dma_start3A_37 = arith.constant 0 : i32
      %dma_start3A_38 = tpu.memref_slice %arg27[%dma_start3A_36, %dma_start3A_37] : memref<80x128xf32, #tpu.memory_space<vmem_shared>> -> memref<80x128xf32, #tpu.memory_space<vmem_shared>>
      tpu.enqueue_indirect_dma source(%dma_start3A_35 : memref<40x128xf32, #tpu.memory_space<vmem>>) target(%dma_start3A_38 : memref<80x128xf32, #tpu.memory_space<vmem_shared>>) offsets(%arg25 : memref<40xi32, #tpu.memory_space<vmem>>) semaphore(%run_scoped3A : memref<!tpu.dma_semaphore, #tpu.memory_space<semaphore_mem>>) {add = true}
      %dma_wait3A = arith.constant 0 : i32
      %dma_wait3A_39 = arith.constant 0 : i32
      %dma_wait3A_40 = tpu.memref_slice %arg17[%dma_wait3A, %dma_wait3A_39] : memref<64x128xf32, #tpu.memory_space<vmem>> -> memref<40x128xf32, #tpu.memory_space<vmem>>
      %dma_wait3A_41 = arith.constant 0 : i32
      %dma_wait3A_42 = arith.constant 0 : i32
      %dma_wait3A_43 = tpu.memref_slice %arg27[%dma_wait3A_41, %dma_wait3A_42] : memref<80x128xf32, #tpu.memory_space<vmem_shared>> -> memref<80x128xf32, #tpu.memory_space<vmem_shared>>
      tpu.wait_indirect_dma semaphore(%run_scoped3A : memref<!tpu.dma_semaphore, #tpu.memory_space<semaphore_mem>>) src(%dma_wait3A_40 : memref<40x128xf32, #tpu.memory_space<vmem>>) dst(%dma_wait3A_43 : memref<80x128xf32, #tpu.memory_space<vmem_shared>>)
      tpu.yield
    }) : () -> ()
    %barrier3A_24 = arith.constant 0 : index
    tpu.barrier barrier_id(%barrier3A_24)
    %mul3A_25 = arith.constant 640 : i32
    %mul3A_26 = arith.muli %arg1, %mul3A_25 : i32
    %mul3A_27 = arith.constant 640 : i32
    %mul3A_28 = arith.muli %arg1, %mul3A_27 : i32
    "tpu.region"() ({
      %run_scoped3A = tpu.sem_alloc : memref<!tpu.dma_semaphore, #tpu.memory_space<semaphore_mem>>
      %dma_start3A = arith.constant 0 : i32
      %dma_start3A_34 = tpu.memref_slice %arg11[%arg0, %mul3A_28, %dma_start3A] : memref<2x10240x128xf32, #tpu.memory_space<hbm>> -> memref<1x640x128xf32, #tpu.memory_space<hbm>>
      %dma_start3A_35 = tpu.memref_squeeze %dma_start3A_34 : memref<1x640x128xf32, #tpu.memory_space<hbm>> -> memref<640x128xf32, #tpu.memory_space<hbm>>
      %dma_start3A_36 = arith.constant 0 : i32
      %dma_start3A_37 = tpu.memref_slice %arg26[%mul3A_26, %dma_start3A_36] : memref<10240x128xf32, #tpu.memory_space<vmem_shared>> -> memref<640x128xf32, #tpu.memory_space<vmem_shared>>
      tpu.enqueue_dma source(%dma_start3A_37 : memref<640x128xf32, #tpu.memory_space<vmem_shared>>) target(%dma_start3A_35 : memref<640x128xf32, #tpu.memory_space<hbm>>) target_semaphore(%run_scoped3A : memref<!tpu.dma_semaphore, #tpu.memory_space<semaphore_mem>>)
      %dma_wait3A = arith.constant 0 : i32
      %dma_wait3A_38 = tpu.memref_slice %arg11[%arg0, %mul3A_28, %dma_wait3A] : memref<2x10240x128xf32, #tpu.memory_space<hbm>> -> memref<1x640x128xf32, #tpu.memory_space<hbm>>
      %dma_wait3A_39 = tpu.memref_squeeze %dma_wait3A_38 : memref<1x640x128xf32, #tpu.memory_space<hbm>> -> memref<640x128xf32, #tpu.memory_space<hbm>>
      %dma_wait3A_40 = arith.constant 0 : i32
      %dma_wait3A_41 = tpu.memref_slice %arg26[%mul3A_26, %dma_wait3A_40] : memref<10240x128xf32, #tpu.memory_space<vmem_shared>> -> memref<640x128xf32, #tpu.memory_space<vmem_shared>>
      tpu.wait_dma2 semaphore(%run_scoped3A : memref<!tpu.dma_semaphore, #tpu.memory_space<semaphore_mem>>) src(%dma_wait3A_41 : memref<640x128xf32, #tpu.memory_space<vmem_shared>>) dst(%dma_wait3A_39 : memref<640x128xf32, #tpu.memory_space<hbm>>)
      tpu.yield
    }) : () -> ()
    %eq3A_29 = arith.constant 0 : i32
    %eq3A_30 = arith.cmpi eq, %arg1, %eq3A_29 : i32
    %convert_element_type3A_31 = arith.extui %eq3A_30 : i1 to i32
    %cond3A_32 = arith.constant 0 : i32
    %cond3A_33 = arith.cmpi ne, %convert_element_type3A_31, %cond3A_32 : i32
    scf.if %cond3A_33 {
      "tpu.region"() ({
        %run_scoped3A = tpu.sem_alloc : memref<!tpu.dma_semaphore, #tpu.memory_space<semaphore_mem>>
        %dma_start3A = arith.constant 0 : i32
        %dma_start3A_34 = arith.constant 0 : i32
        %dma_start3A_35 = tpu.memref_slice %arg12[%arg0, %dma_start3A, %dma_start3A_34] : memref<2x80x128xf32, #tpu.memory_space<hbm>> -> memref<1x80x128xf32, #tpu.memory_space<hbm>>
        %dma_start3A_36 = tpu.memref_squeeze %dma_start3A_35 : memref<1x80x128xf32, #tpu.memory_space<hbm>> -> memref<80x128xf32, #tpu.memory_space<hbm>>
        tpu.enqueue_dma source(%arg27 : memref<80x128xf32, #tpu.memory_space<vmem_shared>>) target(%dma_start3A_36 : memref<80x128xf32, #tpu.memory_space<hbm>>) target_semaphore(%run_scoped3A : memref<!tpu.dma_semaphore, #tpu.memory_space<semaphore_mem>>)
        %dma_wait3A = arith.constant 0 : i32
        %dma_wait3A_37 = arith.constant 0 : i32
        %dma_wait3A_38 = tpu.memref_slice %arg12[%arg0, %dma_wait3A, %dma_wait3A_37] : memref<2x80x128xf32, #tpu.memory_space<hbm>> -> memref<1x80x128xf32, #tpu.memory_space<hbm>>
        %dma_wait3A_39 = tpu.memref_squeeze %dma_wait3A_38 : memref<1x80x128xf32, #tpu.memory_space<hbm>> -> memref<80x128xf32, #tpu.memory_space<hbm>>
        tpu.wait_dma2 semaphore(%run_scoped3A : memref<!tpu.dma_semaphore, #tpu.memory_space<semaphore_mem>>) src(%arg27 : memref<80x128xf32, #tpu.memory_space<vmem_shared>>) dst(%dma_wait3A_39 : memref<80x128xf32, #tpu.memory_space<hbm>>)
        tpu.yield
      }) : () -> ()
    } else {
    }
    return
  }
}

#map = affine_map<(d0, d1) -> (0, 0)>
#map1 = affine_map<(d0, d1) -> (0)>
#map2 = affine_map<(d0, d1) -> (0, 0, 0)>
module attributes {stable_mosaic.version = 14 : i64} {
  func.func @_sc_edge(%arg0: i32, %arg1: i32, %arg2: memref<10240x128xf32, #tpu.memory_space<hbm>>, %arg3: memref<10240x128xf32, #tpu.memory_space<hbm>>, %arg4: memref<10240x128xf32, #tpu.memory_space<hbm>>, %arg5: memref<672x128xf32, #tpu.memory_space<hbm>>, %arg6: memref<970752xi32, #tpu.memory_space<hbm>>, %arg7: memref<10240x128xf32, #tpu.memory_space<hbm>>, %arg8: memref<10240xf32, #tpu.memory_space<hbm>>, %arg9: memref<40xi32, #tpu.memory_space<hbm>>, %arg10: memref<40xi32, #tpu.memory_space<hbm>>, %arg11: memref<2x10240x128xf32, #tpu.memory_space<hbm>>, %arg12: memref<2x80x128xf32, #tpu.memory_space<hbm>>, %arg13: memref<192xi32, #tpu.memory_space<vmem>>, %arg14: memref<64xi32, #tpu.memory_space<vmem>>, %arg15: memref<64xi32, #tpu.memory_space<vmem>>, %arg16: memref<64xi32, #tpu.memory_space<vmem>>, %arg17: memref<64x128xf32, #tpu.memory_space<vmem>>, %arg18: memref<64x128xf32, #tpu.memory_space<vmem>>, %arg19: memref<64x128xf32, #tpu.memory_space<vmem>>, %arg20: memref<64x128xf32, #tpu.memory_space<vmem>>, %arg21: memref<1024xf32, #tpu.memory_space<vmem>>, %arg22: memref<1024xf32, #tpu.memory_space<vmem>>, %arg23: memref<10240xf32, #tpu.memory_space<vmem>>, %arg24: memref<40xi32, #tpu.memory_space<vmem>>, %arg25: memref<40xi32, #tpu.memory_space<vmem>>, %arg26: memref<10240x128xf32, #tpu.memory_space<vmem_shared>>, %arg27: memref<80x128xf32, #tpu.memory_space<vmem_shared>>, %arg28: memref<!tpu.dma_semaphore, #tpu.memory_space<semaphore_mem>>) attributes {dimension_semantics = [#tpu.dimension_semantics<core_parallel>, #tpu.dimension_semantics<subcore_parallel>], iteration_bounds = array<i64: 2, 16>, scalar_prefetch = 0 : i64, scratch_operands = 16 : i64, tpu.core_type = #tpu.core_type<sc_vector_subcore>, window_params = [{transform_indices = #map}, {transform_indices = #map}, {transform_indices = #map}, {transform_indices = #map}, {transform_indices = #map1}, {transform_indices = #map}, {transform_indices = #map1}, {transform_indices = #map1}, {transform_indices = #map1}, {transform_indices = #map2}, {transform_indices = #map2}]} {
    %mul3A = arith.constant 2 : i32
    %mul3A_0 = arith.muli %arg1, %mul3A : i32
    %add3A = arith.addi %mul3A_0, %arg0 : i32
    %mul3A_1 = arith.constant 640 : i32
    %mul3A_2 = arith.muli %arg1, %mul3A_1 : i32
    %mul3A_3 = arith.constant 640 : i32
    %mul3A_4 = arith.muli %arg1, %mul3A_3 : i32
    "tpu.region"() ({
      %run_scoped3A = tpu.sem_alloc : memref<!tpu.dma_semaphore, #tpu.memory_space<semaphore_mem>>
      %dma_start3A = arith.constant 0 : i32
      %dma_start3A_34 = tpu.memref_slice %arg26[%mul3A_4, %dma_start3A] : memref<10240x128xf32, #tpu.memory_space<vmem_shared>> -> memref<640x128xf32, #tpu.memory_space<vmem_shared>>
      %dma_start3A_35 = arith.constant 0 : i32
      %dma_start3A_36 = tpu.memref_slice %arg7[%mul3A_2, %dma_start3A_35] : memref<10240x128xf32, #tpu.memory_space<hbm>> -> memref<640x128xf32, #tpu.memory_space<hbm>>
      tpu.enqueue_dma source(%dma_start3A_36 : memref<640x128xf32, #tpu.memory_space<hbm>>) target(%dma_start3A_34 : memref<640x128xf32, #tpu.memory_space<vmem_shared>>) target_semaphore(%run_scoped3A : memref<!tpu.dma_semaphore, #tpu.memory_space<semaphore_mem>>)
      %dma_wait3A = arith.constant 0 : i32
      %dma_wait3A_37 = tpu.memref_slice %arg26[%mul3A_4, %dma_wait3A] : memref<10240x128xf32, #tpu.memory_space<vmem_shared>> -> memref<640x128xf32, #tpu.memory_space<vmem_shared>>
      %dma_wait3A_38 = arith.constant 0 : i32
      %dma_wait3A_39 = tpu.memref_slice %arg7[%mul3A_2, %dma_wait3A_38] : memref<10240x128xf32, #tpu.memory_space<hbm>> -> memref<640x128xf32, #tpu.memory_space<hbm>>
      tpu.wait_dma2 semaphore(%run_scoped3A : memref<!tpu.dma_semaphore, #tpu.memory_space<semaphore_mem>>) src(%dma_wait3A_39 : memref<640x128xf32, #tpu.memory_space<hbm>>) dst(%dma_wait3A_37 : memref<640x128xf32, #tpu.memory_space<vmem_shared>>)
      tpu.yield
    }) : () -> ()
    %eq3A = arith.constant 0 : i32
    %eq3A_5 = arith.cmpi eq, %arg1, %eq3A : i32
    %convert_element_type3A = arith.extui %eq3A_5 : i1 to i32
    %cond3A = arith.constant 0 : i32
    %cond3A_6 = arith.cmpi ne, %convert_element_type3A, %cond3A : i32
    scf.if %cond3A_6 {
      "tpu.region"() ({
        %run_scoped3A = tpu.sem_alloc : memref<!tpu.dma_semaphore, #tpu.memory_space<semaphore_mem>>
        %dma_start3A = arith.constant 0 : i32
        %dma_start3A_34 = arith.constant 0 : i32
        %dma_start3A_35 = tpu.memref_slice %arg7[%dma_start3A, %dma_start3A_34] : memref<10240x128xf32, #tpu.memory_space<hbm>> -> memref<80x128xf32, #tpu.memory_space<hbm>>
        tpu.enqueue_dma source(%dma_start3A_35 : memref<80x128xf32, #tpu.memory_space<hbm>>) target(%arg27 : memref<80x128xf32, #tpu.memory_space<vmem_shared>>) target_semaphore(%run_scoped3A : memref<!tpu.dma_semaphore, #tpu.memory_space<semaphore_mem>>)
        %dma_wait3A = arith.constant 0 : i32
        %dma_wait3A_36 = arith.constant 0 : i32
        %dma_wait3A_37 = tpu.memref_slice %arg7[%dma_wait3A, %dma_wait3A_36] : memref<10240x128xf32, #tpu.memory_space<hbm>> -> memref<80x128xf32, #tpu.memory_space<hbm>>
        tpu.wait_dma2 semaphore(%run_scoped3A : memref<!tpu.dma_semaphore, #tpu.memory_space<semaphore_mem>>) src(%dma_wait3A_37 : memref<80x128xf32, #tpu.memory_space<hbm>>) dst(%arg27 : memref<80x128xf32, #tpu.memory_space<vmem_shared>>)
        tpu.yield
      }) : () -> ()
    } else {
    }
    "tpu.region"() ({
      %run_scoped3A = tpu.sem_alloc : memref<!tpu.dma_semaphore, #tpu.memory_space<semaphore_mem>>
      tpu.enqueue_dma source(%arg8 : memref<10240xf32, #tpu.memory_space<hbm>>) target(%arg23 : memref<10240xf32, #tpu.memory_space<vmem>>) target_semaphore(%run_scoped3A : memref<!tpu.dma_semaphore, #tpu.memory_space<semaphore_mem>>)
      tpu.wait_dma2 semaphore(%run_scoped3A : memref<!tpu.dma_semaphore, #tpu.memory_space<semaphore_mem>>) src(%arg8 : memref<10240xf32, #tpu.memory_space<hbm>>) dst(%arg23 : memref<10240xf32, #tpu.memory_space<vmem>>)
      tpu.yield
    }) : () -> ()
    "tpu.region"() ({
      %run_scoped3A = tpu.sem_alloc : memref<!tpu.dma_semaphore, #tpu.memory_space<semaphore_mem>>
      tpu.enqueue_dma source(%arg9 : memref<40xi32, #tpu.memory_space<hbm>>) target(%arg24 : memref<40xi32, #tpu.memory_space<vmem>>) target_semaphore(%run_scoped3A : memref<!tpu.dma_semaphore, #tpu.memory_space<semaphore_mem>>)
      tpu.wait_dma2 semaphore(%run_scoped3A : memref<!tpu.dma_semaphore, #tpu.memory_space<semaphore_mem>>) src(%arg9 : memref<40xi32, #tpu.memory_space<hbm>>) dst(%arg24 : memref<40xi32, #tpu.memory_space<vmem>>)
      tpu.yield
    }) : () -> ()
    "tpu.region"() ({
      %run_scoped3A = tpu.sem_alloc : memref<!tpu.dma_semaphore, #tpu.memory_space<semaphore_mem>>
      tpu.enqueue_dma source(%arg10 : memref<40xi32, #tpu.memory_space<hbm>>) target(%arg25 : memref<40xi32, #tpu.memory_space<vmem>>) target_semaphore(%run_scoped3A : memref<!tpu.dma_semaphore, #tpu.memory_space<semaphore_mem>>)
      tpu.wait_dma2 semaphore(%run_scoped3A : memref<!tpu.dma_semaphore, #tpu.memory_space<semaphore_mem>>) src(%arg10 : memref<40xi32, #tpu.memory_space<hbm>>) dst(%arg25 : memref<40xi32, #tpu.memory_space<vmem>>)
      tpu.yield
    }) : () -> ()
    %barrier3A = arith.constant 0 : index
    tpu.barrier barrier_id(%barrier3A)
    %scan3A = arith.constant 0 : i32
    %scan3A_7 = arith.constant 0 : i32
    %scan3A_8 = arith.constant 158 : i32
    %scan3A_9 = arith.addi %scan3A_7, %scan3A_8 : i32
    %scan3A_10 = arith.constant 1 : i32
    scf.for %scan3A_34 = %scan3A_7 to %scan3A_9 step %scan3A_10  : i32 {
      %mul3A_35 = arith.constant 158 : i32
      %mul3A_36 = arith.muli %add3A, %mul3A_35 : i32
      %add3A_37 = arith.addi %mul3A_36, %scan3A_34 : i32
      %mul3A_38 = arith.constant 3 : i32
      %mul3A_39 = arith.muli %add3A_37, %mul3A_38 : i32
      %mul3A_40 = arith.constant 64 : i32
      %mul3A_41 = arith.muli %mul3A_39, %mul3A_40 : i32
      "tpu.region"() ({
        %run_scoped3A = tpu.sem_alloc : memref<!tpu.dma_semaphore, #tpu.memory_space<semaphore_mem>>
        %dma_start3A_128 = tpu.memref_slice %arg6[%mul3A_41] : memref<970752xi32, #tpu.memory_space<hbm>> -> memref<192xi32, #tpu.memory_space<hbm>>
        %dma_start3A_129 = tpu.memref_slice %arg6[%mul3A_41] : memref<970752xi32, #tpu.memory_space<hbm>> -> memref<192xi32, #tpu.memory_space<hbm>>
        tpu.enqueue_dma source(%dma_start3A_129 : memref<192xi32, #tpu.memory_space<hbm>>) target(%arg13 : memref<192xi32, #tpu.memory_space<vmem>>) target_semaphore(%run_scoped3A : memref<!tpu.dma_semaphore, #tpu.memory_space<semaphore_mem>>)
        %dma_wait3A_130 = tpu.memref_slice %arg6[%mul3A_41] : memref<970752xi32, #tpu.memory_space<hbm>> -> memref<192xi32, #tpu.memory_space<hbm>>
        %dma_wait3A_131 = tpu.memref_slice %arg6[%mul3A_41] : memref<970752xi32, #tpu.memory_space<hbm>> -> memref<192xi32, #tpu.memory_space<hbm>>
        tpu.wait_dma2 semaphore(%run_scoped3A : memref<!tpu.dma_semaphore, #tpu.memory_space<semaphore_mem>>) src(%dma_wait3A_131 : memref<192xi32, #tpu.memory_space<hbm>>) dst(%arg13 : memref<192xi32, #tpu.memory_space<vmem>>)
        tpu.yield
      }) : () -> ()
      %get3A = arith.constant 0 : index
      %get3A_42 = tpu.vector_load %arg13[%get3A] {strides = array<i32>} : memref<192xi32, #tpu.memory_space<vmem>>, vector<16xi32>,
      %swap3A = arith.constant 0 : index
      %swap3A_43 = tpu.vector_load %arg14[%swap3A] {strides = array<i32>} : memref<64xi32, #tpu.memory_space<vmem>>, vector<16xi32>,
      tpu.vector_store %arg14[%swap3A], %get3A_42 {strides = array<i32>} : memref<64xi32, #tpu.memory_space<vmem>>, vector<16xi32>,
      %get3A_44 = arith.constant 64 : index
      %get3A_45 = tpu.vector_load %arg13[%get3A_44] {strides = array<i32>} : memref<192xi32, #tpu.memory_space<vmem>>, vector<16xi32>,
      %swap3A_46 = arith.constant 0 : index
      %swap3A_47 = tpu.vector_load %arg15[%swap3A_46] {strides = array<i32>} : memref<64xi32, #tpu.memory_space<vmem>>, vector<16xi32>,
      tpu.vector_store %arg15[%swap3A_46], %get3A_45 {strides = array<i32>} : memref<64xi32, #tpu.memory_space<vmem>>, vector<16xi32>,
      %get3A_48 = arith.constant 128 : index
      %get3A_49 = tpu.vector_load %arg13[%get3A_48] {strides = array<i32>} : memref<192xi32, #tpu.memory_space<vmem>>, vector<16xi32>,
      %swap3A_50 = arith.constant 0 : index
      %swap3A_51 = tpu.vector_load %arg16[%swap3A_50] {strides = array<i32>} : memref<64xi32, #tpu.memory_space<vmem>>, vector<16xi32>,
      tpu.vector_store %arg16[%swap3A_50], %get3A_49 {strides = array<i32>} : memref<64xi32, #tpu.memory_space<vmem>>, vector<16xi32>,
      %get3A_52 = arith.constant 16 : index
      %get3A_53 = tpu.vector_load %arg13[%get3A_52] {strides = array<i32>} : memref<192xi32, #tpu.memory_space<vmem>>, vector<16xi32>,
      %swap3A_54 = arith.constant 16 : index
      %swap3A_55 = tpu.vector_load %arg14[%swap3A_54] {strides = array<i32>} : memref<64xi32, #tpu.memory_space<vmem>>, vector<16xi32>,
      tpu.vector_store %arg14[%swap3A_54], %get3A_53 {strides = array<i32>} : memref<64xi32, #tpu.memory_space<vmem>>, vector<16xi32>,
      %get3A_56 = arith.constant 80 : index
      %get3A_57 = tpu.vector_load %arg13[%get3A_56] {strides = array<i32>} : memref<192xi32, #tpu.memory_space<vmem>>, vector<16xi32>,
      %swap3A_58 = arith.constant 16 : index
      %swap3A_59 = tpu.vector_load %arg15[%swap3A_58] {strides = array<i32>} : memref<64xi32, #tpu.memory_space<vmem>>, vector<16xi32>,
      tpu.vector_store %arg15[%swap3A_58], %get3A_57 {strides = array<i32>} : memref<64xi32, #tpu.memory_space<vmem>>, vector<16xi32>,
      %get3A_60 = arith.constant 144 : index
      %get3A_61 = tpu.vector_load %arg13[%get3A_60] {strides = array<i32>} : memref<192xi32, #tpu.memory_space<vmem>>, vector<16xi32>,
      %swap3A_62 = arith.constant 16 : index
      %swap3A_63 = tpu.vector_load %arg16[%swap3A_62] {strides = array<i32>} : memref<64xi32, #tpu.memory_space<vmem>>, vector<16xi32>,
      tpu.vector_store %arg16[%swap3A_62], %get3A_61 {strides = array<i32>} : memref<64xi32, #tpu.memory_space<vmem>>, vector<16xi32>,
      %get3A_64 = arith.constant 32 : index
      %get3A_65 = tpu.vector_load %arg13[%get3A_64] {strides = array<i32>} : memref<192xi32, #tpu.memory_space<vmem>>, vector<16xi32>,
      %swap3A_66 = arith.constant 32 : index
      %swap3A_67 = tpu.vector_load %arg14[%swap3A_66] {strides = array<i32>} : memref<64xi32, #tpu.memory_space<vmem>>, vector<16xi32>,
      tpu.vector_store %arg14[%swap3A_66], %get3A_65 {strides = array<i32>} : memref<64xi32, #tpu.memory_space<vmem>>, vector<16xi32>,
      %get3A_68 = arith.constant 96 : index
      %get3A_69 = tpu.vector_load %arg13[%get3A_68] {strides = array<i32>} : memref<192xi32, #tpu.memory_space<vmem>>, vector<16xi32>,
      %swap3A_70 = arith.constant 32 : index
      %swap3A_71 = tpu.vector_load %arg15[%swap3A_70] {strides = array<i32>} : memref<64xi32, #tpu.memory_space<vmem>>, vector<16xi32>,
      tpu.vector_store %arg15[%swap3A_70], %get3A_69 {strides = array<i32>} : memref<64xi32, #tpu.memory_space<vmem>>, vector<16xi32>,
      %get3A_72 = arith.constant 160 : index
      %get3A_73 = tpu.vector_load %arg13[%get3A_72] {strides = array<i32>} : memref<192xi32, #tpu.memory_space<vmem>>, vector<16xi32>,
      %swap3A_74 = arith.constant 32 : index
      %swap3A_75 = tpu.vector_load %arg16[%swap3A_74] {strides = array<i32>} : memref<64xi32, #tpu.memory_space<vmem>>, vector<16xi32>,
      tpu.vector_store %arg16[%swap3A_74], %get3A_73 {strides = array<i32>} : memref<64xi32, #tpu.memory_space<vmem>>, vector<16xi32>,
      %get3A_76 = arith.constant 48 : index
      %get3A_77 = tpu.vector_load %arg13[%get3A_76] {strides = array<i32>} : memref<192xi32, #tpu.memory_space<vmem>>, vector<16xi32>,
      %swap3A_78 = arith.constant 48 : index
      %swap3A_79 = tpu.vector_load %arg14[%swap3A_78] {strides = array<i32>} : memref<64xi32, #tpu.memory_space<vmem>>, vector<16xi32>,
      tpu.vector_store %arg14[%swap3A_78], %get3A_77 {strides = array<i32>} : memref<64xi32, #tpu.memory_space<vmem>>, vector<16xi32>,
      %get3A_80 = arith.constant 112 : index
      %get3A_81 = tpu.vector_load %arg13[%get3A_80] {strides = array<i32>} : memref<192xi32, #tpu.memory_space<vmem>>, vector<16xi32>,
      %swap3A_82 = arith.constant 48 : index
      %swap3A_83 = tpu.vector_load %arg15[%swap3A_82] {strides = array<i32>} : memref<64xi32, #tpu.memory_space<vmem>>, vector<16xi32>,
      tpu.vector_store %arg15[%swap3A_82], %get3A_81 {strides = array<i32>} : memref<64xi32, #tpu.memory_space<vmem>>, vector<16xi32>,
      %get3A_84 = arith.constant 176 : index
      %get3A_85 = tpu.vector_load %arg13[%get3A_84] {strides = array<i32>} : memref<192xi32, #tpu.memory_space<vmem>>, vector<16xi32>,
      %swap3A_86 = arith.constant 48 : index
      %swap3A_87 = tpu.vector_load %arg16[%swap3A_86] {strides = array<i32>} : memref<64xi32, #tpu.memory_space<vmem>>, vector<16xi32>,
      tpu.vector_store %arg16[%swap3A_86], %get3A_85 {strides = array<i32>} : memref<64xi32, #tpu.memory_space<vmem>>, vector<16xi32>,
      %dma_start3A = arith.constant 0 : i32
      %dma_start3A_88 = arith.constant 0 : i32
      %dma_start3A_89 = tpu.memref_slice %arg2[%dma_start3A, %dma_start3A_88] : memref<10240x128xf32, #tpu.memory_space<hbm>> -> memref<10240x128xf32, #tpu.memory_space<hbm>>
      tpu.enqueue_indirect_dma source(%dma_start3A_89 : memref<10240x128xf32, #tpu.memory_space<hbm>>) target(%arg17 : memref<64x128xf32, #tpu.memory_space<vmem>>) offsets(%arg15 : memref<64xi32, #tpu.memory_space<vmem>>) semaphore(%arg28 : memref<!tpu.dma_semaphore, #tpu.memory_space<semaphore_mem>>)
      %dma_start3A_90 = arith.constant 0 : i32
      %dma_start3A_91 = arith.constant 0 : i32
      %dma_start3A_92 = tpu.memref_slice %arg3[%dma_start3A_90, %dma_start3A_91] : memref<10240x128xf32, #tpu.memory_space<hbm>> -> memref<10240x128xf32, #tpu.memory_space<hbm>>
      tpu.enqueue_indirect_dma source(%dma_start3A_92 : memref<10240x128xf32, #tpu.memory_space<hbm>>) target(%arg18 : memref<64x128xf32, #tpu.memory_space<vmem>>) offsets(%arg14 : memref<64xi32, #tpu.memory_space<vmem>>) semaphore(%arg28 : memref<!tpu.dma_semaphore, #tpu.memory_space<semaphore_mem>>)
      %dma_start3A_93 = arith.constant 0 : i32
      %dma_start3A_94 = arith.constant 0 : i32
      %dma_start3A_95 = tpu.memref_slice %arg5[%dma_start3A_93, %dma_start3A_94] : memref<672x128xf32, #tpu.memory_space<hbm>> -> memref<672x128xf32, #tpu.memory_space<hbm>>
      tpu.enqueue_indirect_dma source(%dma_start3A_95 : memref<672x128xf32, #tpu.memory_space<hbm>>) target(%arg20 : memref<64x128xf32, #tpu.memory_space<vmem>>) offsets(%arg16 : memref<64xi32, #tpu.memory_space<vmem>>) semaphore(%arg28 : memref<!tpu.dma_semaphore, #tpu.memory_space<semaphore_mem>>)
      %dma_start3A_96 = arith.constant 0 : i32
      %dma_start3A_97 = arith.constant 0 : i32
      %dma_start3A_98 = tpu.memref_slice %arg4[%dma_start3A_96, %dma_start3A_97] : memref<10240x128xf32, #tpu.memory_space<hbm>> -> memref<10240x128xf32, #tpu.memory_space<hbm>>
      tpu.enqueue_indirect_dma source(%dma_start3A_98 : memref<10240x128xf32, #tpu.memory_space<hbm>>) target(%arg19 : memref<64x128xf32, #tpu.memory_space<vmem>>) offsets(%arg14 : memref<64xi32, #tpu.memory_space<vmem>>) semaphore(%arg28 : memref<!tpu.dma_semaphore, #tpu.memory_space<semaphore_mem>>)
      %dma_wait3A = arith.constant 0 : i32
      %dma_wait3A_99 = arith.constant 0 : i32
      %dma_wait3A_100 = tpu.memref_slice %arg2[%dma_wait3A, %dma_wait3A_99] : memref<10240x128xf32, #tpu.memory_space<hbm>> -> memref<10240x128xf32, #tpu.memory_space<hbm>>
      tpu.wait_indirect_dma semaphore(%arg28 : memref<!tpu.dma_semaphore, #tpu.memory_space<semaphore_mem>>) src(%dma_wait3A_100 : memref<10240x128xf32, #tpu.memory_space<hbm>>) dst(%arg17 : memref<64x128xf32, #tpu.memory_space<vmem>>)
      %dma_wait3A_101 = arith.constant 0 : i32
      %dma_wait3A_102 = arith.constant 0 : i32
      %dma_wait3A_103 = tpu.memref_slice %arg3[%dma_wait3A_101, %dma_wait3A_102] : memref<10240x128xf32, #tpu.memory_space<hbm>> -> memref<10240x128xf32, #tpu.memory_space<hbm>>
      tpu.wait_indirect_dma semaphore(%arg28 : memref<!tpu.dma_semaphore, #tpu.memory_space<semaphore_mem>>) src(%dma_wait3A_103 : memref<10240x128xf32, #tpu.memory_space<hbm>>) dst(%arg18 : memref<64x128xf32, #tpu.memory_space<vmem>>)
      %dma_wait3A_104 = arith.constant 0 : i32
      %dma_wait3A_105 = arith.constant 0 : i32
      %dma_wait3A_106 = tpu.memref_slice %arg5[%dma_wait3A_104, %dma_wait3A_105] : memref<672x128xf32, #tpu.memory_space<hbm>> -> memref<672x128xf32, #tpu.memory_space<hbm>>
      tpu.wait_indirect_dma semaphore(%arg28 : memref<!tpu.dma_semaphore, #tpu.memory_space<semaphore_mem>>) src(%dma_wait3A_106 : memref<672x128xf32, #tpu.memory_space<hbm>>) dst(%arg20 : memref<64x128xf32, #tpu.memory_space<vmem>>)
      %dma_wait3A_107 = arith.constant 0 : i32
      %dma_wait3A_108 = arith.constant 0 : i32
      %dma_wait3A_109 = tpu.memref_slice %arg4[%dma_wait3A_107, %dma_wait3A_108] : memref<10240x128xf32, #tpu.memory_space<hbm>> -> memref<10240x128xf32, #tpu.memory_space<hbm>>
      tpu.wait_indirect_dma semaphore(%arg28 : memref<!tpu.dma_semaphore, #tpu.memory_space<semaphore_mem>>) src(%dma_wait3A_109 : memref<10240x128xf32, #tpu.memory_space<hbm>>) dst(%arg19 : memref<64x128xf32, #tpu.memory_space<vmem>>)
      %scan3A_110 = arith.constant 0 : i32
      %scan3A_111 = arith.constant 0 : i32
      %scan3A_112 = arith.constant 64 : i32
      %scan3A_113 = arith.addi %scan3A_111, %scan3A_112 : i32
      %scan3A_114 = arith.constant 1 : i32
      scf.for %scan3A_128 = %scan3A_111 to %scan3A_113 step %scan3A_114  : i32 {
        %broadcast_in_dim3A = arith.constant 0.000000e+00 : f32
        %broadcast_in_dim3A_129 = vector.broadcast %broadcast_in_dim3A : f32 to vector<16xf32>
        %get3A_130 = arith.index_cast %scan3A_128 : i32 to index
        %get3A_131 = arith.constant 0 : index
        %get3A_132 = tpu.vector_load %arg17[%get3A_130, %get3A_131] {strides = array<i32>} : memref<64x128xf32, #tpu.memory_space<vmem>>, vector<16xf32>,
        %get3A_133 = arith.index_cast %scan3A_128 : i32 to index
        %get3A_134 = arith.constant 0 : index
        %get3A_135 = tpu.vector_load %arg18[%get3A_133, %get3A_134] {strides = array<i32>} : memref<64x128xf32, #tpu.memory_space<vmem>>, vector<16xf32>,
        %get3A_136 = arith.index_cast %scan3A_128 : i32 to index
        %get3A_137 = arith.constant 0 : index
        %get3A_138 = tpu.vector_load %arg20[%get3A_136, %get3A_137] {strides = array<i32>} : memref<64x128xf32, #tpu.memory_space<vmem>>, vector<16xf32>,
        %add3A_139 = arith.addf %get3A_135, %get3A_138 : vector<16xf32>
        %mul3A_140 = arith.mulf %get3A_132, %add3A_139 : vector<16xf32>
        %add3A_141 = arith.addf %broadcast_in_dim3A_129, %mul3A_140 : vector<16xf32>
        %get3A_142 = arith.index_cast %scan3A_128 : i32 to index
        %get3A_143 = arith.constant 16 : index
        %get3A_144 = tpu.vector_load %arg17[%get3A_142, %get3A_143] {strides = array<i32>} : memref<64x128xf32, #tpu.memory_space<vmem>>, vector<16xf32>,
        %get3A_145 = arith.index_cast %scan3A_128 : i32 to index
        %get3A_146 = arith.constant 16 : index
        %get3A_147 = tpu.vector_load %arg18[%get3A_145, %get3A_146] {strides = array<i32>} : memref<64x128xf32, #tpu.memory_space<vmem>>, vector<16xf32>,
        %get3A_148 = arith.index_cast %scan3A_128 : i32 to index
        %get3A_149 = arith.constant 16 : index
        %get3A_150 = tpu.vector_load %arg20[%get3A_148, %get3A_149] {strides = array<i32>} : memref<64x128xf32, #tpu.memory_space<vmem>>, vector<16xf32>,
        %add3A_151 = arith.addf %get3A_147, %get3A_150 : vector<16xf32>
        %mul3A_152 = arith.mulf %get3A_144, %add3A_151 : vector<16xf32>
        %add3A_153 = arith.addf %add3A_141, %mul3A_152 : vector<16xf32>
        %get3A_154 = arith.index_cast %scan3A_128 : i32 to index
        %get3A_155 = arith.constant 32 : index
        %get3A_156 = tpu.vector_load %arg17[%get3A_154, %get3A_155] {strides = array<i32>} : memref<64x128xf32, #tpu.memory_space<vmem>>, vector<16xf32>,
        %get3A_157 = arith.index_cast %scan3A_128 : i32 to index
        %get3A_158 = arith.constant 32 : index
        %get3A_159 = tpu.vector_load %arg18[%get3A_157, %get3A_158] {strides = array<i32>} : memref<64x128xf32, #tpu.memory_space<vmem>>, vector<16xf32>,
        %get3A_160 = arith.index_cast %scan3A_128 : i32 to index
        %get3A_161 = arith.constant 32 : index
        %get3A_162 = tpu.vector_load %arg20[%get3A_160, %get3A_161] {strides = array<i32>} : memref<64x128xf32, #tpu.memory_space<vmem>>, vector<16xf32>,
        %add3A_163 = arith.addf %get3A_159, %get3A_162 : vector<16xf32>
        %mul3A_164 = arith.mulf %get3A_156, %add3A_163 : vector<16xf32>
        %add3A_165 = arith.addf %add3A_153, %mul3A_164 : vector<16xf32>
        %get3A_166 = arith.index_cast %scan3A_128 : i32 to index
        %get3A_167 = arith.constant 48 : index
        %get3A_168 = tpu.vector_load %arg17[%get3A_166, %get3A_167] {strides = array<i32>} : memref<64x128xf32, #tpu.memory_space<vmem>>, vector<16xf32>,
        %get3A_169 = arith.index_cast %scan3A_128 : i32 to index
        %get3A_170 = arith.constant 48 : index
        %get3A_171 = tpu.vector_load %arg18[%get3A_169, %get3A_170] {strides = array<i32>} : memref<64x128xf32, #tpu.memory_space<vmem>>, vector<16xf32>,
        %get3A_172 = arith.index_cast %scan3A_128 : i32 to index
        %get3A_173 = arith.constant 48 : index
        %get3A_174 = tpu.vector_load %arg20[%get3A_172, %get3A_173] {strides = array<i32>} : memref<64x128xf32, #tpu.memory_space<vmem>>, vector<16xf32>,
        %add3A_175 = arith.addf %get3A_171, %get3A_174 : vector<16xf32>
        %mul3A_176 = arith.mulf %get3A_168, %add3A_175 : vector<16xf32>
        %add3A_177 = arith.addf %add3A_165, %mul3A_176 : vector<16xf32>
        %get3A_178 = arith.index_cast %scan3A_128 : i32 to index
        %get3A_179 = arith.constant 64 : index
        %get3A_180 = tpu.vector_load %arg17[%get3A_178, %get3A_179] {strides = array<i32>} : memref<64x128xf32, #tpu.memory_space<vmem>>, vector<16xf32>,
        %get3A_181 = arith.index_cast %scan3A_128 : i32 to index
        %get3A_182 = arith.constant 64 : index
        %get3A_183 = tpu.vector_load %arg18[%get3A_181, %get3A_182] {strides = array<i32>} : memref<64x128xf32, #tpu.memory_space<vmem>>, vector<16xf32>,
        %get3A_184 = arith.index_cast %scan3A_128 : i32 to index
        %get3A_185 = arith.constant 64 : index
        %get3A_186 = tpu.vector_load %arg20[%get3A_184, %get3A_185] {strides = array<i32>} : memref<64x128xf32, #tpu.memory_space<vmem>>, vector<16xf32>,
        %add3A_187 = arith.addf %get3A_183, %get3A_186 : vector<16xf32>
        %mul3A_188 = arith.mulf %get3A_180, %add3A_187 : vector<16xf32>
        %add3A_189 = arith.addf %add3A_177, %mul3A_188 : vector<16xf32>
        %get3A_190 = arith.index_cast %scan3A_128 : i32 to index
        %get3A_191 = arith.constant 80 : index
        %get3A_192 = tpu.vector_load %arg17[%get3A_190, %get3A_191] {strides = array<i32>} : memref<64x128xf32, #tpu.memory_space<vmem>>, vector<16xf32>,
        %get3A_193 = arith.index_cast %scan3A_128 : i32 to index
        %get3A_194 = arith.constant 80 : index
        %get3A_195 = tpu.vector_load %arg18[%get3A_193, %get3A_194] {strides = array<i32>} : memref<64x128xf32, #tpu.memory_space<vmem>>, vector<16xf32>,
        %get3A_196 = arith.index_cast %scan3A_128 : i32 to index
        %get3A_197 = arith.constant 80 : index
        %get3A_198 = tpu.vector_load %arg20[%get3A_196, %get3A_197] {strides = array<i32>} : memref<64x128xf32, #tpu.memory_space<vmem>>, vector<16xf32>,
        %add3A_199 = arith.addf %get3A_195, %get3A_198 : vector<16xf32>
        %mul3A_200 = arith.mulf %get3A_192, %add3A_199 : vector<16xf32>
        %add3A_201 = arith.addf %add3A_189, %mul3A_200 : vector<16xf32>
        %get3A_202 = arith.index_cast %scan3A_128 : i32 to index
        %get3A_203 = arith.constant 96 : index
        %get3A_204 = tpu.vector_load %arg17[%get3A_202, %get3A_203] {strides = array<i32>} : memref<64x128xf32, #tpu.memory_space<vmem>>, vector<16xf32>,
        %get3A_205 = arith.index_cast %scan3A_128 : i32 to index
        %get3A_206 = arith.constant 96 : index
        %get3A_207 = tpu.vector_load %arg18[%get3A_205, %get3A_206] {strides = array<i32>} : memref<64x128xf32, #tpu.memory_space<vmem>>, vector<16xf32>,
        %get3A_208 = arith.index_cast %scan3A_128 : i32 to index
        %get3A_209 = arith.constant 96 : index
        %get3A_210 = tpu.vector_load %arg20[%get3A_208, %get3A_209] {strides = array<i32>} : memref<64x128xf32, #tpu.memory_space<vmem>>, vector<16xf32>,
        %add3A_211 = arith.addf %get3A_207, %get3A_210 : vector<16xf32>
        %mul3A_212 = arith.mulf %get3A_204, %add3A_211 : vector<16xf32>
        %add3A_213 = arith.addf %add3A_201, %mul3A_212 : vector<16xf32>
        %get3A_214 = arith.index_cast %scan3A_128 : i32 to index
        %get3A_215 = arith.constant 112 : index
        %get3A_216 = tpu.vector_load %arg17[%get3A_214, %get3A_215] {strides = array<i32>} : memref<64x128xf32, #tpu.memory_space<vmem>>, vector<16xf32>,
        %get3A_217 = arith.index_cast %scan3A_128 : i32 to index
        %get3A_218 = arith.constant 112 : index
        %get3A_219 = tpu.vector_load %arg18[%get3A_217, %get3A_218] {strides = array<i32>} : memref<64x128xf32, #tpu.memory_space<vmem>>, vector<16xf32>,
        %get3A_220 = arith.index_cast %scan3A_128 : i32 to index
        %get3A_221 = arith.constant 112 : index
        %get3A_222 = tpu.vector_load %arg20[%get3A_220, %get3A_221] {strides = array<i32>} : memref<64x128xf32, #tpu.memory_space<vmem>>, vector<16xf32>,
        %add3A_223 = arith.addf %get3A_219, %get3A_222 : vector<16xf32>
        %mul3A_224 = arith.mulf %get3A_216, %add3A_223 : vector<16xf32>
        %add3A_225 = arith.addf %add3A_213, %mul3A_224 : vector<16xf32>
        %mul3A_226 = arith.constant 16 : i32
        %mul3A_227 = arith.muli %scan3A_128, %mul3A_226 : i32
        %swap3A_228 = arith.index_cast %mul3A_227 : i32 to index
        %swap3A_229 = tpu.vector_load %arg21[%swap3A_228] {strides = array<i32>} : memref<1024xf32, #tpu.memory_space<vmem>>, vector<16xf32>,
        tpu.vector_store %arg21[%swap3A_228], %add3A_225 {strides = array<i32>} : memref<1024xf32, #tpu.memory_space<vmem>>, vector<16xf32>,
      }
      %scan3A_115 = arith.constant 64 : i32
      %scan3A_116 = arith.constant 0 : i32
      %scan3A_117 = arith.constant 0 : i32
      %scan3A_118 = arith.constant 4 : i32
      %scan3A_119 = arith.addi %scan3A_117, %scan3A_118 : i32
      %scan3A_120 = arith.constant 1 : i32
      scf.for %scan3A_128 = %scan3A_117 to %scan3A_119 step %scan3A_120  : i32 {
        %iota3A = tpu.iota {dimensions = array<i32: 0>} : vector<16xi32>
        %mul3A_129 = arith.constant 16 : i32
        %mul3A_130 = vector.broadcast %mul3A_129 : i32 to vector<16xi32>
        %mul3A_131 = arith.muli %iota3A, %mul3A_130 : vector<16xi32>
        %broadcast_in_dim3A = arith.constant 0.000000e+00 : f32
        %broadcast_in_dim3A_132 = vector.broadcast %broadcast_in_dim3A : f32 to vector<16xf32>
        %mul3A_133 = arith.constant 256 : i32
        %mul3A_134 = arith.muli %scan3A_128, %mul3A_133 : i32
        %add3A_135 = arith.constant 0 : i32
        %add3A_136 = arith.addi %mul3A_134, %add3A_135 : i32
        %add3A_137 = vector.broadcast %add3A_136 : i32 to vector<16xi32>
        %add3A_138 = arith.addi %mul3A_131, %add3A_137 : vector<16xi32>
        %gather3A = tpu.vector_load_idx %arg21[%add3A_138] : memref<1024xf32, #tpu.memory_space<vmem>>[vector<16xi32>], vector<16xf32>,
        %add3A_139 = arith.addf %broadcast_in_dim3A_132, %gather3A : vector<16xf32>
        %mul3A_140 = arith.constant 256 : i32
        %mul3A_141 = arith.muli %scan3A_128, %mul3A_140 : i32
        %add3A_142 = arith.constant 1 : i32
        %add3A_143 = arith.addi %mul3A_141, %add3A_142 : i32
        %add3A_144 = vector.broadcast %add3A_143 : i32 to vector<16xi32>
        %add3A_145 = arith.addi %mul3A_131, %add3A_144 : vector<16xi32>
        %gather3A_146 = tpu.vector_load_idx %arg21[%add3A_145] : memref<1024xf32, #tpu.memory_space<vmem>>[vector<16xi32>], vector<16xf32>,
        %add3A_147 = arith.addf %add3A_139, %gather3A_146 : vector<16xf32>
        %mul3A_148 = arith.constant 256 : i32
        %mul3A_149 = arith.muli %scan3A_128, %mul3A_148 : i32
        %add3A_150 = arith.constant 2 : i32
        %add3A_151 = arith.addi %mul3A_149, %add3A_150 : i32
        %add3A_152 = vector.broadcast %add3A_151 : i32 to vector<16xi32>
        %add3A_153 = arith.addi %mul3A_131, %add3A_152 : vector<16xi32>
        %gather3A_154 = tpu.vector_load_idx %arg21[%add3A_153] : memref<1024xf32, #tpu.memory_space<vmem>>[vector<16xi32>], vector<16xf32>,
        %add3A_155 = arith.addf %add3A_147, %gather3A_154 : vector<16xf32>
        %mul3A_156 = arith.constant 256 : i32
        %mul3A_157 = arith.muli %scan3A_128, %mul3A_156 : i32
        %add3A_158 = arith.constant 3 : i32
        %add3A_159 = arith.addi %mul3A_157, %add3A_158 : i32
        %add3A_160 = vector.broadcast %add3A_159 : i32 to vector<16xi32>
        %add3A_161 = arith.addi %mul3A_131, %add3A_160 : vector<16xi32>
        %gather3A_162 = tpu.vector_load_idx %arg21[%add3A_161] : memref<1024xf32, #tpu.memory_space<vmem>>[vector<16xi32>], vector<16xf32>,
        %add3A_163 = arith.addf %add3A_155, %gather3A_162 : vector<16xf32>
        %mul3A_164 = arith.constant 256 : i32
        %mul3A_165 = arith.muli %scan3A_128, %mul3A_164 : i32
        %add3A_166 = arith.constant 4 : i32
        %add3A_167 = arith.addi %mul3A_165, %add3A_166 : i32
        %add3A_168 = vector.broadcast %add3A_167 : i32 to vector<16xi32>
        %add3A_169 = arith.addi %mul3A_131, %add3A_168 : vector<16xi32>
        %gather3A_170 = tpu.vector_load_idx %arg21[%add3A_169] : memref<1024xf32, #tpu.memory_space<vmem>>[vector<16xi32>], vector<16xf32>,
        %add3A_171 = arith.addf %add3A_163, %gather3A_170 : vector<16xf32>
        %mul3A_172 = arith.constant 256 : i32
        %mul3A_173 = arith.muli %scan3A_128, %mul3A_172 : i32
        %add3A_174 = arith.constant 5 : i32
        %add3A_175 = arith.addi %mul3A_173, %add3A_174 : i32
        %add3A_176 = vector.broadcast %add3A_175 : i32 to vector<16xi32>
        %add3A_177 = arith.addi %mul3A_131, %add3A_176 : vector<16xi32>
        %gather3A_178 = tpu.vector_load_idx %arg21[%add3A_177] : memref<1024xf32, #tpu.memory_space<vmem>>[vector<16xi32>], vector<16xf32>,
        %add3A_179 = arith.addf %add3A_171, %gather3A_178 : vector<16xf32>
        %mul3A_180 = arith.constant 256 : i32
        %mul3A_181 = arith.muli %scan3A_128, %mul3A_180 : i32
        %add3A_182 = arith.constant 6 : i32
        %add3A_183 = arith.addi %mul3A_181, %add3A_182 : i32
        %add3A_184 = vector.broadcast %add3A_183 : i32 to vector<16xi32>
        %add3A_185 = arith.addi %mul3A_131, %add3A_184 : vector<16xi32>
        %gather3A_186 = tpu.vector_load_idx %arg21[%add3A_185] : memref<1024xf32, #tpu.memory_space<vmem>>[vector<16xi32>], vector<16xf32>,
        %add3A_187 = arith.addf %add3A_179, %gather3A_186 : vector<16xf32>
        %mul3A_188 = arith.constant 256 : i32
        %mul3A_189 = arith.muli %scan3A_128, %mul3A_188 : i32
        %add3A_190 = arith.constant 7 : i32
        %add3A_191 = arith.addi %mul3A_189, %add3A_190 : i32
        %add3A_192 = vector.broadcast %add3A_191 : i32 to vector<16xi32>
        %add3A_193 = arith.addi %mul3A_131, %add3A_192 : vector<16xi32>
        %gather3A_194 = tpu.vector_load_idx %arg21[%add3A_193] : memref<1024xf32, #tpu.memory_space<vmem>>[vector<16xi32>], vector<16xf32>,
        %add3A_195 = arith.addf %add3A_187, %gather3A_194 : vector<16xf32>
        %mul3A_196 = arith.constant 256 : i32
        %mul3A_197 = arith.muli %scan3A_128, %mul3A_196 : i32
        %add3A_198 = arith.constant 8 : i32
        %add3A_199 = arith.addi %mul3A_197, %add3A_198 : i32
        %add3A_200 = vector.broadcast %add3A_199 : i32 to vector<16xi32>
        %add3A_201 = arith.addi %mul3A_131, %add3A_200 : vector<16xi32>
        %gather3A_202 = tpu.vector_load_idx %arg21[%add3A_201] : memref<1024xf32, #tpu.memory_space<vmem>>[vector<16xi32>], vector<16xf32>,
        %add3A_203 = arith.addf %add3A_195, %gather3A_202 : vector<16xf32>
        %mul3A_204 = arith.constant 256 : i32
        %mul3A_205 = arith.muli %scan3A_128, %mul3A_204 : i32
        %add3A_206 = arith.constant 9 : i32
        %add3A_207 = arith.addi %mul3A_205, %add3A_206 : i32
        %add3A_208 = vector.broadcast %add3A_207 : i32 to vector<16xi32>
        %add3A_209 = arith.addi %mul3A_131, %add3A_208 : vector<16xi32>
        %gather3A_210 = tpu.vector_load_idx %arg21[%add3A_209] : memref<1024xf32, #tpu.memory_space<vmem>>[vector<16xi32>], vector<16xf32>,
        %add3A_211 = arith.addf %add3A_203, %gather3A_210 : vector<16xf32>
        %mul3A_212 = arith.constant 256 : i32
        %mul3A_213 = arith.muli %scan3A_128, %mul3A_212 : i32
        %add3A_214 = arith.constant 10 : i32
        %add3A_215 = arith.addi %mul3A_213, %add3A_214 : i32
        %add3A_216 = vector.broadcast %add3A_215 : i32 to vector<16xi32>
        %add3A_217 = arith.addi %mul3A_131, %add3A_216 : vector<16xi32>
        %gather3A_218 = tpu.vector_load_idx %arg21[%add3A_217] : memref<1024xf32, #tpu.memory_space<vmem>>[vector<16xi32>], vector<16xf32>,
        %add3A_219 = arith.addf %add3A_211, %gather3A_218 : vector<16xf32>
        %mul3A_220 = arith.constant 256 : i32
        %mul3A_221 = arith.muli %scan3A_128, %mul3A_220 : i32
        %add3A_222 = arith.constant 11 : i32
        %add3A_223 = arith.addi %mul3A_221, %add3A_222 : i32
        %add3A_224 = vector.broadcast %add3A_223 : i32 to vector<16xi32>
        %add3A_225 = arith.addi %mul3A_131, %add3A_224 : vector<16xi32>
        %gather3A_226 = tpu.vector_load_idx %arg21[%add3A_225] : memref<1024xf32, #tpu.memory_space<vmem>>[vector<16xi32>], vector<16xf32>,
        %add3A_227 = arith.addf %add3A_219, %gather3A_226 : vector<16xf32>
        %mul3A_228 = arith.constant 256 : i32
        %mul3A_229 = arith.muli %scan3A_128, %mul3A_228 : i32
        %add3A_230 = arith.constant 12 : i32
        %add3A_231 = arith.addi %mul3A_229, %add3A_230 : i32
        %add3A_232 = vector.broadcast %add3A_231 : i32 to vector<16xi32>
        %add3A_233 = arith.addi %mul3A_131, %add3A_232 : vector<16xi32>
        %gather3A_234 = tpu.vector_load_idx %arg21[%add3A_233] : memref<1024xf32, #tpu.memory_space<vmem>>[vector<16xi32>], vector<16xf32>,
        %add3A_235 = arith.addf %add3A_227, %gather3A_234 : vector<16xf32>
        %mul3A_236 = arith.constant 256 : i32
        %mul3A_237 = arith.muli %scan3A_128, %mul3A_236 : i32
        %add3A_238 = arith.constant 13 : i32
        %add3A_239 = arith.addi %mul3A_237, %add3A_238 : i32
        %add3A_240 = vector.broadcast %add3A_239 : i32 to vector<16xi32>
        %add3A_241 = arith.addi %mul3A_131, %add3A_240 : vector<16xi32>
        %gather3A_242 = tpu.vector_load_idx %arg21[%add3A_241] : memref<1024xf32, #tpu.memory_space<vmem>>[vector<16xi32>], vector<16xf32>,
        %add3A_243 = arith.addf %add3A_235, %gather3A_242 : vector<16xf32>
        %mul3A_244 = arith.constant 256 : i32
        %mul3A_245 = arith.muli %scan3A_128, %mul3A_244 : i32
        %add3A_246 = arith.constant 14 : i32
        %add3A_247 = arith.addi %mul3A_245, %add3A_246 : i32
        %add3A_248 = vector.broadcast %add3A_247 : i32 to vector<16xi32>
        %add3A_249 = arith.addi %mul3A_131, %add3A_248 : vector<16xi32>
        %gather3A_250 = tpu.vector_load_idx %arg21[%add3A_249] : memref<1024xf32, #tpu.memory_space<vmem>>[vector<16xi32>], vector<16xf32>,
        %add3A_251 = arith.addf %add3A_243, %gather3A_250 : vector<16xf32>
        %mul3A_252 = arith.constant 256 : i32
        %mul3A_253 = arith.muli %scan3A_128, %mul3A_252 : i32
        %add3A_254 = arith.constant 15 : i32
        %add3A_255 = arith.addi %mul3A_253, %add3A_254 : i32
        %add3A_256 = vector.broadcast %add3A_255 : i32 to vector<16xi32>
        %add3A_257 = arith.addi %mul3A_131, %add3A_256 : vector<16xi32>
        %gather3A_258 = tpu.vector_load_idx %arg21[%add3A_257] : memref<1024xf32, #tpu.memory_space<vmem>>[vector<16xi32>], vector<16xf32>,
        %add3A_259 = arith.addf %add3A_251, %gather3A_258 : vector<16xf32>
        %exp3A = math.exp %add3A_259 : vector<16xf32>
        %mul3A_260 = arith.constant 16 : i32
        %mul3A_261 = arith.muli %scan3A_128, %mul3A_260 : i32
        %get3A_262 = arith.index_cast %mul3A_261 : i32 to index
        %get3A_263 = tpu.vector_load %arg15[%get3A_262] {strides = array<i32>} : memref<64xi32, #tpu.memory_space<vmem>>, vector<16xi32>,
        tpu.vector_store_idx %arg23[%get3A_263], %exp3A {add = true} : memref<10240xf32, #tpu.memory_space<vmem>>[vector<16xi32>], vector<16xf32>,
        %mul3A_264 = arith.constant 256 : i32
        %mul3A_265 = arith.muli %scan3A_128, %mul3A_264 : i32
        %add3A_266 = arith.constant 0 : i32
        %add3A_267 = arith.addi %mul3A_265, %add3A_266 : i32
        %add3A_268 = vector.broadcast %add3A_267 : i32 to vector<16xi32>
        %add3A_269 = arith.addi %mul3A_131, %add3A_268 : vector<16xi32>
        tpu.vector_store_idx %arg22[%add3A_269], %exp3A : memref<1024xf32, #tpu.memory_space<vmem>>[vector<16xi32>], vector<16xf32>,
        %mul3A_270 = arith.constant 256 : i32
        %mul3A_271 = arith.muli %scan3A_128, %mul3A_270 : i32
        %add3A_272 = arith.constant 1 : i32
        %add3A_273 = arith.addi %mul3A_271, %add3A_272 : i32
        %add3A_274 = vector.broadcast %add3A_273 : i32 to vector<16xi32>
        %add3A_275 = arith.addi %mul3A_131, %add3A_274 : vector<16xi32>
        tpu.vector_store_idx %arg22[%add3A_275], %exp3A : memref<1024xf32, #tpu.memory_space<vmem>>[vector<16xi32>], vector<16xf32>,
        %mul3A_276 = arith.constant 256 : i32
        %mul3A_277 = arith.muli %scan3A_128, %mul3A_276 : i32
        %add3A_278 = arith.constant 2 : i32
        %add3A_279 = arith.addi %mul3A_277, %add3A_278 : i32
        %add3A_280 = vector.broadcast %add3A_279 : i32 to vector<16xi32>
        %add3A_281 = arith.addi %mul3A_131, %add3A_280 : vector<16xi32>
        tpu.vector_store_idx %arg22[%add3A_281], %exp3A : memref<1024xf32, #tpu.memory_space<vmem>>[vector<16xi32>], vector<16xf32>,
        %mul3A_282 = arith.constant 256 : i32
        %mul3A_283 = arith.muli %scan3A_128, %mul3A_282 : i32
        %add3A_284 = arith.constant 3 : i32
        %add3A_285 = arith.addi %mul3A_283, %add3A_284 : i32
        %add3A_286 = vector.broadcast %add3A_285 : i32 to vector<16xi32>
        %add3A_287 = arith.addi %mul3A_131, %add3A_286 : vector<16xi32>
        tpu.vector_store_idx %arg22[%add3A_287], %exp3A : memref<1024xf32, #tpu.memory_space<vmem>>[vector<16xi32>], vector<16xf32>,
        %mul3A_288 = arith.constant 256 : i32
        %mul3A_289 = arith.muli %scan3A_128, %mul3A_288 : i32
        %add3A_290 = arith.constant 4 : i32
        %add3A_291 = arith.addi %mul3A_289, %add3A_290 : i32
        %add3A_292 = vector.broadcast %add3A_291 : i32 to vector<16xi32>
        %add3A_293 = arith.addi %mul3A_131, %add3A_292 : vector<16xi32>
        tpu.vector_store_idx %arg22[%add3A_293], %exp3A : memref<1024xf32, #tpu.memory_space<vmem>>[vector<16xi32>], vector<16xf32>,
        %mul3A_294 = arith.constant 256 : i32
        %mul3A_295 = arith.muli %scan3A_128, %mul3A_294 : i32
        %add3A_296 = arith.constant 5 : i32
        %add3A_297 = arith.addi %mul3A_295, %add3A_296 : i32
        %add3A_298 = vector.broadcast %add3A_297 : i32 to vector<16xi32>
        %add3A_299 = arith.addi %mul3A_131, %add3A_298 : vector<16xi32>
        tpu.vector_store_idx %arg22[%add3A_299], %exp3A : memref<1024xf32, #tpu.memory_space<vmem>>[vector<16xi32>], vector<16xf32>,
        %mul3A_300 = arith.constant 256 : i32
        %mul3A_301 = arith.muli %scan3A_128, %mul3A_300 : i32
        %add3A_302 = arith.constant 6 : i32
        %add3A_303 = arith.addi %mul3A_301, %add3A_302 : i32
        %add3A_304 = vector.broadcast %add3A_303 : i32 to vector<16xi32>
        %add3A_305 = arith.addi %mul3A_131, %add3A_304 : vector<16xi32>
        tpu.vector_store_idx %arg22[%add3A_305], %exp3A : memref<1024xf32, #tpu.memory_space<vmem>>[vector<16xi32>], vector<16xf32>,
        %mul3A_306 = arith.constant 256 : i32
        %mul3A_307 = arith.muli %scan3A_128, %mul3A_306 : i32
        %add3A_308 = arith.constant 7 : i32
        %add3A_309 = arith.addi %mul3A_307, %add3A_308 : i32
        %add3A_310 = vector.broadcast %add3A_309 : i32 to vector<16xi32>
        %add3A_311 = arith.addi %mul3A_131, %add3A_310 : vector<16xi32>
        tpu.vector_store_idx %arg22[%add3A_311], %exp3A : memref<1024xf32, #tpu.memory_space<vmem>>[vector<16xi32>], vector<16xf32>,
        %mul3A_312 = arith.constant 256 : i32
        %mul3A_313 = arith.muli %scan3A_128, %mul3A_312 : i32
        %add3A_314 = arith.constant 8 : i32
        %add3A_315 = arith.addi %mul3A_313, %add3A_314 : i32
        %add3A_316 = vector.broadcast %add3A_315 : i32 to vector<16xi32>
        %add3A_317 = arith.addi %mul3A_131, %add3A_316 : vector<16xi32>
        tpu.vector_store_idx %arg22[%add3A_317], %exp3A : memref<1024xf32, #tpu.memory_space<vmem>>[vector<16xi32>], vector<16xf32>,
        %mul3A_318 = arith.constant 256 : i32
        %mul3A_319 = arith.muli %scan3A_128, %mul3A_318 : i32
        %add3A_320 = arith.constant 9 : i32
        %add3A_321 = arith.addi %mul3A_319, %add3A_320 : i32
        %add3A_322 = vector.broadcast %add3A_321 : i32 to vector<16xi32>
        %add3A_323 = arith.addi %mul3A_131, %add3A_322 : vector<16xi32>
        tpu.vector_store_idx %arg22[%add3A_323], %exp3A : memref<1024xf32, #tpu.memory_space<vmem>>[vector<16xi32>], vector<16xf32>,
        %mul3A_324 = arith.constant 256 : i32
        %mul3A_325 = arith.muli %scan3A_128, %mul3A_324 : i32
        %add3A_326 = arith.constant 10 : i32
        %add3A_327 = arith.addi %mul3A_325, %add3A_326 : i32
        %add3A_328 = vector.broadcast %add3A_327 : i32 to vector<16xi32>
        %add3A_329 = arith.addi %mul3A_131, %add3A_328 : vector<16xi32>
        tpu.vector_store_idx %arg22[%add3A_329], %exp3A : memref<1024xf32, #tpu.memory_space<vmem>>[vector<16xi32>], vector<16xf32>,
        %mul3A_330 = arith.constant 256 : i32
        %mul3A_331 = arith.muli %scan3A_128, %mul3A_330 : i32
        %add3A_332 = arith.constant 11 : i32
        %add3A_333 = arith.addi %mul3A_331, %add3A_332 : i32
        %add3A_334 = vector.broadcast %add3A_333 : i32 to vector<16xi32>
        %add3A_335 = arith.addi %mul3A_131, %add3A_334 : vector<16xi32>
        tpu.vector_store_idx %arg22[%add3A_335], %exp3A : memref<1024xf32, #tpu.memory_space<vmem>>[vector<16xi32>], vector<16xf32>,
        %mul3A_336 = arith.constant 256 : i32
        %mul3A_337 = arith.muli %scan3A_128, %mul3A_336 : i32
        %add3A_338 = arith.constant 12 : i32
        %add3A_339 = arith.addi %mul3A_337, %add3A_338 : i32
        %add3A_340 = vector.broadcast %add3A_339 : i32 to vector<16xi32>
        %add3A_341 = arith.addi %mul3A_131, %add3A_340 : vector<16xi32>
        tpu.vector_store_idx %arg22[%add3A_341], %exp3A : memref<1024xf32, #tpu.memory_space<vmem>>[vector<16xi32>], vector<16xf32>,
        %mul3A_342 = arith.constant 256 : i32
        %mul3A_343 = arith.muli %scan3A_128, %mul3A_342 : i32
        %add3A_344 = arith.constant 13 : i32
        %add3A_345 = arith.addi %mul3A_343, %add3A_344 : i32
        %add3A_346 = vector.broadcast %add3A_345 : i32 to vector<16xi32>
        %add3A_347 = arith.addi %mul3A_131, %add3A_346 : vector<16xi32>
        tpu.vector_store_idx %arg22[%add3A_347], %exp3A : memref<1024xf32, #tpu.memory_space<vmem>>[vector<16xi32>], vector<16xf32>,
        %mul3A_348 = arith.constant 256 : i32
        %mul3A_349 = arith.muli %scan3A_128, %mul3A_348 : i32
        %add3A_350 = arith.constant 14 : i32
        %add3A_351 = arith.addi %mul3A_349, %add3A_350 : i32
        %add3A_352 = vector.broadcast %add3A_351 : i32 to vector<16xi32>
        %add3A_353 = arith.addi %mul3A_131, %add3A_352 : vector<16xi32>
        tpu.vector_store_idx %arg22[%add3A_353], %exp3A : memref<1024xf32, #tpu.memory_space<vmem>>[vector<16xi32>], vector<16xf32>,
        %mul3A_354 = arith.constant 256 : i32
        %mul3A_355 = arith.muli %scan3A_128, %mul3A_354 : i32
        %add3A_356 = arith.constant 15 : i32
        %add3A_357 = arith.addi %mul3A_355, %add3A_356 : i32
        %add3A_358 = vector.broadcast %add3A_357 : i32 to vector<16xi32>
        %add3A_359 = arith.addi %mul3A_131, %add3A_358 : vector<16xi32>
        tpu.vector_store_idx %arg22[%add3A_359], %exp3A : memref<1024xf32, #tpu.memory_space<vmem>>[vector<16xi32>], vector<16xf32>,
      }
      %scan3A_121 = arith.constant 4 : i32
      %scan3A_122 = arith.constant 0 : i32
      %scan3A_123 = arith.constant 0 : i32
      %scan3A_124 = arith.constant 64 : i32
      %scan3A_125 = arith.addi %scan3A_123, %scan3A_124 : i32
      %scan3A_126 = arith.constant 1 : i32
      scf.for %scan3A_128 = %scan3A_123 to %scan3A_125 step %scan3A_126  : i32 {
        %mul3A_129 = arith.constant 16 : i32
        %mul3A_130 = arith.muli %scan3A_128, %mul3A_129 : i32
        %get3A_131 = arith.index_cast %mul3A_130 : i32 to index
        %get3A_132 = tpu.vector_load %arg22[%get3A_131] {strides = array<i32>} : memref<1024xf32, #tpu.memory_space<vmem>>, vector<16xf32>,
        %get3A_133 = arith.index_cast %scan3A_128 : i32 to index
        %get3A_134 = arith.constant 0 : index
        %get3A_135 = tpu.vector_load %arg19[%get3A_133, %get3A_134] {strides = array<i32>} : memref<64x128xf32, #tpu.memory_space<vmem>>, vector<16xf32>,
        %get3A_136 = arith.index_cast %scan3A_128 : i32 to index
        %get3A_137 = arith.constant 0 : index
        %get3A_138 = tpu.vector_load %arg20[%get3A_136, %get3A_137] {strides = array<i32>} : memref<64x128xf32, #tpu.memory_space<vmem>>, vector<16xf32>,
        %add3A_139 = arith.addf %get3A_135, %get3A_138 : vector<16xf32>
        %mul3A_140 = arith.mulf %add3A_139, %get3A_132 : vector<16xf32>
        %swap3A_141 = arith.index_cast %scan3A_128 : i32 to index
        %swap3A_142 = arith.constant 0 : index
        %swap3A_143 = tpu.vector_load %arg20[%swap3A_141, %swap3A_142] {strides = array<i32>} : memref<64x128xf32, #tpu.memory_space<vmem>>, vector<16xf32>,
        tpu.vector_store %arg20[%swap3A_141, %swap3A_142], %mul3A_140 {strides = array<i32>} : memref<64x128xf32, #tpu.memory_space<vmem>>, vector<16xf32>,
        %get3A_144 = arith.index_cast %scan3A_128 : i32 to index
        %get3A_145 = arith.constant 16 : index
        %get3A_146 = tpu.vector_load %arg19[%get3A_144, %get3A_145] {strides = array<i32>} : memref<64x128xf32, #tpu.memory_space<vmem>>, vector<16xf32>,
        %get3A_147 = arith.index_cast %scan3A_128 : i32 to index
        %get3A_148 = arith.constant 16 : index
        %get3A_149 = tpu.vector_load %arg20[%get3A_147, %get3A_148] {strides = array<i32>} : memref<64x128xf32, #tpu.memory_space<vmem>>, vector<16xf32>,
        %add3A_150 = arith.addf %get3A_146, %get3A_149 : vector<16xf32>
        %mul3A_151 = arith.mulf %add3A_150, %get3A_132 : vector<16xf32>
        %swap3A_152 = arith.index_cast %scan3A_128 : i32 to index
        %swap3A_153 = arith.constant 16 : index
        %swap3A_154 = tpu.vector_load %arg20[%swap3A_152, %swap3A_153] {strides = array<i32>} : memref<64x128xf32, #tpu.memory_space<vmem>>, vector<16xf32>,
        tpu.vector_store %arg20[%swap3A_152, %swap3A_153], %mul3A_151 {strides = array<i32>} : memref<64x128xf32, #tpu.memory_space<vmem>>, vector<16xf32>,
        %get3A_155 = arith.index_cast %scan3A_128 : i32 to index
        %get3A_156 = arith.constant 32 : index
        %get3A_157 = tpu.vector_load %arg19[%get3A_155, %get3A_156] {strides = array<i32>} : memref<64x128xf32, #tpu.memory_space<vmem>>, vector<16xf32>,
        %get3A_158 = arith.index_cast %scan3A_128 : i32 to index
        %get3A_159 = arith.constant 32 : index
        %get3A_160 = tpu.vector_load %arg20[%get3A_158, %get3A_159] {strides = array<i32>} : memref<64x128xf32, #tpu.memory_space<vmem>>, vector<16xf32>,
        %add3A_161 = arith.addf %get3A_157, %get3A_160 : vector<16xf32>
        %mul3A_162 = arith.mulf %add3A_161, %get3A_132 : vector<16xf32>
        %swap3A_163 = arith.index_cast %scan3A_128 : i32 to index
        %swap3A_164 = arith.constant 32 : index
        %swap3A_165 = tpu.vector_load %arg20[%swap3A_163, %swap3A_164] {strides = array<i32>} : memref<64x128xf32, #tpu.memory_space<vmem>>, vector<16xf32>,
        tpu.vector_store %arg20[%swap3A_163, %swap3A_164], %mul3A_162 {strides = array<i32>} : memref<64x128xf32, #tpu.memory_space<vmem>>, vector<16xf32>,
        %get3A_166 = arith.index_cast %scan3A_128 : i32 to index
        %get3A_167 = arith.constant 48 : index
        %get3A_168 = tpu.vector_load %arg19[%get3A_166, %get3A_167] {strides = array<i32>} : memref<64x128xf32, #tpu.memory_space<vmem>>, vector<16xf32>,
        %get3A_169 = arith.index_cast %scan3A_128 : i32 to index
        %get3A_170 = arith.constant 48 : index
        %get3A_171 = tpu.vector_load %arg20[%get3A_169, %get3A_170] {strides = array<i32>} : memref<64x128xf32, #tpu.memory_space<vmem>>, vector<16xf32>,
        %add3A_172 = arith.addf %get3A_168, %get3A_171 : vector<16xf32>
        %mul3A_173 = arith.mulf %add3A_172, %get3A_132 : vector<16xf32>
        %swap3A_174 = arith.index_cast %scan3A_128 : i32 to index
        %swap3A_175 = arith.constant 48 : index
        %swap3A_176 = tpu.vector_load %arg20[%swap3A_174, %swap3A_175] {strides = array<i32>} : memref<64x128xf32, #tpu.memory_space<vmem>>, vector<16xf32>,
        tpu.vector_store %arg20[%swap3A_174, %swap3A_175], %mul3A_173 {strides = array<i32>} : memref<64x128xf32, #tpu.memory_space<vmem>>, vector<16xf32>,
        %get3A_177 = arith.index_cast %scan3A_128 : i32 to index
        %get3A_178 = arith.constant 64 : index
        %get3A_179 = tpu.vector_load %arg19[%get3A_177, %get3A_178] {strides = array<i32>} : memref<64x128xf32, #tpu.memory_space<vmem>>, vector<16xf32>,
        %get3A_180 = arith.index_cast %scan3A_128 : i32 to index
        %get3A_181 = arith.constant 64 : index
        %get3A_182 = tpu.vector_load %arg20[%get3A_180, %get3A_181] {strides = array<i32>} : memref<64x128xf32, #tpu.memory_space<vmem>>, vector<16xf32>,
        %add3A_183 = arith.addf %get3A_179, %get3A_182 : vector<16xf32>
        %mul3A_184 = arith.mulf %add3A_183, %get3A_132 : vector<16xf32>
        %swap3A_185 = arith.index_cast %scan3A_128 : i32 to index
        %swap3A_186 = arith.constant 64 : index
        %swap3A_187 = tpu.vector_load %arg20[%swap3A_185, %swap3A_186] {strides = array<i32>} : memref<64x128xf32, #tpu.memory_space<vmem>>, vector<16xf32>,
        tpu.vector_store %arg20[%swap3A_185, %swap3A_186], %mul3A_184 {strides = array<i32>} : memref<64x128xf32, #tpu.memory_space<vmem>>, vector<16xf32>,
        %get3A_188 = arith.index_cast %scan3A_128 : i32 to index
        %get3A_189 = arith.constant 80 : index
        %get3A_190 = tpu.vector_load %arg19[%get3A_188, %get3A_189] {strides = array<i32>} : memref<64x128xf32, #tpu.memory_space<vmem>>, vector<16xf32>,
        %get3A_191 = arith.index_cast %scan3A_128 : i32 to index
        %get3A_192 = arith.constant 80 : index
        %get3A_193 = tpu.vector_load %arg20[%get3A_191, %get3A_192] {strides = array<i32>} : memref<64x128xf32, #tpu.memory_space<vmem>>, vector<16xf32>,
        %add3A_194 = arith.addf %get3A_190, %get3A_193 : vector<16xf32>
        %mul3A_195 = arith.mulf %add3A_194, %get3A_132 : vector<16xf32>
        %swap3A_196 = arith.index_cast %scan3A_128 : i32 to index
        %swap3A_197 = arith.constant 80 : index
        %swap3A_198 = tpu.vector_load %arg20[%swap3A_196, %swap3A_197] {strides = array<i32>} : memref<64x128xf32, #tpu.memory_space<vmem>>, vector<16xf32>,
        tpu.vector_store %arg20[%swap3A_196, %swap3A_197], %mul3A_195 {strides = array<i32>} : memref<64x128xf32, #tpu.memory_space<vmem>>, vector<16xf32>,
        %get3A_199 = arith.index_cast %scan3A_128 : i32 to index
        %get3A_200 = arith.constant 96 : index
        %get3A_201 = tpu.vector_load %arg19[%get3A_199, %get3A_200] {strides = array<i32>} : memref<64x128xf32, #tpu.memory_space<vmem>>, vector<16xf32>,
        %get3A_202 = arith.index_cast %scan3A_128 : i32 to index
        %get3A_203 = arith.constant 96 : index
        %get3A_204 = tpu.vector_load %arg20[%get3A_202, %get3A_203] {strides = array<i32>} : memref<64x128xf32, #tpu.memory_space<vmem>>, vector<16xf32>,
        %add3A_205 = arith.addf %get3A_201, %get3A_204 : vector<16xf32>
        %mul3A_206 = arith.mulf %add3A_205, %get3A_132 : vector<16xf32>
        %swap3A_207 = arith.index_cast %scan3A_128 : i32 to index
        %swap3A_208 = arith.constant 96 : index
        %swap3A_209 = tpu.vector_load %arg20[%swap3A_207, %swap3A_208] {strides = array<i32>} : memref<64x128xf32, #tpu.memory_space<vmem>>, vector<16xf32>,
        tpu.vector_store %arg20[%swap3A_207, %swap3A_208], %mul3A_206 {strides = array<i32>} : memref<64x128xf32, #tpu.memory_space<vmem>>, vector<16xf32>,
        %get3A_210 = arith.index_cast %scan3A_128 : i32 to index
        %get3A_211 = arith.constant 112 : index
        %get3A_212 = tpu.vector_load %arg19[%get3A_210, %get3A_211] {strides = array<i32>} : memref<64x128xf32, #tpu.memory_space<vmem>>, vector<16xf32>,
        %get3A_213 = arith.index_cast %scan3A_128 : i32 to index
        %get3A_214 = arith.constant 112 : index
        %get3A_215 = tpu.vector_load %arg20[%get3A_213, %get3A_214] {strides = array<i32>} : memref<64x128xf32, #tpu.memory_space<vmem>>, vector<16xf32>,
        %add3A_216 = arith.addf %get3A_212, %get3A_215 : vector<16xf32>
        %mul3A_217 = arith.mulf %add3A_216, %get3A_132 : vector<16xf32>
        %swap3A_218 = arith.index_cast %scan3A_128 : i32 to index
        %swap3A_219 = arith.constant 112 : index
        %swap3A_220 = tpu.vector_load %arg20[%swap3A_218, %swap3A_219] {strides = array<i32>} : memref<64x128xf32, #tpu.memory_space<vmem>>, vector<16xf32>,
        tpu.vector_store %arg20[%swap3A_218, %swap3A_219], %mul3A_217 {strides = array<i32>} : memref<64x128xf32, #tpu.memory_space<vmem>>, vector<16xf32>,
      }
      %scan3A_127 = arith.constant 64 : i32
      "tpu.region"() ({
        %run_scoped3A = tpu.sem_alloc : memref<!tpu.dma_semaphore, #tpu.memory_space<semaphore_mem>>
        %dma_start3A_128 = arith.constant 0 : i32
        %dma_start3A_129 = arith.constant 0 : i32
        %dma_start3A_130 = tpu.memref_slice %arg26[%dma_start3A_128, %dma_start3A_129] : memref<10240x128xf32, #tpu.memory_space<vmem_shared>> -> memref<10240x128xf32, #tpu.memory_space<vmem_shared>>
        tpu.enqueue_indirect_dma source(%arg20 : memref<64x128xf32, #tpu.memory_space<vmem>>) target(%dma_start3A_130 : memref<10240x128xf32, #tpu.memory_space<vmem_shared>>) offsets(%arg15 : memref<64xi32, #tpu.memory_space<vmem>>) semaphore(%run_scoped3A : memref<!tpu.dma_semaphore, #tpu.memory_space<semaphore_mem>>) {add = true}
        %dma_wait3A_131 = arith.constant 0 : i32
        %dma_wait3A_132 = arith.constant 0 : i32
        %dma_wait3A_133 = tpu.memref_slice %arg26[%dma_wait3A_131, %dma_wait3A_132] : memref<10240x128xf32, #tpu.memory_space<vmem_shared>> -> memref<10240x128xf32, #tpu.memory_space<vmem_shared>>
        tpu.wait_indirect_dma semaphore(%run_scoped3A : memref<!tpu.dma_semaphore, #tpu.memory_space<semaphore_mem>>) src(%arg20 : memref<64x128xf32, #tpu.memory_space<vmem>>) dst(%dma_wait3A_133 : memref<10240x128xf32, #tpu.memory_space<vmem_shared>>)
        tpu.yield
      }) : () -> ()
    }
    %scan3A_11 = arith.constant 158 : i32
    %scan3A_12 = arith.constant 0 : i32
    %scan3A_13 = arith.constant 0 : i32
    %scan3A_14 = arith.constant 40 : i32
    %scan3A_15 = arith.addi %scan3A_13, %scan3A_14 : i32
    %scan3A_16 = arith.constant 1 : i32
    scf.for %scan3A_34 = %scan3A_13 to %scan3A_15 step %scan3A_16  : i32 {
      %add3A_35 = arith.constant 0 : i32
      %add3A_36 = arith.addi %add3A_35, %scan3A_34 : i32
      %mul3A_37 = arith.constant 128 : i32
      %mul3A_38 = arith.muli %add3A_36, %mul3A_37 : i32
      %add3A_39 = arith.constant 0 : i32
      %add3A_40 = arith.addi %mul3A_38, %add3A_39 : i32
      %get3A = arith.index_cast %add3A_40 : i32 to index
      %get3A_41 = tpu.vector_load %arg23[%get3A] {strides = array<i32>} : memref<10240xf32, #tpu.memory_space<vmem>>, vector<16xf32>,
      %swap3A = arith.index_cast %scan3A_34 : i32 to index
      %swap3A_42 = arith.constant 0 : index
      %swap3A_43 = tpu.vector_load %arg17[%swap3A, %swap3A_42] {strides = array<i32>} : memref<64x128xf32, #tpu.memory_space<vmem>>, vector<16xf32>,
      tpu.vector_store %arg17[%swap3A, %swap3A_42], %get3A_41 {strides = array<i32>} : memref<64x128xf32, #tpu.memory_space<vmem>>, vector<16xf32>,
      %add3A_44 = arith.constant 16 : i32
      %add3A_45 = arith.addi %mul3A_38, %add3A_44 : i32
      %get3A_46 = arith.index_cast %add3A_45 : i32 to index
      %get3A_47 = tpu.vector_load %arg23[%get3A_46] {strides = array<i32>} : memref<10240xf32, #tpu.memory_space<vmem>>, vector<16xf32>,
      %swap3A_48 = arith.index_cast %scan3A_34 : i32 to index
      %swap3A_49 = arith.constant 16 : index
      %swap3A_50 = tpu.vector_load %arg17[%swap3A_48, %swap3A_49] {strides = array<i32>} : memref<64x128xf32, #tpu.memory_space<vmem>>, vector<16xf32>,
      tpu.vector_store %arg17[%swap3A_48, %swap3A_49], %get3A_47 {strides = array<i32>} : memref<64x128xf32, #tpu.memory_space<vmem>>, vector<16xf32>,
      %add3A_51 = arith.constant 32 : i32
      %add3A_52 = arith.addi %mul3A_38, %add3A_51 : i32
      %get3A_53 = arith.index_cast %add3A_52 : i32 to index
      %get3A_54 = tpu.vector_load %arg23[%get3A_53] {strides = array<i32>} : memref<10240xf32, #tpu.memory_space<vmem>>, vector<16xf32>,
      %swap3A_55 = arith.index_cast %scan3A_34 : i32 to index
      %swap3A_56 = arith.constant 32 : index
      %swap3A_57 = tpu.vector_load %arg17[%swap3A_55, %swap3A_56] {strides = array<i32>} : memref<64x128xf32, #tpu.memory_space<vmem>>, vector<16xf32>,
      tpu.vector_store %arg17[%swap3A_55, %swap3A_56], %get3A_54 {strides = array<i32>} : memref<64x128xf32, #tpu.memory_space<vmem>>, vector<16xf32>,
      %add3A_58 = arith.constant 48 : i32
      %add3A_59 = arith.addi %mul3A_38, %add3A_58 : i32
      %get3A_60 = arith.index_cast %add3A_59 : i32 to index
      %get3A_61 = tpu.vector_load %arg23[%get3A_60] {strides = array<i32>} : memref<10240xf32, #tpu.memory_space<vmem>>, vector<16xf32>,
      %swap3A_62 = arith.index_cast %scan3A_34 : i32 to index
      %swap3A_63 = arith.constant 48 : index
      %swap3A_64 = tpu.vector_load %arg17[%swap3A_62, %swap3A_63] {strides = array<i32>} : memref<64x128xf32, #tpu.memory_space<vmem>>, vector<16xf32>,
      tpu.vector_store %arg17[%swap3A_62, %swap3A_63], %get3A_61 {strides = array<i32>} : memref<64x128xf32, #tpu.memory_space<vmem>>, vector<16xf32>,
      %add3A_65 = arith.constant 64 : i32
      %add3A_66 = arith.addi %mul3A_38, %add3A_65 : i32
      %get3A_67 = arith.index_cast %add3A_66 : i32 to index
      %get3A_68 = tpu.vector_load %arg23[%get3A_67] {strides = array<i32>} : memref<10240xf32, #tpu.memory_space<vmem>>, vector<16xf32>,
      %swap3A_69 = arith.index_cast %scan3A_34 : i32 to index
      %swap3A_70 = arith.constant 64 : index
      %swap3A_71 = tpu.vector_load %arg17[%swap3A_69, %swap3A_70] {strides = array<i32>} : memref<64x128xf32, #tpu.memory_space<vmem>>, vector<16xf32>,
      tpu.vector_store %arg17[%swap3A_69, %swap3A_70], %get3A_68 {strides = array<i32>} : memref<64x128xf32, #tpu.memory_space<vmem>>, vector<16xf32>,
      %add3A_72 = arith.constant 80 : i32
      %add3A_73 = arith.addi %mul3A_38, %add3A_72 : i32
      %get3A_74 = arith.index_cast %add3A_73 : i32 to index
      %get3A_75 = tpu.vector_load %arg23[%get3A_74] {strides = array<i32>} : memref<10240xf32, #tpu.memory_space<vmem>>, vector<16xf32>,
      %swap3A_76 = arith.index_cast %scan3A_34 : i32 to index
      %swap3A_77 = arith.constant 80 : index
      %swap3A_78 = tpu.vector_load %arg17[%swap3A_76, %swap3A_77] {strides = array<i32>} : memref<64x128xf32, #tpu.memory_space<vmem>>, vector<16xf32>,
      tpu.vector_store %arg17[%swap3A_76, %swap3A_77], %get3A_75 {strides = array<i32>} : memref<64x128xf32, #tpu.memory_space<vmem>>, vector<16xf32>,
      %add3A_79 = arith.constant 96 : i32
      %add3A_80 = arith.addi %mul3A_38, %add3A_79 : i32
      %get3A_81 = arith.index_cast %add3A_80 : i32 to index
      %get3A_82 = tpu.vector_load %arg23[%get3A_81] {strides = array<i32>} : memref<10240xf32, #tpu.memory_space<vmem>>, vector<16xf32>,
      %swap3A_83 = arith.index_cast %scan3A_34 : i32 to index
      %swap3A_84 = arith.constant 96 : index
      %swap3A_85 = tpu.vector_load %arg17[%swap3A_83, %swap3A_84] {strides = array<i32>} : memref<64x128xf32, #tpu.memory_space<vmem>>, vector<16xf32>,
      tpu.vector_store %arg17[%swap3A_83, %swap3A_84], %get3A_82 {strides = array<i32>} : memref<64x128xf32, #tpu.memory_space<vmem>>, vector<16xf32>,
      %add3A_86 = arith.constant 112 : i32
      %add3A_87 = arith.addi %mul3A_38, %add3A_86 : i32
      %get3A_88 = arith.index_cast %add3A_87 : i32 to index
      %get3A_89 = tpu.vector_load %arg23[%get3A_88] {strides = array<i32>} : memref<10240xf32, #tpu.memory_space<vmem>>, vector<16xf32>,
      %swap3A_90 = arith.index_cast %scan3A_34 : i32 to index
      %swap3A_91 = arith.constant 112 : index
      %swap3A_92 = tpu.vector_load %arg17[%swap3A_90, %swap3A_91] {strides = array<i32>} : memref<64x128xf32, #tpu.memory_space<vmem>>, vector<16xf32>,
      tpu.vector_store %arg17[%swap3A_90, %swap3A_91], %get3A_89 {strides = array<i32>} : memref<64x128xf32, #tpu.memory_space<vmem>>, vector<16xf32>,
    }
    %scan3A_17 = arith.constant 40 : i32
    "tpu.region"() ({
      %run_scoped3A = tpu.sem_alloc : memref<!tpu.dma_semaphore, #tpu.memory_space<semaphore_mem>>
      %dma_start3A = arith.constant 0 : i32
      %dma_start3A_34 = arith.constant 0 : i32
      %dma_start3A_35 = tpu.memref_slice %arg17[%dma_start3A, %dma_start3A_34] : memref<64x128xf32, #tpu.memory_space<vmem>> -> memref<40x128xf32, #tpu.memory_space<vmem>>
      %dma_start3A_36 = arith.constant 0 : i32
      %dma_start3A_37 = arith.constant 0 : i32
      %dma_start3A_38 = tpu.memref_slice %arg27[%dma_start3A_36, %dma_start3A_37] : memref<80x128xf32, #tpu.memory_space<vmem_shared>> -> memref<80x128xf32, #tpu.memory_space<vmem_shared>>
      tpu.enqueue_indirect_dma source(%dma_start3A_35 : memref<40x128xf32, #tpu.memory_space<vmem>>) target(%dma_start3A_38 : memref<80x128xf32, #tpu.memory_space<vmem_shared>>) offsets(%arg24 : memref<40xi32, #tpu.memory_space<vmem>>) semaphore(%run_scoped3A : memref<!tpu.dma_semaphore, #tpu.memory_space<semaphore_mem>>) {add = true}
      %dma_wait3A = arith.constant 0 : i32
      %dma_wait3A_39 = arith.constant 0 : i32
      %dma_wait3A_40 = tpu.memref_slice %arg17[%dma_wait3A, %dma_wait3A_39] : memref<64x128xf32, #tpu.memory_space<vmem>> -> memref<40x128xf32, #tpu.memory_space<vmem>>
      %dma_wait3A_41 = arith.constant 0 : i32
      %dma_wait3A_42 = arith.constant 0 : i32
      %dma_wait3A_43 = tpu.memref_slice %arg27[%dma_wait3A_41, %dma_wait3A_42] : memref<80x128xf32, #tpu.memory_space<vmem_shared>> -> memref<80x128xf32, #tpu.memory_space<vmem_shared>>
      tpu.wait_indirect_dma semaphore(%run_scoped3A : memref<!tpu.dma_semaphore, #tpu.memory_space<semaphore_mem>>) src(%dma_wait3A_40 : memref<40x128xf32, #tpu.memory_space<vmem>>) dst(%dma_wait3A_43 : memref<80x128xf32, #tpu.memory_space<vmem_shared>>)
      tpu.yield
    }) : () -> ()
    %scan3A_18 = arith.constant 0 : i32
    %scan3A_19 = arith.constant 0 : i32
    %scan3A_20 = arith.constant 40 : i32
    %scan3A_21 = arith.addi %scan3A_19, %scan3A_20 : i32
    %scan3A_22 = arith.constant 1 : i32
    scf.for %scan3A_34 = %scan3A_19 to %scan3A_21 step %scan3A_22  : i32 {
      %add3A_35 = arith.constant 40 : i32
      %add3A_36 = arith.addi %add3A_35, %scan3A_34 : i32
      %mul3A_37 = arith.constant 128 : i32
      %mul3A_38 = arith.muli %add3A_36, %mul3A_37 : i32
      %add3A_39 = arith.constant 0 : i32
      %add3A_40 = arith.addi %mul3A_38, %add3A_39 : i32
      %get3A = arith.index_cast %add3A_40 : i32 to index
      %get3A_41 = tpu.vector_load %arg23[%get3A] {strides = array<i32>} : memref<10240xf32, #tpu.memory_space<vmem>>, vector<16xf32>,
      %swap3A = arith.index_cast %scan3A_34 : i32 to index
      %swap3A_42 = arith.constant 0 : index
      %swap3A_43 = tpu.vector_load %arg17[%swap3A, %swap3A_42] {strides = array<i32>} : memref<64x128xf32, #tpu.memory_space<vmem>>, vector<16xf32>,
      tpu.vector_store %arg17[%swap3A, %swap3A_42], %get3A_41 {strides = array<i32>} : memref<64x128xf32, #tpu.memory_space<vmem>>, vector<16xf32>,
      %add3A_44 = arith.constant 16 : i32
      %add3A_45 = arith.addi %mul3A_38, %add3A_44 : i32
      %get3A_46 = arith.index_cast %add3A_45 : i32 to index
      %get3A_47 = tpu.vector_load %arg23[%get3A_46] {strides = array<i32>} : memref<10240xf32, #tpu.memory_space<vmem>>, vector<16xf32>,
      %swap3A_48 = arith.index_cast %scan3A_34 : i32 to index
      %swap3A_49 = arith.constant 16 : index
      %swap3A_50 = tpu.vector_load %arg17[%swap3A_48, %swap3A_49] {strides = array<i32>} : memref<64x128xf32, #tpu.memory_space<vmem>>, vector<16xf32>,
      tpu.vector_store %arg17[%swap3A_48, %swap3A_49], %get3A_47 {strides = array<i32>} : memref<64x128xf32, #tpu.memory_space<vmem>>, vector<16xf32>,
      %add3A_51 = arith.constant 32 : i32
      %add3A_52 = arith.addi %mul3A_38, %add3A_51 : i32
      %get3A_53 = arith.index_cast %add3A_52 : i32 to index
      %get3A_54 = tpu.vector_load %arg23[%get3A_53] {strides = array<i32>} : memref<10240xf32, #tpu.memory_space<vmem>>, vector<16xf32>,
      %swap3A_55 = arith.index_cast %scan3A_34 : i32 to index
      %swap3A_56 = arith.constant 32 : index
      %swap3A_57 = tpu.vector_load %arg17[%swap3A_55, %swap3A_56] {strides = array<i32>} : memref<64x128xf32, #tpu.memory_space<vmem>>, vector<16xf32>,
      tpu.vector_store %arg17[%swap3A_55, %swap3A_56], %get3A_54 {strides = array<i32>} : memref<64x128xf32, #tpu.memory_space<vmem>>, vector<16xf32>,
      %add3A_58 = arith.constant 48 : i32
      %add3A_59 = arith.addi %mul3A_38, %add3A_58 : i32
      %get3A_60 = arith.index_cast %add3A_59 : i32 to index
      %get3A_61 = tpu.vector_load %arg23[%get3A_60] {strides = array<i32>} : memref<10240xf32, #tpu.memory_space<vmem>>, vector<16xf32>,
      %swap3A_62 = arith.index_cast %scan3A_34 : i32 to index
      %swap3A_63 = arith.constant 48 : index
      %swap3A_64 = tpu.vector_load %arg17[%swap3A_62, %swap3A_63] {strides = array<i32>} : memref<64x128xf32, #tpu.memory_space<vmem>>, vector<16xf32>,
      tpu.vector_store %arg17[%swap3A_62, %swap3A_63], %get3A_61 {strides = array<i32>} : memref<64x128xf32, #tpu.memory_space<vmem>>, vector<16xf32>,
      %add3A_65 = arith.constant 64 : i32
      %add3A_66 = arith.addi %mul3A_38, %add3A_65 : i32
      %get3A_67 = arith.index_cast %add3A_66 : i32 to index
      %get3A_68 = tpu.vector_load %arg23[%get3A_67] {strides = array<i32>} : memref<10240xf32, #tpu.memory_space<vmem>>, vector<16xf32>,
      %swap3A_69 = arith.index_cast %scan3A_34 : i32 to index
      %swap3A_70 = arith.constant 64 : index
      %swap3A_71 = tpu.vector_load %arg17[%swap3A_69, %swap3A_70] {strides = array<i32>} : memref<64x128xf32, #tpu.memory_space<vmem>>, vector<16xf32>,
      tpu.vector_store %arg17[%swap3A_69, %swap3A_70], %get3A_68 {strides = array<i32>} : memref<64x128xf32, #tpu.memory_space<vmem>>, vector<16xf32>,
      %add3A_72 = arith.constant 80 : i32
      %add3A_73 = arith.addi %mul3A_38, %add3A_72 : i32
      %get3A_74 = arith.index_cast %add3A_73 : i32 to index
      %get3A_75 = tpu.vector_load %arg23[%get3A_74] {strides = array<i32>} : memref<10240xf32, #tpu.memory_space<vmem>>, vector<16xf32>,
      %swap3A_76 = arith.index_cast %scan3A_34 : i32 to index
      %swap3A_77 = arith.constant 80 : index
      %swap3A_78 = tpu.vector_load %arg17[%swap3A_76, %swap3A_77] {strides = array<i32>} : memref<64x128xf32, #tpu.memory_space<vmem>>, vector<16xf32>,
      tpu.vector_store %arg17[%swap3A_76, %swap3A_77], %get3A_75 {strides = array<i32>} : memref<64x128xf32, #tpu.memory_space<vmem>>, vector<16xf32>,
      %add3A_79 = arith.constant 96 : i32
      %add3A_80 = arith.addi %mul3A_38, %add3A_79 : i32
      %get3A_81 = arith.index_cast %add3A_80 : i32 to index
      %get3A_82 = tpu.vector_load %arg23[%get3A_81] {strides = array<i32>} : memref<10240xf32, #tpu.memory_space<vmem>>, vector<16xf32>,
      %swap3A_83 = arith.index_cast %scan3A_34 : i32 to index
      %swap3A_84 = arith.constant 96 : index
      %swap3A_85 = tpu.vector_load %arg17[%swap3A_83, %swap3A_84] {strides = array<i32>} : memref<64x128xf32, #tpu.memory_space<vmem>>, vector<16xf32>,
      tpu.vector_store %arg17[%swap3A_83, %swap3A_84], %get3A_82 {strides = array<i32>} : memref<64x128xf32, #tpu.memory_space<vmem>>, vector<16xf32>,
      %add3A_86 = arith.constant 112 : i32
      %add3A_87 = arith.addi %mul3A_38, %add3A_86 : i32
      %get3A_88 = arith.index_cast %add3A_87 : i32 to index
      %get3A_89 = tpu.vector_load %arg23[%get3A_88] {strides = array<i32>} : memref<10240xf32, #tpu.memory_space<vmem>>, vector<16xf32>,
      %swap3A_90 = arith.index_cast %scan3A_34 : i32 to index
      %swap3A_91 = arith.constant 112 : index
      %swap3A_92 = tpu.vector_load %arg17[%swap3A_90, %swap3A_91] {strides = array<i32>} : memref<64x128xf32, #tpu.memory_space<vmem>>, vector<16xf32>,
      tpu.vector_store %arg17[%swap3A_90, %swap3A_91], %get3A_89 {strides = array<i32>} : memref<64x128xf32, #tpu.memory_space<vmem>>, vector<16xf32>,
    }
    %scan3A_23 = arith.constant 40 : i32
    "tpu.region"() ({
      %run_scoped3A = tpu.sem_alloc : memref<!tpu.dma_semaphore, #tpu.memory_space<semaphore_mem>>
      %dma_start3A = arith.constant 0 : i32
      %dma_start3A_34 = arith.constant 0 : i32
      %dma_start3A_35 = tpu.memref_slice %arg17[%dma_start3A, %dma_start3A_34] : memref<64x128xf32, #tpu.memory_space<vmem>> -> memref<40x128xf32, #tpu.memory_space<vmem>>
      %dma_start3A_36 = arith.constant 0 : i32
      %dma_start3A_37 = arith.constant 0 : i32
      %dma_start3A_38 = tpu.memref_slice %arg27[%dma_start3A_36, %dma_start3A_37] : memref<80x128xf32, #tpu.memory_space<vmem_shared>> -> memref<80x128xf32, #tpu.memory_space<vmem_shared>>
      tpu.enqueue_indirect_dma source(%dma_start3A_35 : memref<40x128xf32, #tpu.memory_space<vmem>>) target(%dma_start3A_38 : memref<80x128xf32, #tpu.memory_space<vmem_shared>>) offsets(%arg25 : memref<40xi32, #tpu.memory_space<vmem>>) semaphore(%run_scoped3A : memref<!tpu.dma_semaphore, #tpu.memory_space<semaphore_mem>>) {add = true}
      %dma_wait3A = arith.constant 0 : i32
      %dma_wait3A_39 = arith.constant 0 : i32
      %dma_wait3A_40 = tpu.memref_slice %arg17[%dma_wait3A, %dma_wait3A_39] : memref<64x128xf32, #tpu.memory_space<vmem>> -> memref<40x128xf32, #tpu.memory_space<vmem>>
      %dma_wait3A_41 = arith.constant 0 : i32
      %dma_wait3A_42 = arith.constant 0 : i32
      %dma_wait3A_43 = tpu.memref_slice %arg27[%dma_wait3A_41, %dma_wait3A_42] : memref<80x128xf32, #tpu.memory_space<vmem_shared>> -> memref<80x128xf32, #tpu.memory_space<vmem_shared>>
      tpu.wait_indirect_dma semaphore(%run_scoped3A : memref<!tpu.dma_semaphore, #tpu.memory_space<semaphore_mem>>) src(%dma_wait3A_40 : memref<40x128xf32, #tpu.memory_space<vmem>>) dst(%dma_wait3A_43 : memref<80x128xf32, #tpu.memory_space<vmem_shared>>)
      tpu.yield
    }) : () -> ()
    %barrier3A_24 = arith.constant 0 : index
    tpu.barrier barrier_id(%barrier3A_24)
    %mul3A_25 = arith.constant 640 : i32
    %mul3A_26 = arith.muli %arg1, %mul3A_25 : i32
    %mul3A_27 = arith.constant 640 : i32
    %mul3A_28 = arith.muli %arg1, %mul3A_27 : i32
    "tpu.region"() ({
      %run_scoped3A = tpu.sem_alloc : memref<!tpu.dma_semaphore, #tpu.memory_space<semaphore_mem>>
      %dma_start3A = arith.constant 0 : i32
      %dma_start3A_34 = tpu.memref_slice %arg11[%arg0, %mul3A_28, %dma_start3A] : memref<2x10240x128xf32, #tpu.memory_space<hbm>> -> memref<1x640x128xf32, #tpu.memory_space<hbm>>
      %dma_start3A_35 = tpu.memref_squeeze %dma_start3A_34 : memref<1x640x128xf32, #tpu.memory_space<hbm>> -> memref<640x128xf32, #tpu.memory_space<hbm>>
      %dma_start3A_36 = arith.constant 0 : i32
      %dma_start3A_37 = tpu.memref_slice %arg26[%mul3A_26, %dma_start3A_36] : memref<10240x128xf32, #tpu.memory_space<vmem_shared>> -> memref<640x128xf32, #tpu.memory_space<vmem_shared>>
      tpu.enqueue_dma source(%dma_start3A_37 : memref<640x128xf32, #tpu.memory_space<vmem_shared>>) target(%dma_start3A_35 : memref<640x128xf32, #tpu.memory_space<hbm>>) target_semaphore(%run_scoped3A : memref<!tpu.dma_semaphore, #tpu.memory_space<semaphore_mem>>)
      %dma_wait3A = arith.constant 0 : i32
      %dma_wait3A_38 = tpu.memref_slice %arg11[%arg0, %mul3A_28, %dma_wait3A] : memref<2x10240x128xf32, #tpu.memory_space<hbm>> -> memref<1x640x128xf32, #tpu.memory_space<hbm>>
      %dma_wait3A_39 = tpu.memref_squeeze %dma_wait3A_38 : memref<1x640x128xf32, #tpu.memory_space<hbm>> -> memref<640x128xf32, #tpu.memory_space<hbm>>
      %dma_wait3A_40 = arith.constant 0 : i32
      %dma_wait3A_41 = tpu.memref_slice %arg26[%mul3A_26, %dma_wait3A_40] : memref<10240x128xf32, #tpu.memory_space<vmem_shared>> -> memref<640x128xf32, #tpu.memory_space<vmem_shared>>
      tpu.wait_dma2 semaphore(%run_scoped3A : memref<!tpu.dma_semaphore, #tpu.memory_space<semaphore_mem>>) src(%dma_wait3A_41 : memref<640x128xf32, #tpu.memory_space<vmem_shared>>) dst(%dma_wait3A_39 : memref<640x128xf32, #tpu.memory_space<hbm>>)
      tpu.yield
    }) : () -> ()
    %eq3A_29 = arith.constant 0 : i32
    %eq3A_30 = arith.cmpi eq, %arg1, %eq3A_29 : i32
    %convert_element_type3A_31 = arith.extui %eq3A_30 : i1 to i32
    %cond3A_32 = arith.constant 0 : i32
    %cond3A_33 = arith.cmpi ne, %convert_element_type3A_31, %cond3A_32 : i32
    scf.if %cond3A_33 {
      "tpu.region"() ({
        %run_scoped3A = tpu.sem_alloc : memref<!tpu.dma_semaphore, #tpu.memory_space<semaphore_mem>>
        %dma_start3A = arith.constant 0 : i32
        %dma_start3A_34 = arith.constant 0 : i32
        %dma_start3A_35 = tpu.memref_slice %arg12[%arg0, %dma_start3A, %dma_start3A_34] : memref<2x80x128xf32, #tpu.memory_space<hbm>> -> memref<1x80x128xf32, #tpu.memory_space<hbm>>
        %dma_start3A_36 = tpu.memref_squeeze %dma_start3A_35 : memref<1x80x128xf32, #tpu.memory_space<hbm>> -> memref<80x128xf32, #tpu.memory_space<hbm>>
        tpu.enqueue_dma source(%arg27 : memref<80x128xf32, #tpu.memory_space<vmem_shared>>) target(%dma_start3A_36 : memref<80x128xf32, #tpu.memory_space<hbm>>) target_semaphore(%run_scoped3A : memref<!tpu.dma_semaphore, #tpu.memory_space<semaphore_mem>>)
        %dma_wait3A = arith.constant 0 : i32
        %dma_wait3A_37 = arith.constant 0 : i32
        %dma_wait3A_38 = tpu.memref_slice %arg12[%arg0, %dma_wait3A, %dma_wait3A_37] : memref<2x80x128xf32, #tpu.memory_space<hbm>> -> memref<1x80x128xf32, #tpu.memory_space<hbm>>
        %dma_wait3A_39 = tpu.memref_squeeze %dma_wait3A_38 : memref<1x80x128xf32, #tpu.memory_space<hbm>> -> memref<80x128xf32, #tpu.memory_space<hbm>>
        tpu.wait_dma2 semaphore(%run_scoped3A : memref<!tpu.dma_semaphore, #tpu.memory_space<semaphore_mem>>) src(%arg27 : memref<80x128xf32, #tpu.memory_space<vmem_shared>>) dst(%dma_wait3A_39 : memref<80x128xf32, #tpu.memory_space<hbm>>)
        tpu.yield
      }) : () -> ()
    } else {
    }
    return
  }
}

module attributes {stable_mosaic.version = 14 : i64} {
  func.func @_embproj_body(%arg0: memref<32x128xf32, #tpu.memory_space<vmem>>, %arg1: memref<32x128xf32, #tpu.memory_space<vmem>>, %arg2: memref<128x128xf32, #tpu.memory_space<vmem>>, %arg3: memref<128x128xf32, #tpu.memory_space<vmem>>, %arg4: memref<672x128xf32, #tpu.memory_space<vmem>>) attributes {dimension_semantics = [], scalar_prefetch = 0 : i64, scratch_operands = 0 : i64, tpu.core_type = #tpu.core_type<tc>} {
    %get3A = arith.constant 0 : index
    %get3A_0 = arith.constant 0 : index
    %get3A_1 = vector.load %arg0[%get3A, %get3A_0] : memref<32x128xf32, #tpu.memory_space<vmem>>, vector<32x128xf32>
    %get3A_2 = arith.constant 0 : index
    %get3A_3 = arith.constant 0 : index
    %get3A_4 = vector.load %arg2[%get3A_2, %get3A_3] : memref<128x128xf32, #tpu.memory_space<vmem>>, vector<128x128xf32>
    %dot_general3A = arith.constant dense<0.000000e+00> : vector<32x128xf32>
    %dot_general3A_5 = tpu.matmul %get3A_1, %get3A_4, %dot_general3A {dimension_numbers = #tpu.dot_dimension_numbers<[1], [0], [0], [1], [0, 0, 1, 1], [], []>, transpose_lhs_hint = false} : vector<32x128xf32>, vector<128x128xf32>, vector<32x128xf32> -> vector<32x128xf32>
    %get3A_6 = arith.constant 0 : index
    %get3A_7 = arith.constant 0 : index
    %get3A_8 = vector.load %arg1[%get3A_6, %get3A_7] : memref<32x128xf32, #tpu.memory_space<vmem>>, vector<32x128xf32>
    %get3A_9 = arith.constant 0 : index
    %get3A_10 = arith.constant 0 : index
    %get3A_11 = vector.load %arg3[%get3A_9, %get3A_10] : memref<128x128xf32, #tpu.memory_space<vmem>>, vector<128x128xf32>
    %dot_general3A_12 = arith.constant dense<0.000000e+00> : vector<32x128xf32>
    %dot_general3A_13 = tpu.matmul %get3A_8, %get3A_11, %dot_general3A_12 {dimension_numbers = #tpu.dot_dimension_numbers<[1], [0], [0], [1], [0, 0, 1, 1], [], []>, transpose_lhs_hint = false} : vector<32x128xf32>, vector<128x128xf32>, vector<32x128xf32> -> vector<32x128xf32>
    %slice3A = vector.extract_strided_slice %dot_general3A_5 {offsets = [0, 0], sizes = [1, 128], strides = [1, 1]} : vector<32x128xf32> to vector<1x128xf32>
    %add3A = vector.broadcast %slice3A : vector<1x128xf32> to vector<32x128xf32>
    %add3A_14 = arith.addf %dot_general3A_13, %add3A : vector<32x128xf32>
    %swap3A = arith.constant 0 : index
    %swap3A_15 = arith.constant 0 : index
    %swap3A_16 = vector.load %arg4[%swap3A, %swap3A_15] : memref<672x128xf32, #tpu.memory_space<vmem>>, vector<32x128xf32>
    tpu.vector_store %arg4[%swap3A, %swap3A_15], %add3A_14 {strides = array<i32>} : memref<672x128xf32, #tpu.memory_space<vmem>>, vector<32x128xf32>,
    %slice3A_17 = vector.extract_strided_slice %dot_general3A_5 {offsets = [1, 0], sizes = [1, 128], strides = [1, 1]} : vector<32x128xf32> to vector<1x128xf32>
    %add3A_18 = vector.broadcast %slice3A_17 : vector<1x128xf32> to vector<32x128xf32>
    %add3A_19 = arith.addf %dot_general3A_13, %add3A_18 : vector<32x128xf32>
    %swap3A_20 = arith.constant 32 : index
    %swap3A_21 = arith.constant 0 : index
    %swap3A_22 = vector.load %arg4[%swap3A_20, %swap3A_21] : memref<672x128xf32, #tpu.memory_space<vmem>>, vector<32x128xf32>
    tpu.vector_store %arg4[%swap3A_20, %swap3A_21], %add3A_19 {strides = array<i32>} : memref<672x128xf32, #tpu.memory_space<vmem>>, vector<32x128xf32>,
    %slice3A_23 = vector.extract_strided_slice %dot_general3A_5 {offsets = [2, 0], sizes = [1, 128], strides = [1, 1]} : vector<32x128xf32> to vector<1x128xf32>
    %add3A_24 = vector.broadcast %slice3A_23 : vector<1x128xf32> to vector<32x128xf32>
    %add3A_25 = arith.addf %dot_general3A_13, %add3A_24 : vector<32x128xf32>
    %swap3A_26 = arith.constant 64 : index
    %swap3A_27 = arith.constant 0 : index
    %swap3A_28 = vector.load %arg4[%swap3A_26, %swap3A_27] : memref<672x128xf32, #tpu.memory_space<vmem>>, vector<32x128xf32>
    tpu.vector_store %arg4[%swap3A_26, %swap3A_27], %add3A_25 {strides = array<i32>} : memref<672x128xf32, #tpu.memory_space<vmem>>, vector<32x128xf32>,
    %slice3A_29 = vector.extract_strided_slice %dot_general3A_5 {offsets = [3, 0], sizes = [1, 128], strides = [1, 1]} : vector<32x128xf32> to vector<1x128xf32>
    %add3A_30 = vector.broadcast %slice3A_29 : vector<1x128xf32> to vector<32x128xf32>
    %add3A_31 = arith.addf %dot_general3A_13, %add3A_30 : vector<32x128xf32>
    %swap3A_32 = arith.constant 96 : index
    %swap3A_33 = arith.constant 0 : index
    %swap3A_34 = vector.load %arg4[%swap3A_32, %swap3A_33] : memref<672x128xf32, #tpu.memory_space<vmem>>, vector<32x128xf32>
    tpu.vector_store %arg4[%swap3A_32, %swap3A_33], %add3A_31 {strides = array<i32>} : memref<672x128xf32, #tpu.memory_space<vmem>>, vector<32x128xf32>,
    %slice3A_35 = vector.extract_strided_slice %dot_general3A_5 {offsets = [4, 0], sizes = [1, 128], strides = [1, 1]} : vector<32x128xf32> to vector<1x128xf32>
    %add3A_36 = vector.broadcast %slice3A_35 : vector<1x128xf32> to vector<32x128xf32>
    %add3A_37 = arith.addf %dot_general3A_13, %add3A_36 : vector<32x128xf32>
    %swap3A_38 = arith.constant 128 : index
    %swap3A_39 = arith.constant 0 : index
    %swap3A_40 = vector.load %arg4[%swap3A_38, %swap3A_39] : memref<672x128xf32, #tpu.memory_space<vmem>>, vector<32x128xf32>
    tpu.vector_store %arg4[%swap3A_38, %swap3A_39], %add3A_37 {strides = array<i32>} : memref<672x128xf32, #tpu.memory_space<vmem>>, vector<32x128xf32>,
    %slice3A_41 = vector.extract_strided_slice %dot_general3A_5 {offsets = [5, 0], sizes = [1, 128], strides = [1, 1]} : vector<32x128xf32> to vector<1x128xf32>
    %add3A_42 = vector.broadcast %slice3A_41 : vector<1x128xf32> to vector<32x128xf32>
    %add3A_43 = arith.addf %dot_general3A_13, %add3A_42 : vector<32x128xf32>
    %swap3A_44 = arith.constant 160 : index
    %swap3A_45 = arith.constant 0 : index
    %swap3A_46 = vector.load %arg4[%swap3A_44, %swap3A_45] : memref<672x128xf32, #tpu.memory_space<vmem>>, vector<32x128xf32>
    tpu.vector_store %arg4[%swap3A_44, %swap3A_45], %add3A_43 {strides = array<i32>} : memref<672x128xf32, #tpu.memory_space<vmem>>, vector<32x128xf32>,
    %slice3A_47 = vector.extract_strided_slice %dot_general3A_5 {offsets = [6, 0], sizes = [1, 128], strides = [1, 1]} : vector<32x128xf32> to vector<1x128xf32>
    %add3A_48 = vector.broadcast %slice3A_47 : vector<1x128xf32> to vector<32x128xf32>
    %add3A_49 = arith.addf %dot_general3A_13, %add3A_48 : vector<32x128xf32>
    %swap3A_50 = arith.constant 192 : index
    %swap3A_51 = arith.constant 0 : index
    %swap3A_52 = vector.load %arg4[%swap3A_50, %swap3A_51] : memref<672x128xf32, #tpu.memory_space<vmem>>, vector<32x128xf32>
    tpu.vector_store %arg4[%swap3A_50, %swap3A_51], %add3A_49 {strides = array<i32>} : memref<672x128xf32, #tpu.memory_space<vmem>>, vector<32x128xf32>,
    %slice3A_53 = vector.extract_strided_slice %dot_general3A_5 {offsets = [7, 0], sizes = [1, 128], strides = [1, 1]} : vector<32x128xf32> to vector<1x128xf32>
    %add3A_54 = vector.broadcast %slice3A_53 : vector<1x128xf32> to vector<32x128xf32>
    %add3A_55 = arith.addf %dot_general3A_13, %add3A_54 : vector<32x128xf32>
    %swap3A_56 = arith.constant 224 : index
    %swap3A_57 = arith.constant 0 : index
    %swap3A_58 = vector.load %arg4[%swap3A_56, %swap3A_57] : memref<672x128xf32, #tpu.memory_space<vmem>>, vector<32x128xf32>
    tpu.vector_store %arg4[%swap3A_56, %swap3A_57], %add3A_55 {strides = array<i32>} : memref<672x128xf32, #tpu.memory_space<vmem>>, vector<32x128xf32>,
    %slice3A_59 = vector.extract_strided_slice %dot_general3A_5 {offsets = [8, 0], sizes = [1, 128], strides = [1, 1]} : vector<32x128xf32> to vector<1x128xf32>
    %add3A_60 = vector.broadcast %slice3A_59 : vector<1x128xf32> to vector<32x128xf32>
    %add3A_61 = arith.addf %dot_general3A_13, %add3A_60 : vector<32x128xf32>
    %swap3A_62 = arith.constant 256 : index
    %swap3A_63 = arith.constant 0 : index
    %swap3A_64 = vector.load %arg4[%swap3A_62, %swap3A_63] : memref<672x128xf32, #tpu.memory_space<vmem>>, vector<32x128xf32>
    tpu.vector_store %arg4[%swap3A_62, %swap3A_63], %add3A_61 {strides = array<i32>} : memref<672x128xf32, #tpu.memory_space<vmem>>, vector<32x128xf32>,
    %slice3A_65 = vector.extract_strided_slice %dot_general3A_5 {offsets = [9, 0], sizes = [1, 128], strides = [1, 1]} : vector<32x128xf32> to vector<1x128xf32>
    %add3A_66 = vector.broadcast %slice3A_65 : vector<1x128xf32> to vector<32x128xf32>
    %add3A_67 = arith.addf %dot_general3A_13, %add3A_66 : vector<32x128xf32>
    %swap3A_68 = arith.constant 288 : index
    %swap3A_69 = arith.constant 0 : index
    %swap3A_70 = vector.load %arg4[%swap3A_68, %swap3A_69] : memref<672x128xf32, #tpu.memory_space<vmem>>, vector<32x128xf32>
    tpu.vector_store %arg4[%swap3A_68, %swap3A_69], %add3A_67 {strides = array<i32>} : memref<672x128xf32, #tpu.memory_space<vmem>>, vector<32x128xf32>,
    %slice3A_71 = vector.extract_strided_slice %dot_general3A_5 {offsets = [10, 0], sizes = [1, 128], strides = [1, 1]} : vector<32x128xf32> to vector<1x128xf32>
    %add3A_72 = vector.broadcast %slice3A_71 : vector<1x128xf32> to vector<32x128xf32>
    %add3A_73 = arith.addf %dot_general3A_13, %add3A_72 : vector<32x128xf32>
    %swap3A_74 = arith.constant 320 : index
    %swap3A_75 = arith.constant 0 : index
    %swap3A_76 = vector.load %arg4[%swap3A_74, %swap3A_75] : memref<672x128xf32, #tpu.memory_space<vmem>>, vector<32x128xf32>
    tpu.vector_store %arg4[%swap3A_74, %swap3A_75], %add3A_73 {strides = array<i32>} : memref<672x128xf32, #tpu.memory_space<vmem>>, vector<32x128xf32>,
    %slice3A_77 = vector.extract_strided_slice %dot_general3A_5 {offsets = [11, 0], sizes = [1, 128], strides = [1, 1]} : vector<32x128xf32> to vector<1x128xf32>
    %add3A_78 = vector.broadcast %slice3A_77 : vector<1x128xf32> to vector<32x128xf32>
    %add3A_79 = arith.addf %dot_general3A_13, %add3A_78 : vector<32x128xf32>
    %swap3A_80 = arith.constant 352 : index
    %swap3A_81 = arith.constant 0 : index
    %swap3A_82 = vector.load %arg4[%swap3A_80, %swap3A_81] : memref<672x128xf32, #tpu.memory_space<vmem>>, vector<32x128xf32>
    tpu.vector_store %arg4[%swap3A_80, %swap3A_81], %add3A_79 {strides = array<i32>} : memref<672x128xf32, #tpu.memory_space<vmem>>, vector<32x128xf32>,
    %slice3A_83 = vector.extract_strided_slice %dot_general3A_5 {offsets = [12, 0], sizes = [1, 128], strides = [1, 1]} : vector<32x128xf32> to vector<1x128xf32>
    %add3A_84 = vector.broadcast %slice3A_83 : vector<1x128xf32> to vector<32x128xf32>
    %add3A_85 = arith.addf %dot_general3A_13, %add3A_84 : vector<32x128xf32>
    %swap3A_86 = arith.constant 384 : index
    %swap3A_87 = arith.constant 0 : index
    %swap3A_88 = vector.load %arg4[%swap3A_86, %swap3A_87] : memref<672x128xf32, #tpu.memory_space<vmem>>, vector<32x128xf32>
    tpu.vector_store %arg4[%swap3A_86, %swap3A_87], %add3A_85 {strides = array<i32>} : memref<672x128xf32, #tpu.memory_space<vmem>>, vector<32x128xf32>,
    %slice3A_89 = vector.extract_strided_slice %dot_general3A_5 {offsets = [13, 0], sizes = [1, 128], strides = [1, 1]} : vector<32x128xf32> to vector<1x128xf32>
    %add3A_90 = vector.broadcast %slice3A_89 : vector<1x128xf32> to vector<32x128xf32>
    %add3A_91 = arith.addf %dot_general3A_13, %add3A_90 : vector<32x128xf32>
    %swap3A_92 = arith.constant 416 : index
    %swap3A_93 = arith.constant 0 : index
    %swap3A_94 = vector.load %arg4[%swap3A_92, %swap3A_93] : memref<672x128xf32, #tpu.memory_space<vmem>>, vector<32x128xf32>
    tpu.vector_store %arg4[%swap3A_92, %swap3A_93], %add3A_91 {strides = array<i32>} : memref<672x128xf32, #tpu.memory_space<vmem>>, vector<32x128xf32>,
    %slice3A_95 = vector.extract_strided_slice %dot_general3A_5 {offsets = [14, 0], sizes = [1, 128], strides = [1, 1]} : vector<32x128xf32> to vector<1x128xf32>
    %add3A_96 = vector.broadcast %slice3A_95 : vector<1x128xf32> to vector<32x128xf32>
    %add3A_97 = arith.addf %dot_general3A_13, %add3A_96 : vector<32x128xf32>
    %swap3A_98 = arith.constant 448 : index
    %swap3A_99 = arith.constant 0 : index
    %swap3A_100 = vector.load %arg4[%swap3A_98, %swap3A_99] : memref<672x128xf32, #tpu.memory_space<vmem>>, vector<32x128xf32>
    tpu.vector_store %arg4[%swap3A_98, %swap3A_99], %add3A_97 {strides = array<i32>} : memref<672x128xf32, #tpu.memory_space<vmem>>, vector<32x128xf32>,
    %slice3A_101 = vector.extract_strided_slice %dot_general3A_5 {offsets = [15, 0], sizes = [1, 128], strides = [1, 1]} : vector<32x128xf32> to vector<1x128xf32>
    %add3A_102 = vector.broadcast %slice3A_101 : vector<1x128xf32> to vector<32x128xf32>
    %add3A_103 = arith.addf %dot_general3A_13, %add3A_102 : vector<32x128xf32>
    %swap3A_104 = arith.constant 480 : index
    %swap3A_105 = arith.constant 0 : index
    %swap3A_106 = vector.load %arg4[%swap3A_104, %swap3A_105] : memref<672x128xf32, #tpu.memory_space<vmem>>, vector<32x128xf32>
    tpu.vector_store %arg4[%swap3A_104, %swap3A_105], %add3A_103 {strides = array<i32>} : memref<672x128xf32, #tpu.memory_space<vmem>>, vector<32x128xf32>,
    %slice3A_107 = vector.extract_strided_slice %dot_general3A_5 {offsets = [16, 0], sizes = [1, 128], strides = [1, 1]} : vector<32x128xf32> to vector<1x128xf32>
    %add3A_108 = vector.broadcast %slice3A_107 : vector<1x128xf32> to vector<32x128xf32>
    %add3A_109 = arith.addf %dot_general3A_13, %add3A_108 : vector<32x128xf32>
    %swap3A_110 = arith.constant 512 : index
    %swap3A_111 = arith.constant 0 : index
    %swap3A_112 = vector.load %arg4[%swap3A_110, %swap3A_111] : memref<672x128xf32, #tpu.memory_space<vmem>>, vector<32x128xf32>
    tpu.vector_store %arg4[%swap3A_110, %swap3A_111], %add3A_109 {strides = array<i32>} : memref<672x128xf32, #tpu.memory_space<vmem>>, vector<32x128xf32>,
    %slice3A_113 = vector.extract_strided_slice %dot_general3A_5 {offsets = [17, 0], sizes = [1, 128], strides = [1, 1]} : vector<32x128xf32> to vector<1x128xf32>
    %add3A_114 = vector.broadcast %slice3A_113 : vector<1x128xf32> to vector<32x128xf32>
    %add3A_115 = arith.addf %dot_general3A_13, %add3A_114 : vector<32x128xf32>
    %swap3A_116 = arith.constant 544 : index
    %swap3A_117 = arith.constant 0 : index
    %swap3A_118 = vector.load %arg4[%swap3A_116, %swap3A_117] : memref<672x128xf32, #tpu.memory_space<vmem>>, vector<32x128xf32>
    tpu.vector_store %arg4[%swap3A_116, %swap3A_117], %add3A_115 {strides = array<i32>} : memref<672x128xf32, #tpu.memory_space<vmem>>, vector<32x128xf32>,
    %slice3A_119 = vector.extract_strided_slice %dot_general3A_5 {offsets = [18, 0], sizes = [1, 128], strides = [1, 1]} : vector<32x128xf32> to vector<1x128xf32>
    %add3A_120 = vector.broadcast %slice3A_119 : vector<1x128xf32> to vector<32x128xf32>
    %add3A_121 = arith.addf %dot_general3A_13, %add3A_120 : vector<32x128xf32>
    %swap3A_122 = arith.constant 576 : index
    %swap3A_123 = arith.constant 0 : index
    %swap3A_124 = vector.load %arg4[%swap3A_122, %swap3A_123] : memref<672x128xf32, #tpu.memory_space<vmem>>, vector<32x128xf32>
    tpu.vector_store %arg4[%swap3A_122, %swap3A_123], %add3A_121 {strides = array<i32>} : memref<672x128xf32, #tpu.memory_space<vmem>>, vector<32x128xf32>,
    %slice3A_125 = vector.extract_strided_slice %dot_general3A_5 {offsets = [19, 0], sizes = [1, 128], strides = [1, 1]} : vector<32x128xf32> to vector<1x128xf32>
    %add3A_126 = vector.broadcast %slice3A_125 : vector<1x128xf32> to vector<32x128xf32>
    %add3A_127 = arith.addf %dot_general3A_13, %add3A_126 : vector<32x128xf32>
    %swap3A_128 = arith.constant 608 : index
    %swap3A_129 = arith.constant 0 : index
    %swap3A_130 = vector.load %arg4[%swap3A_128, %swap3A_129] : memref<672x128xf32, #tpu.memory_space<vmem>>, vector<32x128xf32>
    tpu.vector_store %arg4[%swap3A_128, %swap3A_129], %add3A_127 {strides = array<i32>} : memref<672x128xf32, #tpu.memory_space<vmem>>, vector<32x128xf32>,
    %slice3A_131 = vector.extract_strided_slice %dot_general3A_5 {offsets = [20, 0], sizes = [1, 128], strides = [1, 1]} : vector<32x128xf32> to vector<1x128xf32>
    %add3A_132 = vector.broadcast %slice3A_131 : vector<1x128xf32> to vector<32x128xf32>
    %add3A_133 = arith.addf %dot_general3A_13, %add3A_132 : vector<32x128xf32>
    %swap3A_134 = arith.constant 640 : index
    %swap3A_135 = arith.constant 0 : index
    %swap3A_136 = vector.load %arg4[%swap3A_134, %swap3A_135] : memref<672x128xf32, #tpu.memory_space<vmem>>, vector<32x128xf32>
    tpu.vector_store %arg4[%swap3A_134, %swap3A_135], %add3A_133 {strides = array<i32>} : memref<672x128xf32, #tpu.memory_space<vmem>>, vector<32x128xf32>,
    return
  }
}

module attributes {stable_mosaic.version = 14 : i64} {
  func.func @_prep_body(%arg0: i32, %arg1: memref<1024x128xf32, #tpu.memory_space<vmem>>, %arg2: memref<1024x3xi32, #tpu.memory_space<vmem>>, %arg3: memref<104x128xf32, #tpu.memory_space<vmem>>, %arg4: memref<56x128xf32, #tpu.memory_space<vmem>>, %arg5: memref<24x128xf32, #tpu.memory_space<vmem>>, %arg6: memref<1024x256xf32, #tpu.memory_space<vmem>>) attributes {dimension_semantics = [#tpu.dimension_semantics<arbitrary>], iteration_bounds = array<i64: 10>, scalar_prefetch = 0 : i64, scratch_operands = 0 : i64, tpu.core_type = #tpu.core_type<tc>, window_params = [{transform_indices = @transform_0, window_bounds = array<i64: 1024, 128>}, {transform_indices = @transform_1, window_bounds = array<i64: 1024, 3>}, {pipeline_mode = #tpu.pipeline_mode<synchronous>, transform_indices = @transform_2, window_bounds = array<i64: 104, 128>}, {pipeline_mode = #tpu.pipeline_mode<synchronous>, transform_indices = @transform_3, window_bounds = array<i64: 56, 128>}, {pipeline_mode = #tpu.pipeline_mode<synchronous>, transform_indices = @transform_4, window_bounds = array<i64: 24, 128>}, {transform_indices = @transform_5, window_bounds = array<i64: 1024, 256>}]} {
    %get3A = arith.constant 0 : index
    %get3A_0 = arith.constant 0 : index
    %get3A_1 = vector.load %arg2[%get3A, %get3A_0] : memref<1024x3xi32, #tpu.memory_space<vmem>>, vector<1024x3xi32>
    %broadcast_in_dim3A = arith.constant 0.000000e+00 : f32
    %broadcast_in_dim3A_2 = vector.broadcast %broadcast_in_dim3A : f32 to vector<1024x128xf32>
    %slice3A = vector.extract_strided_slice %get3A_1 {offsets = [0, 0], sizes = [1024, 1], strides = [1, 1]} : vector<1024x3xi32> to vector<1024x1xi32>
    %iota3A = tpu.iota {dimensions = array<i32: 1>} : vector<1024x104xi32>
    %eq3A = vector.broadcast %slice3A : vector<1024x1xi32> to vector<1024x104xi32>
    %eq3A_3 = arith.cmpi eq, %eq3A, %iota3A : vector<1024x104xi32>
    %convert_element_type3A = arith.extui %eq3A_3 : vector<1024x104xi1> to vector<1024x104xi32>
    %convert_element_type3A_4 = arith.sitofp %convert_element_type3A : vector<1024x104xi32> to vector<1024x104xf32>
    %get3A_5 = arith.constant 0 : index
    %get3A_6 = arith.constant 0 : index
    %get3A_7 = vector.load %arg3[%get3A_5, %get3A_6] : memref<104x128xf32, #tpu.memory_space<vmem>>, vector<104x128xf32>
    %dot_general3A = arith.constant dense<0.000000e+00> : vector<1024x128xf32>
    %dot_general3A_8 = tpu.matmul %convert_element_type3A_4, %get3A_7, %dot_general3A {dimension_numbers = #tpu.dot_dimension_numbers<[1], [0], [0], [1], [0, 0, 1, 1], [], []>, transpose_lhs_hint = false} : vector<1024x104xf32>, vector<104x128xf32>, vector<1024x128xf32> -> vector<1024x128xf32>
    %add3A = arith.addf %broadcast_in_dim3A_2, %dot_general3A_8 : vector<1024x128xf32>
    %slice3A_9 = vector.extract_strided_slice %get3A_1 {offsets = [0, 1], sizes = [1024, 1], strides = [1, 1]} : vector<1024x3xi32> to vector<1024x1xi32>
    %iota3A_10 = tpu.iota {dimensions = array<i32: 1>} : vector<1024x56xi32>
    %eq3A_11 = vector.broadcast %slice3A_9 : vector<1024x1xi32> to vector<1024x56xi32>
    %eq3A_12 = arith.cmpi eq, %eq3A_11, %iota3A_10 : vector<1024x56xi32>
    %convert_element_type3A_13 = arith.extui %eq3A_12 : vector<1024x56xi1> to vector<1024x56xi32>
    %convert_element_type3A_14 = arith.sitofp %convert_element_type3A_13 : vector<1024x56xi32> to vector<1024x56xf32>
    %get3A_15 = arith.constant 0 : index
    %get3A_16 = arith.constant 0 : index
    %get3A_17 = vector.load %arg4[%get3A_15, %get3A_16] : memref<56x128xf32, #tpu.memory_space<vmem>>, vector<56x128xf32>
    %dot_general3A_18 = arith.constant dense<0.000000e+00> : vector<1024x128xf32>
    %dot_general3A_19 = tpu.matmul %convert_element_type3A_14, %get3A_17, %dot_general3A_18 {dimension_numbers = #tpu.dot_dimension_numbers<[1], [0], [0], [1], [0, 0, 1, 1], [], []>, transpose_lhs_hint = false} : vector<1024x56xf32>, vector<56x128xf32>, vector<1024x128xf32> -> vector<1024x128xf32>
    %add3A_20 = arith.addf %add3A, %dot_general3A_19 : vector<1024x128xf32>
    %slice3A_21 = vector.extract_strided_slice %get3A_1 {offsets = [0, 2], sizes = [1024, 1], strides = [1, 1]} : vector<1024x3xi32> to vector<1024x1xi32>
    %iota3A_22 = tpu.iota {dimensions = array<i32: 1>} : vector<1024x24xi32>
    %eq3A_23 = vector.broadcast %slice3A_21 : vector<1024x1xi32> to vector<1024x24xi32>
    %eq3A_24 = arith.cmpi eq, %eq3A_23, %iota3A_22 : vector<1024x24xi32>
    %convert_element_type3A_25 = arith.extui %eq3A_24 : vector<1024x24xi1> to vector<1024x24xi32>
    %convert_element_type3A_26 = arith.sitofp %convert_element_type3A_25 : vector<1024x24xi32> to vector<1024x24xf32>
    %get3A_27 = arith.constant 0 : index
    %get3A_28 = arith.constant 0 : index
    %get3A_29 = vector.load %arg5[%get3A_27, %get3A_28] : memref<24x128xf32, #tpu.memory_space<vmem>>, vector<24x128xf32>
    %dot_general3A_30 = arith.constant dense<0.000000e+00> : vector<1024x128xf32>
    %dot_general3A_31 = tpu.matmul %convert_element_type3A_26, %get3A_29, %dot_general3A_30 {dimension_numbers = #tpu.dot_dimension_numbers<[1], [0], [0], [1], [0, 0, 1, 1], [], []>, transpose_lhs_hint = false} : vector<1024x24xf32>, vector<24x128xf32>, vector<1024x128xf32> -> vector<1024x128xf32>
    %add3A_32 = arith.addf %add3A_20, %dot_general3A_31 : vector<1024x128xf32>
    %get3A_33 = arith.constant 0 : index
    %get3A_34 = arith.constant 0 : index
    %get3A_35 = vector.load %arg1[%get3A_33, %get3A_34] : memref<1024x128xf32, #tpu.memory_space<vmem>>, vector<1024x128xf32>
    %concatenate3A = tpu.concatenate %get3A_35, %add3A_32 in 1 : vector<1024x128xf32>, vector<1024x128xf32> -> vector<1024x256xf32>
    %swap3A = arith.constant 0 : index
    %swap3A_36 = arith.constant 0 : index
    %swap3A_37 = vector.load %arg6[%swap3A, %swap3A_36] : memref<1024x256xf32, #tpu.memory_space<vmem>>, vector<1024x256xf32>
    tpu.vector_store %arg6[%swap3A, %swap3A_36], %concatenate3A {strides = array<i32>} : memref<1024x256xf32, #tpu.memory_space<vmem>>, vector<1024x256xf32>,
    return
  }
  func.func @transform_0(%arg0: i32) -> (i32, i32) {
    %c0_i32 = arith.constant 0 : i32
    %c0_i32_0 = arith.constant 0 : i32
    return %arg0, %c0_i32 : i32, i32
  }
  func.func @transform_1(%arg0: i32) -> (i32, i32) {
    %c0_i32 = arith.constant 0 : i32
    %c0_i32_0 = arith.constant 0 : i32
    return %arg0, %c0_i32 : i32, i32
  }
  func.func @transform_2(%arg0: i32) -> (i32, i32) {
    %c0_i32 = arith.constant 0 : i32
    %c0_i32_0 = arith.constant 0 : i32
    %c0_i32_1 = arith.constant 0 : i32
    return %c0_i32, %c0_i32_0 : i32, i32
  }
  func.func @transform_3(%arg0: i32) -> (i32, i32) {
    %c0_i32 = arith.constant 0 : i32
    %c0_i32_0 = arith.constant 0 : i32
    %c0_i32_1 = arith.constant 0 : i32
    return %c0_i32, %c0_i32_0 : i32, i32
  }
  func.func @transform_4(%arg0: i32) -> (i32, i32) {
    %c0_i32 = arith.constant 0 : i32
    %c0_i32_0 = arith.constant 0 : i32
    %c0_i32_1 = arith.constant 0 : i32
    return %c0_i32, %c0_i32_0 : i32, i32
  }
  func.func @transform_5(%arg0: i32) -> (i32, i32) {
    %c0_i32 = arith.constant 0 : i32
    %c0_i32_0 = arith.constant 0 : i32
    return %arg0, %c0_i32 : i32, i32
  }
}

module attributes {stable_mosaic.version = 14 : i64} {
  func.func @_proj_body(%arg0: i32, %arg1: memref<1024x256xf32, #tpu.memory_space<vmem>>, %arg2: memref<256x128xf32, #tpu.memory_space<vmem>>, %arg3: memref<1x128xf32, #tpu.memory_space<vmem>>, %arg4: memref<256x128xf32, #tpu.memory_space<vmem>>, %arg5: memref<1x128xf32, #tpu.memory_space<vmem>>, %arg6: memref<256x128xf32, #tpu.memory_space<vmem>>, %arg7: memref<1x128xf32, #tpu.memory_space<vmem>>, %arg8: memref<256x128xf32, #tpu.memory_space<vmem>>, %arg9: memref<1x128xf32, #tpu.memory_space<vmem>>, %arg10: memref<1024x128xf32, #tpu.memory_space<vmem>>, %arg11: memref<1024x128xf32, #tpu.memory_space<vmem>>, %arg12: memref<1024x128xf32, #tpu.memory_space<vmem>>, %arg13: memref<1024x128xf32, #tpu.memory_space<vmem>>) attributes {dimension_semantics = [#tpu.dimension_semantics<arbitrary>], iteration_bounds = array<i64: 10>, scalar_prefetch = 0 : i64, scratch_operands = 0 : i64, tpu.core_type = #tpu.core_type<tc>, window_params = [{transform_indices = @transform_0, window_bounds = array<i64: 1024, 256>}, {pipeline_mode = #tpu.pipeline_mode<synchronous>, transform_indices = @transform_1, window_bounds = array<i64: 256, 128>}, {pipeline_mode = #tpu.pipeline_mode<synchronous>, transform_indices = @transform_2, window_bounds = array<i64: 1, 128>}, {pipeline_mode = #tpu.pipeline_mode<synchronous>, transform_indices = @transform_3, window_bounds = array<i64: 256, 128>}, {pipeline_mode = #tpu.pipeline_mode<synchronous>, transform_indices = @transform_4, window_bounds = array<i64: 1, 128>}, {pipeline_mode = #tpu.pipeline_mode<synchronous>, transform_indices = @transform_5, window_bounds = array<i64: 256, 128>}, {pipeline_mode = #tpu.pipeline_mode<synchronous>, transform_indices = @transform_6, window_bounds = array<i64: 1, 128>}, {pipeline_mode = #tpu.pipeline_mode<synchronous>, transform_indices = @transform_7, window_bounds = array<i64: 256, 128>}, {pipeline_mode = #tpu.pipeline_mode<synchronous>, transform_indices = @transform_8, window_bounds = array<i64: 1, 128>}, {transform_indices = @transform_9, window_bounds = array<i64: 1024, 128>}, {transform_indices = @transform_10, window_bounds = array<i64: 1024, 128>}, {transform_indices = @transform_11, window_bounds = array<i64: 1024, 128>}, {transform_indices = @transform_12, window_bounds = array<i64: 1024, 128>}]} {
    %get3A = arith.constant 0 : index
    %get3A_0 = arith.constant 0 : index
    %get3A_1 = vector.load %arg1[%get3A, %get3A_0] : memref<1024x256xf32, #tpu.memory_space<vmem>>, vector<1024x256xf32>
    %get3A_2 = arith.constant 0 : index
    %get3A_3 = arith.constant 0 : index
    %get3A_4 = vector.load %arg2[%get3A_2, %get3A_3] : memref<256x128xf32, #tpu.memory_space<vmem>>, vector<256x128xf32>
    %dot_general3A = arith.constant dense<0.000000e+00> : vector<1024x128xf32>
    %dot_general3A_5 = tpu.matmul %get3A_1, %get3A_4, %dot_general3A {dimension_numbers = #tpu.dot_dimension_numbers<[1], [0], [0], [1], [0, 0, 1, 1], [], []>, transpose_lhs_hint = false} : vector<1024x256xf32>, vector<256x128xf32>, vector<1024x128xf32> -> vector<1024x128xf32>
    %get3A_6 = arith.constant 0 : index
    %get3A_7 = arith.constant 0 : index
    %get3A_8 = vector.load %arg3[%get3A_6, %get3A_7] : memref<1x128xf32, #tpu.memory_space<vmem>>, vector<1x128xf32>
    %add3A = vector.broadcast %get3A_8 : vector<1x128xf32> to vector<1024x128xf32>
    %add3A_9 = arith.addf %dot_general3A_5, %add3A : vector<1024x128xf32>
    %mul3A = arith.constant 0.0883883461 : f32
    %mul3A_10 = vector.broadcast %mul3A : f32 to vector<1024x128xf32>
    %mul3A_11 = arith.mulf %add3A_9, %mul3A_10 : vector<1024x128xf32>
    %swap3A = arith.constant 0 : index
    %swap3A_12 = arith.constant 0 : index
    %swap3A_13 = vector.load %arg10[%swap3A, %swap3A_12] : memref<1024x128xf32, #tpu.memory_space<vmem>>, vector<1024x128xf32>
    tpu.vector_store %arg10[%swap3A, %swap3A_12], %mul3A_11 {strides = array<i32>} : memref<1024x128xf32, #tpu.memory_space<vmem>>, vector<1024x128xf32>,
    %get3A_14 = arith.constant 0 : index
    %get3A_15 = arith.constant 0 : index
    %get3A_16 = vector.load %arg4[%get3A_14, %get3A_15] : memref<256x128xf32, #tpu.memory_space<vmem>>, vector<256x128xf32>
    %dot_general3A_17 = arith.constant dense<0.000000e+00> : vector<1024x128xf32>
    %dot_general3A_18 = tpu.matmul %get3A_1, %get3A_16, %dot_general3A_17 {dimension_numbers = #tpu.dot_dimension_numbers<[1], [0], [0], [1], [0, 0, 1, 1], [], []>, transpose_lhs_hint = false} : vector<1024x256xf32>, vector<256x128xf32>, vector<1024x128xf32> -> vector<1024x128xf32>
    %get3A_19 = arith.constant 0 : index
    %get3A_20 = arith.constant 0 : index
    %get3A_21 = vector.load %arg5[%get3A_19, %get3A_20] : memref<1x128xf32, #tpu.memory_space<vmem>>, vector<1x128xf32>
    %add3A_22 = vector.broadcast %get3A_21 : vector<1x128xf32> to vector<1024x128xf32>
    %add3A_23 = arith.addf %dot_general3A_18, %add3A_22 : vector<1024x128xf32>
    %swap3A_24 = arith.constant 0 : index
    %swap3A_25 = arith.constant 0 : index
    %swap3A_26 = vector.load %arg11[%swap3A_24, %swap3A_25] : memref<1024x128xf32, #tpu.memory_space<vmem>>, vector<1024x128xf32>
    tpu.vector_store %arg11[%swap3A_24, %swap3A_25], %add3A_23 {strides = array<i32>} : memref<1024x128xf32, #tpu.memory_space<vmem>>, vector<1024x128xf32>,
    %get3A_27 = arith.constant 0 : index
    %get3A_28 = arith.constant 0 : index
    %get3A_29 = vector.load %arg6[%get3A_27, %get3A_28] : memref<256x128xf32, #tpu.memory_space<vmem>>, vector<256x128xf32>
    %dot_general3A_30 = arith.constant dense<0.000000e+00> : vector<1024x128xf32>
    %dot_general3A_31 = tpu.matmul %get3A_1, %get3A_29, %dot_general3A_30 {dimension_numbers = #tpu.dot_dimension_numbers<[1], [0], [0], [1], [0, 0, 1, 1], [], []>, transpose_lhs_hint = false} : vector<1024x256xf32>, vector<256x128xf32>, vector<1024x128xf32> -> vector<1024x128xf32>
    %get3A_32 = arith.constant 0 : index
    %get3A_33 = arith.constant 0 : index
    %get3A_34 = vector.load %arg7[%get3A_32, %get3A_33] : memref<1x128xf32, #tpu.memory_space<vmem>>, vector<1x128xf32>
    %add3A_35 = vector.broadcast %get3A_34 : vector<1x128xf32> to vector<1024x128xf32>
    %add3A_36 = arith.addf %dot_general3A_31, %add3A_35 : vector<1024x128xf32>
    %swap3A_37 = arith.constant 0 : index
    %swap3A_38 = arith.constant 0 : index
    %swap3A_39 = vector.load %arg12[%swap3A_37, %swap3A_38] : memref<1024x128xf32, #tpu.memory_space<vmem>>, vector<1024x128xf32>
    tpu.vector_store %arg12[%swap3A_37, %swap3A_38], %add3A_36 {strides = array<i32>} : memref<1024x128xf32, #tpu.memory_space<vmem>>, vector<1024x128xf32>,
    %get3A_40 = arith.constant 0 : index
    %get3A_41 = arith.constant 0 : index
    %get3A_42 = vector.load %arg8[%get3A_40, %get3A_41] : memref<256x128xf32, #tpu.memory_space<vmem>>, vector<256x128xf32>
    %dot_general3A_43 = arith.constant dense<0.000000e+00> : vector<1024x128xf32>
    %dot_general3A_44 = tpu.matmul %get3A_1, %get3A_42, %dot_general3A_43 {dimension_numbers = #tpu.dot_dimension_numbers<[1], [0], [0], [1], [0, 0, 1, 1], [], []>, transpose_lhs_hint = false} : vector<1024x256xf32>, vector<256x128xf32>, vector<1024x128xf32> -> vector<1024x128xf32>
    %get3A_45 = arith.constant 0 : index
    %get3A_46 = arith.constant 0 : index
    %get3A_47 = vector.load %arg9[%get3A_45, %get3A_46] : memref<1x128xf32, #tpu.memory_space<vmem>>, vector<1x128xf32>
    %add3A_48 = vector.broadcast %get3A_47 : vector<1x128xf32> to vector<1024x128xf32>
    %add3A_49 = arith.addf %dot_general3A_44, %add3A_48 : vector<1024x128xf32>
    %swap3A_50 = arith.constant 0 : index
    %swap3A_51 = arith.constant 0 : index
    %swap3A_52 = vector.load %arg13[%swap3A_50, %swap3A_51] : memref<1024x128xf32, #tpu.memory_space<vmem>>, vector<1024x128xf32>
    tpu.vector_store %arg13[%swap3A_50, %swap3A_51], %add3A_49 {strides = array<i32>} : memref<1024x128xf32, #tpu.memory_space<vmem>>, vector<1024x128xf32>,
    return
  }
  func.func @transform_0(%arg0: i32) -> (i32, i32) {
    %c0_i32 = arith.constant 0 : i32
    %c0_i32_0 = arith.constant 0 : i32
    return %arg0, %c0_i32 : i32, i32
  }
  func.func @transform_1(%arg0: i32) -> (i32, i32) {
    %c0_i32 = arith.constant 0 : i32
    %c0_i32_0 = arith.constant 0 : i32
    %c0_i32_1 = arith.constant 0 : i32
    return %c0_i32, %c0_i32_0 : i32, i32
  }
  func.func @transform_2(%arg0: i32) -> (i32, i32) {
    %c0_i32 = arith.constant 0 : i32
    %c0_i32_0 = arith.constant 0 : i32
    %c0_i32_1 = arith.constant 0 : i32
    return %c0_i32, %c0_i32_0 : i32, i32
  }
  func.func @transform_3(%arg0: i32) -> (i32, i32) {
    %c0_i32 = arith.constant 0 : i32
    %c0_i32_0 = arith.constant 0 : i32
    %c0_i32_1 = arith.constant 0 : i32
    return %c0_i32, %c0_i32_0 : i32, i32
  }
  func.func @transform_4(%arg0: i32) -> (i32, i32) {
    %c0_i32 = arith.constant 0 : i32
    %c0_i32_0 = arith.constant 0 : i32
    %c0_i32_1 = arith.constant 0 : i32
    return %c0_i32, %c0_i32_0 : i32, i32
  }
  func.func @transform_5(%arg0: i32) -> (i32, i32) {
    %c0_i32 = arith.constant 0 : i32
    %c0_i32_0 = arith.constant 0 : i32
    %c0_i32_1 = arith.constant 0 : i32
    return %c0_i32, %c0_i32_0 : i32, i32
  }
  func.func @transform_6(%arg0: i32) -> (i32, i32) {
    %c0_i32 = arith.constant 0 : i32
    %c0_i32_0 = arith.constant 0 : i32
    %c0_i32_1 = arith.constant 0 : i32
    return %c0_i32, %c0_i32_0 : i32, i32
  }
  func.func @transform_7(%arg0: i32) -> (i32, i32) {
    %c0_i32 = arith.constant 0 : i32
    %c0_i32_0 = arith.constant 0 : i32
    %c0_i32_1 = arith.constant 0 : i32
    return %c0_i32, %c0_i32_0 : i32, i32
  }
  func.func @transform_8(%arg0: i32) -> (i32, i32) {
    %c0_i32 = arith.constant 0 : i32
    %c0_i32_0 = arith.constant 0 : i32
    %c0_i32_1 = arith.constant 0 : i32
    return %c0_i32, %c0_i32_0 : i32, i32
  }
  func.func @transform_9(%arg0: i32) -> (i32, i32) {
    %c0_i32 = arith.constant 0 : i32
    %c0_i32_0 = arith.constant 0 : i32
    return %arg0, %c0_i32 : i32, i32
  }
  func.func @transform_10(%arg0: i32) -> (i32, i32) {
    %c0_i32 = arith.constant 0 : i32
    %c0_i32_0 = arith.constant 0 : i32
    return %arg0, %c0_i32 : i32, i32
  }
  func.func @transform_11(%arg0: i32) -> (i32, i32) {
    %c0_i32 = arith.constant 0 : i32
    %c0_i32_0 = arith.constant 0 : i32
    return %arg0, %c0_i32 : i32, i32
  }
  func.func @transform_12(%arg0: i32) -> (i32, i32) {
    %c0_i32 = arith.constant 0 : i32
    %c0_i32_0 = arith.constant 0 : i32
    return %arg0, %c0_i32 : i32, i32
  }
}

module attributes {stable_mosaic.version = 14 : i64} {
  func.func @_combine_body(%arg0: i32, %arg1: memref<2x1024x128xf32, #tpu.memory_space<vmem>>, %arg2: memref<2x1024x1xf32, #tpu.memory_space<vmem>>, %arg3: memref<1024x128xf32, #tpu.memory_space<vmem>>, %arg4: memref<1024x128xf32, #tpu.memory_space<vmem>>, %arg5: memref<1x1x128xf32, #tpu.memory_space<vmem>>, %arg6: memref<1x1x128xf32, #tpu.memory_space<vmem>>) attributes {dimension_semantics = [#tpu.dimension_semantics<arbitrary>], iteration_bounds = array<i64: 10>, scalar_prefetch = 0 : i64, scratch_operands = 0 : i64, tpu.core_type = #tpu.core_type<tc>, window_params = [{transform_indices = @transform_0, window_bounds = array<i64: 2, 1024, 128>}, {transform_indices = @transform_1, window_bounds = array<i64: 2, 1024, 1>}, {transform_indices = @transform_2, window_bounds = array<i64: 1024, 128>}, {transform_indices = @transform_3, window_bounds = array<i64: 1024, 128>}, {transform_indices = @transform_4, window_bounds = array<i64: 1, 1, 128>}, {transform_indices = @transform_5, window_bounds = array<i64: 1, 1, 128>}]} {
    %get3A = arith.constant 0 : index
    %get3A_0 = arith.constant 0 : index
    %get3A_1 = arith.constant 0 : index
    %get3A_2 = vector.load %arg1[%get3A, %get3A_0, %get3A_1] : memref<2x1024x128xf32, #tpu.memory_space<vmem>>, vector<1x1024x128xf32>
    %get3A_3 = vector.shape_cast %get3A_2 : vector<1x1024x128xf32> to vector<1024x128xf32>
    %get3A_4 = arith.constant 1 : index
    %get3A_5 = arith.constant 0 : index
    %get3A_6 = arith.constant 0 : index
    %get3A_7 = vector.load %arg1[%get3A_4, %get3A_5, %get3A_6] : memref<2x1024x128xf32, #tpu.memory_space<vmem>>, vector<1x1024x128xf32>
    %get3A_8 = vector.shape_cast %get3A_7 : vector<1x1024x128xf32> to vector<1024x128xf32>
    %add3A = arith.addf %get3A_3, %get3A_8 : vector<1024x128xf32>
    %get3A_9 = arith.constant 0 : index
    %get3A_10 = arith.constant 0 : index
    %get3A_11 = arith.constant 0 : index
    %get3A_12 = vector.load %arg2[%get3A_9, %get3A_10, %get3A_11] : memref<2x1024x1xf32, #tpu.memory_space<vmem>>, vector<1x1024x1xf32>
    %get3A_13 = vector.shape_cast %get3A_12 : vector<1x1024x1xf32> to vector<1024x1xf32>
    %get3A_14 = arith.constant 1 : index
    %get3A_15 = arith.constant 0 : index
    %get3A_16 = arith.constant 0 : index
    %get3A_17 = vector.load %arg2[%get3A_14, %get3A_15, %get3A_16] : memref<2x1024x1xf32, #tpu.memory_space<vmem>>, vector<1x1024x1xf32>
    %get3A_18 = vector.shape_cast %get3A_17 : vector<1x1024x1xf32> to vector<1024x1xf32>
    %add3A_19 = arith.addf %get3A_13, %get3A_18 : vector<1024x1xf32>
    %add3A_20 = arith.constant 1.000000e-16 : f32
    %add3A_21 = vector.broadcast %add3A_20 : f32 to vector<1024x1xf32>
    %add3A_22 = arith.addf %add3A_19, %add3A_21 : vector<1024x1xf32>
    %div3A = vector.broadcast %add3A_22 : vector<1024x1xf32> to vector<1024x128xf32>
    %div3A_23 = arith.divf %add3A, %div3A : vector<1024x128xf32>
    %get3A_24 = arith.constant 0 : index
    %get3A_25 = arith.constant 0 : index
    %get3A_26 = vector.load %arg3[%get3A_24, %get3A_25] : memref<1024x128xf32, #tpu.memory_space<vmem>>, vector<1024x128xf32>
    %add3A_27 = arith.addf %div3A_23, %get3A_26 : vector<1024x128xf32>
    %mul3A = arith.constant 1024 : i32
    %mul3A_28 = arith.muli %arg0, %mul3A : i32
    %iota3A = tpu.iota {dimensions = array<i32: 0>} : vector<1024x128xi32>
    %add3A_29 = vector.broadcast %mul3A_28 : i32 to vector<1024x128xi32>
    %add3A_30 = arith.addi %add3A_29, %iota3A : vector<1024x128xi32>
    %lt3A = arith.constant 10000 : i32
    %lt3A_31 = vector.broadcast %lt3A : i32 to vector<1024x128xi32>
    %lt3A_32 = arith.cmpi slt, %add3A_30, %lt3A_31 : vector<1024x128xi32>
    %jit3A = arith.constant 0.000000e+00 : f32
    %broadcast_in_dim3A = vector.broadcast %jit3A : f32 to vector<1024x128xf32>
    %select_n3A = arith.select %lt3A_32, %add3A_27, %broadcast_in_dim3A : vector<1024x128xi1>, vector<1024x128xf32>
    %swap3A = arith.constant 0 : index
    %swap3A_33 = arith.constant 0 : index
    %swap3A_34 = vector.load %arg4[%swap3A, %swap3A_33] : memref<1024x128xf32, #tpu.memory_space<vmem>>, vector<1024x128xf32>
    tpu.vector_store %arg4[%swap3A, %swap3A_33], %select_n3A {strides = array<i32>} : memref<1024x128xf32, #tpu.memory_space<vmem>>, vector<1024x128xf32>,
    %reduce_sum3A = arith.constant dense<0.000000e+00> : vector<128xf32>
    %reduce_sum3A_35 = vector.multi_reduction <add>, %select_n3A, %reduce_sum3A [0] : vector<1024x128xf32> to vector<128xf32>
    %broadcast_in_dim3A_36 = vector.shape_cast %reduce_sum3A_35 : vector<128xf32> to vector<1x128xf32>
    %reshape3A = vector.shape_cast %broadcast_in_dim3A_36 : vector<1x128xf32> to vector<1x1x128xf32>
    %swap3A_37 = arith.constant 0 : index
    %swap3A_38 = arith.constant 0 : index
    %swap3A_39 = arith.constant 0 : index
    %swap3A_40 = vector.load %arg5[%swap3A_37, %swap3A_38, %swap3A_39] : memref<1x1x128xf32, #tpu.memory_space<vmem>>, vector<1x1x128xf32>
    tpu.vector_store %arg5[%swap3A_37, %swap3A_38, %swap3A_39], %reshape3A {strides = array<i32>} : memref<1x1x128xf32, #tpu.memory_space<vmem>>, vector<1x1x128xf32>,
    %mul3A_41 = arith.mulf %select_n3A, %select_n3A : vector<1024x128xf32>
    %reduce_sum3A_42 = arith.constant dense<0.000000e+00> : vector<128xf32>
    %reduce_sum3A_43 = vector.multi_reduction <add>, %mul3A_41, %reduce_sum3A_42 [0] : vector<1024x128xf32> to vector<128xf32>
    %broadcast_in_dim3A_44 = vector.shape_cast %reduce_sum3A_43 : vector<128xf32> to vector<1x128xf32>
    %reshape3A_45 = vector.shape_cast %broadcast_in_dim3A_44 : vector<1x128xf32> to vector<1x1x128xf32>
    %swap3A_46 = arith.constant 0 : index
    %swap3A_47 = arith.constant 0 : index
    %swap3A_48 = arith.constant 0 : index
    %swap3A_49 = vector.load %arg6[%swap3A_46, %swap3A_47, %swap3A_48] : memref<1x1x128xf32, #tpu.memory_space<vmem>>, vector<1x1x128xf32>
    tpu.vector_store %arg6[%swap3A_46, %swap3A_47, %swap3A_48], %reshape3A_45 {strides = array<i32>} : memref<1x1x128xf32, #tpu.memory_space<vmem>>, vector<1x1x128xf32>,
    return
  }
  func.func @transform_0(%arg0: i32) -> (i32, i32, i32) {
    %c0_i32 = arith.constant 0 : i32
    %c0_i32_0 = arith.constant 0 : i32
    %c0_i32_1 = arith.constant 0 : i32
    return %c0_i32, %arg0, %c0_i32_0 : i32, i32, i32
  }
  func.func @transform_1(%arg0: i32) -> (i32, i32, i32) {
    %c0_i32 = arith.constant 0 : i32
    %c0_i32_0 = arith.constant 0 : i32
    %c0_i32_1 = arith.constant 0 : i32
    return %c0_i32, %arg0, %c0_i32_0 : i32, i32, i32
  }
  func.func @transform_2(%arg0: i32) -> (i32, i32) {
    %c0_i32 = arith.constant 0 : i32
    %c0_i32_0 = arith.constant 0 : i32
    return %arg0, %c0_i32 : i32, i32
  }
  func.func @transform_3(%arg0: i32) -> (i32, i32) {
    %c0_i32 = arith.constant 0 : i32
    %c0_i32_0 = arith.constant 0 : i32
    return %arg0, %c0_i32 : i32, i32
  }
  func.func @transform_4(%arg0: i32) -> (i32, i32, i32) {
    %c0_i32 = arith.constant 0 : i32
    %c0_i32_0 = arith.constant 0 : i32
    %c0_i32_1 = arith.constant 0 : i32
    return %arg0, %c0_i32, %c0_i32_0 : i32, i32, i32
  }
  func.func @transform_5(%arg0: i32) -> (i32, i32, i32) {
    %c0_i32 = arith.constant 0 : i32
    %c0_i32_0 = arith.constant 0 : i32
    %c0_i32_1 = arith.constant 0 : i32
    return %arg0, %c0_i32, %c0_i32_0 : i32, i32, i32
  }
}

module attributes {stable_mosaic.version = 14 : i64} {
  func.func @_bn_body(%arg0: i32, %arg1: memref<1024x128xf32, #tpu.memory_space<vmem>>, %arg2: memref<10x1x128xf32, #tpu.memory_space<vmem>>, %arg3: memref<10x1x128xf32, #tpu.memory_space<vmem>>, %arg4: memref<1x128xf32, #tpu.memory_space<vmem>>, %arg5: memref<1x128xf32, #tpu.memory_space<vmem>>, %arg6: memref<1024x128xf32, #tpu.memory_space<vmem>>) attributes {dimension_semantics = [#tpu.dimension_semantics<arbitrary>], iteration_bounds = array<i64: 10>, scalar_prefetch = 0 : i64, scratch_operands = 0 : i64, tpu.core_type = #tpu.core_type<tc>, window_params = [{transform_indices = @transform_0, window_bounds = array<i64: 1024, 128>}, {pipeline_mode = #tpu.pipeline_mode<synchronous>, transform_indices = @transform_1, window_bounds = array<i64: 10, 1, 128>}, {pipeline_mode = #tpu.pipeline_mode<synchronous>, transform_indices = @transform_2, window_bounds = array<i64: 10, 1, 128>}, {pipeline_mode = #tpu.pipeline_mode<synchronous>, transform_indices = @transform_3, window_bounds = array<i64: 1, 128>}, {pipeline_mode = #tpu.pipeline_mode<synchronous>, transform_indices = @transform_4, window_bounds = array<i64: 1, 128>}, {transform_indices = @transform_5, window_bounds = array<i64: 1024, 128>}]} {
    %get3A = arith.constant 0 : index
    %get3A_0 = arith.constant 0 : index
    %get3A_1 = arith.constant 0 : index
    %get3A_2 = vector.load %arg2[%get3A, %get3A_0, %get3A_1] : memref<10x1x128xf32, #tpu.memory_space<vmem>>, vector<10x1x128xf32>
    %reduce_sum3A = arith.constant dense<0.000000e+00> : vector<1x128xf32>
    %reduce_sum3A_3 = vector.multi_reduction <add>, %get3A_2, %reduce_sum3A [0] : vector<10x1x128xf32> to vector<1x128xf32>
    %div3A = arith.constant 1.000000e+04 : f32
    %div3A_4 = vector.broadcast %div3A : f32 to vector<1x128xf32>
    %div3A_5 = arith.divf %reduce_sum3A_3, %div3A_4 : vector<1x128xf32>
    %get3A_6 = arith.constant 0 : index
    %get3A_7 = arith.constant 0 : index
    %get3A_8 = arith.constant 0 : index
    %get3A_9 = vector.load %arg3[%get3A_6, %get3A_7, %get3A_8] : memref<10x1x128xf32, #tpu.memory_space<vmem>>, vector<10x1x128xf32>
    %reduce_sum3A_10 = arith.constant dense<0.000000e+00> : vector<1x128xf32>
    %reduce_sum3A_11 = vector.multi_reduction <add>, %get3A_9, %reduce_sum3A_10 [0] : vector<10x1x128xf32> to vector<1x128xf32>
    %div3A_12 = arith.constant 1.000000e+04 : f32
    %div3A_13 = vector.broadcast %div3A_12 : f32 to vector<1x128xf32>
    %div3A_14 = arith.divf %reduce_sum3A_11, %div3A_13 : vector<1x128xf32>
    %mul3A = arith.mulf %div3A_5, %div3A_5 : vector<1x128xf32>
    %sub3A = arith.subf %div3A_14, %mul3A : vector<1x128xf32>
    %get3A_15 = arith.constant 0 : index
    %get3A_16 = arith.constant 0 : index
    %get3A_17 = vector.load %arg4[%get3A_15, %get3A_16] : memref<1x128xf32, #tpu.memory_space<vmem>>, vector<1x128xf32>
    %get3A_18 = arith.constant 0 : index
    %get3A_19 = arith.constant 0 : index
    %get3A_20 = vector.load %arg1[%get3A_18, %get3A_19] : memref<1024x128xf32, #tpu.memory_space<vmem>>, vector<1024x128xf32>
    %sub3A_21 = vector.broadcast %div3A_5 : vector<1x128xf32> to vector<1024x128xf32>
    %sub3A_22 = arith.subf %get3A_20, %sub3A_21 : vector<1024x128xf32>
    %mul3A_23 = vector.broadcast %get3A_17 : vector<1x128xf32> to vector<1024x128xf32>
    %mul3A_24 = arith.mulf %mul3A_23, %sub3A_22 : vector<1024x128xf32>
    %add3A = arith.constant 9.99999974E-6 : f32
    %add3A_25 = vector.broadcast %add3A : f32 to vector<1x128xf32>
    %add3A_26 = arith.addf %sub3A, %add3A_25 : vector<1x128xf32>
    %sqrt3A = math.sqrt %add3A_26 : vector<1x128xf32>
    %div3A_27 = vector.broadcast %sqrt3A : vector<1x128xf32> to vector<1024x128xf32>
    %div3A_28 = arith.divf %mul3A_24, %div3A_27 : vector<1024x128xf32>
    %get3A_29 = arith.constant 0 : index
    %get3A_30 = arith.constant 0 : index
    %get3A_31 = vector.load %arg5[%get3A_29, %get3A_30] : memref<1x128xf32, #tpu.memory_space<vmem>>, vector<1x128xf32>
    %add3A_32 = vector.broadcast %get3A_31 : vector<1x128xf32> to vector<1024x128xf32>
    %add3A_33 = arith.addf %div3A_28, %add3A_32 : vector<1024x128xf32>
    %max3A = arith.constant 0.000000e+00 : f32
    %max3A_34 = vector.broadcast %max3A : f32 to vector<1024x128xf32>
    %max3A_35 = arith.maximumf %add3A_33, %max3A_34 : vector<1024x128xf32>
    %swap3A = arith.constant 0 : index
    %swap3A_36 = arith.constant 0 : index
    %swap3A_37 = vector.load %arg6[%swap3A, %swap3A_36] : memref<1024x128xf32, #tpu.memory_space<vmem>>, vector<1024x128xf32>
    tpu.vector_store %arg6[%swap3A, %swap3A_36], %max3A_35 {strides = array<i32>} : memref<1024x128xf32, #tpu.memory_space<vmem>>, vector<1024x128xf32>,
    return
  }
  func.func @transform_0(%arg0: i32) -> (i32, i32) {
    %c0_i32 = arith.constant 0 : i32
    %c0_i32_0 = arith.constant 0 : i32
    return %arg0, %c0_i32 : i32, i32
  }
  func.func @transform_1(%arg0: i32) -> (i32, i32, i32) {
    %c0_i32 = arith.constant 0 : i32
    %c0_i32_0 = arith.constant 0 : i32
    %c0_i32_1 = arith.constant 0 : i32
    %c0_i32_2 = arith.constant 0 : i32
    return %c0_i32, %c0_i32_0, %c0_i32_1 : i32, i32, i32
  }
  func.func @transform_2(%arg0: i32) -> (i32, i32, i32) {
    %c0_i32 = arith.constant 0 : i32
    %c0_i32_0 = arith.constant 0 : i32
    %c0_i32_1 = arith.constant 0 : i32
    %c0_i32_2 = arith.constant 0 : i32
    return %c0_i32, %c0_i32_0, %c0_i32_1 : i32, i32, i32
  }
  func.func @transform_3(%arg0: i32) -> (i32, i32) {
    %c0_i32 = arith.constant 0 : i32
    %c0_i32_0 = arith.constant 0 : i32
    %c0_i32_1 = arith.constant 0 : i32
    return %c0_i32, %c0_i32_0 : i32, i32
  }
  func.func @transform_4(%arg0: i32) -> (i32, i32) {
    %c0_i32 = arith.constant 0 : i32
    %c0_i32_0 = arith.constant 0 : i32
    %c0_i32_1 = arith.constant 0 : i32
    return %c0_i32, %c0_i32_0 : i32, i32
  }
  func.func @transform_5(%arg0: i32) -> (i32, i32) {
    %c0_i32 = arith.constant 0 : i32
    %c0_i32_0 = arith.constant 0 : i32
    return %arg0, %c0_i32 : i32, i32
  }
}

module attributes {stable_mosaic.version = 14 : i64} {
  func.func @_proj_body(%arg0: i32, %arg1: memref<1024x128xf32, #tpu.memory_space<vmem>>, %arg2: memref<128x128xf32, #tpu.memory_space<vmem>>, %arg3: memref<1x128xf32, #tpu.memory_space<vmem>>, %arg4: memref<128x128xf32, #tpu.memory_space<vmem>>, %arg5: memref<1x128xf32, #tpu.memory_space<vmem>>, %arg6: memref<128x128xf32, #tpu.memory_space<vmem>>, %arg7: memref<1x128xf32, #tpu.memory_space<vmem>>, %arg8: memref<128x128xf32, #tpu.memory_space<vmem>>, %arg9: memref<1x128xf32, #tpu.memory_space<vmem>>, %arg10: memref<1024x128xf32, #tpu.memory_space<vmem>>, %arg11: memref<1024x128xf32, #tpu.memory_space<vmem>>, %arg12: memref<1024x128xf32, #tpu.memory_space<vmem>>, %arg13: memref<1024x128xf32, #tpu.memory_space<vmem>>) attributes {dimension_semantics = [#tpu.dimension_semantics<arbitrary>], iteration_bounds = array<i64: 10>, scalar_prefetch = 0 : i64, scratch_operands = 0 : i64, tpu.core_type = #tpu.core_type<tc>, window_params = [{transform_indices = @transform_0, window_bounds = array<i64: 1024, 128>}, {pipeline_mode = #tpu.pipeline_mode<synchronous>, transform_indices = @transform_1, window_bounds = array<i64: 128, 128>}, {pipeline_mode = #tpu.pipeline_mode<synchronous>, transform_indices = @transform_2, window_bounds = array<i64: 1, 128>}, {pipeline_mode = #tpu.pipeline_mode<synchronous>, transform_indices = @transform_3, window_bounds = array<i64: 128, 128>}, {pipeline_mode = #tpu.pipeline_mode<synchronous>, transform_indices = @transform_4, window_bounds = array<i64: 1, 128>}, {pipeline_mode = #tpu.pipeline_mode<synchronous>, transform_indices = @transform_5, window_bounds = array<i64: 128, 128>}, {pipeline_mode = #tpu.pipeline_mode<synchronous>, transform_indices = @transform_6, window_bounds = array<i64: 1, 128>}, {pipeline_mode = #tpu.pipeline_mode<synchronous>, transform_indices = @transform_7, window_bounds = array<i64: 128, 128>}, {pipeline_mode = #tpu.pipeline_mode<synchronous>, transform_indices = @transform_8, window_bounds = array<i64: 1, 128>}, {transform_indices = @transform_9, window_bounds = array<i64: 1024, 128>}, {transform_indices = @transform_10, window_bounds = array<i64: 1024, 128>}, {transform_indices = @transform_11, window_bounds = array<i64: 1024, 128>}, {transform_indices = @transform_12, window_bounds = array<i64: 1024, 128>}]} {
    %get3A = arith.constant 0 : index
    %get3A_0 = arith.constant 0 : index
    %get3A_1 = vector.load %arg1[%get3A, %get3A_0] : memref<1024x128xf32, #tpu.memory_space<vmem>>, vector<1024x128xf32>
    %get3A_2 = arith.constant 0 : index
    %get3A_3 = arith.constant 0 : index
    %get3A_4 = vector.load %arg2[%get3A_2, %get3A_3] : memref<128x128xf32, #tpu.memory_space<vmem>>, vector<128x128xf32>
    %dot_general3A = arith.constant dense<0.000000e+00> : vector<1024x128xf32>
    %dot_general3A_5 = tpu.matmul %get3A_1, %get3A_4, %dot_general3A {dimension_numbers = #tpu.dot_dimension_numbers<[1], [0], [0], [1], [0, 0, 1, 1], [], []>, transpose_lhs_hint = false} : vector<1024x128xf32>, vector<128x128xf32>, vector<1024x128xf32> -> vector<1024x128xf32>
    %get3A_6 = arith.constant 0 : index
    %get3A_7 = arith.constant 0 : index
    %get3A_8 = vector.load %arg3[%get3A_6, %get3A_7] : memref<1x128xf32, #tpu.memory_space<vmem>>, vector<1x128xf32>
    %add3A = vector.broadcast %get3A_8 : vector<1x128xf32> to vector<1024x128xf32>
    %add3A_9 = arith.addf %dot_general3A_5, %add3A : vector<1024x128xf32>
    %mul3A = arith.constant 0.0883883461 : f32
    %mul3A_10 = vector.broadcast %mul3A : f32 to vector<1024x128xf32>
    %mul3A_11 = arith.mulf %add3A_9, %mul3A_10 : vector<1024x128xf32>
    %swap3A = arith.constant 0 : index
    %swap3A_12 = arith.constant 0 : index
    %swap3A_13 = vector.load %arg10[%swap3A, %swap3A_12] : memref<1024x128xf32, #tpu.memory_space<vmem>>, vector<1024x128xf32>
    tpu.vector_store %arg10[%swap3A, %swap3A_12], %mul3A_11 {strides = array<i32>} : memref<1024x128xf32, #tpu.memory_space<vmem>>, vector<1024x128xf32>,
    %get3A_14 = arith.constant 0 : index
    %get3A_15 = arith.constant 0 : index
    %get3A_16 = vector.load %arg4[%get3A_14, %get3A_15] : memref<128x128xf32, #tpu.memory_space<vmem>>, vector<128x128xf32>
    %dot_general3A_17 = arith.constant dense<0.000000e+00> : vector<1024x128xf32>
    %dot_general3A_18 = tpu.matmul %get3A_1, %get3A_16, %dot_general3A_17 {dimension_numbers = #tpu.dot_dimension_numbers<[1], [0], [0], [1], [0, 0, 1, 1], [], []>, transpose_lhs_hint = false} : vector<1024x128xf32>, vector<128x128xf32>, vector<1024x128xf32> -> vector<1024x128xf32>
    %get3A_19 = arith.constant 0 : index
    %get3A_20 = arith.constant 0 : index
    %get3A_21 = vector.load %arg5[%get3A_19, %get3A_20] : memref<1x128xf32, #tpu.memory_space<vmem>>, vector<1x128xf32>
    %add3A_22 = vector.broadcast %get3A_21 : vector<1x128xf32> to vector<1024x128xf32>
    %add3A_23 = arith.addf %dot_general3A_18, %add3A_22 : vector<1024x128xf32>
    %swap3A_24 = arith.constant 0 : index
    %swap3A_25 = arith.constant 0 : index
    %swap3A_26 = vector.load %arg11[%swap3A_24, %swap3A_25] : memref<1024x128xf32, #tpu.memory_space<vmem>>, vector<1024x128xf32>
    tpu.vector_store %arg11[%swap3A_24, %swap3A_25], %add3A_23 {strides = array<i32>} : memref<1024x128xf32, #tpu.memory_space<vmem>>, vector<1024x128xf32>,
    %get3A_27 = arith.constant 0 : index
    %get3A_28 = arith.constant 0 : index
    %get3A_29 = vector.load %arg6[%get3A_27, %get3A_28] : memref<128x128xf32, #tpu.memory_space<vmem>>, vector<128x128xf32>
    %dot_general3A_30 = arith.constant dense<0.000000e+00> : vector<1024x128xf32>
    %dot_general3A_31 = tpu.matmul %get3A_1, %get3A_29, %dot_general3A_30 {dimension_numbers = #tpu.dot_dimension_numbers<[1], [0], [0], [1], [0, 0, 1, 1], [], []>, transpose_lhs_hint = false} : vector<1024x128xf32>, vector<128x128xf32>, vector<1024x128xf32> -> vector<1024x128xf32>
    %get3A_32 = arith.constant 0 : index
    %get3A_33 = arith.constant 0 : index
    %get3A_34 = vector.load %arg7[%get3A_32, %get3A_33] : memref<1x128xf32, #tpu.memory_space<vmem>>, vector<1x128xf32>
    %add3A_35 = vector.broadcast %get3A_34 : vector<1x128xf32> to vector<1024x128xf32>
    %add3A_36 = arith.addf %dot_general3A_31, %add3A_35 : vector<1024x128xf32>
    %swap3A_37 = arith.constant 0 : index
    %swap3A_38 = arith.constant 0 : index
    %swap3A_39 = vector.load %arg12[%swap3A_37, %swap3A_38] : memref<1024x128xf32, #tpu.memory_space<vmem>>, vector<1024x128xf32>
    tpu.vector_store %arg12[%swap3A_37, %swap3A_38], %add3A_36 {strides = array<i32>} : memref<1024x128xf32, #tpu.memory_space<vmem>>, vector<1024x128xf32>,
    %get3A_40 = arith.constant 0 : index
    %get3A_41 = arith.constant 0 : index
    %get3A_42 = vector.load %arg8[%get3A_40, %get3A_41] : memref<128x128xf32, #tpu.memory_space<vmem>>, vector<128x128xf32>
    %dot_general3A_43 = arith.constant dense<0.000000e+00> : vector<1024x128xf32>
    %dot_general3A_44 = tpu.matmul %get3A_1, %get3A_42, %dot_general3A_43 {dimension_numbers = #tpu.dot_dimension_numbers<[1], [0], [0], [1], [0, 0, 1, 1], [], []>, transpose_lhs_hint = false} : vector<1024x128xf32>, vector<128x128xf32>, vector<1024x128xf32> -> vector<1024x128xf32>
    %get3A_45 = arith.constant 0 : index
    %get3A_46 = arith.constant 0 : index
    %get3A_47 = vector.load %arg9[%get3A_45, %get3A_46] : memref<1x128xf32, #tpu.memory_space<vmem>>, vector<1x128xf32>
    %add3A_48 = vector.broadcast %get3A_47 : vector<1x128xf32> to vector<1024x128xf32>
    %add3A_49 = arith.addf %dot_general3A_44, %add3A_48 : vector<1024x128xf32>
    %swap3A_50 = arith.constant 0 : index
    %swap3A_51 = arith.constant 0 : index
    %swap3A_52 = vector.load %arg13[%swap3A_50, %swap3A_51] : memref<1024x128xf32, #tpu.memory_space<vmem>>, vector<1024x128xf32>
    tpu.vector_store %arg13[%swap3A_50, %swap3A_51], %add3A_49 {strides = array<i32>} : memref<1024x128xf32, #tpu.memory_space<vmem>>, vector<1024x128xf32>,
    return
  }
  func.func @transform_0(%arg0: i32) -> (i32, i32) {
    %c0_i32 = arith.constant 0 : i32
    %c0_i32_0 = arith.constant 0 : i32
    return %arg0, %c0_i32 : i32, i32
  }
  func.func @transform_1(%arg0: i32) -> (i32, i32) {
    %c0_i32 = arith.constant 0 : i32
    %c0_i32_0 = arith.constant 0 : i32
    %c0_i32_1 = arith.constant 0 : i32
    return %c0_i32, %c0_i32_0 : i32, i32
  }
  func.func @transform_2(%arg0: i32) -> (i32, i32) {
    %c0_i32 = arith.constant 0 : i32
    %c0_i32_0 = arith.constant 0 : i32
    %c0_i32_1 = arith.constant 0 : i32
    return %c0_i32, %c0_i32_0 : i32, i32
  }
  func.func @transform_3(%arg0: i32) -> (i32, i32) {
    %c0_i32 = arith.constant 0 : i32
    %c0_i32_0 = arith.constant 0 : i32
    %c0_i32_1 = arith.constant 0 : i32
    return %c0_i32, %c0_i32_0 : i32, i32
  }
  func.func @transform_4(%arg0: i32) -> (i32, i32) {
    %c0_i32 = arith.constant 0 : i32
    %c0_i32_0 = arith.constant 0 : i32
    %c0_i32_1 = arith.constant 0 : i32
    return %c0_i32, %c0_i32_0 : i32, i32
  }
  func.func @transform_5(%arg0: i32) -> (i32, i32) {
    %c0_i32 = arith.constant 0 : i32
    %c0_i32_0 = arith.constant 0 : i32
    %c0_i32_1 = arith.constant 0 : i32
    return %c0_i32, %c0_i32_0 : i32, i32
  }
  func.func @transform_6(%arg0: i32) -> (i32, i32) {
    %c0_i32 = arith.constant 0 : i32
    %c0_i32_0 = arith.constant 0 : i32
    %c0_i32_1 = arith.constant 0 : i32
    return %c0_i32, %c0_i32_0 : i32, i32
  }
  func.func @transform_7(%arg0: i32) -> (i32, i32) {
    %c0_i32 = arith.constant 0 : i32
    %c0_i32_0 = arith.constant 0 : i32
    %c0_i32_1 = arith.constant 0 : i32
    return %c0_i32, %c0_i32_0 : i32, i32
  }
  func.func @transform_8(%arg0: i32) -> (i32, i32) {
    %c0_i32 = arith.constant 0 : i32
    %c0_i32_0 = arith.constant 0 : i32
    %c0_i32_1 = arith.constant 0 : i32
    return %c0_i32, %c0_i32_0 : i32, i32
  }
  func.func @transform_9(%arg0: i32) -> (i32, i32) {
    %c0_i32 = arith.constant 0 : i32
    %c0_i32_0 = arith.constant 0 : i32
    return %arg0, %c0_i32 : i32, i32
  }
  func.func @transform_10(%arg0: i32) -> (i32, i32) {
    %c0_i32 = arith.constant 0 : i32
    %c0_i32_0 = arith.constant 0 : i32
    return %arg0, %c0_i32 : i32, i32
  }
  func.func @transform_11(%arg0: i32) -> (i32, i32) {
    %c0_i32 = arith.constant 0 : i32
    %c0_i32_0 = arith.constant 0 : i32
    return %arg0, %c0_i32 : i32, i32
  }
  func.func @transform_12(%arg0: i32) -> (i32, i32) {
    %c0_i32 = arith.constant 0 : i32
    %c0_i32_0 = arith.constant 0 : i32
    return %arg0, %c0_i32 : i32, i32
  }
}

module attributes {stable_mosaic.version = 14 : i64} {
  func.func @_combine_body(%arg0: i32, %arg1: memref<2x1024x128xf32, #tpu.memory_space<vmem>>, %arg2: memref<2x1024x1xf32, #tpu.memory_space<vmem>>, %arg3: memref<1024x128xf32, #tpu.memory_space<vmem>>, %arg4: memref<1024x128xf32, #tpu.memory_space<vmem>>, %arg5: memref<1x1x128xf32, #tpu.memory_space<vmem>>, %arg6: memref<1x1x128xf32, #tpu.memory_space<vmem>>) attributes {dimension_semantics = [#tpu.dimension_semantics<arbitrary>], iteration_bounds = array<i64: 10>, scalar_prefetch = 0 : i64, scratch_operands = 0 : i64, tpu.core_type = #tpu.core_type<tc>, window_params = [{transform_indices = @transform_0, window_bounds = array<i64: 2, 1024, 128>}, {transform_indices = @transform_1, window_bounds = array<i64: 2, 1024, 1>}, {transform_indices = @transform_2, window_bounds = array<i64: 1024, 128>}, {transform_indices = @transform_3, window_bounds = array<i64: 1024, 128>}, {transform_indices = @transform_4, window_bounds = array<i64: 1, 1, 128>}, {transform_indices = @transform_5, window_bounds = array<i64: 1, 1, 128>}]} {
    %get3A = arith.constant 0 : index
    %get3A_0 = arith.constant 0 : index
    %get3A_1 = arith.constant 0 : index
    %get3A_2 = vector.load %arg1[%get3A, %get3A_0, %get3A_1] : memref<2x1024x128xf32, #tpu.memory_space<vmem>>, vector<1x1024x128xf32>
    %get3A_3 = vector.shape_cast %get3A_2 : vector<1x1024x128xf32> to vector<1024x128xf32>
    %get3A_4 = arith.constant 1 : index
    %get3A_5 = arith.constant 0 : index
    %get3A_6 = arith.constant 0 : index
    %get3A_7 = vector.load %arg1[%get3A_4, %get3A_5, %get3A_6] : memref<2x1024x128xf32, #tpu.memory_space<vmem>>, vector<1x1024x128xf32>
    %get3A_8 = vector.shape_cast %get3A_7 : vector<1x1024x128xf32> to vector<1024x128xf32>
    %add3A = arith.addf %get3A_3, %get3A_8 : vector<1024x128xf32>
    %get3A_9 = arith.constant 0 : index
    %get3A_10 = arith.constant 0 : index
    %get3A_11 = arith.constant 0 : index
    %get3A_12 = vector.load %arg2[%get3A_9, %get3A_10, %get3A_11] : memref<2x1024x1xf32, #tpu.memory_space<vmem>>, vector<1x1024x1xf32>
    %get3A_13 = vector.shape_cast %get3A_12 : vector<1x1024x1xf32> to vector<1024x1xf32>
    %get3A_14 = arith.constant 1 : index
    %get3A_15 = arith.constant 0 : index
    %get3A_16 = arith.constant 0 : index
    %get3A_17 = vector.load %arg2[%get3A_14, %get3A_15, %get3A_16] : memref<2x1024x1xf32, #tpu.memory_space<vmem>>, vector<1x1024x1xf32>
    %get3A_18 = vector.shape_cast %get3A_17 : vector<1x1024x1xf32> to vector<1024x1xf32>
    %add3A_19 = arith.addf %get3A_13, %get3A_18 : vector<1024x1xf32>
    %add3A_20 = arith.constant 1.000000e-16 : f32
    %add3A_21 = vector.broadcast %add3A_20 : f32 to vector<1024x1xf32>
    %add3A_22 = arith.addf %add3A_19, %add3A_21 : vector<1024x1xf32>
    %div3A = vector.broadcast %add3A_22 : vector<1024x1xf32> to vector<1024x128xf32>
    %div3A_23 = arith.divf %add3A, %div3A : vector<1024x128xf32>
    %get3A_24 = arith.constant 0 : index
    %get3A_25 = arith.constant 0 : index
    %get3A_26 = vector.load %arg3[%get3A_24, %get3A_25] : memref<1024x128xf32, #tpu.memory_space<vmem>>, vector<1024x128xf32>
    %add3A_27 = arith.addf %div3A_23, %get3A_26 : vector<1024x128xf32>
    %mul3A = arith.constant 1024 : i32
    %mul3A_28 = arith.muli %arg0, %mul3A : i32
    %iota3A = tpu.iota {dimensions = array<i32: 0>} : vector<1024x128xi32>
    %add3A_29 = vector.broadcast %mul3A_28 : i32 to vector<1024x128xi32>
    %add3A_30 = arith.addi %add3A_29, %iota3A : vector<1024x128xi32>
    %lt3A = arith.constant 10000 : i32
    %lt3A_31 = vector.broadcast %lt3A : i32 to vector<1024x128xi32>
    %lt3A_32 = arith.cmpi slt, %add3A_30, %lt3A_31 : vector<1024x128xi32>
    %jit3A = arith.constant 0.000000e+00 : f32
    %broadcast_in_dim3A = vector.broadcast %jit3A : f32 to vector<1024x128xf32>
    %select_n3A = arith.select %lt3A_32, %add3A_27, %broadcast_in_dim3A : vector<1024x128xi1>, vector<1024x128xf32>
    %swap3A = arith.constant 0 : index
    %swap3A_33 = arith.constant 0 : index
    %swap3A_34 = vector.load %arg4[%swap3A, %swap3A_33] : memref<1024x128xf32, #tpu.memory_space<vmem>>, vector<1024x128xf32>
    tpu.vector_store %arg4[%swap3A, %swap3A_33], %select_n3A {strides = array<i32>} : memref<1024x128xf32, #tpu.memory_space<vmem>>, vector<1024x128xf32>,
    %reduce_sum3A = arith.constant dense<0.000000e+00> : vector<128xf32>
    %reduce_sum3A_35 = vector.multi_reduction <add>, %select_n3A, %reduce_sum3A [0] : vector<1024x128xf32> to vector<128xf32>
    %broadcast_in_dim3A_36 = vector.shape_cast %reduce_sum3A_35 : vector<128xf32> to vector<1x128xf32>
    %reshape3A = vector.shape_cast %broadcast_in_dim3A_36 : vector<1x128xf32> to vector<1x1x128xf32>
    %swap3A_37 = arith.constant 0 : index
    %swap3A_38 = arith.constant 0 : index
    %swap3A_39 = arith.constant 0 : index
    %swap3A_40 = vector.load %arg5[%swap3A_37, %swap3A_38, %swap3A_39] : memref<1x1x128xf32, #tpu.memory_space<vmem>>, vector<1x1x128xf32>
    tpu.vector_store %arg5[%swap3A_37, %swap3A_38, %swap3A_39], %reshape3A {strides = array<i32>} : memref<1x1x128xf32, #tpu.memory_space<vmem>>, vector<1x1x128xf32>,
    %mul3A_41 = arith.mulf %select_n3A, %select_n3A : vector<1024x128xf32>
    %reduce_sum3A_42 = arith.constant dense<0.000000e+00> : vector<128xf32>
    %reduce_sum3A_43 = vector.multi_reduction <add>, %mul3A_41, %reduce_sum3A_42 [0] : vector<1024x128xf32> to vector<128xf32>
    %broadcast_in_dim3A_44 = vector.shape_cast %reduce_sum3A_43 : vector<128xf32> to vector<1x128xf32>
    %reshape3A_45 = vector.shape_cast %broadcast_in_dim3A_44 : vector<1x128xf32> to vector<1x1x128xf32>
    %swap3A_46 = arith.constant 0 : index
    %swap3A_47 = arith.constant 0 : index
    %swap3A_48 = arith.constant 0 : index
    %swap3A_49 = vector.load %arg6[%swap3A_46, %swap3A_47, %swap3A_48] : memref<1x1x128xf32, #tpu.memory_space<vmem>>, vector<1x1x128xf32>
    tpu.vector_store %arg6[%swap3A_46, %swap3A_47, %swap3A_48], %reshape3A_45 {strides = array<i32>} : memref<1x1x128xf32, #tpu.memory_space<vmem>>, vector<1x1x128xf32>,
    return
  }
  func.func @transform_0(%arg0: i32) -> (i32, i32, i32) {
    %c0_i32 = arith.constant 0 : i32
    %c0_i32_0 = arith.constant 0 : i32
    %c0_i32_1 = arith.constant 0 : i32
    return %c0_i32, %arg0, %c0_i32_0 : i32, i32, i32
  }
  func.func @transform_1(%arg0: i32) -> (i32, i32, i32) {
    %c0_i32 = arith.constant 0 : i32
    %c0_i32_0 = arith.constant 0 : i32
    %c0_i32_1 = arith.constant 0 : i32
    return %c0_i32, %arg0, %c0_i32_0 : i32, i32, i32
  }
  func.func @transform_2(%arg0: i32) -> (i32, i32) {
    %c0_i32 = arith.constant 0 : i32
    %c0_i32_0 = arith.constant 0 : i32
    return %arg0, %c0_i32 : i32, i32
  }
  func.func @transform_3(%arg0: i32) -> (i32, i32) {
    %c0_i32 = arith.constant 0 : i32
    %c0_i32_0 = arith.constant 0 : i32
    return %arg0, %c0_i32 : i32, i32
  }
  func.func @transform_4(%arg0: i32) -> (i32, i32, i32) {
    %c0_i32 = arith.constant 0 : i32
    %c0_i32_0 = arith.constant 0 : i32
    %c0_i32_1 = arith.constant 0 : i32
    return %arg0, %c0_i32, %c0_i32_0 : i32, i32, i32
  }
  func.func @transform_5(%arg0: i32) -> (i32, i32, i32) {
    %c0_i32 = arith.constant 0 : i32
    %c0_i32_0 = arith.constant 0 : i32
    %c0_i32_1 = arith.constant 0 : i32
    return %arg0, %c0_i32, %c0_i32_0 : i32, i32, i32
  }
}

module attributes {stable_mosaic.version = 14 : i64} {
  func.func @_pool_body(%arg0: i32, %arg1: memref<1024x128xf32, #tpu.memory_space<vmem>>, %arg2: memref<1024x1xf32, #tpu.memory_space<vmem>>, %arg3: memref<1024x1xf32, #tpu.memory_space<vmem>>, %arg4: memref<1024x1xi32, #tpu.memory_space<vmem>>, %arg5: memref<128x1xf32, #tpu.memory_space<vmem>>, %arg6: memref<1x1xf32, #tpu.memory_space<vmem>>, %arg7: memref<1024x1xf32, #tpu.memory_space<vmem>>, %arg8: memref<64x128xf32, #tpu.memory_space<vmem>>) attributes {dimension_semantics = [#tpu.dimension_semantics<arbitrary>], iteration_bounds = array<i64: 10>, scalar_prefetch = 0 : i64, scratch_operands = 0 : i64, tpu.core_type = #tpu.core_type<tc>, window_params = [{transform_indices = @transform_0, window_bounds = array<i64: 1024, 128>}, {transform_indices = @transform_1, window_bounds = array<i64: 1024, 1>}, {transform_indices = @transform_2, window_bounds = array<i64: 1024, 1>}, {transform_indices = @transform_3, window_bounds = array<i64: 1024, 1>}, {pipeline_mode = #tpu.pipeline_mode<synchronous>, transform_indices = @transform_4, window_bounds = array<i64: 128, 1>}, {pipeline_mode = #tpu.pipeline_mode<synchronous>, transform_indices = @transform_5, window_bounds = array<i64: 1, 1>}, {transform_indices = @transform_6, window_bounds = array<i64: 1024, 1>}, {pipeline_mode = #tpu.pipeline_mode<synchronous>, transform_indices = @transform_7, window_bounds = array<i64: 64, 128>}]} {
    %get3A = arith.constant 0 : index
    %get3A_0 = arith.constant 0 : index
    %get3A_1 = vector.load %arg1[%get3A, %get3A_0] : memref<1024x128xf32, #tpu.memory_space<vmem>>, vector<1024x128xf32>
    %get3A_2 = arith.constant 0 : index
    %get3A_3 = arith.constant 0 : index
    %get3A_4 = vector.load %arg5[%get3A_2, %get3A_3] : memref<128x1xf32, #tpu.memory_space<vmem>>, vector<128x1xf32>
    %dot_general3A = arith.constant dense<0.000000e+00> : vector<1024x1xf32>
    %dot_general3A_5 = tpu.matmul %get3A_1, %get3A_4, %dot_general3A {dimension_numbers = #tpu.dot_dimension_numbers<[1], [0], [0], [1], [0, 0, 1, 1], [], []>, transpose_lhs_hint = false} : vector<1024x128xf32>, vector<128x1xf32>, vector<1024x1xf32> -> vector<1024x1xf32>
    %get3A_6 = arith.constant 0 : index
    %get3A_7 = arith.constant 0 : index
    %get3A_8 = vector.load %arg6[%get3A_6, %get3A_7] : memref<1x1xf32, #tpu.memory_space<vmem>>, vector<1x1xf32>
    %add3A = vector.broadcast %get3A_8 : vector<1x1xf32> to vector<1024x1xf32>
    %add3A_9 = arith.addf %dot_general3A_5, %add3A : vector<1024x1xf32>
    %swap3A = arith.constant 0 : index
    %swap3A_10 = arith.constant 0 : index
    %swap3A_11 = vector.load %arg7[%swap3A, %swap3A_10] : memref<1024x1xf32, #tpu.memory_space<vmem>>, vector<1024x1xf32>
    tpu.vector_store %arg7[%swap3A, %swap3A_10], %add3A_9 {strides = array<i32>} : memref<1024x1xf32, #tpu.memory_space<vmem>>, vector<1024x1xf32>,
    %get3A_12 = arith.constant 0 : index
    %get3A_13 = arith.constant 0 : index
    %get3A_14 = vector.load %arg2[%get3A_12, %get3A_13] : memref<1024x1xf32, #tpu.memory_space<vmem>>, vector<1024x1xf32>
    %mul3A = vector.broadcast %get3A_14 : vector<1024x1xf32> to vector<1024x128xf32>
    %mul3A_15 = arith.mulf %get3A_1, %mul3A : vector<1024x128xf32>
    %get3A_16 = arith.constant 0 : index
    %get3A_17 = arith.constant 0 : index
    %get3A_18 = vector.load %arg3[%get3A_16, %get3A_17] : memref<1024x1xf32, #tpu.memory_space<vmem>>, vector<1024x1xf32>
    %div3A = vector.broadcast %get3A_18 : vector<1024x1xf32> to vector<1024x128xf32>
    %div3A_19 = arith.divf %mul3A_15, %div3A : vector<1024x128xf32>
    %get3A_20 = arith.constant 0 : index
    %get3A_21 = arith.constant 0 : index
    %get3A_22 = vector.load %arg4[%get3A_20, %get3A_21] : memref<1024x1xi32, #tpu.memory_space<vmem>>, vector<1024x1xi32>
    %iota3A = tpu.iota {dimensions = array<i32: 1>} : vector<1024x64xi32>
    %eq3A = vector.broadcast %get3A_22 : vector<1024x1xi32> to vector<1024x64xi32>
    %eq3A_23 = arith.cmpi eq, %eq3A, %iota3A : vector<1024x64xi32>
    %convert_element_type3A = arith.extui %eq3A_23 : vector<1024x64xi1> to vector<1024x64xi32>
    %convert_element_type3A_24 = arith.sitofp %convert_element_type3A : vector<1024x64xi32> to vector<1024x64xf32>
    %dot_general3A_25 = arith.constant dense<0.000000e+00> : vector<64x128xf32>
    %dot_general3A_26 = tpu.matmul %convert_element_type3A_24, %div3A_19, %dot_general3A_25 {dimension_numbers = #tpu.dot_dimension_numbers<[0], [0], [1], [1], [0, 1, 1, 1], [], []>, transpose_lhs_hint = false} : vector<1024x64xf32>, vector<1024x128xf32>, vector<64x128xf32> -> vector<64x128xf32>
    %eq3A_27 = arith.constant 0 : i32
    %eq3A_28 = arith.cmpi eq, %arg0, %eq3A_27 : i32
    %convert_element_type3A_29 = arith.extui %eq3A_28 : i1 to i32
    %cond3A = arith.constant 0 : i32
    %cond3A_30 = arith.cmpi ne, %convert_element_type3A_29, %cond3A : i32
    scf.if %cond3A_30 {
      %broadcast_in_dim3A = arith.constant 0.000000e+00 : f32
      %broadcast_in_dim3A_38 = vector.broadcast %broadcast_in_dim3A : f32 to vector<64x128xf32>
      %swap3A_39 = arith.constant 0 : index
      %swap3A_40 = arith.constant 0 : index
      %swap3A_41 = vector.load %arg8[%swap3A_39, %swap3A_40] : memref<64x128xf32, #tpu.memory_space<vmem>>, vector<64x128xf32>
      tpu.vector_store %arg8[%swap3A_39, %swap3A_40], %broadcast_in_dim3A_38 {strides = array<i32>} : memref<64x128xf32, #tpu.memory_space<vmem>>, vector<64x128xf32>,
    } else {
    }
    %get3A_31 = arith.constant 0 : index
    %get3A_32 = arith.constant 0 : index
    %get3A_33 = vector.load %arg8[%get3A_31, %get3A_32] : memref<64x128xf32, #tpu.memory_space<vmem>>, vector<64x128xf32>
    %add3A_34 = arith.addf %get3A_33, %dot_general3A_26 : vector<64x128xf32>
    %swap3A_35 = arith.constant 0 : index
    %swap3A_36 = arith.constant 0 : index
    %swap3A_37 = vector.load %arg8[%swap3A_35, %swap3A_36] : memref<64x128xf32, #tpu.memory_space<vmem>>, vector<64x128xf32>
    tpu.vector_store %arg8[%swap3A_35, %swap3A_36], %add3A_34 {strides = array<i32>} : memref<64x128xf32, #tpu.memory_space<vmem>>, vector<64x128xf32>,
    return
  }
  func.func @transform_0(%arg0: i32) -> (i32, i32) {
    %c0_i32 = arith.constant 0 : i32
    %c0_i32_0 = arith.constant 0 : i32
    return %arg0, %c0_i32 : i32, i32
  }
  func.func @transform_1(%arg0: i32) -> (i32, i32) {
    %c0_i32 = arith.constant 0 : i32
    %c0_i32_0 = arith.constant 0 : i32
    return %arg0, %c0_i32 : i32, i32
  }
  func.func @transform_2(%arg0: i32) -> (i32, i32) {
    %c0_i32 = arith.constant 0 : i32
    %c0_i32_0 = arith.constant 0 : i32
    return %arg0, %c0_i32 : i32, i32
  }
  func.func @transform_3(%arg0: i32) -> (i32, i32) {
    %c0_i32 = arith.constant 0 : i32
    %c0_i32_0 = arith.constant 0 : i32
    return %arg0, %c0_i32 : i32, i32
  }
  func.func @transform_4(%arg0: i32) -> (i32, i32) {
    %c0_i32 = arith.constant 0 : i32
    %c0_i32_0 = arith.constant 0 : i32
    %c0_i32_1 = arith.constant 0 : i32
    return %c0_i32, %c0_i32_0 : i32, i32
  }
  func.func @transform_5(%arg0: i32) -> (i32, i32) {
    %c0_i32 = arith.constant 0 : i32
    %c0_i32_0 = arith.constant 0 : i32
    %c0_i32_1 = arith.constant 0 : i32
    return %c0_i32, %c0_i32_0 : i32, i32
  }
  func.func @transform_6(%arg0: i32) -> (i32, i32) {
    %c0_i32 = arith.constant 0 : i32
    %c0_i32_0 = arith.constant 0 : i32
    return %arg0, %c0_i32 : i32, i32
  }
  func.func @transform_7(%arg0: i32) -> (i32, i32) {
    %c0_i32 = arith.constant 0 : i32
    %c0_i32_0 = arith.constant 0 : i32
    %c0_i32_1 = arith.constant 0 : i32
    return %c0_i32, %c0_i32_0 : i32, i32
  }
}

module attributes {stable_mosaic.version = 14 : i64} {
  func.func @_mlp_body(%arg0: memref<64x128xf32, #tpu.memory_space<vmem>>, %arg1: memref<64x1xi32, #tpu.memory_space<vmem>>, %arg2: memref<1008x128xf32, #tpu.memory_space<vmem>>, %arg3: memref<256x128xf32, #tpu.memory_space<vmem>>, %arg4: memref<1x128xf32, #tpu.memory_space<vmem>>, %arg5: memref<128x1xf32, #tpu.memory_space<vmem>>, %arg6: memref<1x1xf32, #tpu.memory_space<vmem>>, %arg7: memref<64x1xf32, #tpu.memory_space<vmem>>) attributes {dimension_semantics = [], scalar_prefetch = 0 : i64, scratch_operands = 0 : i64, tpu.core_type = #tpu.core_type<tc>} {
    %get3A = arith.constant 0 : index
    %get3A_0 = arith.constant 0 : index
    %get3A_1 = vector.load %arg1[%get3A, %get3A_0] : memref<64x1xi32, #tpu.memory_space<vmem>>, vector<64x1xi32>
    %iota3A = tpu.iota {dimensions = array<i32: 1>} : vector<64x1008xi32>
    %eq3A = vector.broadcast %get3A_1 : vector<64x1xi32> to vector<64x1008xi32>
    %eq3A_2 = arith.cmpi eq, %eq3A, %iota3A : vector<64x1008xi32>
    %convert_element_type3A = arith.extui %eq3A_2 : vector<64x1008xi1> to vector<64x1008xi32>
    %convert_element_type3A_3 = arith.sitofp %convert_element_type3A : vector<64x1008xi32> to vector<64x1008xf32>
    %get3A_4 = arith.constant 0 : index
    %get3A_5 = arith.constant 0 : index
    %get3A_6 = vector.load %arg2[%get3A_4, %get3A_5] : memref<1008x128xf32, #tpu.memory_space<vmem>>, vector<1008x128xf32>
    %dot_general3A = arith.constant dense<0.000000e+00> : vector<64x128xf32>
    %dot_general3A_7 = tpu.matmul %convert_element_type3A_3, %get3A_6, %dot_general3A {dimension_numbers = #tpu.dot_dimension_numbers<[1], [0], [0], [1], [0, 0, 1, 1], [], []>, transpose_lhs_hint = false} : vector<64x1008xf32>, vector<1008x128xf32>, vector<64x128xf32> -> vector<64x128xf32>
    %get3A_8 = arith.constant 0 : index
    %get3A_9 = arith.constant 0 : index
    %get3A_10 = vector.load %arg0[%get3A_8, %get3A_9] : memref<64x128xf32, #tpu.memory_space<vmem>>, vector<64x128xf32>
    %concatenate3A = tpu.concatenate %get3A_10, %dot_general3A_7 in 1 : vector<64x128xf32>, vector<64x128xf32> -> vector<64x256xf32>
    %get3A_11 = arith.constant 0 : index
    %get3A_12 = arith.constant 0 : index
    %get3A_13 = vector.load %arg3[%get3A_11, %get3A_12] : memref<256x128xf32, #tpu.memory_space<vmem>>, vector<256x128xf32>
    %dot_general3A_14 = arith.constant dense<0.000000e+00> : vector<64x128xf32>
    %dot_general3A_15 = tpu.matmul %concatenate3A, %get3A_13, %dot_general3A_14 {dimension_numbers = #tpu.dot_dimension_numbers<[1], [0], [0], [1], [0, 0, 1, 1], [], []>, transpose_lhs_hint = false} : vector<64x256xf32>, vector<256x128xf32>, vector<64x128xf32> -> vector<64x128xf32>
    %get3A_16 = arith.constant 0 : index
    %get3A_17 = arith.constant 0 : index
    %get3A_18 = vector.load %arg4[%get3A_16, %get3A_17] : memref<1x128xf32, #tpu.memory_space<vmem>>, vector<1x128xf32>
    %add3A = vector.broadcast %get3A_18 : vector<1x128xf32> to vector<64x128xf32>
    %add3A_19 = arith.addf %dot_general3A_15, %add3A : vector<64x128xf32>
    %max3A = arith.constant 0.000000e+00 : f32
    %max3A_20 = vector.broadcast %max3A : f32 to vector<64x128xf32>
    %max3A_21 = arith.maximumf %add3A_19, %max3A_20 : vector<64x128xf32>
    %get3A_22 = arith.constant 0 : index
    %get3A_23 = arith.constant 0 : index
    %get3A_24 = vector.load %arg5[%get3A_22, %get3A_23] : memref<128x1xf32, #tpu.memory_space<vmem>>, vector<128x1xf32>
    %dot_general3A_25 = arith.constant dense<0.000000e+00> : vector<64x1xf32>
    %dot_general3A_26 = tpu.matmul %max3A_21, %get3A_24, %dot_general3A_25 {dimension_numbers = #tpu.dot_dimension_numbers<[1], [0], [0], [1], [0, 0, 1, 1], [], []>, transpose_lhs_hint = false} : vector<64x128xf32>, vector<128x1xf32>, vector<64x1xf32> -> vector<64x1xf32>
    %get3A_27 = arith.constant 0 : index
    %get3A_28 = arith.constant 0 : index
    %get3A_29 = vector.load %arg6[%get3A_27, %get3A_28] : memref<1x1xf32, #tpu.memory_space<vmem>>, vector<1x1xf32>
    %add3A_30 = vector.broadcast %get3A_29 : vector<1x1xf32> to vector<64x1xf32>
    %add3A_31 = arith.addf %dot_general3A_26, %add3A_30 : vector<64x1xf32>
    %swap3A = arith.constant 0 : index
    %swap3A_32 = arith.constant 0 : index
    %swap3A_33 = vector.load %arg7[%swap3A, %swap3A_32] : memref<64x1xf32, #tpu.memory_space<vmem>>, vector<64x1xf32>
    tpu.vector_store %arg7[%swap3A, %swap3A_32], %add3A_31 {strides = array<i32>} : memref<64x1xf32, #tpu.memory_space<vmem>>, vector<64x1xf32>,
    return
  }
}

</mosaic_0001>

<sc_bundles>
// kernel: kernel.19.cloned.1.call-start
scs
__scs_entry_jumppad:
0x0: {  	(pc) =	sbr.rel $0x88, $3  }
0x1: {  	(tag) =	ssettag $0x0;
	lr =	simm.s32 $0x1  }
0x2: {  	[smem:$0x3F6E] =	sst lr;
	_ =	strace $0xD0000000  }
0x3: {  	_ = 	snop  }
0x4: {  	_ = 	snop  }
0x5: {  	_ = 	snop  }
0x6: {  	_ = 	snop  }
0x7: {  	_ = 	snop  }
__scs_overlays_trampoline_lowered:
0x8: {  	[smem:$0x3F7D] =	sst s0  }
0x9: {  	[smem:$0x3F7E] =	sst s1  }
0xa: {  	[smem:$0x3F7F] =	sst s2  }
0xb: {  	[smem:$0x3F80] =	sst s3  }
0xc: {  	[smem:$0x3F81] =	sst s4  }
0xd: {  	[smem:$0x3F82] =	sst s5  }
0xe: {  	[smem:$0x3F83] =	sst s6  }
0xf: {  	[smem:$0x3F84] =	sst s7  }
0x10: {  	[smem:$0x3F85] =	sst s8  }
0x11: {  	[smem:$0x3F86] =	sst s9;
	s0 =	simm.s32 @!p0 $0x0  }
0x12: {  	s1 =	sld [smem:$0x3F6C];
	s0 =	simm.s32 @p0 $0x1  }
0x13: {  	[smem:$0x3F87] =	sst s0;
	s0 =	simm.s32 @!p1 $0x0  }
0x14: {  	s2 =	sld [smem:$0x3F6B];
	s0 =	simm.s32 @p1 $0x1  }
0x15: {  	[smem:$0x3F88] =	sst s0;
	s0 =	simm.s32 @!p2 $0x0  }
0x16: {  	s3 =	sld [smem:$0x3FDB];
	s0 =	simm.s32 @p2 $0x1  }
0x17: {  	s4 =	simm.s32 $0x1BF5;
	[smem:$0x3F8A] =	sst s0  }
0x18: {  	s0 =	sld [smem:$0x3F6D];
	_ =	swait.ge [sflag:s4], $0x0  }
0x19: {  	s7 =	sld [smem:$0x3F6E]  }
0x1a: {  	s8 =	sadd.s32 $0xFFFFE003, lr  }
0x1b: {  	s9 =	sadd.s32 $0xFFFFFEF7, lr;
	s5 =	simm.s32 $0xFFFFFFFF;
	p2 =	slt.u32 s8, $0xFFFFF086  }
0x1c: {  	p1 =	slt.u32 s9, $0xF7A;
	s5 =	simm.s32 @!p2 $0x0  }
0x1d: {  	s5 =	simm.s32 @p1 $0x1;
	p0 =	seq.s32 s7, s2  }
0x1e: {  	s7 =	smul.u32 @!p0 $0xF7A, s2;
	p2 =	seq.s32 @!p0 s5, $0x0  }
0x1f: {  	s9 =	smul.u32 $0xF7A, s1;
	s8 =	simm.s32 @!p0 $0x1BF5;
	p2 =	por !p2, p0  }
0x20: {  	[sflag:s8] =	ssyncset.s32 @!p0 $0xFFFFF086;
	s6 =	sadd.s32 @!p0 s3, s7;
	s7 =	simm.s32 @!p0 $0x108  }
0x21: {  	s3 =	sadd.s32 s3, s9;
	s6 =	sadd.s32 @!p0 $0x88, s6;
	s7 =	simm.s32 @p2 $0x1082  }
0x22: {  	[simem:s7], [sflag:s8] =	dma.local @!p0 [hbm:s6], $0xF7A  }
0x23: {  	s9 =	sor.u32 $0xD0000000, s2;
	s6 =	simm.s32 $0x108;
	_ =	swait.ge @!p0 [sflag:s8], $0x0  }
0x24: {  	s3 =	sadd.s32 $0x88, s3;
	s6 =	simm.s32 @!p1 $0x1082;
	[sflag:s4] =	ssyncset.s32 $0xFFFFF086  }
0x25: {  	[simem:s6], [sflag:s4] =	dma.local [hbm:s3], $0xF7A  }
0x26: {  	[smem:$0x3F6E] =	sst s1;
	(tag) =	ssettag s2;
	_ =	strace s9  }
0x27: {  	s1 =	sld [smem:$0x3F7E]  }
0x28: {  	s2 =	sld [smem:$0x3F7F]  }
0x29: {  	s4 =	sld [smem:$0x3F81]  }
0x2a: {  	p0 =	seq.s32 s5, $0x0;
	s5 =	sld [smem:$0x3F82]  }
0x2b: {  	s6 =	sld [smem:$0x3F83]  }
0x2c: {  	s7 =	sld [smem:$0x3F84]  }
0x2d: {  	s3 =	simm.s32 $0x108;
	s8 =	sld [smem:$0x3F85]  }
0x2e: {  	s3 =	simm.s32 @!p0 $0x1082;
	s9 =	sld [smem:$0x3F86]  }
0x2f: {  	lr =	sadd.s32 s0, s3;
	s0 =	sld [smem:$0x3F7D]  }
0x30: {  	s3 =	sld [smem:$0x3F80]  }
0x31: {  	[smem:$0x3F89] =	sst s10  }
0x32: {  	s10 =	sld [smem:$0x3F87];
	_ =	sdelay $0x3  }
0x33: {  	p0 =	seq.s32 s10, $0x1;
	s10 =	sld [smem:$0x3F89];
	_ =	sdelay $0x3  }
0x34: {  	[smem:$0x3F89] =	sst s10  }
0x35: {  	s10 =	sld [smem:$0x3F88];
	_ =	sdelay $0x3  }
0x36: {  	p1 =	seq.s32 s10, $0x1;
	s10 =	sld [smem:$0x3F89];
	_ =	sdelay $0x3  }
0x37: {  	[smem:$0x3F89] =	sst s10  }
0x38: {  	s10 =	sld [smem:$0x3F8A]  }
0x39: {  	_ = 	snop;
	(pc) =	sbr.ind lr, $3  }
0x3a: {  	_ = 	snop  }
0x3b: {  	_ = 	snop  }
0x3c: {  	p2 =	seq.s32 s10, $0x1;
	s10 =	sld [smem:$0x3F89]  }
0x3d: {  	_ =	shalt  }
0x3e: {  	_ =	shalt  }
0x3f: {  	_ =	shalt  }
0x40: {  	_ =	shalt  }
0x41: {  	_ =	shalt  }
0x42: {  	_ =	shalt  }
0x43: {  	_ =	shalt  }
0x44: {  	_ =	shalt  }
0x45: {  	_ =	shalt  }
0x46: {  	_ =	shalt  }
0x47: {  	_ =	shalt  }
0x48: {  	_ =	shalt  }
0x49: {  	_ =	shalt  }
0x4a: {  	_ =	shalt  }
0x4b: {  	_ =	shalt  }
0x4c: {  	_ =	shalt  }
0x4d: {  	_ =	shalt  }
0x4e: {  	_ =	shalt  }
0x4f: {  	_ =	shalt  }
0x50: {  	_ =	shalt  }
0x51: {  	_ =	shalt  }
0x52: {  	_ =	shalt  }
0x53: {  	_ =	shalt  }
0x54: {  	_ =	shalt  }
0x55: {  	_ =	shalt  }
0x56: {  	_ =	shalt  }
0x57: {  	_ =	shalt  }
0x58: {  	_ =	shalt  }
0x59: {  	_ =	shalt  }
0x5a: {  	_ =	shalt  }
0x5b: {  	_ =	shalt  }
0x5c: {  	_ =	shalt  }
0x5d: {  	_ =	shalt  }
0x5e: {  	_ =	shalt  }
0x5f: {  	_ =	shalt  }
0x60: {  	_ =	shalt  }
0x61: {  	_ =	shalt  }
0x62: {  	_ =	shalt  }
0x63: {  	_ =	shalt  }
0x64: {  	_ =	shalt  }
0x65: {  	_ =	shalt  }
0x66: {  	_ =	shalt  }
0x67: {  	_ =	shalt  }
0x68: {  	_ =	shalt  }
0x69: {  	_ =	shalt  }
0x6a: {  	_ =	shalt  }
0x6b: {  	_ =	shalt  }
0x6c: {  	_ =	shalt  }
0x6d: {  	_ =	shalt  }
0x6e: {  	_ =	shalt  }
0x6f: {  	_ =	shalt  }
0x70: {  	_ =	shalt  }
0x71: {  	_ =	shalt  }
0x72: {  	_ =	shalt  }
0x73: {  	_ =	shalt  }
0x74: {  	_ =	shalt  }
0x75: {  	_ =	shalt  }
0x76: {  	_ =	shalt  }
0x77: {  	_ =	shalt  }
0x78: {  	_ =	shalt  }
0x79: {  	_ =	shalt  }
0x7a: {  	_ =	shalt  }
0x7b: {  	_ =	shalt  }
0x7c: {  	_ =	shalt  }
0x7d: {  	_ =	shalt  }
0x7e: {  	_ =	shalt  }
0x7f: {  	_ =	shalt  }
0x80: {  	_ =	shalt  }
0x81: {  	_ =	shalt  }
0x82: {  	_ =	shalt  }
0x83: {  	_ =	shalt  }
0x84: {  	_ =	shalt  }
0x85: {  	_ =	shalt  }
0x86: {  	_ =	shalt  }
0x87: {  	_ =	shalt  }
.Lfunc_end0:
.L_simem_size_0:
called_computation_lowered:
.L_overlay_start_0:
0x88: {  	s2 =	sld [smem:$0x3FD9]  }
0x89: {  	s3 =	sld [smem:$0x3FFE];
	_ =	sdelay $0x1  }
0x8a: {  	s1 =	srdreg.scid  }
0x8b: {  	s0 =	sand.u32 $0x1, s1  }
0x8c: {  	s14 =	sshll.u32 s0, $0xA;
	s2 =	sadd.s32 s3, s2  }
0x8d: {  	s2 =	sadd.s32 s2, s14  }
0x8e: {  	[smem:$0x3F95] =	sst s2  }
0x8f: {  	_ = 	snop  }
0x90: {  	s2 =	sld [smem:$0x3FD0];
	_ =	sdelay $0x2  }
0x91: {  	s15 =	simm.s32 $0xA;
	s4 =	simm.s32 $0x10  }
0x92: {  	[smem:s4], [sflag:s15] =	dma.local [hbm:s2], $0x1  }
0x93: {  	_ =	swait.eq [sflag:s15], $0x1  }
0x94: {  	[sflag:s15] =	ssyncset.done $0x0  }
0x95: {  	s16 =	sld [smem:$0x10];
	[sflag:s15] =	ssyncadd.s32 $0xFFFFFFFF  }
0x96: {  	s17 =	sld [smem:$0x11];
	(tm) =	ssettm $0x1  }
0x97: {  	s18 =	sld [smem:$0x3FFB];
	_ =	sdelay $0x3  }
0x98: {  	_ =	strace s18  }
0x99: {  	s4 =	sld [smem:$0x3FFC];
	_ =	sdelay $0x3  }
0x9a: {  	_ =	strace s4  }
0x9b: {  	s4 =	sld [smem:$0x3FFD];
	_ =	sdelay $0x3  }
0x9c: {  	_ =	strace s4  }
0x9d: {  	_ =	strace $0x8FFFFFFF  }
0x9e: {  	s19 =	sld [smem:$0x3FDB];
	_ =	sdelay $0x1  }
0x9f: {  	s5 =	simm.s32 $_scs_section_size  }
0xa0: {  	s6 =	simm.s32 $_size__tile_overlayer_lowered;
	s7 =	simm.s32 $_tile_overlayer_lowered  }
0xa1: {  	s22 =	simm.s32 $0x1BFF;
	s21 =	sshll.u32 s7, $0x1;
	s4 =	sadd.s32 s5, s19  }
0xa2: {  	s8 =	simm.s32 $0x0;
	s20 =	sshll.u32 s6, $0x1;
	s6 =	sadd.s32 s21, s4  }
0xa3: {  	[timem:s8], [sflag:s22] =	dma.local [hbm:s6], s20  }
0xa4: {  	_ =	swait.ge [sflag:s22], s20  }
0xa5: {  	s5 =	ssub.s32 $0x0, s20;
	[sflag:s22] =	ssyncset.done $0x0  }
0xa6: {  	[sflag:s22] =	ssyncadd.s32 s5;
	_ =	sdelay $0x1  }
0xa7: {  	s23 =	simm.s32 $0x1B8B  }
0xa8: {  	_ =	swait.ge [sflag:s23], $0x1  }
0xa9: {  	[sflag:s23] =	ssyncset.done $0x0  }
0xaa: {  	s25 =	simm.s32 $0x1B8E;
	s24 =	sld [smem:$0x3FFE];
	[sflag:s23] =	ssyncadd.s32 $0xFFFFFFFF  }
0xab: {  	s26 =	simm.s32 $execute0_lowered;
	[smem:$0x3FD2] =	sst s25  }
0xac: {  	s6 =	sshll.u32 s26, $0x1;
	_ =	strace $0x80000046;
	[dreg:$0x1] =	wrdreg $0xFFFFFFFF  }
0xad: {  	s28 =	simm.s32 $_size_execute0_lowered;
	s4 =	sadd.s32 s4, s6;
	[dreg:$0x0] =	wrdreg $0x0  }
0xae: {  	s6 =	sshll.u32 s28, $0x1;
	[dreg:$0x2] =	wrdreg s4  }
0xaf: {  	[dreg:$0x3] =	wrdreg s6  }
0xb0: {  	[dreg:$0x4] =	wrdreg $0xC0  }
0xb1: {  	_ =	task [dreg:s8], $0x5FFFF  }
0xb2: {  	[dreg:$0x1] =	wrdreg $0xFFFFFFFF  }
0xb3: {  	[dreg:$0x0] =	wrdreg $0x60  }
0xb4: {  	[dreg:$0x2] =	wrdreg s24  }
0xb5: {  	[dreg:$0x3] =	wrdreg s16  }
0xb6: {  	[dreg:$0x4] =	wrdreg s17  }
0xb7: {  	[dreg:$0x5] =	wrdreg $0xB3800  }
0xb8: {  	[dreg:$0x6] =	wrdreg $0x1F3800  }
0xb9: {  	[dreg:$0x7] =	wrdreg $0x9  }
0xba: {  	_ =	task.clear_ibuf [dreg:s8], $0x8FFFF;
	_ =	strace $0x90000046  }
0xbb: {  	s29 =	simm.s32 $0x9;
	_ =	strace $0x80000048  }
0xbc: {  	_ =	swait.ge [sflag:s29], $0x1  }
0xbd: {  	[sflag:s29] =	ssyncadd.s32 $0xFFFFFFFF  }
0xbe: {  	_ =	strace $0x90000048  }
0xbf: {  	_ =	sfence  }
0xc0: {  	s30 =	sld [smem:$0x0];
	_ =	sdelay $0x2  }
0xc1: {  	s31 =	sshll.u32 s1, $0xD;
	s1 =	sshrl.u32 s1, $0x2  }
0xc2: {  	s3 =	sand.u32 $0x4000, s31;
	s1 =	sadd.s32 s1, s30  }
0xc3: {  	s0 =	sor.u32 s3, s0;
	s1 =	sshll.u32 s1, $0x11  }
0xc4: {  	s0 =	sor.u32 s1, s0  }
0xc5: {  	s0 =	sadd.s32 $0x8F2B, s0  }
0xc6: {  	[sflag:s0] =	ssyncadd.remote.s32 $0x1  }
0xc7: {  	_ =	sfence.sel $0xFFFF  }
0xc8: {  	[dreg:$0x0] =	wrdreg $0xFFFFFFFF;
	(pc) =	sbr.abs _section_cstart, $3  }
0xc9: {  	[dreg:$0x1] =	wrdreg $0xFFFFFFFF  }
0xca: {  	_ =	task.clear_ibuf [dreg:s8], $0x2FFFF;
	_ =	strace $0x9FFFFFFF  }
0xcb: {  	(tm) =	ssettm $0x7FFFFFFF  }
tec
execute0_lowered:
.L_overlay_start_1:
0x0: {  	(tag) =	ssettag $0x1  }
0x1: {  	s0 =	rddreg [dreg:$0x0]  }
0x2: {  	s3 =	rddreg [dreg:$0x3]  }
0x3: {  	s5 =	rddreg [dreg:$0x4]  }
0x4: {  	s1 =	simm.s32 $0x0;
	s19 =	srdreg.scid;
	s2 =	stileid.u32  }
0x5: {  	s17 =	simm.s32 $0xB280;
	s28 =	simm.s32 $0x280;
	s29 =	simm.s32 $0x100  }
0x6: {  	s30 =	simm.s32 $0x2280;
	s31 =	simm.s32 $0x200;
	[smem:$0x7FF] =	sst s1  }
0x7: {  	s1 =	sand.u32 $0x1, s19;
	s4 =	smul.u32 $0x14000, s2;
	s6 =	sadd.s32 $0x7B600, s0  }
0x8: {  	s7 =	sadd.s32 $0x2B600, s0;
	s8 =	sadd.s32 $0x53600, s0;
	s9 =	sadd.s32 $0x28C00, s0  }
0x9: {  	s10 =	sadd.s32 $0xB200, s0;
	s16 =	sadd.s32 $0xA3600, s0;
	s12 =	sadd.s32 $0xCB600, s0  }
0xa: {  	s15 =	smul.u32 $0x50000, s2;
	s22 =	sshll.u32 s2, $0x1;
	s24 =	sshll.u32 s2, $0x6  }
0xb: {  	p0 =	sne.s32 s2, $0x0;
	s2 =	simm.s32 $0x1;
	s11 =	smul.u32 $0x140000, s1  }
0xc: {  	_ =	strace $0x80000047;
	[dreg:$0x7] =	wrdreg s12;
	s20 =	smul.u32 $0x500, s1  }
0xd: {  	s13 =	ssub.s32 $0x2, s1;
	s1 =	sor.u32 s1, s22;
	[dreg:$0x6] =	wrdreg s16  }
0xe: {  	s22 =	simm.s32 $0x8A80;
	s14 =	sshrl.u32 s13, $0x1;
	s23 =	sshrl.u32 s15, $0x2  }
0xf: {  	s15 =	smul.u32 $0x9E, s1;
	s1 =	simm.s32 $0x4280;
	s11 =	sadd.s32 s4, s11  }
0x10: {  	s21 =	ssub.s32 s13, s14;
	s4 =	sshrl.u32 s4, $0x3;
	s13 =	sadd.s32 s23, s3  }
0x11: {  	s14 =	sor.u32 $0x1C02, s24;
	s23 =	simm.s32 $0x0;
	s11 =	sshrl.u32 s11, $0x3  }
0x12: {  	s4 =	sadd.s32 s16, s4;
	s26 =	smax.u32 s21, $0x1;
	s19 =	sshrl.u32 s13, $0x3  }
0x13: {  	s21 =	sshrl.u32 @!p0 s5, $0x3;
	s13 =	simm.s32 $0xB300;
	[dreg:$0x8] =	wrdreg s4  }
0x14: {  	s11 =	sadd.s32 s11, s0;
	s0 =	sadd.s32 s20, s0;
	[dreg:$0xb] =	wrdreg s26  }
0x15: {  	s20 =	simm.s32 $0x2;
	s26 =	simm.s32 $0x180;
	s25 =	sadd.s32 $0xCC600, s11  }
0x16: {  	v0 =	vlaneseq.u32;
	s4 =	simm.s32 $0x8280;
	s0 =	sadd.s32 $0xCBC00, s0;
	[dreg:$0x9] =	wrdreg s25  }
0x17: {  	v0 =	vmul.u32 $0x10, v0;
	[dreg:$0xa] =	wrdreg s0;
	s25 =	simm.s32 $0x40;
	s0 =	simm.s32 $0x6280  }
.LBB2_1:
0x18: {  	s11 =	rddreg [dreg:$0x8]  }
0x19: {  	[spmem:s19], [sflag:s14] =	dma.local [hbm:s11], $0x2800  }
0x1a: {  	_ =	swait.ge [sflag:s20], $0x2800  }
0x1b: {  	[sflag:s20] =	ssyncset.done $0x0  }
0x1c: {  	s11 =	rddreg [dreg:$0x6];
	[sflag:s20] =	ssyncadd.s32 $0xFFFFD800  }
0x1d: {  	[spmem:s21], [sflag:s14] =	dma.local @!p0 [hbm:s11], $0x500  }
0x1e: {  	s11 =	simm.s32 @!p0 $0x2  }
0x1f: {  	_ =	swait.ge @!p0 [sflag:s11], $0x500  }
0x20: {  	[sflag:s11] =	ssyncset.done @!p0 $0x0  }
0x21: {  	s12 =	simm.s32 $0x0;
	s16 =	rddreg [dreg:$0x7];
	[sflag:s11] =	ssyncadd.s32 @!p0 $0xFFFFFB00  }
0x22: {  	[tilespmem:s22], [sflag:$0x2] =	stream.linear.gather [hbm4b:s16+s12], $0x2800, $0x38;
	[tilespmem:$0x1F600] =	vst v63  }
0x23: {  	_ =	swait.ge [sflag:s20], $0x2800  }
0x24: {  	[sflag:s20] =	ssyncset.done $0x0  }
0x25: {  	[sflag:s20] =	ssyncadd.s32 $0xFFFFD800  }
0x26: {  	s18 =	rddreg [dreg:$0x1]  }
0x27: {  	[tilespmem:s17], [sflag:$0x2] =	stream.linear.gather [hbm4b:s18+s12], $0x80, $0x38;
	[tilespmem:$0x1F600] =	vst v63  }
0x28: {  	_ =	swait.ge [sflag:s20], $0x80  }
0x29: {  	[sflag:s20] =	ssyncset.done $0x0  }
0x2a: {  	[sflag:s20] =	ssyncadd.s32 $0xFFFFFF80  }
0x2b: {  	s24 =	rddreg [dreg:$0x2]  }
0x2c: {  	[tilespmem:s13], [sflag:$0x2] =	stream.linear.gather [hbm4b:s24+s12], $0x80, $0x38;
	[tilespmem:$0x1F600] =	vst v63  }
0x2d: {  	_ =	swait.ge [sflag:s20], $0x80  }
0x2e: {  	[sflag:s20] =	ssyncset.done $0x0  }
0x2f: {  	[sflag:s20] =	ssyncadd.s32 $0xFFFFFF80  }
0x30: {  	s24 =	simm.s32 $0x0;
	[bflag:$0x0] =	sbarrier.arrive $0xFFFF  }
.LBB2_2:
0x31: {  	s11 =	sadd.s32 s15, s24  }
0x32: {  	s11 =	smul.u32 $0x18, s11;
	_ =	sdelay $0x1  }
0x33: {  	s13 =	simm.s32 $0x0;
	s11 =	sadd.s32 s10, s11  }
0x34: {  	[tilespmem:s13], [sflag:$0x2] =	stream.linear.gather [hbm4b:s11+s13], $0xC0, $0x38;
	[tilespmem:$0x1F600] =	vst v63  }
0x35: {  	_ =	swait.ge [sflag:s20], $0xC0  }
0x36: {  	[sflag:s20] =	ssyncset.done $0x0  }
0x37: {  	[sflag:s20] =	ssyncadd.s32 $0xFFFFFF40  }
0x38: {  	v1 =	vld [tilespmem:$0x0]  }
0x39: {  	v2 =	vld [tilespmem:$0x40]  }
0x3a: {  	v3 =	vld [tilespmem:$0x80]  }
0x3b: {  	v4 =	vld [tilespmem:$0x10]  }
0x3c: {  	v5 =	vld [tilespmem:$0x50]  }
0x3d: {  	[tilespmem:$0x100] =	vst v1;
	v1 =	vld [tilespmem:$0x90]  }
0x3e: {  	[tilespmem:$0x180] =	vst v2;
	v2 =	vld [tilespmem:$0x20]  }
0x3f: {  	[tilespmem:$0x200] =	vst v3;
	v3 =	vld [tilespmem:$0x60]  }
0x40: {  	[tilespmem:$0x110] =	vst v4;
	v4 =	vld [tilespmem:$0xA0]  }
0x41: {  	[tilespmem:$0x190] =	vst v5;
	v5 =	vld [tilespmem:$0x30]  }
0x42: {  	[tilespmem:$0x210] =	vst v1;
	v1 =	vld [tilespmem:$0x70]  }
0x43: {  	[tilespmem:$0x120] =	vst v2;
	v2 =	vld [tilespmem:$0xB0]  }
0x44: {  	[tilespmem:$0x1A0] =	vst v3  }
0x45: {  	[tilespmem:$0x220] =	vst v4  }
0x46: {  	[tilespmem:$0x130] =	vst v5  }
0x47: {  	[tilespmem:$0x1B0] =	vst v1  }
0x48: {  	[tilespmem:$0x230] =	vst v2  }
0x49: {  	[tilespmem:s28], [sflag:$0x1] =	stream.indirect.gather [hbm4b:s6+s25], $0x80, s26, s25, $0xb8;
	[tilespmem:$0x1F600] =	vst v63  }
0x4a: {  	_ = 	snop  }
0x4b: {  	[tilespmem:s30], [sflag:$0x1] =	stream.indirect.gather [hbm4b:s7+s25], $0x80, s29, s25, $0xb8;
	[tilespmem:$0x1F600] =	vst v63  }
0x4c: {  	_ = 	snop  }
0x4d: {  	[tilespmem:s0], [sflag:$0x1] =	stream.indirect.gather [hbm4b:s9+s25], $0x80, s31, s25, $0xb8;
	[tilespmem:$0x1F600] =	vst v63  }
0x4e: {  	_ = 	snop  }
0x4f: {  	[tilespmem:s1], [sflag:$0x1] =	stream.indirect.gather [hbm4b:s8+s25], $0x80, s29, s25, $0xb8;
	[tilespmem:$0x1F600] =	vst v63  }
0x50: {  	_ =	swait.ge [sflag:s2], $0x2000  }
0x51: {  	[sflag:s2] =	ssyncset.done $0x0  }
0x52: {  	[sflag:s2] =	ssyncadd.s32 $0xFFFFE000  }
0x53: {  	_ =	swait.ge [sflag:s2], $0x2000  }
0x54: {  	[sflag:s2] =	ssyncset.done $0x0  }
0x55: {  	[sflag:s2] =	ssyncadd.s32 $0xFFFFE000  }
0x56: {  	_ =	swait.ge [sflag:s2], $0x2000  }
0x57: {  	[sflag:s2] =	ssyncset.done $0x0  }
0x58: {  	[sflag:s2] =	ssyncadd.s32 $0xFFFFE000  }
0x59: {  	_ =	swait.ge [sflag:s2], $0x2000  }
0x5a: {  	[sflag:s2] =	ssyncset.done $0x0  }
0x5b: {  	s18 =	simm.s32 $0x0;
	[sflag:s2] =	ssyncadd.s32 $0xFFFFE000  }
0x5c: {  	v1 =	vld [tilespmem:s18+$0x2E0]  }
0x5d: {  	v2 =	vld [tilespmem:s18+$0x2D0]  }
0x5e: {  	v3 =	vld [tilespmem:s18+$0x2C0]  }
0x5f: {  	v4 =	vld [tilespmem:s18+$0x2B0]  }
0x60: {  	v5 =	vld [tilespmem:s18+$0x2A0]  }
0x61: {  	v6 =	vld [tilespmem:s18+$0x290]  }
0x62: {  	v7 =	vld [tilespmem:s18+$0x280]  }
0x63: {  	v8 =	vld [tilespmem:s18+$0x2280]  }
0x64: {  	v9 =	vld [tilespmem:s18+$0x6280]  }
0x65: {  	v10 =	vld [tilespmem:s18+$0x2290]  }
0x66: {  	v11 =	vld [tilespmem:s18+$0x6290]  }
0x67: {  	v12 =	vld [tilespmem:s18+$0x22A0]  }
0x68: {  	v13 =	vld [tilespmem:s18+$0x62A0]  }
0x69: {  	v14 =	vld [tilespmem:s18+$0x62B0];
	v8 =	vadd.f32 v9, v8  }
0x6a: {  	v9 =	vld [tilespmem:s18+$0x22B0]  }
0x6b: {  	v7 =	vmul.f32 v8, v7;
	v8 =	vadd.f32 v11, v10;
	v10 =	vld [tilespmem:s18+$0x22C0]  }
0x6c: {  	v11 =	vld [tilespmem:s18+$0x62C0]  }
0x6d: {  	v62 =	vld [tilespmem:s18+$0x22D0];
	v7 =	vadd.f32 $0.0e+00, v7;
	v6 =	vmul.f32 v8, v6;
	v8 =	vadd.f32 v13, v12  }
0x6e: {  	v63 =	vld [tilespmem:s18+$0x62D0]  }
0x6f: {  	v6 =	vadd.f32 v6, v7;
	v5 =	vmul.f32 v8, v5;
	v7 =	vadd.f32 v14, v9;
	v8 =	vld [tilespmem:s18+$0x22E0]  }
0x70: {  	v9 =	vld [tilespmem:s18+$0x62E0]  }
0x71: {  	v5 =	vadd.f32 v5, v6;
	v4 =	vmul.f32 v7, v4;
	v6 =	vadd.f32 v11, v10;
	v7 =	vld [tilespmem:s18+$0x22F0]  }
0x72: {  	v10 =	vld [tilespmem:s18+$0x62F0]  }
0x73: {  	v4 =	vadd.f32 v4, v5;
	v3 =	vmul.f32 v6, v3;
	v5 =	vadd.f32 v63, v62  }
0x74: {  	v6 =	vld [tilespmem:s18+$0x2F0]  }
0x75: {  	v3 =	vadd.f32 v3, v4;
	v2 =	vmul.f32 v5, v2;
	v4 =	vadd.f32 v9, v8;
	_ =	sdelay $0x1  }
0x76: {  	v2 =	vadd.f32 v2, v3;
	v1 =	vmul.f32 v4, v1;
	v3 =	vadd.f32 v10, v7;
	_ =	sdelay $0x1  }
0x77: {  	v1 =	vadd.f32 v1, v2;
	v2 =	vmul.f32 v3, v6;
	_ =	sdelay $0x1  }
0x78: {  	v1 =	vadd.f32 v2, v1  }
0x79: {  	s13 =	simm.s32 $0x8280  }
0x7a: {  	s16 =	simm.s32 $0x80;
	[tilespmem:s13+$0x0] =	vst v1  }
0x7b: {  	v1 =	vld [tilespmem:s16+$0x2E0]  }
0x7c: {  	v2 =	vld [tilespmem:s16+$0x2D0]  }
0x7d: {  	v3 =	vld [tilespmem:s16+$0x2C0]  }
0x7e: {  	v4 =	vld [tilespmem:s16+$0x2B0]  }
0x7f: {  	v5 =	vld [tilespmem:s16+$0x2A0]  }
0x80: {  	v6 =	vld [tilespmem:s16+$0x290]  }
0x81: {  	v7 =	vld [tilespmem:s16+$0x280]  }
0x82: {  	s17 =	simm.s32 $0x400;
	v8 =	vld [tilespmem:s16+$0x2280]  }
.LBB2_3:
0x83: {  	p1 =	sne.s32 s17, $0x7E00;
	v9 =	vld [tilespmem:s16+$0x6280]  }
0x84: {  	v10 =	vld [tilespmem:s16+$0x2290]  }
0x85: {  	v11 =	vld [tilespmem:s16+$0x6290]  }
0x86: {  	v12 =	vld [tilespmem:s16+$0x22A0]  }
0x87: {  	v13 =	vld [tilespmem:s16+$0x62A0]  }
0x88: {  	v8 =	vadd.f32 v9, v8;
	v9 =	vld [tilespmem:s16+$0x22B0]  }
0x89: {  	v14 =	vld [tilespmem:s16+$0x62B0]  }
0x8a: {  	v7 =	vmul.f32 v8, v7;
	v8 =	vadd.f32 v11, v10;
	v10 =	vld [tilespmem:s16+$0x22C0]  }
0x8b: {  	v11 =	vld [tilespmem:s16+$0x62C0]  }
0x8c: {  	v7 =	vadd.f32 $0.0e+00, v7;
	v6 =	vmul.f32 v8, v6;
	v8 =	vadd.f32 v13, v12;
	v12 =	vld [tilespmem:s16+$0x22D0]  }
0x8d: {  	v13 =	vld [tilespmem:s16+$0x62D0]  }
0x8e: {  	v6 =	vadd.f32 v6, v7;
	v5 =	vmul.f32 v8, v5;
	v7 =	vadd.f32 v14, v9;
	v8 =	vld [tilespmem:s16+$0x22E0]  }
0x8f: {  	v9 =	vld [tilespmem:s16+$0x62E0]  }
0x90: {  	v5 =	vadd.f32 v5, v6;
	v4 =	vmul.f32 v7, v4;
	v6 =	vadd.f32 v11, v10;
	v7 =	vld [tilespmem:s16+$0x22F0]  }
0x91: {  	v10 =	vld [tilespmem:s16+$0x62F0]  }
0x92: {  	v4 =	vadd.f32 v4, v5;
	v3 =	vmul.f32 v6, v3;
	v5 =	vadd.f32 v13, v12  }
0x93: {  	v6 =	vld [tilespmem:s16+$0x2F0]  }
0x94: {  	v3 =	vadd.f32 v3, v4;
	v2 =	vmul.f32 v5, v2;
	v4 =	vadd.f32 v9, v8;
	_ =	sdelay $0x1  }
0x95: {  	v2 =	vadd.f32 v2, v3;
	v1 =	vmul.f32 v4, v1;
	v3 =	vadd.f32 v10, v7;
	_ =	sdelay $0x1  }
0x96: {  	v1 =	vadd.f32 v1, v2;
	v2 =	vmul.f32 v3, v6;
	_ =	sdelay $0x1  }
0x97: {  	v1 =	vadd.f32 v2, v1  }
0x98: {  	s13 =	sadd.s32 $0x10, s13  }
0x99: {  	s16 =	sshra.s32 s17, $0x2;
	[tilespmem:s13+$0x0] =	vst v1  }
0x9a: {  	v1 =	vld [tilespmem:s16+$0x2E0]  }
0x9b: {  	v2 =	vld [tilespmem:s16+$0x2D0]  }
0x9c: {  	v3 =	vld [tilespmem:s16+$0x2C0]  }
.Ltmp0:
0x9d: {  	v4 =	vld [tilespmem:s16+$0x2B0];
	(pc) =	sbr.rel @p1 .LBB2_3-.Ltmp0, $4  }
0x9e: {  	v5 =	vld [tilespmem:s16+$0x2A0]  }
0x9f: {  	v6 =	vld [tilespmem:s16+$0x290]  }
0xa0: {  	v7 =	vld [tilespmem:s16+$0x280]  }
0xa1: {  	s17 =	sadd.s32 $0x200, s17;
	v8 =	vld [tilespmem:s16+$0x2280]  }
0xa2: {  	v9 =	vld [tilespmem:s16+$0x6280]  }
0xa3: {  	v10 =	vld [tilespmem:s16+$0x2290]  }
0xa4: {  	v11 =	vld [tilespmem:s16+$0x6290]  }
0xa5: {  	v12 =	vld [tilespmem:s16+$0x22A0]  }
0xa6: {  	v13 =	vld [tilespmem:s16+$0x62A0]  }
0xa7: {  	v38 =	vld [tilespmem:s16+$0x22B0];
	v8 =	vadd.f32 v9, v8  }
0xa8: {  	v14 =	vld [tilespmem:s16+$0x62B0]  }
0xa9: {  	v40 =	vld [tilespmem:s16+$0x22C0];
	v39 =	vadd.f32 v11, v10;
	v7 =	vmul.f32 v8, v7  }
0xaa: {  	v41 =	vld [tilespmem:s16+$0x62C0]  }
0xab: {  	v43 =	vld [tilespmem:s16+$0x22D0];
	v42 =	vadd.f32 v13, v12;
	v6 =	vmul.f32 v39, v6;
	v7 =	vadd.f32 $0.0e+00, v7  }
0xac: {  	v44 =	vld [tilespmem:s16+$0x62D0]  }
0xad: {  	v45 =	vld [tilespmem:s16+$0x22E0];
	v5 =	vmul.f32 v42, v5;
	v6 =	vadd.f32 v6, v7;
	v7 =	vadd.f32 v14, v38  }
0xae: {  	v46 =	vld [tilespmem:s16+$0x62E0]  }
0xaf: {  	v47 =	vld [tilespmem:s16+$0x62F0];
	v5 =	vadd.f32 v5, v6;
	v4 =	vmul.f32 v7, v4;
	v6 =	vadd.f32 v41, v40  }
0xb0: {  	v7 =	vld [tilespmem:s16+$0x22F0]  }
0xb1: {  	v4 =	vadd.f32 v4, v5;
	v3 =	vmul.f32 v6, v3;
	v5 =	vadd.f32 v44, v43  }
0xb2: {  	v6 =	vld [tilespmem:s16+$0x2F0]  }
0xb3: {  	v3 =	vadd.f32 v3, v4;
	v2 =	vmul.f32 v5, v2;
	v4 =	vadd.f32 v46, v45;
	_ =	sdelay $0x1  }
0xb4: {  	v2 =	vadd.f32 v2, v3;
	v1 =	vmul.f32 v4, v1;
	v3 =	vadd.f32 v47, v7  }
0xb5: {  	s11 =	simm.s32 $0x0  }
0xb6: {  	v5 =	vor.u32 s11, v0;
	v1 =	vadd.f32 v1, v2;
	v2 =	vmul.f32 v3, v6  }
0xb7: {  	s17 =	simm.s32 $0x1  }
0xb8: {  	v1 =	vadd.f32 v2, v1;
	v2 =	vor.u32 s17, v0  }
0xb9: {  	s18 =	sadd.s32 $0x10, s13;
	s12 =	simm.s32 $0x2  }
0xba: {  	[tilespmem:s18+$0x0] =	vst v1;
	v1 =	vor.u32 s12, v0  }
0xbb: {  	s13 =	simm.s32 $0x3;
	v3 =	vld.idx.msk [tilespmem:v5+s4+$0x0], $0xffff  }
0xbc: {  	v6 =	vor.u32 s13, v0  }
0xbd: {  	s16 =	simm.s32 $0x4;
	v4 =	vld.idx.msk [tilespmem:v2+s4+$0x0], $0xffff  }
0xbe: {  	v7 =	vor.u32 s16, v0  }
0xbf: {  	s17 =	simm.s32 $0x5;
	v48 =	vld.idx.msk [tilespmem:v1+s4+$0x0], $0xffff  }
0xc0: {  	v49 =	vor.u32 s17, v0;
	v3 =	vadd.f32 $0.0e+00, v3  }
0xc1: {  	s18 =	simm.s32 $0x6;
	v50 =	vld.idx.msk [tilespmem:v6+s4+$0x0], $0xffff  }
0xc2: {  	v51 =	vor.u32 s18, v0;
	v3 =	vadd.f32 v4, v3  }
0xc3: {  	s12 =	simm.s32 $0x7;
	v4 =	vld.idx.msk [tilespmem:v7+s4+$0x0], $0xffff  }
0xc4: {  	v52 =	vor.u32 s12, v0;
	v3 =	vadd.f32 v48, v3  }
0xc5: {  	s13 =	simm.s32 $0x8;
	v53 =	vld.idx.msk [tilespmem:v49+s4+$0x0], $0xffff  }
0xc6: {  	v54 =	vor.u32 s13, v0;
	v3 =	vadd.f32 v50, v3  }
0xc7: {  	s16 =	simm.s32 $0x9;
	v55 =	vld.idx.msk [tilespmem:v51+s4+$0x0], $0xffff  }
0xc8: {  	v56 =	vor.u32 s16, v0;
	v3 =	vadd.f32 v4, v3  }
0xc9: {  	s17 =	simm.s32 $0xA;
	v4 =	vld.idx.msk [tilespmem:v52+s4+$0x0], $0xffff  }
0xca: {  	v15 =	vor.u32 s17, v0;
	v3 =	vadd.f32 v53, v3  }
0xcb: {  	s18 =	simm.s32 $0xB;
	v57 =	vld.idx.msk [tilespmem:v54+s4+$0x0], $0xffff  }
0xcc: {  	v16 =	vor.u32 s18, v0;
	v3 =	vadd.f32 v55, v3  }
0xcd: {  	v58 =	vld.idx.msk [tilespmem:v56+s4+$0x0], $0xffff;
	s12 =	simm.s32 $0xC  }
0xce: {  	v17 =	vor.u32 s12, v0;
	v3 =	vadd.f32 v4, v3  }
0xcf: {  	s13 =	simm.s32 $0xD;
	v4 =	vld.idx.msk [tilespmem:v15+s4+$0x0], $0xffff  }
0xd0: {  	v18 =	vor.u32 s13, v0;
	v3 =	vadd.f32 v57, v3  }
0xd1: {  	s16 =	simm.s32 $0xE;
	v59 =	vld.idx.msk [tilespmem:v16+s4+$0x0], $0xffff  }
0xd2: {  	v19 =	vor.u32 s16, v0;
	v10 =	vadd.f32 v58, v3  }
0xd3: {  	s17 =	simm.s32 $0xF;
	v20 =	vld.idx.msk [tilespmem:v17+s4+$0x0], $0xffff  }
0xd4: {  	v3 =	vor.u32 s17, v0;
	v4 =	vadd.f32 v4, v10  }
0xd5: {  	v60 =	vld.idx.msk [tilespmem:v18+s4+$0x0], $0xffff  }
0xd6: {  	v4 =	vadd.f32 v59, v4  }
0xd7: {  	v61 =	vld.idx.msk [tilespmem:v19+s4+$0x0], $0xffff  }
0xd8: {  	v4 =	vadd.f32 v20, v4  }
0xd9: {  	v62 =	vld.idx.msk [tilespmem:v3+s4+$0x0], $0xffff  }
0xda: {  	v4 =	vadd.f32 v60, v4;
	_ =	sdelay $0x1  }
0xdb: {  	v4 =	vadd.f32 v61, v4;
	_ =	sdelay $0x1  }
0xdc: {  	v4 =	vadd.f32 v62, v4;
	_ =	sdelay $0x1  }
0xdd: {  	v4 =	vmul.f32 $1.442695020e+00, v4;
	_ =	sdelay $0x1  }
0xde: {  	(erf) = vpow2.f32 v4  }
0xdf: {  	s13 =	simm.s32 $0x180  }
0xe0: {  	v63 =	vld [tilespmem:s13+$0x0];
	_ =	sdelay $0x6  }
0xe1: {  	v4 =	vpop (erf)  }
0xe2: {  	s17 =	simm.s32 $0x8680;
	[tilespmem:v63+s22+$0x0] =	vst.idx.add.f32.msk $0xffff, v4  }
0xe3: {  	[tilespmem:v5+s17+$0x0] =	vst.idx.msk $0xffff, v4  }
0xe4: {  	[tilespmem:v2+s17+$0x0] =	vst.idx.msk $0xffff, v4  }
0xe5: {  	[tilespmem:v1+s17+$0x0] =	vst.idx.msk $0xffff, v4  }
0xe6: {  	[tilespmem:v6+s17+$0x0] =	vst.idx.msk $0xffff, v4  }
0xe7: {  	[tilespmem:v7+s17+$0x0] =	vst.idx.msk $0xffff, v4  }
0xe8: {  	[tilespmem:v49+s17+$0x0] =	vst.idx.msk $0xffff, v4  }
0xe9: {  	[tilespmem:v51+s17+$0x0] =	vst.idx.msk $0xffff, v4  }
0xea: {  	[tilespmem:v52+s17+$0x0] =	vst.idx.msk $0xffff, v4  }
0xeb: {  	[tilespmem:v54+s17+$0x0] =	vst.idx.msk $0xffff, v4  }
0xec: {  	[tilespmem:v56+s17+$0x0] =	vst.idx.msk $0xffff, v4  }
0xed: {  	[tilespmem:v15+s17+$0x0] =	vst.idx.msk $0xffff, v4  }
0xee: {  	s18 =	simm.s32 $0x100;
	[tilespmem:v16+s17+$0x0] =	vst.idx.msk $0xffff, v4  }
0xef: {  	v1 =	vor.u32 s18, v0;
	[tilespmem:v17+s17+$0x0] =	vst.idx.msk $0xffff, v4  }
0xf0: {  	s12 =	simm.s32 $0x101;
	[tilespmem:v18+s17+$0x0] =	vst.idx.msk $0xffff, v4  }
0xf1: {  	s11 =	simm.s32 $0x102;
	s16 =	simm.s32 $0x10F;
	v2 =	vor.u32 s12, v0;
	s18 =	simm.s32 $0x20F;
	[tilespmem:v19+s17+$0x0] =	vst.idx.msk $0xffff, v4  }
.LBB2_5:
0xf2: {  	p1 =	sne.s32 s18, $0x30F  }
0xf3: {  	v5 =	vor.u32 s11, v0;
	[tilespmem:v3+s17+$0x0] =	vst.idx.msk $0xffff, v4;
	s13 =	sadd.s32 $0x10, s13;
	s11 =	smov.u32 s18;
	s18 =	sadd.s32 $0x100, s18  }
0xf4: {  	s12 =	sadd.s32 $0xFFFFFFF4, s16;
	v3 =	vld.idx.msk [tilespmem:v1+s4+$0x0], $0xffff  }
0xf5: {  	v6 =	vor.u32 s12, v0  }
0xf6: {  	s12 =	sadd.s32 $0xFFFFFFF5, s16;
	v4 =	vld.idx.msk [tilespmem:v2+s4+$0x0], $0xffff  }
0xf7: {  	v7 =	vor.u32 s12, v0  }
0xf8: {  	s12 =	sadd.s32 $0xFFFFFFF6, s16;
	v8 =	vld.idx.msk [tilespmem:v5+s4+$0x0], $0xffff  }
0xf9: {  	v9 =	vor.u32 s12, v0  }
0xfa: {  	s12 =	sadd.s32 $0xFFFFFFF7, s16;
	v3 =	vadd.f32 $0.0e+00, v3;
	v10 =	vld.idx.msk [tilespmem:v6+s4+$0x0], $0xffff  }
0xfb: {  	v11 =	vor.u32 s12, v0  }
0xfc: {  	s12 =	sadd.s32 $0xFFFFFFF8, s16;
	v3 =	vadd.f32 v4, v3;
	v4 =	vld.idx.msk [tilespmem:v7+s4+$0x0], $0xffff  }
0xfd: {  	v12 =	vor.u32 s12, v0  }
0xfe: {  	s12 =	sadd.s32 $0xFFFFFFF9, s16;
	v3 =	vadd.f32 v8, v3;
	v8 =	vld.idx.msk [tilespmem:v9+s4+$0x0], $0xffff  }
0xff: {  	v13 =	vor.u32 s12, v0  }
0x100: {  	s12 =	sadd.s32 $0xFFFFFFFA, s16;
	v3 =	vadd.f32 v10, v3;
	v10 =	vld.idx.msk [tilespmem:v11+s4+$0x0], $0xffff  }
0x101: {  	v14 =	vor.u32 s12, v0  }
0x102: {  	s12 =	sadd.s32 $0xFFFFFFFB, s16;
	v3 =	vadd.f32 v4, v3;
	v4 =	vld.idx.msk [tilespmem:v12+s4+$0x0], $0xffff  }
0x103: {  	v15 =	vor.u32 s12, v0  }
0x104: {  	s12 =	sadd.s32 $0xFFFFFFFC, s16;
	v3 =	vadd.f32 v8, v3;
	v8 =	vld.idx.msk [tilespmem:v13+s4+$0x0], $0xffff  }
0x105: {  	v16 =	vor.u32 s12, v0  }
0x106: {  	s12 =	sadd.s32 $0xFFFFFFFD, s16;
	v3 =	vadd.f32 v10, v3;
	v10 =	vld.idx.msk [tilespmem:v14+s4+$0x0], $0xffff  }
0x107: {  	v17 =	vor.u32 s12, v0  }
0x108: {  	s12 =	sadd.s32 $0xFFFFFFFE, s16;
	v3 =	vadd.f32 v4, v3;
	v4 =	vld.idx.msk [tilespmem:v15+s4+$0x0], $0xffff  }
0x109: {  	v18 =	vor.u32 s12, v0  }
0x10a: {  	s12 =	sadd.s32 $0xFFFFFFFF, s16;
	v3 =	vadd.f32 v8, v3;
	v8 =	vld.idx.msk [tilespmem:v16+s4+$0x0], $0xffff  }
0x10b: {  	v19 =	vor.u32 s12, v0  }
0x10c: {  	v10 =	vadd.f32 v10, v3;
	v20 =	vld.idx.msk [tilespmem:v17+s4+$0x0], $0xffff  }
0x10d: {  	v3 =	vor.u32 s16, v0;
	s16 =	smov.u32 s11  }
0x10e: {  	v4 =	vadd.f32 v4, v10;
	v10 =	vld.idx.msk [tilespmem:v18+s4+$0x0], $0xffff;
	_ =	sdelay $0x1  }
0x10f: {  	v4 =	vadd.f32 v8, v4;
	v8 =	vld.idx.msk [tilespmem:v19+s4+$0x0], $0xffff;
	_ =	sdelay $0x1  }
0x110: {  	v4 =	vadd.f32 v20, v4;
	v20 =	vld.idx.msk [tilespmem:v3+s4+$0x0], $0xffff;
	_ =	sdelay $0x1  }
0x111: {  	v4 =	vadd.f32 v10, v4;
	_ =	sdelay $0x1  }
0x112: {  	v4 =	vadd.f32 v8, v4;
	_ =	sdelay $0x1  }
0x113: {  	v4 =	vadd.f32 v20, v4;
	_ =	sdelay $0x1  }
0x114: {  	v4 =	vmul.f32 $1.442695020e+00, v4;
	_ =	sdelay $0x1  }
0x115: {  	(erf) = vpow2.f32 v4;
	_ =	sdelay $0x1  }
0x116: {  	v8 =	vld [tilespmem:s13+$0x0];
	_ =	sdelay $0x6  }
0x117: {  	v4 =	vpop (erf)  }
0x118: {  	[tilespmem:v8+s22+$0x0] =	vst.idx.add.f32.msk $0xffff, v4  }
0x119: {  	[tilespmem:v1+s17+$0x0] =	vst.idx.msk $0xffff, v4  }
0x11a: {  	[tilespmem:v2+s17+$0x0] =	vst.idx.msk $0xffff, v4  }
0x11b: {  	[tilespmem:v5+s17+$0x0] =	vst.idx.msk $0xffff, v4  }
0x11c: {  	[tilespmem:v6+s17+$0x0] =	vst.idx.msk $0xffff, v4  }
0x11d: {  	[tilespmem:v7+s17+$0x0] =	vst.idx.msk $0xffff, v4  }
0x11e: {  	[tilespmem:v9+s17+$0x0] =	vst.idx.msk $0xffff, v4  }
0x11f: {  	[tilespmem:v11+s17+$0x0] =	vst.idx.msk $0xffff, v4  }
0x120: {  	[tilespmem:v12+s17+$0x0] =	vst.idx.msk $0xffff, v4  }
0x121: {  	[tilespmem:v13+s17+$0x0] =	vst.idx.msk $0xffff, v4  }
0x122: {  	[tilespmem:v14+s17+$0x0] =	vst.idx.msk $0xffff, v4  }
.Ltmp1:
0x123: {  	s11 =	sadd.s32 $0xFFFFFFF1, s16;
	[tilespmem:v15+s17+$0x0] =	vst.idx.msk $0xffff, v4;
	(pc) =	sbr.rel @p1 .LBB2_5-.Ltmp1, $4  }
0x124: {  	v1 =	vor.u32 s11, v0;
	[tilespmem:v16+s17+$0x0] =	vst.idx.msk $0xffff, v4  }
0x125: {  	s11 =	sadd.s32 $0xFFFFFFF2, s16;
	[tilespmem:v17+s17+$0x0] =	vst.idx.msk $0xffff, v4  }
0x126: {  	v2 =	vor.u32 s11, v0;
	[tilespmem:v18+s17+$0x0] =	vst.idx.msk $0xffff, v4  }
0x127: {  	s11 =	sadd.s32 $0xFFFFFFF3, s16;
	[tilespmem:v19+s17+$0x0] =	vst.idx.msk $0xffff, v4  }
0x128: {  	_ =	sdelay $0x3  }
0x129: {  	v5 =	vor.u32 s11, v0;
	[tilespmem:v3+s17+$0x0] =	vst.idx.msk $0xffff, v4  }
0x12a: {  	s18 =	sadd.s32 $0xFFFFFFF4, s16;
	v3 =	vld.idx.msk [tilespmem:v1+s4+$0x0], $0xffff  }
0x12b: {  	v4 =	vor.u32 s18, v0  }
0x12c: {  	s12 =	sadd.s32 $0xFFFFFFF5, s16;
	v6 =	vld.idx.msk [tilespmem:v2+s4+$0x0], $0xffff  }
0x12d: {  	v7 =	vor.u32 s12, v0  }
0x12e: {  	s17 =	sadd.s32 $0xFFFFFFF6, s16;
	v8 =	vld.idx.msk [tilespmem:v5+s4+$0x0], $0xffff  }
0x12f: {  	v9 =	vor.u32 s17, v0;
	v3 =	vadd.f32 $0.0e+00, v3  }
0x130: {  	s18 =	sadd.s32 $0xFFFFFFF7, s16;
	v10 =	vld.idx.msk [tilespmem:v4+s4+$0x0], $0xffff  }
0x131: {  	v11 =	vor.u32 s18, v0;
	v3 =	vadd.f32 v6, v3  }
0x132: {  	s12 =	sadd.s32 $0xFFFFFFF8, s16;
	v6 =	vld.idx.msk [tilespmem:v7+s4+$0x0], $0xffff  }
0x133: {  	v12 =	vor.u32 s12, v0;
	v3 =	vadd.f32 v8, v3  }
0x134: {  	s17 =	sadd.s32 $0xFFFFFFF9, s16;
	v8 =	vld.idx.msk [tilespmem:v9+s4+$0x0], $0xffff  }
0x135: {  	v13 =	vor.u32 s17, v0;
	v3 =	vadd.f32 v10, v3  }
0x136: {  	s18 =	sadd.s32 $0xFFFFFFFA, s16;
	v10 =	vld.idx.msk [tilespmem:v11+s4+$0x0], $0xffff  }
0x137: {  	v14 =	vor.u32 s18, v0;
	v3 =	vadd.f32 v6, v3  }
0x138: {  	s12 =	sadd.s32 $0xFFFFFFFB, s16;
	v6 =	vld.idx.msk [tilespmem:v12+s4+$0x0], $0xffff  }
0x139: {  	v15 =	vor.u32 s12, v0;
	v3 =	vadd.f32 v8, v3  }
0x13a: {  	s17 =	sadd.s32 $0xFFFFFFFC, s16;
	v8 =	vld.idx.msk [tilespmem:v13+s4+$0x0], $0xffff  }
0x13b: {  	v16 =	vor.u32 s17, v0;
	v3 =	vadd.f32 v10, v3  }
0x13c: {  	s18 =	sadd.s32 $0xFFFFFFFD, s16;
	v10 =	vld.idx.msk [tilespmem:v14+s4+$0x0], $0xffff  }
0x13d: {  	v17 =	vor.u32 s18, v0;
	v3 =	vadd.f32 v6, v3  }
0x13e: {  	s12 =	sadd.s32 $0xFFFFFFFE, s16;
	v6 =	vld.idx.msk [tilespmem:v15+s4+$0x0], $0xffff  }
0x13f: {  	v18 =	vor.u32 s12, v0;
	v3 =	vadd.f32 v8, v3  }
0x140: {  	s17 =	sadd.s32 $0xFFFFFFFF, s16;
	v8 =	vld.idx.msk [tilespmem:v16+s4+$0x0], $0xffff  }
0x141: {  	v19 =	vor.u32 s17, v0;
	v3 =	vadd.f32 v10, v3  }
0x142: {  	v10 =	vld.idx.msk [tilespmem:v17+s4+$0x0], $0xffff  }
0x143: {  	v20 =	vor.u32 s16, v0;
	v3 =	vadd.f32 v6, v3  }
0x144: {  	v6 =	vld.idx.msk [tilespmem:v18+s4+$0x0], $0xffff  }
0x145: {  	v3 =	vadd.f32 v8, v3  }
0x146: {  	v8 =	vld.idx.msk [tilespmem:v19+s4+$0x0], $0xffff  }
0x147: {  	v3 =	vadd.f32 v10, v3  }
0x148: {  	v10 =	vld.idx.msk [tilespmem:v20+s4+$0x0], $0xffff  }
0x149: {  	v3 =	vadd.f32 v6, v3;
	_ =	sdelay $0x1  }
0x14a: {  	v3 =	vadd.f32 v8, v3;
	_ =	sdelay $0x1  }
0x14b: {  	v3 =	vadd.f32 v10, v3;
	_ =	sdelay $0x1  }
0x14c: {  	v3 =	vmul.f32 $1.442695020e+00, v3;
	_ =	sdelay $0x1  }
0x14d: {  	(erf) = vpow2.f32 v3  }
0x14e: {  	s18 =	sadd.s32 $0x10, s13  }
0x14f: {  	v3 =	vld [tilespmem:s18+$0x0];
	_ =	sdelay $0x6  }
0x150: {  	v6 =	vpop (erf)  }
0x151: {  	s16 =	simm.s32 $0x8680;
	[tilespmem:v3+s22+$0x0] =	vst.idx.add.f32.msk $0xffff, v6  }
0x152: {  	[tilespmem:v1+s16+$0x0] =	vst.idx.msk $0xffff, v6  }
0x153: {  	[tilespmem:v2+s16+$0x0] =	vst.idx.msk $0xffff, v6  }
0x154: {  	[tilespmem:v5+s16+$0x0] =	vst.idx.msk $0xffff, v6  }
0x155: {  	[tilespmem:v4+s16+$0x0] =	vst.idx.msk $0xffff, v6  }
0x156: {  	[tilespmem:v7+s16+$0x0] =	vst.idx.msk $0xffff, v6  }
0x157: {  	[tilespmem:v9+s16+$0x0] =	vst.idx.msk $0xffff, v6  }
0x158: {  	[tilespmem:v11+s16+$0x0] =	vst.idx.msk $0xffff, v6  }
0x159: {  	[tilespmem:v12+s16+$0x0] =	vst.idx.msk $0xffff, v6  }
0x15a: {  	[tilespmem:v13+s16+$0x0] =	vst.idx.msk $0xffff, v6  }
0x15b: {  	[tilespmem:v14+s16+$0x0] =	vst.idx.msk $0xffff, v6  }
0x15c: {  	[tilespmem:v15+s16+$0x0] =	vst.idx.msk $0xffff, v6  }
0x15d: {  	[tilespmem:v16+s16+$0x0] =	vst.idx.msk $0xffff, v6  }
0x15e: {  	[tilespmem:v17+s16+$0x0] =	vst.idx.msk $0xffff, v6  }
0x15f: {  	[tilespmem:v18+s16+$0x0] =	vst.idx.msk $0xffff, v6  }
0x160: {  	[tilespmem:v19+s16+$0x0] =	vst.idx.msk $0xffff, v6  }
0x161: {  	s13 =	simm.s32 $0x0;
	[tilespmem:v20+s16+$0x0] =	vst.idx.msk $0xffff, v6  }
0x162: {  	v9 =	vld [tilespmem:s13+$0x42E0]  }
0x163: {  	v12 =	vld [tilespmem:s13+$0x42D0]  }
0x164: {  	v10 =	vld [tilespmem:s13+$0x42F0]  }
0x165: {  	v1 =	vld [tilespmem:s13+$0x4280]  }
0x166: {  	v11 =	vld [tilespmem:s13+$0x62E0]  }
0x167: {  	v13 =	vld [tilespmem:s13+$0x62F0]  }
0x168: {  	v14 =	vld [tilespmem:s13+$0x62D0]  }
0x169: {  	v3 =	vld [tilespmem:s13+$0x42A0]  }
0x16a: {  	v5 =	vld [tilespmem:s13+$0x6290]  }
0x16b: {  	v7 =	vld [tilespmem:s13+$0x4290]  }
0x16c: {  	v4 =	vld [tilespmem:s13+$0x62B0]  }
0x16d: {  	v6 =	vld [tilespmem:s13+$0x62C0]  }
0x16e: {  	v8 =	vld [tilespmem:s13+$0x42C0]  }
0x16f: {  	v2 =	vld [tilespmem:s16+$0x0]  }
0x170: {  	v9 =	vadd.f32 v11, v9;
	v11 =	vld [tilespmem:s13+$0x62A0]  }
0x171: {  	s11 =	simm.s32 $0x200;
	v10 =	vadd.f32 v13, v10;
	v12 =	vadd.f32 v14, v12;
	v13 =	vld [tilespmem:s13+$0x6280]  }
.LBB2_7:
0x172: {  	s17 =	smov.u32 s11  }
0x173: {  	s12 =	sshra.s32 s11, $0x2;
	v14 =	vld [tilespmem:s13+$0x42B0];
	s16 =	sadd.s32 $0x10, s16;
	s17 =	sadd.s32 $0x200, s11  }
0x174: {  	p1 =	sne.s32 s11, $0x7E00;
	v5 =	vadd.f32 v5, v7;
	v15 =	vld [tilespmem:s12+$0x42E0]  }
0x175: {  	v6 =	vadd.f32 v6, v8;
	v7 =	vmul.f32 v9, v2;
	v16 =	vld [tilespmem:s12+$0x42D0]  }
0x176: {  	v9 =	vmul.f32 v12, v2;
	v10 =	vmul.f32 v10, v2;
	v3 =	vadd.f32 v11, v3;
	v8 =	vld [tilespmem:s12+$0x42F0]  }
0x177: {  	v5 =	vmul.f32 v5, v2;
	v6 =	vmul.f32 v6, v2;
	v11 =	vadd.f32 v13, v1;
	v1 =	vld [tilespmem:s12+$0x4280];
	[tilespmem:s13+$0x62E0] =	vst v7  }
0x178: {  	v13 =	vmul.f32 v3, v2;
	v3 =	vadd.f32 v4, v14;
	v12 =	vld [tilespmem:s12+$0x62E0];
	[tilespmem:s13+$0x62F0] =	vst v10  }
0x179: {  	v4 =	vmul.f32 v11, v2;
	v10 =	vld [tilespmem:s12+$0x62F0];
	[tilespmem:s13+$0x62D0] =	vst v9  }
0x17a: {  	v2 =	vmul.f32 v3, v2;
	v11 =	vld [tilespmem:s12+$0x62D0];
	[tilespmem:s13+$0x6290] =	vst v5  }
0x17b: {  	v3 =	vld [tilespmem:s12+$0x42A0];
	[tilespmem:s13+$0x6280] =	vst v4  }
0x17c: {  	v5 =	vld [tilespmem:s12+$0x6290];
	[tilespmem:s13+$0x62B0] =	vst v2  }
0x17d: {  	v7 =	vld [tilespmem:s12+$0x4290];
	v9 =	vadd.f32 v12, v15;
	[tilespmem:s13+$0x62A0] =	vst v13  }
0x17e: {  	v4 =	vld [tilespmem:s12+$0x62B0];
	v10 =	vadd.f32 v10, v8;
	[tilespmem:s13+$0x62C0] =	vst v6;
	s13 =	smov.u32 s12  }
.Ltmp2:
0x17f: {  	v6 =	vld [tilespmem:s13+$0x62C0];
	v12 =	vadd.f32 v11, v16;
	(pc) =	sbr.rel @p1 .LBB2_7-.Ltmp2, $4  }
0x180: {  	v8 =	vld [tilespmem:s13+$0x42C0]  }
0x181: {  	v2 =	vld [tilespmem:s16+$0x0]  }
0x182: {  	v11 =	vld [tilespmem:s13+$0x62A0]  }
0x183: {  	s11 =	smov.u32 s17;
	v13 =	vld [tilespmem:s13+$0x6280]  }
0x184: {  	_ = 	snop  }
0x185: {  	v14 =	vld [tilespmem:s13+$0x42B0]  }
0x186: {  	v9 =	vmul.f32 v9, v2  }
0x187: {  	v5 =	vadd.f32 v5, v7;
	v62 =	vmul.f32 v10, v2  }
0x188: {  	v63 =	vmul.f32 v12, v2;
	v3 =	vadd.f32 v11, v3;
	[tilespmem:s13+$0x62E0] =	vst v9  }
0x189: {  	v5 =	vmul.f32 v5, v2;
	v1 =	vadd.f32 v13, v1;
	[tilespmem:s13+$0x62F0] =	vst v62  }
0x18a: {  	[tilespmem:s13+$0x62D0] =	vst v63;
	v4 =	vadd.f32 v4, v14;
	v3 =	vmul.f32 v3, v2  }
0x18b: {  	v6 =	vadd.f32 v6, v8;
	[tilespmem:s13+$0x6290] =	vst v5;
	v1 =	vmul.f32 v1, v2  }
0x18c: {  	v4 =	vmul.f32 v4, v2;
	[tilespmem:s13+$0x62A0] =	vst v3  }
0x18d: {  	s24 =	sadd.s32 $0x1, s24;
	[tilespmem:s13+$0x6280] =	vst v1;
	v1 =	vmul.f32 v6, v2  }
0x18e: {  	p1 =	sne.s32 s24, $0x9E;
	[tilespmem:s13+$0x62B0] =	vst v4  }
.Ltmp3:
0x18f: {  	[tilespmem:s13+$0x62C0] =	vst v1;
	(pc) =	sbr.rel @p1 .LBB2_2-.Ltmp3, $4  }
0x190: {  	[spmem:s3] =	stream.indirect.scatter.add.f32 [tilespmem:s0], [sflag:$0x2], $0x80, s26, s25, $0xb8;
	[tilespmem:$0x1F600] =	vst v63  }
0x191: {  	_ =	swait.ge [sflag:s20], $0x2000  }
0x192: {  	[sflag:s20] =	ssyncset.done $0x0  }
0x193: {  	[sflag:s20] =	ssyncadd.s32 $0xFFFFE000  }
0x194: {  	s11 =	simm.s32 $0x0  }
0x195: {  	v4 =	vld [tilespmem:s11+$0x8AF0]  }
0x196: {  	v5 =	vld [tilespmem:s11+$0x8A80]  }
0x197: {  	v6 =	vld [tilespmem:s11+$0x8A90]  }
0x198: {  	v3 =	vld [tilespmem:s11+$0x8AA0]  }
0x199: {  	v1 =	vld [tilespmem:s11+$0x8AB0]  }
0x19a: {  	v2 =	vld [tilespmem:s11+$0x8AC0];
	[tilespmem:s11+$0x2F0] =	vst v4  }
0x19b: {  	[tilespmem:s11+$0x280] =	vst v5;
	v4 =	vld [tilespmem:s11+$0x8AD0]  }
0x19c: {  	s13 =	simm.s32 $0x80;
	s16 =	simm.s32 $0x400;
	[tilespmem:s11+$0x290] =	vst v6;
	v5 =	vld [tilespmem:s11+$0x8AE0]  }
.LBB2_10:
0x19d: {  	p1 =	sne.s32 s16, $0x4E00;
	v6 =	vld [tilespmem:s13+$0x8AF0];
	[tilespmem:s11+$0x2A0] =	vst v3  }
0x19e: {  	v7 =	vld [tilespmem:s13+$0x8A80];
	[tilespmem:s11+$0x2B0] =	vst v1  }
0x19f: {  	v8 =	vld [tilespmem:s13+$0x8A90];
	[tilespmem:s11+$0x2C0] =	vst v2  }
.Ltmp4:
0x1a0: {  	v3 =	vld [tilespmem:s13+$0x8AA0];
	[tilespmem:s11+$0x2D0] =	vst v4;
	(pc) =	sbr.rel @p1 .LBB2_10-.Ltmp4, $4  }
0x1a1: {  	v1 =	vld [tilespmem:s13+$0x8AB0];
	[tilespmem:s11+$0x2E0] =	vst v5;
	s11 =	smov.u32 s13  }
0x1a2: {  	v2 =	vld [tilespmem:s11+$0x8AC0];
	[tilespmem:s11+$0x2F0] =	vst v6  }
0x1a3: {  	[tilespmem:s11+$0x280] =	vst v7;
	v4 =	vld [tilespmem:s11+$0x8AD0]  }
0x1a4: {  	s13 =	sshra.s32 s16, $0x2;
	s16 =	sadd.s32 $0x200, s16;
	[tilespmem:s11+$0x290] =	vst v8;
	v5 =	vld [tilespmem:s11+$0x8AE0]  }
0x1a5: {  	v6 =	vld [tilespmem:s13+$0x8AF0];
	[tilespmem:s11+$0x2A0] =	vst v3  }
0x1a6: {  	v3 =	vld [tilespmem:s13+$0x8A80];
	[tilespmem:s11+$0x2B0] =	vst v1  }
0x1a7: {  	v1 =	vld [tilespmem:s13+$0x8A90];
	[tilespmem:s11+$0x2C0] =	vst v2  }
0x1a8: {  	v2 =	vld [tilespmem:s13+$0x8AA0];
	[tilespmem:s11+$0x2D0] =	vst v4  }
0x1a9: {  	v4 =	vld [tilespmem:s13+$0x8AB0];
	[tilespmem:s11+$0x2E0] =	vst v5  }
0x1aa: {  	v5 =	vld [tilespmem:s13+$0x8AC0];
	[tilespmem:s13+$0x2F0] =	vst v6  }
0x1ab: {  	[tilespmem:s13+$0x280] =	vst v3;
	v3 =	vld [tilespmem:s13+$0x8AD0]  }
0x1ac: {  	[tilespmem:s13+$0x290] =	vst v1;
	v1 =	vld [tilespmem:s13+$0x8AE0]  }
0x1ad: {  	[tilespmem:s13+$0x2A0] =	vst v2  }
0x1ae: {  	[tilespmem:s13+$0x2B0] =	vst v4  }
0x1af: {  	[tilespmem:s13+$0x2C0] =	vst v5  }
0x1b0: {  	[tilespmem:s13+$0x2D0] =	vst v3  }
0x1b1: {  	s17 =	simm.s32 $0xB280;
	s12 =	simm.s32 $0x28;
	[tilespmem:s13+$0x2E0] =	vst v1  }
0x1b2: {  	[spmem:s5] =	stream.indirect.scatter.add.f32 [tilespmem:s28], [sflag:$0x2], $0x80, s17, s12, $0xb8;
	[tilespmem:$0x1F600] =	vst v63  }
0x1b3: {  	_ =	swait.ge [sflag:s20], $0x1400  }
0x1b4: {  	[sflag:s20] =	ssyncset.done $0x0  }
0x1b5: {  	s11 =	simm.s32 $0x0;
	[sflag:s20] =	ssyncadd.s32 $0xFFFFEC00  }
0x1b6: {  	v4 =	vld [tilespmem:s11+$0x9EF0]  }
0x1b7: {  	v5 =	vld [tilespmem:s11+$0x9E80]  }
0x1b8: {  	v6 =	vld [tilespmem:s11+$0x9E90]  }
0x1b9: {  	v3 =	vld [tilespmem:s11+$0x9EA0]  }
0x1ba: {  	v1 =	vld [tilespmem:s11+$0x9EB0]  }
0x1bb: {  	v2 =	vld [tilespmem:s11+$0x9EC0];
	[tilespmem:s11+$0x2F0] =	vst v4  }
0x1bc: {  	[tilespmem:s11+$0x280] =	vst v5;
	v4 =	vld [tilespmem:s11+$0x9ED0]  }
0x1bd: {  	s16 =	simm.s32 $0x400;
	s13 =	simm.s32 $0x80;
	[tilespmem:s11+$0x290] =	vst v6;
	v5 =	vld [tilespmem:s11+$0x9EE0]  }
.LBB2_12:
0x1be: {  	p1 =	sne.s32 s16, $0x4E00;
	v6 =	vld [tilespmem:s13+$0x9EF0];
	[tilespmem:s11+$0x2A0] =	vst v3  }
0x1bf: {  	v7 =	vld [tilespmem:s13+$0x9E80];
	[tilespmem:s11+$0x2B0] =	vst v1  }
0x1c0: {  	v8 =	vld [tilespmem:s13+$0x9E90];
	[tilespmem:s11+$0x2C0] =	vst v2  }
.Ltmp5:
0x1c1: {  	v3 =	vld [tilespmem:s13+$0x9EA0];
	[tilespmem:s11+$0x2D0] =	vst v4;
	(pc) =	sbr.rel @p1 .LBB2_12-.Ltmp5, $4  }
0x1c2: {  	v1 =	vld [tilespmem:s13+$0x9EB0];
	[tilespmem:s11+$0x2E0] =	vst v5;
	s11 =	smov.u32 s13  }
0x1c3: {  	v2 =	vld [tilespmem:s11+$0x9EC0];
	[tilespmem:s11+$0x2F0] =	vst v6  }
0x1c4: {  	[tilespmem:s11+$0x280] =	vst v7;
	v4 =	vld [tilespmem:s11+$0x9ED0]  }
0x1c5: {  	s13 =	sshra.s32 s16, $0x2;
	s16 =	sadd.s32 $0x200, s16;
	[tilespmem:s11+$0x290] =	vst v8;
	v5 =	vld [tilespmem:s11+$0x9EE0]  }
0x1c6: {  	v6 =	vld [tilespmem:s13+$0x9EF0];
	[tilespmem:s11+$0x2A0] =	vst v3  }
0x1c7: {  	v3 =	vld [tilespmem:s13+$0x9E80];
	[tilespmem:s11+$0x2B0] =	vst v1  }
0x1c8: {  	v1 =	vld [tilespmem:s13+$0x9E90];
	[tilespmem:s11+$0x2C0] =	vst v2  }
0x1c9: {  	v2 =	vld [tilespmem:s13+$0x9EA0];
	[tilespmem:s11+$0x2D0] =	vst v4  }
0x1ca: {  	v4 =	vld [tilespmem:s13+$0x9EB0];
	[tilespmem:s11+$0x2E0] =	vst v5  }
0x1cb: {  	v5 =	vld [tilespmem:s13+$0x9EC0];
	[tilespmem:s13+$0x2F0] =	vst v6  }
0x1cc: {  	[tilespmem:s13+$0x280] =	vst v3;
	v3 =	vld [tilespmem:s13+$0x9ED0]  }
0x1cd: {  	[tilespmem:s13+$0x290] =	vst v1;
	v1 =	vld [tilespmem:s13+$0x9EE0]  }
0x1ce: {  	[tilespmem:s13+$0x2A0] =	vst v2  }
0x1cf: {  	[tilespmem:s13+$0x2B0] =	vst v4  }
0x1d0: {  	[tilespmem:s13+$0x2C0] =	vst v5  }
0x1d1: {  	[tilespmem:s13+$0x2D0] =	vst v3  }
0x1d2: {  	[tilespmem:s13+$0x2E0] =	vst v1;
	s13 =	simm.s32 $0xB300  }
0x1d3: {  	[spmem:s5] =	stream.indirect.scatter.add.f32 [tilespmem:s28], [sflag:$0x2], $0x80, s13, s12, $0xb8;
	[tilespmem:$0x1F600] =	vst v63  }
0x1d4: {  	_ =	swait.ge [sflag:s20], $0x1400  }
0x1d5: {  	[sflag:s20] =	ssyncset.done $0x0  }
0x1d6: {  	[sflag:s20] =	ssyncadd.s32 $0xFFFFEC00  }
0x1d7: {  	[bflag:$0x0] =	sbarrier.arrive $0xFFFF  }
0x1d8: {  	s18 =	rddreg [dreg:$0x9]  }
0x1d9: {  	[hbm:s18], [sflag:s14] =	dma.local [spmem:s19], $0x2800  }
0x1da: {  	_ =	swait.ge [sflag:s20], $0x2800  }
0x1db: {  	[sflag:s20] =	ssyncset.done $0x0  }
0x1dc: {  	s11 =	rddreg [dreg:$0xa];
	[sflag:s20] =	ssyncadd.s32 $0xFFFFD800  }
0x1dd: {  	[hbm:s11], [sflag:s14] =	dma.local @!p0 [spmem:s21], $0x500  }
0x1de: {  	s11 =	simm.s32 @!p0 $0x2  }
0x1df: {  	_ =	swait.ge @!p0 [sflag:s11], $0x500  }
0x1e0: {  	s23 =	sadd.s32 $0x1, s23;
	s24 =	rddreg [dreg:$0xb]  }
0x1e1: {  	p1 =	sne.s32 s23, s24  }
.Ltmp6:
0x1e2: {  	_ = 	snop;
	(pc) =	sbr.rel @p1 .LBB2_1-.Ltmp6, $3  }
0x1e3: {  	_ =	sdelay $0x1  }
0x1e4: {  	[sflag:s11] =	ssyncset.done @!p0 $0x0  }
0x1e5: {  	[sflag:s11] =	ssyncadd.s32 @!p0 $0xFFFFFB00  }
0x1e6: {  	_ =	sfence.sel $0x180000  }
0x1e7: {  	[bflag:$0x0] =	sbarrier.arrive $0xFFFF  }
0x1e8: {  	_ =	strace $0x90000047  }
0x1e9: {  	[bflag:$0x2] =	sbarrier.arrive $0xFFFF  }
0x1ea: {  	s0 =	rddreg [dreg:$0x5]  }
0x1eb: {  	s0 =	sadd.s32 @!p0 $0x100000, s0  }
0x1ec: {  	[sflag:s0] =	ssyncadd.tile.s32 @!p0 $0x1;
	_ =	shalt  }
.Lfunc_end2:
_tile_overlayer_lowered:
.L_overlay_start_2:
0x1ed: {  	(tag) =	ssettag $0x2  }
0x1ee: {  	s0 =	rddreg [dreg:$0x0];
	s2 =	stileid.u32  }
0x1ef: {  	s1 =	rddreg [dreg:$0x1];
	p0 =	sne.s32 s2, $0x0  }
0x1f0: {  	s3 =	rddreg [dreg:$0x2];
	[bflag:$0x3] =	sbarrier.arrive $0xFFFF;
	s2 =	simm.s32 @!p0 $0x1C02  }
0x1f1: {  	[timem:s3], [sflag:s2] =	dma.local @!p0 [hbm:s0], s1  }
0x1f2: {  	s0 =	simm.s32 @!p0 $0x2  }
0x1f3: {  	_ =	swait.ge @!p0 [sflag:s0], s1  }
0x1f4: {  	s1 =	ssub.s32 @!p0 $0x0, s1;
	[sflag:s0] =	ssyncset.done @!p0 $0x0  }
0x1f5: {  	[sflag:s0] =	ssyncadd.s32 @!p0 s1  }
0x1f6: {  	[bflag:$0x3] =	sbarrier.arrive $0xFFFF  }
0x1f7: {  	_ =	shalt  }

// kernel: kernel.22.cloned.1.call-start
scs
__scs_entry_jumppad:
0x0: {  	(pc) =	sbr.rel $0x88, $3  }
0x1: {  	(tag) =	ssettag $0x0;
	lr =	simm.s32 $0x1  }
0x2: {  	[smem:$0x3F6E] =	sst lr;
	_ =	strace $0xD0000000  }
0x3: {  	_ = 	snop  }
0x4: {  	_ = 	snop  }
0x5: {  	_ = 	snop  }
0x6: {  	_ = 	snop  }
0x7: {  	_ = 	snop  }
__scs_overlays_trampoline_lowered:
0x8: {  	[smem:$0x3F7D] =	sst s0  }
0x9: {  	[smem:$0x3F7E] =	sst s1  }
0xa: {  	[smem:$0x3F7F] =	sst s2  }
0xb: {  	[smem:$0x3F80] =	sst s3  }
0xc: {  	[smem:$0x3F81] =	sst s4  }
0xd: {  	[smem:$0x3F82] =	sst s5  }
0xe: {  	[smem:$0x3F83] =	sst s6  }
0xf: {  	[smem:$0x3F84] =	sst s7  }
0x10: {  	[smem:$0x3F85] =	sst s8  }
0x11: {  	[smem:$0x3F86] =	sst s9;
	s0 =	simm.s32 @!p0 $0x0  }
0x12: {  	s1 =	sld [smem:$0x3F6C];
	s0 =	simm.s32 @p0 $0x1  }
0x13: {  	[smem:$0x3F87] =	sst s0;
	s0 =	simm.s32 @!p1 $0x0  }
0x14: {  	s2 =	sld [smem:$0x3F6B];
	s0 =	simm.s32 @p1 $0x1  }
0x15: {  	[smem:$0x3F88] =	sst s0;
	s0 =	simm.s32 @!p2 $0x0  }
0x16: {  	s3 =	sld [smem:$0x3FDB];
	s0 =	simm.s32 @p2 $0x1  }
0x17: {  	s4 =	simm.s32 $0x1BF5;
	[smem:$0x3F8A] =	sst s0  }
0x18: {  	s0 =	sld [smem:$0x3F6D];
	_ =	swait.ge [sflag:s4], $0x0  }
0x19: {  	s7 =	sld [smem:$0x3F6E]  }
0x1a: {  	s8 =	sadd.s32 $0xFFFFE003, lr  }
0x1b: {  	s9 =	sadd.s32 $0xFFFFFEF7, lr;
	s5 =	simm.s32 $0xFFFFFFFF;
	p2 =	slt.u32 s8, $0xFFFFF086  }
0x1c: {  	p1 =	slt.u32 s9, $0xF7A;
	s5 =	simm.s32 @!p2 $0x0  }
0x1d: {  	s5 =	simm.s32 @p1 $0x1;
	p0 =	seq.s32 s7, s2  }
0x1e: {  	s7 =	smul.u32 @!p0 $0xF7A, s2;
	p2 =	seq.s32 @!p0 s5, $0x0  }
0x1f: {  	s9 =	smul.u32 $0xF7A, s1;
	s8 =	simm.s32 @!p0 $0x1BF5;
	p2 =	por !p2, p0  }
0x20: {  	[sflag:s8] =	ssyncset.s32 @!p0 $0xFFFFF086;
	s6 =	sadd.s32 @!p0 s3, s7;
	s7 =	simm.s32 @!p0 $0x108  }
0x21: {  	s3 =	sadd.s32 s3, s9;
	s6 =	sadd.s32 @!p0 $0x88, s6;
	s7 =	simm.s32 @p2 $0x1082  }
0x22: {  	[simem:s7], [sflag:s8] =	dma.local @!p0 [hbm:s6], $0xF7A  }
0x23: {  	s9 =	sor.u32 $0xD0000000, s2;
	s6 =	simm.s32 $0x108;
	_ =	swait.ge @!p0 [sflag:s8], $0x0  }
0x24: {  	s3 =	sadd.s32 $0x88, s3;
	s6 =	simm.s32 @!p1 $0x1082;
	[sflag:s4] =	ssyncset.s32 $0xFFFFF086  }
0x25: {  	[simem:s6], [sflag:s4] =	dma.local [hbm:s3], $0xF7A  }
0x26: {  	[smem:$0x3F6E] =	sst s1;
	(tag) =	ssettag s2;
	_ =	strace s9  }
0x27: {  	s1 =	sld [smem:$0x3F7E]  }
0x28: {  	s2 =	sld [smem:$0x3F7F]  }
0x29: {  	s4 =	sld [smem:$0x3F81]  }
0x2a: {  	p0 =	seq.s32 s5, $0x0;
	s5 =	sld [smem:$0x3F82]  }
0x2b: {  	s6 =	sld [smem:$0x3F83]  }
0x2c: {  	s7 =	sld [smem:$0x3F84]  }
0x2d: {  	s3 =	simm.s32 $0x108;
	s8 =	sld [smem:$0x3F85]  }
0x2e: {  	s3 =	simm.s32 @!p0 $0x1082;
	s9 =	sld [smem:$0x3F86]  }
0x2f: {  	lr =	sadd.s32 s0, s3;
	s0 =	sld [smem:$0x3F7D]  }
0x30: {  	s3 =	sld [smem:$0x3F80]  }
0x31: {  	[smem:$0x3F89] =	sst s10  }
0x32: {  	s10 =	sld [smem:$0x3F87];
	_ =	sdelay $0x3  }
0x33: {  	p0 =	seq.s32 s10, $0x1;
	s10 =	sld [smem:$0x3F89];
	_ =	sdelay $0x3  }
0x34: {  	[smem:$0x3F89] =	sst s10  }
0x35: {  	s10 =	sld [smem:$0x3F88];
	_ =	sdelay $0x3  }
0x36: {  	p1 =	seq.s32 s10, $0x1;
	s10 =	sld [smem:$0x3F89];
	_ =	sdelay $0x3  }
0x37: {  	[smem:$0x3F89] =	sst s10  }
0x38: {  	s10 =	sld [smem:$0x3F8A]  }
0x39: {  	_ = 	snop;
	(pc) =	sbr.ind lr, $3  }
0x3a: {  	_ = 	snop  }
0x3b: {  	_ = 	snop  }
0x3c: {  	p2 =	seq.s32 s10, $0x1;
	s10 =	sld [smem:$0x3F89]  }
0x3d: {  	_ =	shalt  }
0x3e: {  	_ =	shalt  }
0x3f: {  	_ =	shalt  }
0x40: {  	_ =	shalt  }
0x41: {  	_ =	shalt  }
0x42: {  	_ =	shalt  }
0x43: {  	_ =	shalt  }
0x44: {  	_ =	shalt  }
0x45: {  	_ =	shalt  }
0x46: {  	_ =	shalt  }
0x47: {  	_ =	shalt  }
0x48: {  	_ =	shalt  }
0x49: {  	_ =	shalt  }
0x4a: {  	_ =	shalt  }
0x4b: {  	_ =	shalt  }
0x4c: {  	_ =	shalt  }
0x4d: {  	_ =	shalt  }
0x4e: {  	_ =	shalt  }
0x4f: {  	_ =	shalt  }
0x50: {  	_ =	shalt  }
0x51: {  	_ =	shalt  }
0x52: {  	_ =	shalt  }
0x53: {  	_ =	shalt  }
0x54: {  	_ =	shalt  }
0x55: {  	_ =	shalt  }
0x56: {  	_ =	shalt  }
0x57: {  	_ =	shalt  }
0x58: {  	_ =	shalt  }
0x59: {  	_ =	shalt  }
0x5a: {  	_ =	shalt  }
0x5b: {  	_ =	shalt  }
0x5c: {  	_ =	shalt  }
0x5d: {  	_ =	shalt  }
0x5e: {  	_ =	shalt  }
0x5f: {  	_ =	shalt  }
0x60: {  	_ =	shalt  }
0x61: {  	_ =	shalt  }
0x62: {  	_ =	shalt  }
0x63: {  	_ =	shalt  }
0x64: {  	_ =	shalt  }
0x65: {  	_ =	shalt  }
0x66: {  	_ =	shalt  }
0x67: {  	_ =	shalt  }
0x68: {  	_ =	shalt  }
0x69: {  	_ =	shalt  }
0x6a: {  	_ =	shalt  }
0x6b: {  	_ =	shalt  }
0x6c: {  	_ =	shalt  }
0x6d: {  	_ =	shalt  }
0x6e: {  	_ =	shalt  }
0x6f: {  	_ =	shalt  }
0x70: {  	_ =	shalt  }
0x71: {  	_ =	shalt  }
0x72: {  	_ =	shalt  }
0x73: {  	_ =	shalt  }
0x74: {  	_ =	shalt  }
0x75: {  	_ =	shalt  }
0x76: {  	_ =	shalt  }
0x77: {  	_ =	shalt  }
0x78: {  	_ =	shalt  }
0x79: {  	_ =	shalt  }
0x7a: {  	_ =	shalt  }
0x7b: {  	_ =	shalt  }
0x7c: {  	_ =	shalt  }
0x7d: {  	_ =	shalt  }
0x7e: {  	_ =	shalt  }
0x7f: {  	_ =	shalt  }
0x80: {  	_ =	shalt  }
0x81: {  	_ =	shalt  }
0x82: {  	_ =	shalt  }
0x83: {  	_ =	shalt  }
0x84: {  	_ =	shalt  }
0x85: {  	_ =	shalt  }
0x86: {  	_ =	shalt  }
0x87: {  	_ =	shalt  }
.Lfunc_end0:
.L_simem_size_0:
called_computation.1_lowered:
.L_overlay_start_0:
0x88: {  	s2 =	sld [smem:$0x3FD9]  }
0x89: {  	s3 =	sld [smem:$0x3FFE];
	_ =	sdelay $0x1  }
0x8a: {  	s1 =	srdreg.scid  }
0x8b: {  	s0 =	sand.u32 $0x1, s1  }
0x8c: {  	s14 =	sshll.u32 s0, $0xA;
	s2 =	sadd.s32 s3, s2  }
0x8d: {  	s2 =	sadd.s32 s2, s14  }
0x8e: {  	[smem:$0x3F95] =	sst s2  }
0x8f: {  	_ = 	snop  }
0x90: {  	s2 =	sld [smem:$0x3FD0];
	_ =	sdelay $0x2  }
0x91: {  	s15 =	simm.s32 $0xA;
	s4 =	simm.s32 $0x10  }
0x92: {  	[smem:s4], [sflag:s15] =	dma.local [hbm:s2], $0x1  }
0x93: {  	_ =	swait.eq [sflag:s15], $0x1  }
0x94: {  	[sflag:s15] =	ssyncset.done $0x0  }
0x95: {  	s16 =	sld [smem:$0x10];
	[sflag:s15] =	ssyncadd.s32 $0xFFFFFFFF  }
0x96: {  	s17 =	sld [smem:$0x11];
	(tm) =	ssettm $0x1  }
0x97: {  	s18 =	sld [smem:$0x3FFB];
	_ =	sdelay $0x3  }
0x98: {  	_ =	strace s18  }
0x99: {  	s4 =	sld [smem:$0x3FFC];
	_ =	sdelay $0x3  }
0x9a: {  	_ =	strace s4  }
0x9b: {  	s4 =	sld [smem:$0x3FFD];
	_ =	sdelay $0x3  }
0x9c: {  	_ =	strace s4  }
0x9d: {  	_ =	strace $0x8FFFFFFF  }
0x9e: {  	s19 =	sld [smem:$0x3FDB];
	_ =	sdelay $0x1  }
0x9f: {  	s5 =	simm.s32 $_scs_section_size  }
0xa0: {  	s6 =	simm.s32 $_size__tile_overlayer_lowered;
	s7 =	simm.s32 $_tile_overlayer_lowered  }
0xa1: {  	s22 =	simm.s32 $0x1BFF;
	s21 =	sshll.u32 s7, $0x1;
	s4 =	sadd.s32 s5, s19  }
0xa2: {  	s8 =	simm.s32 $0x0;
	s20 =	sshll.u32 s6, $0x1;
	s6 =	sadd.s32 s21, s4  }
0xa3: {  	[timem:s8], [sflag:s22] =	dma.local [hbm:s6], s20  }
0xa4: {  	_ =	swait.ge [sflag:s22], s20  }
0xa5: {  	s5 =	ssub.s32 $0x0, s20;
	[sflag:s22] =	ssyncset.done $0x0  }
0xa6: {  	[sflag:s22] =	ssyncadd.s32 s5;
	_ =	sdelay $0x1  }
0xa7: {  	s23 =	simm.s32 $0x1B8B  }
0xa8: {  	_ =	swait.ge [sflag:s23], $0x1  }
0xa9: {  	[sflag:s23] =	ssyncset.done $0x0  }
0xaa: {  	s25 =	simm.s32 $0x1B8E;
	s24 =	sld [smem:$0x3FFE];
	[sflag:s23] =	ssyncadd.s32 $0xFFFFFFFF  }
0xab: {  	s26 =	simm.s32 $execute0_lowered;
	[smem:$0x3FD2] =	sst s25  }
0xac: {  	s6 =	sshll.u32 s26, $0x1;
	_ =	strace $0x80000049;
	[dreg:$0x1] =	wrdreg $0xFFFFFFFF  }
0xad: {  	s28 =	simm.s32 $_size_execute0_lowered;
	s4 =	sadd.s32 s4, s6;
	[dreg:$0x0] =	wrdreg $0x0  }
0xae: {  	s6 =	sshll.u32 s28, $0x1;
	[dreg:$0x2] =	wrdreg s4  }
0xaf: {  	[dreg:$0x3] =	wrdreg s6  }
0xb0: {  	[dreg:$0x4] =	wrdreg $0xC0  }
0xb1: {  	_ =	task [dreg:s8], $0x5FFFF  }
0xb2: {  	[dreg:$0x1] =	wrdreg $0xFFFFFFFF  }
0xb3: {  	[dreg:$0x0] =	wrdreg $0x60  }
0xb4: {  	[dreg:$0x2] =	wrdreg s24  }
0xb5: {  	[dreg:$0x3] =	wrdreg s16  }
0xb6: {  	[dreg:$0x4] =	wrdreg s17  }
0xb7: {  	[dreg:$0x5] =	wrdreg $0xB3800  }
0xb8: {  	[dreg:$0x6] =	wrdreg $0x1F3800  }
0xb9: {  	[dreg:$0x7] =	wrdreg $0x9  }
0xba: {  	_ =	task.clear_ibuf [dreg:s8], $0x8FFFF;
	_ =	strace $0x90000049  }
0xbb: {  	s29 =	simm.s32 $0x9;
	_ =	strace $0x8000004B  }
0xbc: {  	_ =	swait.ge [sflag:s29], $0x1  }
0xbd: {  	[sflag:s29] =	ssyncadd.s32 $0xFFFFFFFF  }
0xbe: {  	_ =	strace $0x9000004B  }
0xbf: {  	_ =	sfence  }
0xc0: {  	s30 =	sld [smem:$0x0];
	_ =	sdelay $0x2  }
0xc1: {  	s31 =	sshll.u32 s1, $0xD;
	s1 =	sshrl.u32 s1, $0x2  }
0xc2: {  	s3 =	sand.u32 $0x4000, s31;
	s1 =	sadd.s32 s1, s30  }
0xc3: {  	s0 =	sor.u32 s3, s0;
	s1 =	sshll.u32 s1, $0x11  }
0xc4: {  	s0 =	sor.u32 s1, s0  }
0xc5: {  	s0 =	sadd.s32 $0x8F2B, s0  }
0xc6: {  	[sflag:s0] =	ssyncadd.remote.s32 $0x1  }
0xc7: {  	_ =	sfence.sel $0xFFFF  }
0xc8: {  	[dreg:$0x0] =	wrdreg $0xFFFFFFFF;
	(pc) =	sbr.abs _section_cstart, $3  }
0xc9: {  	[dreg:$0x1] =	wrdreg $0xFFFFFFFF  }
0xca: {  	_ =	task.clear_ibuf [dreg:s8], $0x2FFFF;
	_ =	strace $0x9FFFFFFF  }
0xcb: {  	(tm) =	ssettm $0x7FFFFFFF  }
tec
execute0_lowered:
.L_overlay_start_1:
0x0: {  	(tag) =	ssettag $0x1  }
0x1: {  	s0 =	rddreg [dreg:$0x0]  }
0x2: {  	s3 =	rddreg [dreg:$0x3]  }
0x3: {  	s5 =	rddreg [dreg:$0x4]  }
0x4: {  	s1 =	simm.s32 $0x0;
	s19 =	srdreg.scid;
	s2 =	stileid.u32  }
0x5: {  	s17 =	simm.s32 $0xB280;
	s28 =	simm.s32 $0x280;
	s29 =	simm.s32 $0x100  }
0x6: {  	s30 =	simm.s32 $0x2280;
	s31 =	simm.s32 $0x200;
	[smem:$0x7FF] =	sst s1  }
0x7: {  	s1 =	sand.u32 $0x1, s19;
	s4 =	smul.u32 $0x14000, s2;
	s6 =	sadd.s32 $0xCBC00, s0  }
0x8: {  	s7 =	sadd.s32 $0xF3C00, s0;
	s8 =	sadd.s32 $0x28C00, s0;
	s9 =	sadd.s32 $0x11C600, s0  }
0x9: {  	s10 =	sadd.s32 $0xB200, s0;
	s16 =	sadd.s32 $0xA3600, s0;
	s12 =	sadd.s32 $0xCB600, s0  }
0xa: {  	s15 =	smul.u32 $0x50000, s2;
	s22 =	sshll.u32 s2, $0x1;
	s24 =	sshll.u32 s2, $0x6  }
0xb: {  	p0 =	sne.s32 s2, $0x0;
	s2 =	simm.s32 $0x1;
	s11 =	smul.u32 $0x140000, s1  }
0xc: {  	_ =	strace $0x8000004A;
	[dreg:$0x7] =	wrdreg s12;
	s20 =	smul.u32 $0x500, s1  }
0xd: {  	s13 =	ssub.s32 $0x2, s1;
	s1 =	sor.u32 s1, s22;
	[dreg:$0x6] =	wrdreg s16  }
0xe: {  	s22 =	simm.s32 $0x8A80;
	s14 =	sshrl.u32 s13, $0x1;
	s23 =	sshrl.u32 s15, $0x2  }
0xf: {  	s15 =	smul.u32 $0x9E, s1;
	s1 =	simm.s32 $0x4280;
	s11 =	sadd.s32 s4, s11  }
0x10: {  	s21 =	ssub.s32 s13, s14;
	s4 =	sshrl.u32 s4, $0x3;
	s13 =	sadd.s32 s23, s3  }
0x11: {  	s14 =	sor.u32 $0x1C02, s24;
	s23 =	simm.s32 $0x0;
	s11 =	sshrl.u32 s11, $0x3  }
0x12: {  	s4 =	sadd.s32 s16, s4;
	s26 =	smax.u32 s21, $0x1;
	s19 =	sshrl.u32 s13, $0x3  }
0x13: {  	s21 =	sshrl.u32 @!p0 s5, $0x3;
	s13 =	simm.s32 $0xB300;
	[dreg:$0x8] =	wrdreg s4  }
0x14: {  	s11 =	sadd.s32 s11, s0;
	s0 =	sadd.s32 s20, s0;
	[dreg:$0xb] =	wrdreg s26  }
0x15: {  	s20 =	simm.s32 $0x2;
	s26 =	simm.s32 $0x180;
	s25 =	sadd.s32 $0x50C00, s11  }
0x16: {  	v0 =	vlaneseq.u32;
	s4 =	simm.s32 $0x8280;
	s0 =	sadd.s32 $0x11BC00, s0;
	[dreg:$0x9] =	wrdreg s25  }
0x17: {  	v0 =	vmul.u32 $0x10, v0;
	[dreg:$0xa] =	wrdreg s0;
	s25 =	simm.s32 $0x40;
	s0 =	simm.s32 $0x6280  }
.LBB2_1:
0x18: {  	s11 =	rddreg [dreg:$0x8]  }
0x19: {  	[spmem:s19], [sflag:s14] =	dma.local [hbm:s11], $0x2800  }
0x1a: {  	_ =	swait.ge [sflag:s20], $0x2800  }
0x1b: {  	[sflag:s20] =	ssyncset.done $0x0  }
0x1c: {  	s11 =	rddreg [dreg:$0x6];
	[sflag:s20] =	ssyncadd.s32 $0xFFFFD800  }
0x1d: {  	[spmem:s21], [sflag:s14] =	dma.local @!p0 [hbm:s11], $0x500  }
0x1e: {  	s11 =	simm.s32 @!p0 $0x2  }
0x1f: {  	_ =	swait.ge @!p0 [sflag:s11], $0x500  }
0x20: {  	[sflag:s11] =	ssyncset.done @!p0 $0x0  }
0x21: {  	s12 =	simm.s32 $0x0;
	s16 =	rddreg [dreg:$0x7];
	[sflag:s11] =	ssyncadd.s32 @!p0 $0xFFFFFB00  }
0x22: {  	[tilespmem:s22], [sflag:$0x2] =	stream.linear.gather [hbm4b:s16+s12], $0x2800, $0x38;
	[tilespmem:$0x1F600] =	vst v63  }
0x23: {  	_ =	swait.ge [sflag:s20], $0x2800  }
0x24: {  	[sflag:s20] =	ssyncset.done $0x0  }
0x25: {  	[sflag:s20] =	ssyncadd.s32 $0xFFFFD800  }
0x26: {  	s18 =	rddreg [dreg:$0x1]  }
0x27: {  	[tilespmem:s17], [sflag:$0x2] =	stream.linear.gather [hbm4b:s18+s12], $0x80, $0x38;
	[tilespmem:$0x1F600] =	vst v63  }
0x28: {  	_ =	swait.ge [sflag:s20], $0x80  }
0x29: {  	[sflag:s20] =	ssyncset.done $0x0  }
0x2a: {  	[sflag:s20] =	ssyncadd.s32 $0xFFFFFF80  }
0x2b: {  	s24 =	rddreg [dreg:$0x2]  }
0x2c: {  	[tilespmem:s13], [sflag:$0x2] =	stream.linear.gather [hbm4b:s24+s12], $0x80, $0x38;
	[tilespmem:$0x1F600] =	vst v63  }
0x2d: {  	_ =	swait.ge [sflag:s20], $0x80  }
0x2e: {  	[sflag:s20] =	ssyncset.done $0x0  }
0x2f: {  	[sflag:s20] =	ssyncadd.s32 $0xFFFFFF80  }
0x30: {  	s24 =	simm.s32 $0x0;
	[bflag:$0x0] =	sbarrier.arrive $0xFFFF  }
.LBB2_2:
0x31: {  	s11 =	sadd.s32 s15, s24  }
0x32: {  	s11 =	smul.u32 $0x18, s11;
	_ =	sdelay $0x1  }
0x33: {  	s13 =	simm.s32 $0x0;
	s11 =	sadd.s32 s10, s11  }
0x34: {  	[tilespmem:s13], [sflag:$0x2] =	stream.linear.gather [hbm4b:s11+s13], $0xC0, $0x38;
	[tilespmem:$0x1F600] =	vst v63  }
0x35: {  	_ =	swait.ge [sflag:s20], $0xC0  }
0x36: {  	[sflag:s20] =	ssyncset.done $0x0  }
0x37: {  	[sflag:s20] =	ssyncadd.s32 $0xFFFFFF40  }
0x38: {  	v1 =	vld [tilespmem:$0x0]  }
0x39: {  	v2 =	vld [tilespmem:$0x40]  }
0x3a: {  	v3 =	vld [tilespmem:$0x80]  }
0x3b: {  	v4 =	vld [tilespmem:$0x10]  }
0x3c: {  	v5 =	vld [tilespmem:$0x50]  }
0x3d: {  	[tilespmem:$0x100] =	vst v1;
	v1 =	vld [tilespmem:$0x90]  }
0x3e: {  	[tilespmem:$0x180] =	vst v2;
	v2 =	vld [tilespmem:$0x20]  }
0x3f: {  	[tilespmem:$0x200] =	vst v3;
	v3 =	vld [tilespmem:$0x60]  }
0x40: {  	[tilespmem:$0x110] =	vst v4;
	v4 =	vld [tilespmem:$0xA0]  }
0x41: {  	[tilespmem:$0x190] =	vst v5;
	v5 =	vld [tilespmem:$0x30]  }
0x42: {  	[tilespmem:$0x210] =	vst v1;
	v1 =	vld [tilespmem:$0x70]  }
0x43: {  	[tilespmem:$0x120] =	vst v2;
	v2 =	vld [tilespmem:$0xB0]  }
0x44: {  	[tilespmem:$0x1A0] =	vst v3  }
0x45: {  	[tilespmem:$0x220] =	vst v4  }
0x46: {  	[tilespmem:$0x130] =	vst v5  }
0x47: {  	[tilespmem:$0x1B0] =	vst v1  }
0x48: {  	[tilespmem:$0x230] =	vst v2  }
0x49: {  	[tilespmem:s28], [sflag:$0x1] =	stream.indirect.gather [hbm4b:s6+s25], $0x80, s26, s25, $0xb8;
	[tilespmem:$0x1F600] =	vst v63  }
0x4a: {  	_ = 	snop  }
0x4b: {  	[tilespmem:s30], [sflag:$0x1] =	stream.indirect.gather [hbm4b:s7+s25], $0x80, s29, s25, $0xb8;
	[tilespmem:$0x1F600] =	vst v63  }
0x4c: {  	_ = 	snop  }
0x4d: {  	[tilespmem:s0], [sflag:$0x1] =	stream.indirect.gather [hbm4b:s9+s25], $0x80, s31, s25, $0xb8;
	[tilespmem:$0x1F600] =	vst v63  }
0x4e: {  	_ = 	snop  }
0x4f: {  	[tilespmem:s1], [sflag:$0x1] =	stream.indirect.gather [hbm4b:s8+s25], $0x80, s29, s25, $0xb8;
	[tilespmem:$0x1F600] =	vst v63  }
0x50: {  	_ =	swait.ge [sflag:s2], $0x2000  }
0x51: {  	[sflag:s2] =	ssyncset.done $0x0  }
0x52: {  	[sflag:s2] =	ssyncadd.s32 $0xFFFFE000  }
0x53: {  	_ =	swait.ge [sflag:s2], $0x2000  }
0x54: {  	[sflag:s2] =	ssyncset.done $0x0  }
0x55: {  	[sflag:s2] =	ssyncadd.s32 $0xFFFFE000  }
0x56: {  	_ =	swait.ge [sflag:s2], $0x2000  }
0x57: {  	[sflag:s2] =	ssyncset.done $0x0  }
0x58: {  	[sflag:s2] =	ssyncadd.s32 $0xFFFFE000  }
0x59: {  	_ =	swait.ge [sflag:s2], $0x2000  }
0x5a: {  	[sflag:s2] =	ssyncset.done $0x0  }
0x5b: {  	s18 =	simm.s32 $0x0;
	[sflag:s2] =	ssyncadd.s32 $0xFFFFE000  }
0x5c: {  	v1 =	vld [tilespmem:s18+$0x2E0]  }
0x5d: {  	v2 =	vld [tilespmem:s18+$0x2D0]  }
0x5e: {  	v3 =	vld [tilespmem:s18+$0x2C0]  }
0x5f: {  	v4 =	vld [tilespmem:s18+$0x2B0]  }
0x60: {  	v5 =	vld [tilespmem:s18+$0x2A0]  }
0x61: {  	v6 =	vld [tilespmem:s18+$0x290]  }
0x62: {  	v7 =	vld [tilespmem:s18+$0x280]  }
0x63: {  	v8 =	vld [tilespmem:s18+$0x2280]  }
0x64: {  	v9 =	vld [tilespmem:s18+$0x6280]  }
0x65: {  	v10 =	vld [tilespmem:s18+$0x2290]  }
0x66: {  	v11 =	vld [tilespmem:s18+$0x6290]  }
0x67: {  	v12 =	vld [tilespmem:s18+$0x22A0]  }
0x68: {  	v13 =	vld [tilespmem:s18+$0x62A0]  }
0x69: {  	v14 =	vld [tilespmem:s18+$0x62B0];
	v8 =	vadd.f32 v9, v8  }
0x6a: {  	v9 =	vld [tilespmem:s18+$0x22B0]  }
0x6b: {  	v7 =	vmul.f32 v8, v7;
	v8 =	vadd.f32 v11, v10;
	v10 =	vld [tilespmem:s18+$0x22C0]  }
0x6c: {  	v11 =	vld [tilespmem:s18+$0x62C0]  }
0x6d: {  	v62 =	vld [tilespmem:s18+$0x22D0];
	v7 =	vadd.f32 $0.0e+00, v7;
	v6 =	vmul.f32 v8, v6;
	v8 =	vadd.f32 v13, v12  }
0x6e: {  	v63 =	vld [tilespmem:s18+$0x62D0]  }
0x6f: {  	v6 =	vadd.f32 v6, v7;
	v5 =	vmul.f32 v8, v5;
	v7 =	vadd.f32 v14, v9;
	v8 =	vld [tilespmem:s18+$0x22E0]  }
0x70: {  	v9 =	vld [tilespmem:s18+$0x62E0]  }
0x71: {  	v5 =	vadd.f32 v5, v6;
	v4 =	vmul.f32 v7, v4;
	v6 =	vadd.f32 v11, v10;
	v7 =	vld [tilespmem:s18+$0x22F0]  }
0x72: {  	v10 =	vld [tilespmem:s18+$0x62F0]  }
0x73: {  	v4 =	vadd.f32 v4, v5;
	v3 =	vmul.f32 v6, v3;
	v5 =	vadd.f32 v63, v62  }
0x74: {  	v6 =	vld [tilespmem:s18+$0x2F0]  }
0x75: {  	v3 =	vadd.f32 v3, v4;
	v2 =	vmul.f32 v5, v2;
	v4 =	vadd.f32 v9, v8;
	_ =	sdelay $0x1  }
0x76: {  	v2 =	vadd.f32 v2, v3;
	v1 =	vmul.f32 v4, v1;
	v3 =	vadd.f32 v10, v7;
	_ =	sdelay $0x1  }
0x77: {  	v1 =	vadd.f32 v1, v2;
	v2 =	vmul.f32 v3, v6;
	_ =	sdelay $0x1  }
0x78: {  	v1 =	vadd.f32 v2, v1  }
0x79: {  	s13 =	simm.s32 $0x8280  }
0x7a: {  	s16 =	simm.s32 $0x80;
	[tilespmem:s13+$0x0] =	vst v1  }
0x7b: {  	v1 =	vld [tilespmem:s16+$0x2E0]  }
0x7c: {  	v2 =	vld [tilespmem:s16+$0x2D0]  }
0x7d: {  	v3 =	vld [tilespmem:s16+$0x2C0]  }
0x7e: {  	v4 =	vld [tilespmem:s16+$0x2B0]  }
0x7f: {  	v5 =	vld [tilespmem:s16+$0x2A0]  }
0x80: {  	v6 =	vld [tilespmem:s16+$0x290]  }
0x81: {  	v7 =	vld [tilespmem:s16+$0x280]  }
0x82: {  	s17 =	simm.s32 $0x400;
	v8 =	vld [tilespmem:s16+$0x2280]  }
.LBB2_3:
0x83: {  	p1 =	sne.s32 s17, $0x7E00;
	v9 =	vld [tilespmem:s16+$0x6280]  }
0x84: {  	v10 =	vld [tilespmem:s16+$0x2290]  }
0x85: {  	v11 =	vld [tilespmem:s16+$0x6290]  }
0x86: {  	v12 =	vld [tilespmem:s16+$0x22A0]  }
0x87: {  	v13 =	vld [tilespmem:s16+$0x62A0]  }
0x88: {  	v8 =	vadd.f32 v9, v8;
	v9 =	vld [tilespmem:s16+$0x22B0]  }
0x89: {  	v14 =	vld [tilespmem:s16+$0x62B0]  }
0x8a: {  	v7 =	vmul.f32 v8, v7;
	v8 =	vadd.f32 v11, v10;
	v10 =	vld [tilespmem:s16+$0x22C0]  }
0x8b: {  	v11 =	vld [tilespmem:s16+$0x62C0]  }
0x8c: {  	v7 =	vadd.f32 $0.0e+00, v7;
	v6 =	vmul.f32 v8, v6;
	v8 =	vadd.f32 v13, v12;
	v12 =	vld [tilespmem:s16+$0x22D0]  }
0x8d: {  	v13 =	vld [tilespmem:s16+$0x62D0]  }
0x8e: {  	v6 =	vadd.f32 v6, v7;
	v5 =	vmul.f32 v8, v5;
	v7 =	vadd.f32 v14, v9;
	v8 =	vld [tilespmem:s16+$0x22E0]  }
0x8f: {  	v9 =	vld [tilespmem:s16+$0x62E0]  }
0x90: {  	v5 =	vadd.f32 v5, v6;
	v4 =	vmul.f32 v7, v4;
	v6 =	vadd.f32 v11, v10;
	v7 =	vld [tilespmem:s16+$0x22F0]  }
0x91: {  	v10 =	vld [tilespmem:s16+$0x62F0]  }
0x92: {  	v4 =	vadd.f32 v4, v5;
	v3 =	vmul.f32 v6, v3;
	v5 =	vadd.f32 v13, v12  }
0x93: {  	v6 =	vld [tilespmem:s16+$0x2F0]  }
0x94: {  	v3 =	vadd.f32 v3, v4;
	v2 =	vmul.f32 v5, v2;
	v4 =	vadd.f32 v9, v8;
	_ =	sdelay $0x1  }
0x95: {  	v2 =	vadd.f32 v2, v3;
	v1 =	vmul.f32 v4, v1;
	v3 =	vadd.f32 v10, v7;
	_ =	sdelay $0x1  }
0x96: {  	v1 =	vadd.f32 v1, v2;
	v2 =	vmul.f32 v3, v6;
	_ =	sdelay $0x1  }
0x97: {  	v1 =	vadd.f32 v2, v1  }
0x98: {  	s13 =	sadd.s32 $0x10, s13  }
0x99: {  	s16 =	sshra.s32 s17, $0x2;
	[tilespmem:s13+$0x0] =	vst v1  }
0x9a: {  	v1 =	vld [tilespmem:s16+$0x2E0]  }
0x9b: {  	v2 =	vld [tilespmem:s16+$0x2D0]  }
0x9c: {  	v3 =	vld [tilespmem:s16+$0x2C0]  }
.Ltmp0:
0x9d: {  	v4 =	vld [tilespmem:s16+$0x2B0];
	(pc) =	sbr.rel @p1 .LBB2_3-.Ltmp0, $4  }
0x9e: {  	v5 =	vld [tilespmem:s16+$0x2A0]  }
0x9f: {  	v6 =	vld [tilespmem:s16+$0x290]  }
0xa0: {  	v7 =	vld [tilespmem:s16+$0x280]  }
0xa1: {  	s17 =	sadd.s32 $0x200, s17;
	v8 =	vld [tilespmem:s16+$0x2280]  }
0xa2: {  	v9 =	vld [tilespmem:s16+$0x6280]  }
0xa3: {  	v10 =	vld [tilespmem:s16+$0x2290]  }
0xa4: {  	v11 =	vld [tilespmem:s16+$0x6290]  }
0xa5: {  	v12 =	vld [tilespmem:s16+$0x22A0]  }
0xa6: {  	v13 =	vld [tilespmem:s16+$0x62A0]  }
0xa7: {  	v38 =	vld [tilespmem:s16+$0x22B0];
	v8 =	vadd.f32 v9, v8  }
0xa8: {  	v14 =	vld [tilespmem:s16+$0x62B0]  }
0xa9: {  	v40 =	vld [tilespmem:s16+$0x22C0];
	v39 =	vadd.f32 v11, v10;
	v7 =	vmul.f32 v8, v7  }
0xaa: {  	v41 =	vld [tilespmem:s16+$0x62C0]  }
0xab: {  	v43 =	vld [tilespmem:s16+$0x22D0];
	v42 =	vadd.f32 v13, v12;
	v6 =	vmul.f32 v39, v6;
	v7 =	vadd.f32 $0.0e+00, v7  }
0xac: {  	v44 =	vld [tilespmem:s16+$0x62D0]  }
0xad: {  	v45 =	vld [tilespmem:s16+$0x22E0];
	v5 =	vmul.f32 v42, v5;
	v6 =	vadd.f32 v6, v7;
	v7 =	vadd.f32 v14, v38  }
0xae: {  	v46 =	vld [tilespmem:s16+$0x62E0]  }
0xaf: {  	v47 =	vld [tilespmem:s16+$0x62F0];
	v5 =	vadd.f32 v5, v6;
	v4 =	vmul.f32 v7, v4;
	v6 =	vadd.f32 v41, v40  }
0xb0: {  	v7 =	vld [tilespmem:s16+$0x22F0]  }
0xb1: {  	v4 =	vadd.f32 v4, v5;
	v3 =	vmul.f32 v6, v3;
	v5 =	vadd.f32 v44, v43  }
0xb2: {  	v6 =	vld [tilespmem:s16+$0x2F0]  }
0xb3: {  	v3 =	vadd.f32 v3, v4;
	v2 =	vmul.f32 v5, v2;
	v4 =	vadd.f32 v46, v45;
	_ =	sdelay $0x1  }
0xb4: {  	v2 =	vadd.f32 v2, v3;
	v1 =	vmul.f32 v4, v1;
	v3 =	vadd.f32 v47, v7  }
0xb5: {  	s11 =	simm.s32 $0x0  }
0xb6: {  	v5 =	vor.u32 s11, v0;
	v1 =	vadd.f32 v1, v2;
	v2 =	vmul.f32 v3, v6  }
0xb7: {  	s17 =	simm.s32 $0x1  }
0xb8: {  	v1 =	vadd.f32 v2, v1;
	v2 =	vor.u32 s17, v0  }
0xb9: {  	s18 =	sadd.s32 $0x10, s13;
	s12 =	simm.s32 $0x2  }
0xba: {  	[tilespmem:s18+$0x0] =	vst v1;
	v1 =	vor.u32 s12, v0  }
0xbb: {  	s13 =	simm.s32 $0x3;
	v3 =	vld.idx.msk [tilespmem:v5+s4+$0x0], $0xffff  }
0xbc: {  	v6 =	vor.u32 s13, v0  }
0xbd: {  	s16 =	simm.s32 $0x4;
	v4 =	vld.idx.msk [tilespmem:v2+s4+$0x0], $0xffff  }
0xbe: {  	v7 =	vor.u32 s16, v0  }
0xbf: {  	s17 =	simm.s32 $0x5;
	v48 =	vld.idx.msk [tilespmem:v1+s4+$0x0], $0xffff  }
0xc0: {  	v49 =	vor.u32 s17, v0;
	v3 =	vadd.f32 $0.0e+00, v3  }
0xc1: {  	s18 =	simm.s32 $0x6;
	v50 =	vld.idx.msk [tilespmem:v6+s4+$0x0], $0xffff  }
0xc2: {  	v51 =	vor.u32 s18, v0;
	v3 =	vadd.f32 v4, v3  }
0xc3: {  	s12 =	simm.s32 $0x7;
	v4 =	vld.idx.msk [tilespmem:v7+s4+$0x0], $0xffff  }
0xc4: {  	v52 =	vor.u32 s12, v0;
	v3 =	vadd.f32 v48, v3  }
0xc5: {  	s13 =	simm.s32 $0x8;
	v53 =	vld.idx.msk [tilespmem:v49+s4+$0x0], $0xffff  }
0xc6: {  	v54 =	vor.u32 s13, v0;
	v3 =	vadd.f32 v50, v3  }
0xc7: {  	s16 =	simm.s32 $0x9;
	v55 =	vld.idx.msk [tilespmem:v51+s4+$0x0], $0xffff  }
0xc8: {  	v56 =	vor.u32 s16, v0;
	v3 =	vadd.f32 v4, v3  }
0xc9: {  	s17 =	simm.s32 $0xA;
	v4 =	vld.idx.msk [tilespmem:v52+s4+$0x0], $0xffff  }
0xca: {  	v15 =	vor.u32 s17, v0;
	v3 =	vadd.f32 v53, v3  }
0xcb: {  	s18 =	simm.s32 $0xB;
	v57 =	vld.idx.msk [tilespmem:v54+s4+$0x0], $0xffff  }
0xcc: {  	v16 =	vor.u32 s18, v0;
	v3 =	vadd.f32 v55, v3  }
0xcd: {  	v58 =	vld.idx.msk [tilespmem:v56+s4+$0x0], $0xffff;
	s12 =	simm.s32 $0xC  }
0xce: {  	v17 =	vor.u32 s12, v0;
	v3 =	vadd.f32 v4, v3  }
0xcf: {  	s13 =	simm.s32 $0xD;
	v4 =	vld.idx.msk [tilespmem:v15+s4+$0x0], $0xffff  }
0xd0: {  	v18 =	vor.u32 s13, v0;
	v3 =	vadd.f32 v57, v3  }
0xd1: {  	s16 =	simm.s32 $0xE;
	v59 =	vld.idx.msk [tilespmem:v16+s4+$0x0], $0xffff  }
0xd2: {  	v19 =	vor.u32 s16, v0;
	v10 =	vadd.f32 v58, v3  }
0xd3: {  	s17 =	simm.s32 $0xF;
	v20 =	vld.idx.msk [tilespmem:v17+s4+$0x0], $0xffff  }
0xd4: {  	v3 =	vor.u32 s17, v0;
	v4 =	vadd.f32 v4, v10  }
0xd5: {  	v60 =	vld.idx.msk [tilespmem:v18+s4+$0x0], $0xffff  }
0xd6: {  	v4 =	vadd.f32 v59, v4  }
0xd7: {  	v61 =	vld.idx.msk [tilespmem:v19+s4+$0x0], $0xffff  }
0xd8: {  	v4 =	vadd.f32 v20, v4  }
0xd9: {  	v62 =	vld.idx.msk [tilespmem:v3+s4+$0x0], $0xffff  }
0xda: {  	v4 =	vadd.f32 v60, v4;
	_ =	sdelay $0x1  }
0xdb: {  	v4 =	vadd.f32 v61, v4;
	_ =	sdelay $0x1  }
0xdc: {  	v4 =	vadd.f32 v62, v4;
	_ =	sdelay $0x1  }
0xdd: {  	v4 =	vmul.f32 $1.442695020e+00, v4;
	_ =	sdelay $0x1  }
0xde: {  	(erf) = vpow2.f32 v4  }
0xdf: {  	s13 =	simm.s32 $0x180  }
0xe0: {  	v63 =	vld [tilespmem:s13+$0x0];
	_ =	sdelay $0x6  }
0xe1: {  	v4 =	vpop (erf)  }
0xe2: {  	s17 =	simm.s32 $0x8680;
	[tilespmem:v63+s22+$0x0] =	vst.idx.add.f32.msk $0xffff, v4  }
0xe3: {  	[tilespmem:v5+s17+$0x0] =	vst.idx.msk $0xffff, v4  }
0xe4: {  	[tilespmem:v2+s17+$0x0] =	vst.idx.msk $0xffff, v4  }
0xe5: {  	[tilespmem:v1+s17+$0x0] =	vst.idx.msk $0xffff, v4  }
0xe6: {  	[tilespmem:v6+s17+$0x0] =	vst.idx.msk $0xffff, v4  }
0xe7: {  	[tilespmem:v7+s17+$0x0] =	vst.idx.msk $0xffff, v4  }
0xe8: {  	[tilespmem:v49+s17+$0x0] =	vst.idx.msk $0xffff, v4  }
0xe9: {  	[tilespmem:v51+s17+$0x0] =	vst.idx.msk $0xffff, v4  }
0xea: {  	[tilespmem:v52+s17+$0x0] =	vst.idx.msk $0xffff, v4  }
0xeb: {  	[tilespmem:v54+s17+$0x0] =	vst.idx.msk $0xffff, v4  }
0xec: {  	[tilespmem:v56+s17+$0x0] =	vst.idx.msk $0xffff, v4  }
0xed: {  	[tilespmem:v15+s17+$0x0] =	vst.idx.msk $0xffff, v4  }
0xee: {  	s18 =	simm.s32 $0x100;
	[tilespmem:v16+s17+$0x0] =	vst.idx.msk $0xffff, v4  }
0xef: {  	v1 =	vor.u32 s18, v0;
	[tilespmem:v17+s17+$0x0] =	vst.idx.msk $0xffff, v4  }
0xf0: {  	s12 =	simm.s32 $0x101;
	[tilespmem:v18+s17+$0x0] =	vst.idx.msk $0xffff, v4  }
0xf1: {  	s11 =	simm.s32 $0x102;
	s16 =	simm.s32 $0x10F;
	v2 =	vor.u32 s12, v0;
	s18 =	simm.s32 $0x20F;
	[tilespmem:v19+s17+$0x0] =	vst.idx.msk $0xffff, v4  }
.LBB2_5:
0xf2: {  	p1 =	sne.s32 s18, $0x30F  }
0xf3: {  	v5 =	vor.u32 s11, v0;
	[tilespmem:v3+s17+$0x0] =	vst.idx.msk $0xffff, v4;
	s13 =	sadd.s32 $0x10, s13;
	s11 =	smov.u32 s18;
	s18 =	sadd.s32 $0x100, s18  }
0xf4: {  	s12 =	sadd.s32 $0xFFFFFFF4, s16;
	v3 =	vld.idx.msk [tilespmem:v1+s4+$0x0], $0xffff  }
0xf5: {  	v6 =	vor.u32 s12, v0  }
0xf6: {  	s12 =	sadd.s32 $0xFFFFFFF5, s16;
	v4 =	vld.idx.msk [tilespmem:v2+s4+$0x0], $0xffff  }
0xf7: {  	v7 =	vor.u32 s12, v0  }
0xf8: {  	s12 =	sadd.s32 $0xFFFFFFF6, s16;
	v8 =	vld.idx.msk [tilespmem:v5+s4+$0x0], $0xffff  }
0xf9: {  	v9 =	vor.u32 s12, v0  }
0xfa: {  	s12 =	sadd.s32 $0xFFFFFFF7, s16;
	v3 =	vadd.f32 $0.0e+00, v3;
	v10 =	vld.idx.msk [tilespmem:v6+s4+$0x0], $0xffff  }
0xfb: {  	v11 =	vor.u32 s12, v0  }
0xfc: {  	s12 =	sadd.s32 $0xFFFFFFF8, s16;
	v3 =	vadd.f32 v4, v3;
	v4 =	vld.idx.msk [tilespmem:v7+s4+$0x0], $0xffff  }
0xfd: {  	v12 =	vor.u32 s12, v0  }
0xfe: {  	s12 =	sadd.s32 $0xFFFFFFF9, s16;
	v3 =	vadd.f32 v8, v3;
	v8 =	vld.idx.msk [tilespmem:v9+s4+$0x0], $0xffff  }
0xff: {  	v13 =	vor.u32 s12, v0  }
0x100: {  	s12 =	sadd.s32 $0xFFFFFFFA, s16;
	v3 =	vadd.f32 v10, v3;
	v10 =	vld.idx.msk [tilespmem:v11+s4+$0x0], $0xffff  }
0x101: {  	v14 =	vor.u32 s12, v0  }
0x102: {  	s12 =	sadd.s32 $0xFFFFFFFB, s16;
	v3 =	vadd.f32 v4, v3;
	v4 =	vld.idx.msk [tilespmem:v12+s4+$0x0], $0xffff  }
0x103: {  	v15 =	vor.u32 s12, v0  }
0x104: {  	s12 =	sadd.s32 $0xFFFFFFFC, s16;
	v3 =	vadd.f32 v8, v3;
	v8 =	vld.idx.msk [tilespmem:v13+s4+$0x0], $0xffff  }
0x105: {  	v16 =	vor.u32 s12, v0  }
0x106: {  	s12 =	sadd.s32 $0xFFFFFFFD, s16;
	v3 =	vadd.f32 v10, v3;
	v10 =	vld.idx.msk [tilespmem:v14+s4+$0x0], $0xffff  }
0x107: {  	v17 =	vor.u32 s12, v0  }
0x108: {  	s12 =	sadd.s32 $0xFFFFFFFE, s16;
	v3 =	vadd.f32 v4, v3;
	v4 =	vld.idx.msk [tilespmem:v15+s4+$0x0], $0xffff  }
0x109: {  	v18 =	vor.u32 s12, v0  }
0x10a: {  	s12 =	sadd.s32 $0xFFFFFFFF, s16;
	v3 =	vadd.f32 v8, v3;
	v8 =	vld.idx.msk [tilespmem:v16+s4+$0x0], $0xffff  }
0x10b: {  	v19 =	vor.u32 s12, v0  }
0x10c: {  	v10 =	vadd.f32 v10, v3;
	v20 =	vld.idx.msk [tilespmem:v17+s4+$0x0], $0xffff  }
0x10d: {  	v3 =	vor.u32 s16, v0;
	s16 =	smov.u32 s11  }
0x10e: {  	v4 =	vadd.f32 v4, v10;
	v10 =	vld.idx.msk [tilespmem:v18+s4+$0x0], $0xffff;
	_ =	sdelay $0x1  }
0x10f: {  	v4 =	vadd.f32 v8, v4;
	v8 =	vld.idx.msk [tilespmem:v19+s4+$0x0], $0xffff;
	_ =	sdelay $0x1  }
0x110: {  	v4 =	vadd.f32 v20, v4;
	v20 =	vld.idx.msk [tilespmem:v3+s4+$0x0], $0xffff;
	_ =	sdelay $0x1  }
0x111: {  	v4 =	vadd.f32 v10, v4;
	_ =	sdelay $0x1  }
0x112: {  	v4 =	vadd.f32 v8, v4;
	_ =	sdelay $0x1  }
0x113: {  	v4 =	vadd.f32 v20, v4;
	_ =	sdelay $0x1  }
0x114: {  	v4 =	vmul.f32 $1.442695020e+00, v4;
	_ =	sdelay $0x1  }
0x115: {  	(erf) = vpow2.f32 v4;
	_ =	sdelay $0x1  }
0x116: {  	v8 =	vld [tilespmem:s13+$0x0];
	_ =	sdelay $0x6  }
0x117: {  	v4 =	vpop (erf)  }
0x118: {  	[tilespmem:v8+s22+$0x0] =	vst.idx.add.f32.msk $0xffff, v4  }
0x119: {  	[tilespmem:v1+s17+$0x0] =	vst.idx.msk $0xffff, v4  }
0x11a: {  	[tilespmem:v2+s17+$0x0] =	vst.idx.msk $0xffff, v4  }
0x11b: {  	[tilespmem:v5+s17+$0x0] =	vst.idx.msk $0xffff, v4  }
0x11c: {  	[tilespmem:v6+s17+$0x0] =	vst.idx.msk $0xffff, v4  }
0x11d: {  	[tilespmem:v7+s17+$0x0] =	vst.idx.msk $0xffff, v4  }
0x11e: {  	[tilespmem:v9+s17+$0x0] =	vst.idx.msk $0xffff, v4  }
0x11f: {  	[tilespmem:v11+s17+$0x0] =	vst.idx.msk $0xffff, v4  }
0x120: {  	[tilespmem:v12+s17+$0x0] =	vst.idx.msk $0xffff, v4  }
0x121: {  	[tilespmem:v13+s17+$0x0] =	vst.idx.msk $0xffff, v4  }
0x122: {  	[tilespmem:v14+s17+$0x0] =	vst.idx.msk $0xffff, v4  }
.Ltmp1:
0x123: {  	s11 =	sadd.s32 $0xFFFFFFF1, s16;
	[tilespmem:v15+s17+$0x0] =	vst.idx.msk $0xffff, v4;
	(pc) =	sbr.rel @p1 .LBB2_5-.Ltmp1, $4  }
0x124: {  	v1 =	vor.u32 s11, v0;
	[tilespmem:v16+s17+$0x0] =	vst.idx.msk $0xffff, v4  }
0x125: {  	s11 =	sadd.s32 $0xFFFFFFF2, s16;
	[tilespmem:v17+s17+$0x0] =	vst.idx.msk $0xffff, v4  }
0x126: {  	v2 =	vor.u32 s11, v0;
	[tilespmem:v18+s17+$0x0] =	vst.idx.msk $0xffff, v4  }
0x127: {  	s11 =	sadd.s32 $0xFFFFFFF3, s16;
	[tilespmem:v19+s17+$0x0] =	vst.idx.msk $0xffff, v4  }
0x128: {  	_ =	sdelay $0x3  }
0x129: {  	v5 =	vor.u32 s11, v0;
	[tilespmem:v3+s17+$0x0] =	vst.idx.msk $0xffff, v4  }
0x12a: {  	s18 =	sadd.s32 $0xFFFFFFF4, s16;
	v3 =	vld.idx.msk [tilespmem:v1+s4+$0x0], $0xffff  }
0x12b: {  	v4 =	vor.u32 s18, v0  }
0x12c: {  	s12 =	sadd.s32 $0xFFFFFFF5, s16;
	v6 =	vld.idx.msk [tilespmem:v2+s4+$0x0], $0xffff  }
0x12d: {  	v7 =	vor.u32 s12, v0  }
0x12e: {  	s17 =	sadd.s32 $0xFFFFFFF6, s16;
	v8 =	vld.idx.msk [tilespmem:v5+s4+$0x0], $0xffff  }
0x12f: {  	v9 =	vor.u32 s17, v0;
	v3 =	vadd.f32 $0.0e+00, v3  }
0x130: {  	s18 =	sadd.s32 $0xFFFFFFF7, s16;
	v10 =	vld.idx.msk [tilespmem:v4+s4+$0x0], $0xffff  }
0x131: {  	v11 =	vor.u32 s18, v0;
	v3 =	vadd.f32 v6, v3  }
0x132: {  	s12 =	sadd.s32 $0xFFFFFFF8, s16;
	v6 =	vld.idx.msk [tilespmem:v7+s4+$0x0], $0xffff  }
0x133: {  	v12 =	vor.u32 s12, v0;
	v3 =	vadd.f32 v8, v3  }
0x134: {  	s17 =	sadd.s32 $0xFFFFFFF9, s16;
	v8 =	vld.idx.msk [tilespmem:v9+s4+$0x0], $0xffff  }
0x135: {  	v13 =	vor.u32 s17, v0;
	v3 =	vadd.f32 v10, v3  }
0x136: {  	s18 =	sadd.s32 $0xFFFFFFFA, s16;
	v10 =	vld.idx.msk [tilespmem:v11+s4+$0x0], $0xffff  }
0x137: {  	v14 =	vor.u32 s18, v0;
	v3 =	vadd.f32 v6, v3  }
0x138: {  	s12 =	sadd.s32 $0xFFFFFFFB, s16;
	v6 =	vld.idx.msk [tilespmem:v12+s4+$0x0], $0xffff  }
0x139: {  	v15 =	vor.u32 s12, v0;
	v3 =	vadd.f32 v8, v3  }
0x13a: {  	s17 =	sadd.s32 $0xFFFFFFFC, s16;
	v8 =	vld.idx.msk [tilespmem:v13+s4+$0x0], $0xffff  }
0x13b: {  	v16 =	vor.u32 s17, v0;
	v3 =	vadd.f32 v10, v3  }
0x13c: {  	s18 =	sadd.s32 $0xFFFFFFFD, s16;
	v10 =	vld.idx.msk [tilespmem:v14+s4+$0x0], $0xffff  }
0x13d: {  	v17 =	vor.u32 s18, v0;
	v3 =	vadd.f32 v6, v3  }
0x13e: {  	s12 =	sadd.s32 $0xFFFFFFFE, s16;
	v6 =	vld.idx.msk [tilespmem:v15+s4+$0x0], $0xffff  }
0x13f: {  	v18 =	vor.u32 s12, v0;
	v3 =	vadd.f32 v8, v3  }
0x140: {  	s17 =	sadd.s32 $0xFFFFFFFF, s16;
	v8 =	vld.idx.msk [tilespmem:v16+s4+$0x0], $0xffff  }
0x141: {  	v19 =	vor.u32 s17, v0;
	v3 =	vadd.f32 v10, v3  }
0x142: {  	v10 =	vld.idx.msk [tilespmem:v17+s4+$0x0], $0xffff  }
0x143: {  	v20 =	vor.u32 s16, v0;
	v3 =	vadd.f32 v6, v3  }
0x144: {  	v6 =	vld.idx.msk [tilespmem:v18+s4+$0x0], $0xffff  }
0x145: {  	v3 =	vadd.f32 v8, v3  }
0x146: {  	v8 =	vld.idx.msk [tilespmem:v19+s4+$0x0], $0xffff  }
0x147: {  	v3 =	vadd.f32 v10, v3  }
0x148: {  	v10 =	vld.idx.msk [tilespmem:v20+s4+$0x0], $0xffff  }
0x149: {  	v3 =	vadd.f32 v6, v3;
	_ =	sdelay $0x1  }
0x14a: {  	v3 =	vadd.f32 v8, v3;
	_ =	sdelay $0x1  }
0x14b: {  	v3 =	vadd.f32 v10, v3;
	_ =	sdelay $0x1  }
0x14c: {  	v3 =	vmul.f32 $1.442695020e+00, v3;
	_ =	sdelay $0x1  }
0x14d: {  	(erf) = vpow2.f32 v3  }
0x14e: {  	s18 =	sadd.s32 $0x10, s13  }
0x14f: {  	v3 =	vld [tilespmem:s18+$0x0];
	_ =	sdelay $0x6  }
0x150: {  	v6 =	vpop (erf)  }
0x151: {  	s16 =	simm.s32 $0x8680;
	[tilespmem:v3+s22+$0x0] =	vst.idx.add.f32.msk $0xffff, v6  }
0x152: {  	[tilespmem:v1+s16+$0x0] =	vst.idx.msk $0xffff, v6  }
0x153: {  	[tilespmem:v2+s16+$0x0] =	vst.idx.msk $0xffff, v6  }
0x154: {  	[tilespmem:v5+s16+$0x0] =	vst.idx.msk $0xffff, v6  }
0x155: {  	[tilespmem:v4+s16+$0x0] =	vst.idx.msk $0xffff, v6  }
0x156: {  	[tilespmem:v7+s16+$0x0] =	vst.idx.msk $0xffff, v6  }
0x157: {  	[tilespmem:v9+s16+$0x0] =	vst.idx.msk $0xffff, v6  }
0x158: {  	[tilespmem:v11+s16+$0x0] =	vst.idx.msk $0xffff, v6  }
0x159: {  	[tilespmem:v12+s16+$0x0] =	vst.idx.msk $0xffff, v6  }
0x15a: {  	[tilespmem:v13+s16+$0x0] =	vst.idx.msk $0xffff, v6  }
0x15b: {  	[tilespmem:v14+s16+$0x0] =	vst.idx.msk $0xffff, v6  }
0x15c: {  	[tilespmem:v15+s16+$0x0] =	vst.idx.msk $0xffff, v6  }
0x15d: {  	[tilespmem:v16+s16+$0x0] =	vst.idx.msk $0xffff, v6  }
0x15e: {  	[tilespmem:v17+s16+$0x0] =	vst.idx.msk $0xffff, v6  }
0x15f: {  	[tilespmem:v18+s16+$0x0] =	vst.idx.msk $0xffff, v6  }
0x160: {  	[tilespmem:v19+s16+$0x0] =	vst.idx.msk $0xffff, v6  }
0x161: {  	s13 =	simm.s32 $0x0;
	[tilespmem:v20+s16+$0x0] =	vst.idx.msk $0xffff, v6  }
0x162: {  	v9 =	vld [tilespmem:s13+$0x42E0]  }
0x163: {  	v12 =	vld [tilespmem:s13+$0x42D0]  }
0x164: {  	v10 =	vld [tilespmem:s13+$0x42F0]  }
0x165: {  	v1 =	vld [tilespmem:s13+$0x4280]  }
0x166: {  	v11 =	vld [tilespmem:s13+$0x62E0]  }
0x167: {  	v13 =	vld [tilespmem:s13+$0x62F0]  }
0x168: {  	v14 =	vld [tilespmem:s13+$0x62D0]  }
0x169: {  	v3 =	vld [tilespmem:s13+$0x42A0]  }
0x16a: {  	v5 =	vld [tilespmem:s13+$0x6290]  }
0x16b: {  	v7 =	vld [tilespmem:s13+$0x4290]  }
0x16c: {  	v4 =	vld [tilespmem:s13+$0x62B0]  }
0x16d: {  	v6 =	vld [tilespmem:s13+$0x62C0]  }
0x16e: {  	v8 =	vld [tilespmem:s13+$0x42C0]  }
0x16f: {  	v2 =	vld [tilespmem:s16+$0x0]  }
0x170: {  	v9 =	vadd.f32 v11, v9;
	v11 =	vld [tilespmem:s13+$0x62A0]  }
0x171: {  	s11 =	simm.s32 $0x200;
	v10 =	vadd.f32 v13, v10;
	v12 =	vadd.f32 v14, v12;
	v13 =	vld [tilespmem:s13+$0x6280]  }
.LBB2_7:
0x172: {  	s17 =	smov.u32 s11  }
0x173: {  	s12 =	sshra.s32 s11, $0x2;
	v14 =	vld [tilespmem:s13+$0x42B0];
	s16 =	sadd.s32 $0x10, s16;
	s17 =	sadd.s32 $0x200, s11  }
0x174: {  	p1 =	sne.s32 s11, $0x7E00;
	v5 =	vadd.f32 v5, v7;
	v15 =	vld [tilespmem:s12+$0x42E0]  }
0x175: {  	v6 =	vadd.f32 v6, v8;
	v7 =	vmul.f32 v9, v2;
	v16 =	vld [tilespmem:s12+$0x42D0]  }
0x176: {  	v9 =	vmul.f32 v12, v2;
	v10 =	vmul.f32 v10, v2;
	v3 =	vadd.f32 v11, v3;
	v8 =	vld [tilespmem:s12+$0x42F0]  }
0x177: {  	v5 =	vmul.f32 v5, v2;
	v6 =	vmul.f32 v6, v2;
	v11 =	vadd.f32 v13, v1;
	v1 =	vld [tilespmem:s12+$0x4280];
	[tilespmem:s13+$0x62E0] =	vst v7  }
0x178: {  	v13 =	vmul.f32 v3, v2;
	v3 =	vadd.f32 v4, v14;
	v12 =	vld [tilespmem:s12+$0x62E0];
	[tilespmem:s13+$0x62F0] =	vst v10  }
0x179: {  	v4 =	vmul.f32 v11, v2;
	v10 =	vld [tilespmem:s12+$0x62F0];
	[tilespmem:s13+$0x62D0] =	vst v9  }
0x17a: {  	v2 =	vmul.f32 v3, v2;
	v11 =	vld [tilespmem:s12+$0x62D0];
	[tilespmem:s13+$0x6290] =	vst v5  }
0x17b: {  	v3 =	vld [tilespmem:s12+$0x42A0];
	[tilespmem:s13+$0x6280] =	vst v4  }
0x17c: {  	v5 =	vld [tilespmem:s12+$0x6290];
	[tilespmem:s13+$0x62B0] =	vst v2  }
0x17d: {  	v7 =	vld [tilespmem:s12+$0x4290];
	v9 =	vadd.f32 v12, v15;
	[tilespmem:s13+$0x62A0] =	vst v13  }
0x17e: {  	v4 =	vld [tilespmem:s12+$0x62B0];
	v10 =	vadd.f32 v10, v8;
	[tilespmem:s13+$0x62C0] =	vst v6;
	s13 =	smov.u32 s12  }
.Ltmp2:
0x17f: {  	v6 =	vld [tilespmem:s13+$0x62C0];
	v12 =	vadd.f32 v11, v16;
	(pc) =	sbr.rel @p1 .LBB2_7-.Ltmp2, $4  }
0x180: {  	v8 =	vld [tilespmem:s13+$0x42C0]  }
0x181: {  	v2 =	vld [tilespmem:s16+$0x0]  }
0x182: {  	v11 =	vld [tilespmem:s13+$0x62A0]  }
0x183: {  	s11 =	smov.u32 s17;
	v13 =	vld [tilespmem:s13+$0x6280]  }
0x184: {  	_ = 	snop  }
0x185: {  	v14 =	vld [tilespmem:s13+$0x42B0]  }
0x186: {  	v9 =	vmul.f32 v9, v2  }
0x187: {  	v5 =	vadd.f32 v5, v7;
	v62 =	vmul.f32 v10, v2  }
0x188: {  	v63 =	vmul.f32 v12, v2;
	v3 =	vadd.f32 v11, v3;
	[tilespmem:s13+$0x62E0] =	vst v9  }
0x189: {  	v5 =	vmul.f32 v5, v2;
	v1 =	vadd.f32 v13, v1;
	[tilespmem:s13+$0x62F0] =	vst v62  }
0x18a: {  	[tilespmem:s13+$0x62D0] =	vst v63;
	v4 =	vadd.f32 v4, v14;
	v3 =	vmul.f32 v3, v2  }
0x18b: {  	v6 =	vadd.f32 v6, v8;
	[tilespmem:s13+$0x6290] =	vst v5;
	v1 =	vmul.f32 v1, v2  }
0x18c: {  	v4 =	vmul.f32 v4, v2;
	[tilespmem:s13+$0x62A0] =	vst v3  }
0x18d: {  	s24 =	sadd.s32 $0x1, s24;
	[tilespmem:s13+$0x6280] =	vst v1;
	v1 =	vmul.f32 v6, v2  }
0x18e: {  	p1 =	sne.s32 s24, $0x9E;
	[tilespmem:s13+$0x62B0] =	vst v4  }
.Ltmp3:
0x18f: {  	[tilespmem:s13+$0x62C0] =	vst v1;
	(pc) =	sbr.rel @p1 .LBB2_2-.Ltmp3, $4  }
0x190: {  	[spmem:s3] =	stream.indirect.scatter.add.f32 [tilespmem:s0], [sflag:$0x2], $0x80, s26, s25, $0xb8;
	[tilespmem:$0x1F600] =	vst v63  }
0x191: {  	_ =	swait.ge [sflag:s20], $0x2000  }
0x192: {  	[sflag:s20] =	ssyncset.done $0x0  }
0x193: {  	[sflag:s20] =	ssyncadd.s32 $0xFFFFE000  }
0x194: {  	s11 =	simm.s32 $0x0  }
0x195: {  	v4 =	vld [tilespmem:s11+$0x8AF0]  }
0x196: {  	v5 =	vld [tilespmem:s11+$0x8A80]  }
0x197: {  	v6 =	vld [tilespmem:s11+$0x8A90]  }
0x198: {  	v3 =	vld [tilespmem:s11+$0x8AA0]  }
0x199: {  	v1 =	vld [tilespmem:s11+$0x8AB0]  }
0x19a: {  	v2 =	vld [tilespmem:s11+$0x8AC0];
	[tilespmem:s11+$0x2F0] =	vst v4  }
0x19b: {  	[tilespmem:s11+$0x280] =	vst v5;
	v4 =	vld [tilespmem:s11+$0x8AD0]  }
0x19c: {  	s13 =	simm.s32 $0x80;
	s16 =	simm.s32 $0x400;
	[tilespmem:s11+$0x290] =	vst v6;
	v5 =	vld [tilespmem:s11+$0x8AE0]  }
.LBB2_10:
0x19d: {  	p1 =	sne.s32 s16, $0x4E00;
	v6 =	vld [tilespmem:s13+$0x8AF0];
	[tilespmem:s11+$0x2A0] =	vst v3  }
0x19e: {  	v7 =	vld [tilespmem:s13+$0x8A80];
	[tilespmem:s11+$0x2B0] =	vst v1  }
0x19f: {  	v8 =	vld [tilespmem:s13+$0x8A90];
	[tilespmem:s11+$0x2C0] =	vst v2  }
.Ltmp4:
0x1a0: {  	v3 =	vld [tilespmem:s13+$0x8AA0];
	[tilespmem:s11+$0x2D0] =	vst v4;
	(pc) =	sbr.rel @p1 .LBB2_10-.Ltmp4, $4  }
0x1a1: {  	v1 =	vld [tilespmem:s13+$0x8AB0];
	[tilespmem:s11+$0x2E0] =	vst v5;
	s11 =	smov.u32 s13  }
0x1a2: {  	v2 =	vld [tilespmem:s11+$0x8AC0];
	[tilespmem:s11+$0x2F0] =	vst v6  }
0x1a3: {  	[tilespmem:s11+$0x280] =	vst v7;
	v4 =	vld [tilespmem:s11+$0x8AD0]  }
0x1a4: {  	s13 =	sshra.s32 s16, $0x2;
	s16 =	sadd.s32 $0x200, s16;
	[tilespmem:s11+$0x290] =	vst v8;
	v5 =	vld [tilespmem:s11+$0x8AE0]  }
0x1a5: {  	v6 =	vld [tilespmem:s13+$0x8AF0];
	[tilespmem:s11+$0x2A0] =	vst v3  }
0x1a6: {  	v3 =	vld [tilespmem:s13+$0x8A80];
	[tilespmem:s11+$0x2B0] =	vst v1  }
0x1a7: {  	v1 =	vld [tilespmem:s13+$0x8A90];
	[tilespmem:s11+$0x2C0] =	vst v2  }
0x1a8: {  	v2 =	vld [tilespmem:s13+$0x8AA0];
	[tilespmem:s11+$0x2D0] =	vst v4  }
0x1a9: {  	v4 =	vld [tilespmem:s13+$0x8AB0];
	[tilespmem:s11+$0x2E0] =	vst v5  }
0x1aa: {  	v5 =	vld [tilespmem:s13+$0x8AC0];
	[tilespmem:s13+$0x2F0] =	vst v6  }
0x1ab: {  	[tilespmem:s13+$0x280] =	vst v3;
	v3 =	vld [tilespmem:s13+$0x8AD0]  }
0x1ac: {  	[tilespmem:s13+$0x290] =	vst v1;
	v1 =	vld [tilespmem:s13+$0x8AE0]  }
0x1ad: {  	[tilespmem:s13+$0x2A0] =	vst v2  }
0x1ae: {  	[tilespmem:s13+$0x2B0] =	vst v4  }
0x1af: {  	[tilespmem:s13+$0x2C0] =	vst v5  }
0x1b0: {  	[tilespmem:s13+$0x2D0] =	vst v3  }
0x1b1: {  	s17 =	simm.s32 $0xB280;
	s12 =	simm.s32 $0x28;
	[tilespmem:s13+$0x2E0] =	vst v1  }
0x1b2: {  	[spmem:s5] =	stream.indirect.scatter.add.f32 [tilespmem:s28], [sflag:$0x2], $0x80, s17, s12, $0xb8;
	[tilespmem:$0x1F600] =	vst v63  }
0x1b3: {  	_ =	swait.ge [sflag:s20], $0x1400  }
0x1b4: {  	[sflag:s20] =	ssyncset.done $0x0  }
0x1b5: {  	s11 =	simm.s32 $0x0;
	[sflag:s20] =	ssyncadd.s32 $0xFFFFEC00  }
0x1b6: {  	v4 =	vld [tilespmem:s11+$0x9EF0]  }
0x1b7: {  	v5 =	vld [tilespmem:s11+$0x9E80]  }
0x1b8: {  	v6 =	vld [tilespmem:s11+$0x9E90]  }
0x1b9: {  	v3 =	vld [tilespmem:s11+$0x9EA0]  }
0x1ba: {  	v1 =	vld [tilespmem:s11+$0x9EB0]  }
0x1bb: {  	v2 =	vld [tilespmem:s11+$0x9EC0];
	[tilespmem:s11+$0x2F0] =	vst v4  }
0x1bc: {  	[tilespmem:s11+$0x280] =	vst v5;
	v4 =	vld [tilespmem:s11+$0x9ED0]  }
0x1bd: {  	s16 =	simm.s32 $0x400;
	s13 =	simm.s32 $0x80;
	[tilespmem:s11+$0x290] =	vst v6;
	v5 =	vld [tilespmem:s11+$0x9EE0]  }
.LBB2_12:
0x1be: {  	p1 =	sne.s32 s16, $0x4E00;
	v6 =	vld [tilespmem:s13+$0x9EF0];
	[tilespmem:s11+$0x2A0] =	vst v3  }
0x1bf: {  	v7 =	vld [tilespmem:s13+$0x9E80];
	[tilespmem:s11+$0x2B0] =	vst v1  }
0x1c0: {  	v8 =	vld [tilespmem:s13+$0x9E90];
	[tilespmem:s11+$0x2C0] =	vst v2  }
.Ltmp5:
0x1c1: {  	v3 =	vld [tilespmem:s13+$0x9EA0];
	[tilespmem:s11+$0x2D0] =	vst v4;
	(pc) =	sbr.rel @p1 .LBB2_12-.Ltmp5, $4  }
0x1c2: {  	v1 =	vld [tilespmem:s13+$0x9EB0];
	[tilespmem:s11+$0x2E0] =	vst v5;
	s11 =	smov.u32 s13  }
0x1c3: {  	v2 =	vld [tilespmem:s11+$0x9EC0];
	[tilespmem:s11+$0x2F0] =	vst v6  }
0x1c4: {  	[tilespmem:s11+$0x280] =	vst v7;
	v4 =	vld [tilespmem:s11+$0x9ED0]  }
0x1c5: {  	s13 =	sshra.s32 s16, $0x2;
	s16 =	sadd.s32 $0x200, s16;
	[tilespmem:s11+$0x290] =	vst v8;
	v5 =	vld [tilespmem:s11+$0x9EE0]  }
0x1c6: {  	v6 =	vld [tilespmem:s13+$0x9EF0];
	[tilespmem:s11+$0x2A0] =	vst v3  }
0x1c7: {  	v3 =	vld [tilespmem:s13+$0x9E80];
	[tilespmem:s11+$0x2B0] =	vst v1  }
0x1c8: {  	v1 =	vld [tilespmem:s13+$0x9E90];
	[tilespmem:s11+$0x2C0] =	vst v2  }
0x1c9: {  	v2 =	vld [tilespmem:s13+$0x9EA0];
	[tilespmem:s11+$0x2D0] =	vst v4  }
0x1ca: {  	v4 =	vld [tilespmem:s13+$0x9EB0];
	[tilespmem:s11+$0x2E0] =	vst v5  }
0x1cb: {  	v5 =	vld [tilespmem:s13+$0x9EC0];
	[tilespmem:s13+$0x2F0] =	vst v6  }
0x1cc: {  	[tilespmem:s13+$0x280] =	vst v3;
	v3 =	vld [tilespmem:s13+$0x9ED0]  }
0x1cd: {  	[tilespmem:s13+$0x290] =	vst v1;
	v1 =	vld [tilespmem:s13+$0x9EE0]  }
0x1ce: {  	[tilespmem:s13+$0x2A0] =	vst v2  }
0x1cf: {  	[tilespmem:s13+$0x2B0] =	vst v4  }
0x1d0: {  	[tilespmem:s13+$0x2C0] =	vst v5  }
0x1d1: {  	[tilespmem:s13+$0x2D0] =	vst v3  }
0x1d2: {  	[tilespmem:s13+$0x2E0] =	vst v1;
	s13 =	simm.s32 $0xB300  }
0x1d3: {  	[spmem:s5] =	stream.indirect.scatter.add.f32 [tilespmem:s28], [sflag:$0x2], $0x80, s13, s12, $0xb8;
	[tilespmem:$0x1F600] =	vst v63  }
0x1d4: {  	_ =	swait.ge [sflag:s20], $0x1400  }
0x1d5: {  	[sflag:s20] =	ssyncset.done $0x0  }
0x1d6: {  	[sflag:s20] =	ssyncadd.s32 $0xFFFFEC00  }
0x1d7: {  	[bflag:$0x0] =	sbarrier.arrive $0xFFFF  }
0x1d8: {  	s18 =	rddreg [dreg:$0x9]  }
0x1d9: {  	[hbm:s18], [sflag:s14] =	dma.local [spmem:s19], $0x2800  }
0x1da: {  	_ =	swait.ge [sflag:s20], $0x2800  }
0x1db: {  	[sflag:s20] =	ssyncset.done $0x0  }
0x1dc: {  	s11 =	rddreg [dreg:$0xa];
	[sflag:s20] =	ssyncadd.s32 $0xFFFFD800  }
0x1dd: {  	[hbm:s11], [sflag:s14] =	dma.local @!p0 [spmem:s21], $0x500  }
0x1de: {  	s11 =	simm.s32 @!p0 $0x2  }
0x1df: {  	_ =	swait.ge @!p0 [sflag:s11], $0x500  }
0x1e0: {  	s23 =	sadd.s32 $0x1, s23;
	s24 =	rddreg [dreg:$0xb]  }
0x1e1: {  	p1 =	sne.s32 s23, s24  }
.Ltmp6:
0x1e2: {  	_ = 	snop;
	(pc) =	sbr.rel @p1 .LBB2_1-.Ltmp6, $3  }
0x1e3: {  	_ =	sdelay $0x1  }
0x1e4: {  	[sflag:s11] =	ssyncset.done @!p0 $0x0  }
0x1e5: {  	[sflag:s11] =	ssyncadd.s32 @!p0 $0xFFFFFB00  }
0x1e6: {  	_ =	sfence.sel $0x180000  }
0x1e7: {  	[bflag:$0x0] =	sbarrier.arrive $0xFFFF  }
0x1e8: {  	_ =	strace $0x9000004A  }
0x1e9: {  	[bflag:$0x2] =	sbarrier.arrive $0xFFFF  }
0x1ea: {  	s0 =	rddreg [dreg:$0x5]  }
0x1eb: {  	s0 =	sadd.s32 @!p0 $0x100000, s0  }
0x1ec: {  	[sflag:s0] =	ssyncadd.tile.s32 @!p0 $0x1;
	_ =	shalt  }
.Lfunc_end2:
_tile_overlayer_lowered:
.L_overlay_start_2:
0x1ed: {  	(tag) =	ssettag $0x2  }
0x1ee: {  	s0 =	rddreg [dreg:$0x0];
	s2 =	stileid.u32  }
0x1ef: {  	s1 =	rddreg [dreg:$0x1];
	p0 =	sne.s32 s2, $0x0  }
0x1f0: {  	s3 =	rddreg [dreg:$0x2];
	[bflag:$0x3] =	sbarrier.arrive $0xFFFF;
	s2 =	simm.s32 @!p0 $0x1C02  }
0x1f1: {  	[timem:s3], [sflag:s2] =	dma.local @!p0 [hbm:s0], s1  }
0x1f2: {  	s0 =	simm.s32 @!p0 $0x2  }
0x1f3: {  	_ =	swait.ge @!p0 [sflag:s0], s1  }
0x1f4: {  	s1 =	ssub.s32 @!p0 $0x0, s1;
	[sflag:s0] =	ssyncset.done @!p0 $0x0  }
0x1f5: {  	[sflag:s0] =	ssyncadd.s32 @!p0 s1  }
0x1f6: {  	[bflag:$0x3] =	sbarrier.arrive $0xFFFF  }
0x1f7: {  	_ =	shalt  }

// kernel: kernel.25.cloned.1.call-start
scs
__scs_entry_jumppad:
0x0: {  	(pc) =	sbr.rel $0x88, $3  }
0x1: {  	(tag) =	ssettag $0x0;
	lr =	simm.s32 $0x1  }
0x2: {  	[smem:$0x3F6E] =	sst lr;
	_ =	strace $0xD0000000  }
0x3: {  	_ = 	snop  }
0x4: {  	_ = 	snop  }
0x5: {  	_ = 	snop  }
0x6: {  	_ = 	snop  }
0x7: {  	_ = 	snop  }
__scs_overlays_trampoline_lowered:
0x8: {  	[smem:$0x3F7D] =	sst s0  }
0x9: {  	[smem:$0x3F7E] =	sst s1  }
0xa: {  	[smem:$0x3F7F] =	sst s2  }
0xb: {  	[smem:$0x3F80] =	sst s3  }
0xc: {  	[smem:$0x3F81] =	sst s4  }
0xd: {  	[smem:$0x3F82] =	sst s5  }
0xe: {  	[smem:$0x3F83] =	sst s6  }
0xf: {  	[smem:$0x3F84] =	sst s7  }
0x10: {  	[smem:$0x3F85] =	sst s8  }
0x11: {  	[smem:$0x3F86] =	sst s9;
	s0 =	simm.s32 @!p0 $0x0  }
0x12: {  	s1 =	sld [smem:$0x3F6C];
	s0 =	simm.s32 @p0 $0x1  }
0x13: {  	[smem:$0x3F87] =	sst s0;
	s0 =	simm.s32 @!p1 $0x0  }
0x14: {  	s2 =	sld [smem:$0x3F6B];
	s0 =	simm.s32 @p1 $0x1  }
0x15: {  	[smem:$0x3F88] =	sst s0;
	s0 =	simm.s32 @!p2 $0x0  }
0x16: {  	s3 =	sld [smem:$0x3FDB];
	s0 =	simm.s32 @p2 $0x1  }
0x17: {  	s4 =	simm.s32 $0x1BF5;
	[smem:$0x3F8A] =	sst s0  }
0x18: {  	s0 =	sld [smem:$0x3F6D];
	_ =	swait.ge [sflag:s4], $0x0  }
0x19: {  	s7 =	sld [smem:$0x3F6E]  }
0x1a: {  	s8 =	sadd.s32 $0xFFFFE003, lr  }
0x1b: {  	s9 =	sadd.s32 $0xFFFFFEF7, lr;
	s5 =	simm.s32 $0xFFFFFFFF;
	p2 =	slt.u32 s8, $0xFFFFF086  }
0x1c: {  	p1 =	slt.u32 s9, $0xF7A;
	s5 =	simm.s32 @!p2 $0x0  }
0x1d: {  	s5 =	simm.s32 @p1 $0x1;
	p0 =	seq.s32 s7, s2  }
0x1e: {  	s7 =	smul.u32 @!p0 $0xF7A, s2;
	p2 =	seq.s32 @!p0 s5, $0x0  }
0x1f: {  	s9 =	smul.u32 $0xF7A, s1;
	s8 =	simm.s32 @!p0 $0x1BF5;
	p2 =	por !p2, p0  }
0x20: {  	[sflag:s8] =	ssyncset.s32 @!p0 $0xFFFFF086;
	s6 =	sadd.s32 @!p0 s3, s7;
	s7 =	simm.s32 @!p0 $0x108  }
0x21: {  	s3 =	sadd.s32 s3, s9;
	s6 =	sadd.s32 @!p0 $0x88, s6;
	s7 =	simm.s32 @p2 $0x1082  }
0x22: {  	[simem:s7], [sflag:s8] =	dma.local @!p0 [hbm:s6], $0xF7A  }
0x23: {  	s9 =	sor.u32 $0xD0000000, s2;
	s6 =	simm.s32 $0x108;
	_ =	swait.ge @!p0 [sflag:s8], $0x0  }
0x24: {  	s3 =	sadd.s32 $0x88, s3;
	s6 =	simm.s32 @!p1 $0x1082;
	[sflag:s4] =	ssyncset.s32 $0xFFFFF086  }
0x25: {  	[simem:s6], [sflag:s4] =	dma.local [hbm:s3], $0xF7A  }
0x26: {  	[smem:$0x3F6E] =	sst s1;
	(tag) =	ssettag s2;
	_ =	strace s9  }
0x27: {  	s1 =	sld [smem:$0x3F7E]  }
0x28: {  	s2 =	sld [smem:$0x3F7F]  }
0x29: {  	s4 =	sld [smem:$0x3F81]  }
0x2a: {  	p0 =	seq.s32 s5, $0x0;
	s5 =	sld [smem:$0x3F82]  }
0x2b: {  	s6 =	sld [smem:$0x3F83]  }
0x2c: {  	s7 =	sld [smem:$0x3F84]  }
0x2d: {  	s3 =	simm.s32 $0x108;
	s8 =	sld [smem:$0x3F85]  }
0x2e: {  	s3 =	simm.s32 @!p0 $0x1082;
	s9 =	sld [smem:$0x3F86]  }
0x2f: {  	lr =	sadd.s32 s0, s3;
	s0 =	sld [smem:$0x3F7D]  }
0x30: {  	s3 =	sld [smem:$0x3F80]  }
0x31: {  	[smem:$0x3F89] =	sst s10  }
0x32: {  	s10 =	sld [smem:$0x3F87];
	_ =	sdelay $0x3  }
0x33: {  	p0 =	seq.s32 s10, $0x1;
	s10 =	sld [smem:$0x3F89];
	_ =	sdelay $0x3  }
0x34: {  	[smem:$0x3F89] =	sst s10  }
0x35: {  	s10 =	sld [smem:$0x3F88];
	_ =	sdelay $0x3  }
0x36: {  	p1 =	seq.s32 s10, $0x1;
	s10 =	sld [smem:$0x3F89];
	_ =	sdelay $0x3  }
0x37: {  	[smem:$0x3F89] =	sst s10  }
0x38: {  	s10 =	sld [smem:$0x3F8A]  }
0x39: {  	_ = 	snop;
	(pc) =	sbr.ind lr, $3  }
0x3a: {  	_ = 	snop  }
0x3b: {  	_ = 	snop  }
0x3c: {  	p2 =	seq.s32 s10, $0x1;
	s10 =	sld [smem:$0x3F89]  }
0x3d: {  	_ =	shalt  }
0x3e: {  	_ =	shalt  }
0x3f: {  	_ =	shalt  }
0x40: {  	_ =	shalt  }
0x41: {  	_ =	shalt  }
0x42: {  	_ =	shalt  }
0x43: {  	_ =	shalt  }
0x44: {  	_ =	shalt  }
0x45: {  	_ =	shalt  }
0x46: {  	_ =	shalt  }
0x47: {  	_ =	shalt  }
0x48: {  	_ =	shalt  }
0x49: {  	_ =	shalt  }
0x4a: {  	_ =	shalt  }
0x4b: {  	_ =	shalt  }
0x4c: {  	_ =	shalt  }
0x4d: {  	_ =	shalt  }
0x4e: {  	_ =	shalt  }
0x4f: {  	_ =	shalt  }
0x50: {  	_ =	shalt  }
0x51: {  	_ =	shalt  }
0x52: {  	_ =	shalt  }
0x53: {  	_ =	shalt  }
0x54: {  	_ =	shalt  }
0x55: {  	_ =	shalt  }
0x56: {  	_ =	shalt  }
0x57: {  	_ =	shalt  }
0x58: {  	_ =	shalt  }
0x59: {  	_ =	shalt  }
0x5a: {  	_ =	shalt  }
0x5b: {  	_ =	shalt  }
0x5c: {  	_ =	shalt  }
0x5d: {  	_ =	shalt  }
0x5e: {  	_ =	shalt  }
0x5f: {  	_ =	shalt  }
0x60: {  	_ =	shalt  }
0x61: {  	_ =	shalt  }
0x62: {  	_ =	shalt  }
0x63: {  	_ =	shalt  }
0x64: {  	_ =	shalt  }
0x65: {  	_ =	shalt  }
0x66: {  	_ =	shalt  }
0x67: {  	_ =	shalt  }
0x68: {  	_ =	shalt  }
0x69: {  	_ =	shalt  }
0x6a: {  	_ =	shalt  }
0x6b: {  	_ =	shalt  }
0x6c: {  	_ =	shalt  }
0x6d: {  	_ =	shalt  }
0x6e: {  	_ =	shalt  }
0x6f: {  	_ =	shalt  }
0x70: {  	_ =	shalt  }
0x71: {  	_ =	shalt  }
0x72: {  	_ =	shalt  }
0x73: {  	_ =	shalt  }
0x74: {  	_ =	shalt  }
0x75: {  	_ =	shalt  }
0x76: {  	_ =	shalt  }
0x77: {  	_ =	shalt  }
0x78: {  	_ =	shalt  }
0x79: {  	_ =	shalt  }
0x7a: {  	_ =	shalt  }
0x7b: {  	_ =	shalt  }
0x7c: {  	_ =	shalt  }
0x7d: {  	_ =	shalt  }
0x7e: {  	_ =	shalt  }
0x7f: {  	_ =	shalt  }
0x80: {  	_ =	shalt  }
0x81: {  	_ =	shalt  }
0x82: {  	_ =	shalt  }
0x83: {  	_ =	shalt  }
0x84: {  	_ =	shalt  }
0x85: {  	_ =	shalt  }
0x86: {  	_ =	shalt  }
0x87: {  	_ =	shalt  }
.Lfunc_end0:
.L_simem_size_0:
called_computation.2_lowered:
.L_overlay_start_0:
0x88: {  	s2 =	sld [smem:$0x3FD9]  }
0x89: {  	s3 =	sld [smem:$0x3FFE];
	_ =	sdelay $0x1  }
0x8a: {  	s1 =	srdreg.scid  }
0x8b: {  	s0 =	sand.u32 $0x1, s1  }
0x8c: {  	s14 =	sshll.u32 s0, $0xA;
	s2 =	sadd.s32 s3, s2  }
0x8d: {  	s2 =	sadd.s32 s2, s14  }
0x8e: {  	[smem:$0x3F95] =	sst s2  }
0x8f: {  	_ = 	snop  }
0x90: {  	s2 =	sld [smem:$0x3FD0];
	_ =	sdelay $0x2  }
0x91: {  	s15 =	simm.s32 $0xA;
	s4 =	simm.s32 $0x10  }
0x92: {  	[smem:s4], [sflag:s15] =	dma.local [hbm:s2], $0x1  }
0x93: {  	_ =	swait.eq [sflag:s15], $0x1  }
0x94: {  	[sflag:s15] =	ssyncset.done $0x0  }
0x95: {  	s16 =	sld [smem:$0x10];
	[sflag:s15] =	ssyncadd.s32 $0xFFFFFFFF  }
0x96: {  	s17 =	sld [smem:$0x11];
	(tm) =	ssettm $0x1  }
0x97: {  	s18 =	sld [smem:$0x3FFB];
	_ =	sdelay $0x3  }
0x98: {  	_ =	strace s18  }
0x99: {  	s4 =	sld [smem:$0x3FFC];
	_ =	sdelay $0x3  }
0x9a: {  	_ =	strace s4  }
0x9b: {  	s4 =	sld [smem:$0x3FFD];
	_ =	sdelay $0x3  }
0x9c: {  	_ =	strace s4  }
0x9d: {  	_ =	strace $0x8FFFFFFF  }
0x9e: {  	s19 =	sld [smem:$0x3FDB];
	_ =	sdelay $0x1  }
0x9f: {  	s5 =	simm.s32 $_scs_section_size  }
0xa0: {  	s6 =	simm.s32 $_size__tile_overlayer_lowered;
	s7 =	simm.s32 $_tile_overlayer_lowered  }
0xa1: {  	s22 =	simm.s32 $0x1BFF;
	s21 =	sshll.u32 s7, $0x1;
	s4 =	sadd.s32 s5, s19  }
0xa2: {  	s8 =	simm.s32 $0x0;
	s20 =	sshll.u32 s6, $0x1;
	s6 =	sadd.s32 s21, s4  }
0xa3: {  	[timem:s8], [sflag:s22] =	dma.local [hbm:s6], s20  }
0xa4: {  	_ =	swait.ge [sflag:s22], s20  }
0xa5: {  	s5 =	ssub.s32 $0x0, s20;
	[sflag:s22] =	ssyncset.done $0x0  }
0xa6: {  	[sflag:s22] =	ssyncadd.s32 s5;
	_ =	sdelay $0x1  }
0xa7: {  	s23 =	simm.s32 $0x1B8B  }
0xa8: {  	_ =	swait.ge [sflag:s23], $0x1  }
0xa9: {  	[sflag:s23] =	ssyncset.done $0x0  }
0xaa: {  	s25 =	simm.s32 $0x1B8E;
	s24 =	sld [smem:$0x3FFE];
	[sflag:s23] =	ssyncadd.s32 $0xFFFFFFFF  }
0xab: {  	s26 =	simm.s32 $execute0_lowered;
	[smem:$0x3FD2] =	sst s25  }
0xac: {  	s6 =	sshll.u32 s26, $0x1;
	_ =	strace $0x8000004C;
	[dreg:$0x1] =	wrdreg $0xFFFFFFFF  }
0xad: {  	s28 =	simm.s32 $_size_execute0_lowered;
	s4 =	sadd.s32 s4, s6;
	[dreg:$0x0] =	wrdreg $0x0  }
0xae: {  	s6 =	sshll.u32 s28, $0x1;
	[dreg:$0x2] =	wrdreg s4  }
0xaf: {  	[dreg:$0x3] =	wrdreg s6  }
0xb0: {  	[dreg:$0x4] =	wrdreg $0xC0  }
0xb1: {  	_ =	task [dreg:s8], $0x5FFFF  }
0xb2: {  	[dreg:$0x1] =	wrdreg $0xFFFFFFFF  }
0xb3: {  	[dreg:$0x0] =	wrdreg $0x60  }
0xb4: {  	[dreg:$0x2] =	wrdreg s24  }
0xb5: {  	[dreg:$0x3] =	wrdreg s16  }
0xb6: {  	[dreg:$0x4] =	wrdreg s17  }
0xb7: {  	[dreg:$0x5] =	wrdreg $0xB3800  }
0xb8: {  	[dreg:$0x6] =	wrdreg $0x1F3800  }
0xb9: {  	[dreg:$0x7] =	wrdreg $0x9  }
0xba: {  	_ =	task.clear_ibuf [dreg:s8], $0x8FFFF;
	_ =	strace $0x9000004C  }
0xbb: {  	s29 =	simm.s32 $0x9;
	_ =	strace $0x8000004E  }
0xbc: {  	_ =	swait.ge [sflag:s29], $0x1  }
0xbd: {  	[sflag:s29] =	ssyncadd.s32 $0xFFFFFFFF  }
0xbe: {  	_ =	strace $0x9000004E  }
0xbf: {  	_ =	sfence  }
0xc0: {  	s30 =	sld [smem:$0x0];
	_ =	sdelay $0x2  }
0xc1: {  	s31 =	sshll.u32 s1, $0xD;
	s1 =	sshrl.u32 s1, $0x2  }
0xc2: {  	s3 =	sand.u32 $0x4000, s31;
	s1 =	sadd.s32 s1, s30  }
0xc3: {  	s0 =	sor.u32 s3, s0;
	s1 =	sshll.u32 s1, $0x11  }
0xc4: {  	s0 =	sor.u32 s1, s0  }
0xc5: {  	s0 =	sadd.s32 $0x8F2B, s0  }
0xc6: {  	[sflag:s0] =	ssyncadd.remote.s32 $0x1  }
0xc7: {  	_ =	sfence.sel $0xFFFF  }
0xc8: {  	[dreg:$0x0] =	wrdreg $0xFFFFFFFF;
	(pc) =	sbr.abs _section_cstart, $3  }
0xc9: {  	[dreg:$0x1] =	wrdreg $0xFFFFFFFF  }
0xca: {  	_ =	task.clear_ibuf [dreg:s8], $0x2FFFF;
	_ =	strace $0x9FFFFFFF  }
0xcb: {  	(tm) =	ssettm $0x7FFFFFFF  }
tec
execute0_lowered:
.L_overlay_start_1:
0x0: {  	(tag) =	ssettag $0x1  }
0x1: {  	s0 =	rddreg [dreg:$0x0]  }
0x2: {  	s3 =	rddreg [dreg:$0x3]  }
0x3: {  	s5 =	rddreg [dreg:$0x4]  }
0x4: {  	s1 =	simm.s32 $0x0;
	s19 =	srdreg.scid;
	s2 =	stileid.u32  }
0x5: {  	s17 =	simm.s32 $0xB280;
	s28 =	simm.s32 $0x280;
	s29 =	simm.s32 $0x100  }
0x6: {  	s30 =	simm.s32 $0x2280;
	s31 =	simm.s32 $0x200;
	[smem:$0x7FF] =	sst s1  }
0x7: {  	s1 =	sand.u32 $0x1, s19;
	s4 =	smul.u32 $0x14000, s2;
	s6 =	sadd.s32 $0x28C00, s0  }
0x8: {  	s7 =	sadd.s32 $0x50C00, s0;
	s8 =	sadd.s32 $0x78C00, s0;
	s9 =	sadd.s32 $0xA0C00, s0  }
0x9: {  	s10 =	sadd.s32 $0xB200, s0;
	s16 =	sadd.s32 $0xA3600, s0;
	s12 =	sadd.s32 $0xCB600, s0  }
0xa: {  	s15 =	smul.u32 $0x50000, s2;
	s22 =	sshll.u32 s2, $0x1;
	s24 =	sshll.u32 s2, $0x6  }
0xb: {  	p0 =	sne.s32 s2, $0x0;
	s2 =	simm.s32 $0x1;
	s11 =	smul.u32 $0x140000, s1  }
0xc: {  	_ =	strace $0x8000004D;
	[dreg:$0x7] =	wrdreg s12;
	s20 =	smul.u32 $0x500, s1  }
0xd: {  	s13 =	ssub.s32 $0x2, s1;
	s1 =	sor.u32 s1, s22;
	[dreg:$0x6] =	wrdreg s16  }
0xe: {  	s22 =	simm.s32 $0x8A80;
	s14 =	sshrl.u32 s13, $0x1;
	s23 =	sshrl.u32 s15, $0x2  }
0xf: {  	s15 =	smul.u32 $0x9E, s1;
	s1 =	simm.s32 $0x4280;
	s11 =	sadd.s32 s4, s11  }
0x10: {  	s21 =	ssub.s32 s13, s14;
	s4 =	sshrl.u32 s4, $0x3;
	s13 =	sadd.s32 s23, s3  }
0x11: {  	s14 =	sor.u32 $0x1C02, s24;
	s23 =	simm.s32 $0x0;
	s11 =	sshrl.u32 s11, $0x3  }
0x12: {  	s4 =	sadd.s32 s16, s4;
	s26 =	smax.u32 s21, $0x1;
	s19 =	sshrl.u32 s13, $0x3  }
0x13: {  	s21 =	sshrl.u32 @!p0 s5, $0x3;
	s13 =	simm.s32 $0xB300;
	[dreg:$0x8] =	wrdreg s4  }
0x14: {  	s11 =	sadd.s32 s11, s0;
	s0 =	sadd.s32 s20, s0;
	[dreg:$0xb] =	wrdreg s26  }
0x15: {  	s20 =	simm.s32 $0x2;
	s26 =	simm.s32 $0x180;
	s25 =	sadd.s32 $0xF4600, s11  }
0x16: {  	v0 =	vlaneseq.u32;
	s4 =	simm.s32 $0x8280;
	s0 =	sadd.s32 $0xF3C00, s0;
	[dreg:$0x9] =	wrdreg s25  }
0x17: {  	v0 =	vmul.u32 $0x10, v0;
	[dreg:$0xa] =	wrdreg s0;
	s25 =	simm.s32 $0x40;
	s0 =	simm.s32 $0x6280  }
.LBB2_1:
0x18: {  	s11 =	rddreg [dreg:$0x8]  }
0x19: {  	[spmem:s19], [sflag:s14] =	dma.local [hbm:s11], $0x2800  }
0x1a: {  	_ =	swait.ge [sflag:s20], $0x2800  }
0x1b: {  	[sflag:s20] =	ssyncset.done $0x0  }
0x1c: {  	s11 =	rddreg [dreg:$0x6];
	[sflag:s20] =	ssyncadd.s32 $0xFFFFD800  }
0x1d: {  	[spmem:s21], [sflag:s14] =	dma.local @!p0 [hbm:s11], $0x500  }
0x1e: {  	s11 =	simm.s32 @!p0 $0x2  }
0x1f: {  	_ =	swait.ge @!p0 [sflag:s11], $0x500  }
0x20: {  	[sflag:s11] =	ssyncset.done @!p0 $0x0  }
0x21: {  	s12 =	simm.s32 $0x0;
	s16 =	rddreg [dreg:$0x7];
	[sflag:s11] =	ssyncadd.s32 @!p0 $0xFFFFFB00  }
0x22: {  	[tilespmem:s22], [sflag:$0x2] =	stream.linear.gather [hbm4b:s16+s12], $0x2800, $0x38;
	[tilespmem:$0x1F600] =	vst v63  }
0x23: {  	_ =	swait.ge [sflag:s20], $0x2800  }
0x24: {  	[sflag:s20] =	ssyncset.done $0x0  }
0x25: {  	[sflag:s20] =	ssyncadd.s32 $0xFFFFD800  }
0x26: {  	s18 =	rddreg [dreg:$0x1]  }
0x27: {  	[tilespmem:s17], [sflag:$0x2] =	stream.linear.gather [hbm4b:s18+s12], $0x80, $0x38;
	[tilespmem:$0x1F600] =	vst v63  }
0x28: {  	_ =	swait.ge [sflag:s20], $0x80  }
0x29: {  	[sflag:s20] =	ssyncset.done $0x0  }
0x2a: {  	[sflag:s20] =	ssyncadd.s32 $0xFFFFFF80  }
0x2b: {  	s24 =	rddreg [dreg:$0x2]  }
0x2c: {  	[tilespmem:s13], [sflag:$0x2] =	stream.linear.gather [hbm4b:s24+s12], $0x80, $0x38;
	[tilespmem:$0x1F600] =	vst v63  }
0x2d: {  	_ =	swait.ge [sflag:s20], $0x80  }
0x2e: {  	[sflag:s20] =	ssyncset.done $0x0  }
0x2f: {  	[sflag:s20] =	ssyncadd.s32 $0xFFFFFF80  }
0x30: {  	s24 =	simm.s32 $0x0;
	[bflag:$0x0] =	sbarrier.arrive $0xFFFF  }
.LBB2_2:
0x31: {  	s11 =	sadd.s32 s15, s24  }
0x32: {  	s11 =	smul.u32 $0x18, s11;
	_ =	sdelay $0x1  }
0x33: {  	s13 =	simm.s32 $0x0;
	s11 =	sadd.s32 s10, s11  }
0x34: {  	[tilespmem:s13], [sflag:$0x2] =	stream.linear.gather [hbm4b:s11+s13], $0xC0, $0x38;
	[tilespmem:$0x1F600] =	vst v63  }
0x35: {  	_ =	swait.ge [sflag:s20], $0xC0  }
0x36: {  	[sflag:s20] =	ssyncset.done $0x0  }
0x37: {  	[sflag:s20] =	ssyncadd.s32 $0xFFFFFF40  }
0x38: {  	v1 =	vld [tilespmem:$0x0]  }
0x39: {  	v2 =	vld [tilespmem:$0x40]  }
0x3a: {  	v3 =	vld [tilespmem:$0x80]  }
0x3b: {  	v4 =	vld [tilespmem:$0x10]  }
0x3c: {  	v5 =	vld [tilespmem:$0x50]  }
0x3d: {  	[tilespmem:$0x100] =	vst v1;
	v1 =	vld [tilespmem:$0x90]  }
0x3e: {  	[tilespmem:$0x180] =	vst v2;
	v2 =	vld [tilespmem:$0x20]  }
0x3f: {  	[tilespmem:$0x200] =	vst v3;
	v3 =	vld [tilespmem:$0x60]  }
0x40: {  	[tilespmem:$0x110] =	vst v4;
	v4 =	vld [tilespmem:$0xA0]  }
0x41: {  	[tilespmem:$0x190] =	vst v5;
	v5 =	vld [tilespmem:$0x30]  }
0x42: {  	[tilespmem:$0x210] =	vst v1;
	v1 =	vld [tilespmem:$0x70]  }
0x43: {  	[tilespmem:$0x120] =	vst v2;
	v2 =	vld [tilespmem:$0xB0]  }
0x44: {  	[tilespmem:$0x1A0] =	vst v3  }
0x45: {  	[tilespmem:$0x220] =	vst v4  }
0x46: {  	[tilespmem:$0x130] =	vst v5  }
0x47: {  	[tilespmem:$0x1B0] =	vst v1  }
0x48: {  	[tilespmem:$0x230] =	vst v2  }
0x49: {  	[tilespmem:s28], [sflag:$0x1] =	stream.indirect.gather [hbm4b:s6+s25], $0x80, s26, s25, $0xb8;
	[tilespmem:$0x1F600] =	vst v63  }
0x4a: {  	_ = 	snop  }
0x4b: {  	[tilespmem:s30], [sflag:$0x1] =	stream.indirect.gather [hbm4b:s7+s25], $0x80, s29, s25, $0xb8;
	[tilespmem:$0x1F600] =	vst v63  }
0x4c: {  	_ = 	snop  }
0x4d: {  	[tilespmem:s0], [sflag:$0x1] =	stream.indirect.gather [hbm4b:s9+s25], $0x80, s31, s25, $0xb8;
	[tilespmem:$0x1F600] =	vst v63  }
0x4e: {  	_ = 	snop  }
0x4f: {  	[tilespmem:s1], [sflag:$0x1] =	stream.indirect.gather [hbm4b:s8+s25], $0x80, s29, s25, $0xb8;
	[tilespmem:$0x1F600] =	vst v63  }
0x50: {  	_ =	swait.ge [sflag:s2], $0x2000  }
0x51: {  	[sflag:s2] =	ssyncset.done $0x0  }
0x52: {  	[sflag:s2] =	ssyncadd.s32 $0xFFFFE000  }
0x53: {  	_ =	swait.ge [sflag:s2], $0x2000  }
0x54: {  	[sflag:s2] =	ssyncset.done $0x0  }
0x55: {  	[sflag:s2] =	ssyncadd.s32 $0xFFFFE000  }
0x56: {  	_ =	swait.ge [sflag:s2], $0x2000  }
0x57: {  	[sflag:s2] =	ssyncset.done $0x0  }
0x58: {  	[sflag:s2] =	ssyncadd.s32 $0xFFFFE000  }
0x59: {  	_ =	swait.ge [sflag:s2], $0x2000  }
0x5a: {  	[sflag:s2] =	ssyncset.done $0x0  }
0x5b: {  	s18 =	simm.s32 $0x0;
	[sflag:s2] =	ssyncadd.s32 $0xFFFFE000  }
0x5c: {  	v1 =	vld [tilespmem:s18+$0x2E0]  }
0x5d: {  	v2 =	vld [tilespmem:s18+$0x2D0]  }
0x5e: {  	v3 =	vld [tilespmem:s18+$0x2C0]  }
0x5f: {  	v4 =	vld [tilespmem:s18+$0x2B0]  }
0x60: {  	v5 =	vld [tilespmem:s18+$0x2A0]  }
0x61: {  	v6 =	vld [tilespmem:s18+$0x290]  }
0x62: {  	v7 =	vld [tilespmem:s18+$0x280]  }
0x63: {  	v8 =	vld [tilespmem:s18+$0x2280]  }
0x64: {  	v9 =	vld [tilespmem:s18+$0x6280]  }
0x65: {  	v10 =	vld [tilespmem:s18+$0x2290]  }
0x66: {  	v11 =	vld [tilespmem:s18+$0x6290]  }
0x67: {  	v12 =	vld [tilespmem:s18+$0x22A0]  }
0x68: {  	v13 =	vld [tilespmem:s18+$0x62A0]  }
0x69: {  	v14 =	vld [tilespmem:s18+$0x62B0];
	v8 =	vadd.f32 v9, v8  }
0x6a: {  	v9 =	vld [tilespmem:s18+$0x22B0]  }
0x6b: {  	v7 =	vmul.f32 v8, v7;
	v8 =	vadd.f32 v11, v10;
	v10 =	vld [tilespmem:s18+$0x22C0]  }
0x6c: {  	v11 =	vld [tilespmem:s18+$0x62C0]  }
0x6d: {  	v62 =	vld [tilespmem:s18+$0x22D0];
	v7 =	vadd.f32 $0.0e+00, v7;
	v6 =	vmul.f32 v8, v6;
	v8 =	vadd.f32 v13, v12  }
0x6e: {  	v63 =	vld [tilespmem:s18+$0x62D0]  }
0x6f: {  	v6 =	vadd.f32 v6, v7;
	v5 =	vmul.f32 v8, v5;
	v7 =	vadd.f32 v14, v9;
	v8 =	vld [tilespmem:s18+$0x22E0]  }
0x70: {  	v9 =	vld [tilespmem:s18+$0x62E0]  }
0x71: {  	v5 =	vadd.f32 v5, v6;
	v4 =	vmul.f32 v7, v4;
	v6 =	vadd.f32 v11, v10;
	v7 =	vld [tilespmem:s18+$0x22F0]  }
0x72: {  	v10 =	vld [tilespmem:s18+$0x62F0]  }
0x73: {  	v4 =	vadd.f32 v4, v5;
	v3 =	vmul.f32 v6, v3;
	v5 =	vadd.f32 v63, v62  }
0x74: {  	v6 =	vld [tilespmem:s18+$0x2F0]  }
0x75: {  	v3 =	vadd.f32 v3, v4;
	v2 =	vmul.f32 v5, v2;
	v4 =	vadd.f32 v9, v8;
	_ =	sdelay $0x1  }
0x76: {  	v2 =	vadd.f32 v2, v3;
	v1 =	vmul.f32 v4, v1;
	v3 =	vadd.f32 v10, v7;
	_ =	sdelay $0x1  }
0x77: {  	v1 =	vadd.f32 v1, v2;
	v2 =	vmul.f32 v3, v6;
	_ =	sdelay $0x1  }
0x78: {  	v1 =	vadd.f32 v2, v1  }
0x79: {  	s13 =	simm.s32 $0x8280  }
0x7a: {  	s16 =	simm.s32 $0x80;
	[tilespmem:s13+$0x0] =	vst v1  }
0x7b: {  	v1 =	vld [tilespmem:s16+$0x2E0]  }
0x7c: {  	v2 =	vld [tilespmem:s16+$0x2D0]  }
0x7d: {  	v3 =	vld [tilespmem:s16+$0x2C0]  }
0x7e: {  	v4 =	vld [tilespmem:s16+$0x2B0]  }
0x7f: {  	v5 =	vld [tilespmem:s16+$0x2A0]  }
0x80: {  	v6 =	vld [tilespmem:s16+$0x290]  }
0x81: {  	v7 =	vld [tilespmem:s16+$0x280]  }
0x82: {  	s17 =	simm.s32 $0x400;
	v8 =	vld [tilespmem:s16+$0x2280]  }
.LBB2_3:
0x83: {  	p1 =	sne.s32 s17, $0x7E00;
	v9 =	vld [tilespmem:s16+$0x6280]  }
0x84: {  	v10 =	vld [tilespmem:s16+$0x2290]  }
0x85: {  	v11 =	vld [tilespmem:s16+$0x6290]  }
0x86: {  	v12 =	vld [tilespmem:s16+$0x22A0]  }
0x87: {  	v13 =	vld [tilespmem:s16+$0x62A0]  }
0x88: {  	v8 =	vadd.f32 v9, v8;
	v9 =	vld [tilespmem:s16+$0x22B0]  }
0x89: {  	v14 =	vld [tilespmem:s16+$0x62B0]  }
0x8a: {  	v7 =	vmul.f32 v8, v7;
	v8 =	vadd.f32 v11, v10;
	v10 =	vld [tilespmem:s16+$0x22C0]  }
0x8b: {  	v11 =	vld [tilespmem:s16+$0x62C0]  }
0x8c: {  	v7 =	vadd.f32 $0.0e+00, v7;
	v6 =	vmul.f32 v8, v6;
	v8 =	vadd.f32 v13, v12;
	v12 =	vld [tilespmem:s16+$0x22D0]  }
0x8d: {  	v13 =	vld [tilespmem:s16+$0x62D0]  }
0x8e: {  	v6 =	vadd.f32 v6, v7;
	v5 =	vmul.f32 v8, v5;
	v7 =	vadd.f32 v14, v9;
	v8 =	vld [tilespmem:s16+$0x22E0]  }
0x8f: {  	v9 =	vld [tilespmem:s16+$0x62E0]  }
0x90: {  	v5 =	vadd.f32 v5, v6;
	v4 =	vmul.f32 v7, v4;
	v6 =	vadd.f32 v11, v10;
	v7 =	vld [tilespmem:s16+$0x22F0]  }
0x91: {  	v10 =	vld [tilespmem:s16+$0x62F0]  }
0x92: {  	v4 =	vadd.f32 v4, v5;
	v3 =	vmul.f32 v6, v3;
	v5 =	vadd.f32 v13, v12  }
0x93: {  	v6 =	vld [tilespmem:s16+$0x2F0]  }
0x94: {  	v3 =	vadd.f32 v3, v4;
	v2 =	vmul.f32 v5, v2;
	v4 =	vadd.f32 v9, v8;
	_ =	sdelay $0x1  }
0x95: {  	v2 =	vadd.f32 v2, v3;
	v1 =	vmul.f32 v4, v1;
	v3 =	vadd.f32 v10, v7;
	_ =	sdelay $0x1  }
0x96: {  	v1 =	vadd.f32 v1, v2;
	v2 =	vmul.f32 v3, v6;
	_ =	sdelay $0x1  }
0x97: {  	v1 =	vadd.f32 v2, v1  }
0x98: {  	s13 =	sadd.s32 $0x10, s13  }
0x99: {  	s16 =	sshra.s32 s17, $0x2;
	[tilespmem:s13+$0x0] =	vst v1  }
0x9a: {  	v1 =	vld [tilespmem:s16+$0x2E0]  }
0x9b: {  	v2 =	vld [tilespmem:s16+$0x2D0]  }
0x9c: {  	v3 =	vld [tilespmem:s16+$0x2C0]  }
.Ltmp0:
0x9d: {  	v4 =	vld [tilespmem:s16+$0x2B0];
	(pc) =	sbr.rel @p1 .LBB2_3-.Ltmp0, $4  }
0x9e: {  	v5 =	vld [tilespmem:s16+$0x2A0]  }
0x9f: {  	v6 =	vld [tilespmem:s16+$0x290]  }
0xa0: {  	v7 =	vld [tilespmem:s16+$0x280]  }
0xa1: {  	s17 =	sadd.s32 $0x200, s17;
	v8 =	vld [tilespmem:s16+$0x2280]  }
0xa2: {  	v9 =	vld [tilespmem:s16+$0x6280]  }
0xa3: {  	v10 =	vld [tilespmem:s16+$0x2290]  }
0xa4: {  	v11 =	vld [tilespmem:s16+$0x6290]  }
0xa5: {  	v12 =	vld [tilespmem:s16+$0x22A0]  }
0xa6: {  	v13 =	vld [tilespmem:s16+$0x62A0]  }
0xa7: {  	v38 =	vld [tilespmem:s16+$0x22B0];
	v8 =	vadd.f32 v9, v8  }
0xa8: {  	v14 =	vld [tilespmem:s16+$0x62B0]  }
0xa9: {  	v40 =	vld [tilespmem:s16+$0x22C0];
	v39 =	vadd.f32 v11, v10;
	v7 =	vmul.f32 v8, v7  }
0xaa: {  	v41 =	vld [tilespmem:s16+$0x62C0]  }
0xab: {  	v43 =	vld [tilespmem:s16+$0x22D0];
	v42 =	vadd.f32 v13, v12;
	v6 =	vmul.f32 v39, v6;
	v7 =	vadd.f32 $0.0e+00, v7  }
0xac: {  	v44 =	vld [tilespmem:s16+$0x62D0]  }
0xad: {  	v45 =	vld [tilespmem:s16+$0x22E0];
	v5 =	vmul.f32 v42, v5;
	v6 =	vadd.f32 v6, v7;
	v7 =	vadd.f32 v14, v38  }
0xae: {  	v46 =	vld [tilespmem:s16+$0x62E0]  }
0xaf: {  	v47 =	vld [tilespmem:s16+$0x62F0];
	v5 =	vadd.f32 v5, v6;
	v4 =	vmul.f32 v7, v4;
	v6 =	vadd.f32 v41, v40  }
0xb0: {  	v7 =	vld [tilespmem:s16+$0x22F0]  }
0xb1: {  	v4 =	vadd.f32 v4, v5;
	v3 =	vmul.f32 v6, v3;
	v5 =	vadd.f32 v44, v43  }
0xb2: {  	v6 =	vld [tilespmem:s16+$0x2F0]  }
0xb3: {  	v3 =	vadd.f32 v3, v4;
	v2 =	vmul.f32 v5, v2;
	v4 =	vadd.f32 v46, v45;
	_ =	sdelay $0x1  }
0xb4: {  	v2 =	vadd.f32 v2, v3;
	v1 =	vmul.f32 v4, v1;
	v3 =	vadd.f32 v47, v7  }
0xb5: {  	s11 =	simm.s32 $0x0  }
0xb6: {  	v5 =	vor.u32 s11, v0;
	v1 =	vadd.f32 v1, v2;
	v2 =	vmul.f32 v3, v6  }
0xb7: {  	s17 =	simm.s32 $0x1  }
0xb8: {  	v1 =	vadd.f32 v2, v1;
	v2 =	vor.u32 s17, v0  }
0xb9: {  	s18 =	sadd.s32 $0x10, s13;
	s12 =	simm.s32 $0x2  }
0xba: {  	[tilespmem:s18+$0x0] =	vst v1;
	v1 =	vor.u32 s12, v0  }
0xbb: {  	s13 =	simm.s32 $0x3;
	v3 =	vld.idx.msk [tilespmem:v5+s4+$0x0], $0xffff  }
0xbc: {  	v6 =	vor.u32 s13, v0  }
0xbd: {  	s16 =	simm.s32 $0x4;
	v4 =	vld.idx.msk [tilespmem:v2+s4+$0x0], $0xffff  }
0xbe: {  	v7 =	vor.u32 s16, v0  }
0xbf: {  	s17 =	simm.s32 $0x5;
	v48 =	vld.idx.msk [tilespmem:v1+s4+$0x0], $0xffff  }
0xc0: {  	v49 =	vor.u32 s17, v0;
	v3 =	vadd.f32 $0.0e+00, v3  }
0xc1: {  	s18 =	simm.s32 $0x6;
	v50 =	vld.idx.msk [tilespmem:v6+s4+$0x0], $0xffff  }
0xc2: {  	v51 =	vor.u32 s18, v0;
	v3 =	vadd.f32 v4, v3  }
0xc3: {  	s12 =	simm.s32 $0x7;
	v4 =	vld.idx.msk [tilespmem:v7+s4+$0x0], $0xffff  }
0xc4: {  	v52 =	vor.u32 s12, v0;
	v3 =	vadd.f32 v48, v3  }
0xc5: {  	s13 =	simm.s32 $0x8;
	v53 =	vld.idx.msk [tilespmem:v49+s4+$0x0], $0xffff  }
0xc6: {  	v54 =	vor.u32 s13, v0;
	v3 =	vadd.f32 v50, v3  }
0xc7: {  	s16 =	simm.s32 $0x9;
	v55 =	vld.idx.msk [tilespmem:v51+s4+$0x0], $0xffff  }
0xc8: {  	v56 =	vor.u32 s16, v0;
	v3 =	vadd.f32 v4, v3  }
0xc9: {  	s17 =	simm.s32 $0xA;
	v4 =	vld.idx.msk [tilespmem:v52+s4+$0x0], $0xffff  }
0xca: {  	v15 =	vor.u32 s17, v0;
	v3 =	vadd.f32 v53, v3  }
0xcb: {  	s18 =	simm.s32 $0xB;
	v57 =	vld.idx.msk [tilespmem:v54+s4+$0x0], $0xffff  }
0xcc: {  	v16 =	vor.u32 s18, v0;
	v3 =	vadd.f32 v55, v3  }
0xcd: {  	v58 =	vld.idx.msk [tilespmem:v56+s4+$0x0], $0xffff;
	s12 =	simm.s32 $0xC  }
0xce: {  	v17 =	vor.u32 s12, v0;
	v3 =	vadd.f32 v4, v3  }
0xcf: {  	s13 =	simm.s32 $0xD;
	v4 =	vld.idx.msk [tilespmem:v15+s4+$0x0], $0xffff  }
0xd0: {  	v18 =	vor.u32 s13, v0;
	v3 =	vadd.f32 v57, v3  }
0xd1: {  	s16 =	simm.s32 $0xE;
	v59 =	vld.idx.msk [tilespmem:v16+s4+$0x0], $0xffff  }
0xd2: {  	v19 =	vor.u32 s16, v0;
	v10 =	vadd.f32 v58, v3  }
0xd3: {  	s17 =	simm.s32 $0xF;
	v20 =	vld.idx.msk [tilespmem:v17+s4+$0x0], $0xffff  }
0xd4: {  	v3 =	vor.u32 s17, v0;
	v4 =	vadd.f32 v4, v10  }
0xd5: {  	v60 =	vld.idx.msk [tilespmem:v18+s4+$0x0], $0xffff  }
0xd6: {  	v4 =	vadd.f32 v59, v4  }
0xd7: {  	v61 =	vld.idx.msk [tilespmem:v19+s4+$0x0], $0xffff  }
0xd8: {  	v4 =	vadd.f32 v20, v4  }
0xd9: {  	v62 =	vld.idx.msk [tilespmem:v3+s4+$0x0], $0xffff  }
0xda: {  	v4 =	vadd.f32 v60, v4;
	_ =	sdelay $0x1  }
0xdb: {  	v4 =	vadd.f32 v61, v4;
	_ =	sdelay $0x1  }
0xdc: {  	v4 =	vadd.f32 v62, v4;
	_ =	sdelay $0x1  }
0xdd: {  	v4 =	vmul.f32 $1.442695020e+00, v4;
	_ =	sdelay $0x1  }
0xde: {  	(erf) = vpow2.f32 v4  }
0xdf: {  	s13 =	simm.s32 $0x180  }
0xe0: {  	v63 =	vld [tilespmem:s13+$0x0];
	_ =	sdelay $0x6  }
0xe1: {  	v4 =	vpop (erf)  }
0xe2: {  	s17 =	simm.s32 $0x8680;
	[tilespmem:v63+s22+$0x0] =	vst.idx.add.f32.msk $0xffff, v4  }
0xe3: {  	[tilespmem:v5+s17+$0x0] =	vst.idx.msk $0xffff, v4  }
0xe4: {  	[tilespmem:v2+s17+$0x0] =	vst.idx.msk $0xffff, v4  }
0xe5: {  	[tilespmem:v1+s17+$0x0] =	vst.idx.msk $0xffff, v4  }
0xe6: {  	[tilespmem:v6+s17+$0x0] =	vst.idx.msk $0xffff, v4  }
0xe7: {  	[tilespmem:v7+s17+$0x0] =	vst.idx.msk $0xffff, v4  }
0xe8: {  	[tilespmem:v49+s17+$0x0] =	vst.idx.msk $0xffff, v4  }
0xe9: {  	[tilespmem:v51+s17+$0x0] =	vst.idx.msk $0xffff, v4  }
0xea: {  	[tilespmem:v52+s17+$0x0] =	vst.idx.msk $0xffff, v4  }
0xeb: {  	[tilespmem:v54+s17+$0x0] =	vst.idx.msk $0xffff, v4  }
0xec: {  	[tilespmem:v56+s17+$0x0] =	vst.idx.msk $0xffff, v4  }
0xed: {  	[tilespmem:v15+s17+$0x0] =	vst.idx.msk $0xffff, v4  }
0xee: {  	s18 =	simm.s32 $0x100;
	[tilespmem:v16+s17+$0x0] =	vst.idx.msk $0xffff, v4  }
0xef: {  	v1 =	vor.u32 s18, v0;
	[tilespmem:v17+s17+$0x0] =	vst.idx.msk $0xffff, v4  }
0xf0: {  	s12 =	simm.s32 $0x101;
	[tilespmem:v18+s17+$0x0] =	vst.idx.msk $0xffff, v4  }
0xf1: {  	s11 =	simm.s32 $0x102;
	s16 =	simm.s32 $0x10F;
	v2 =	vor.u32 s12, v0;
	s18 =	simm.s32 $0x20F;
	[tilespmem:v19+s17+$0x0] =	vst.idx.msk $0xffff, v4  }
.LBB2_5:
0xf2: {  	p1 =	sne.s32 s18, $0x30F  }
0xf3: {  	v5 =	vor.u32 s11, v0;
	[tilespmem:v3+s17+$0x0] =	vst.idx.msk $0xffff, v4;
	s13 =	sadd.s32 $0x10, s13;
	s11 =	smov.u32 s18;
	s18 =	sadd.s32 $0x100, s18  }
0xf4: {  	s12 =	sadd.s32 $0xFFFFFFF4, s16;
	v3 =	vld.idx.msk [tilespmem:v1+s4+$0x0], $0xffff  }
0xf5: {  	v6 =	vor.u32 s12, v0  }
0xf6: {  	s12 =	sadd.s32 $0xFFFFFFF5, s16;
	v4 =	vld.idx.msk [tilespmem:v2+s4+$0x0], $0xffff  }
0xf7: {  	v7 =	vor.u32 s12, v0  }
0xf8: {  	s12 =	sadd.s32 $0xFFFFFFF6, s16;
	v8 =	vld.idx.msk [tilespmem:v5+s4+$0x0], $0xffff  }
0xf9: {  	v9 =	vor.u32 s12, v0  }
0xfa: {  	s12 =	sadd.s32 $0xFFFFFFF7, s16;
	v3 =	vadd.f32 $0.0e+00, v3;
	v10 =	vld.idx.msk [tilespmem:v6+s4+$0x0], $0xffff  }
0xfb: {  	v11 =	vor.u32 s12, v0  }
0xfc: {  	s12 =	sadd.s32 $0xFFFFFFF8, s16;
	v3 =	vadd.f32 v4, v3;
	v4 =	vld.idx.msk [tilespmem:v7+s4+$0x0], $0xffff  }
0xfd: {  	v12 =	vor.u32 s12, v0  }
0xfe: {  	s12 =	sadd.s32 $0xFFFFFFF9, s16;
	v3 =	vadd.f32 v8, v3;
	v8 =	vld.idx.msk [tilespmem:v9+s4+$0x0], $0xffff  }
0xff: {  	v13 =	vor.u32 s12, v0  }
0x100: {  	s12 =	sadd.s32 $0xFFFFFFFA, s16;
	v3 =	vadd.f32 v10, v3;
	v10 =	vld.idx.msk [tilespmem:v11+s4+$0x0], $0xffff  }
0x101: {  	v14 =	vor.u32 s12, v0  }
0x102: {  	s12 =	sadd.s32 $0xFFFFFFFB, s16;
	v3 =	vadd.f32 v4, v3;
	v4 =	vld.idx.msk [tilespmem:v12+s4+$0x0], $0xffff  }
0x103: {  	v15 =	vor.u32 s12, v0  }
0x104: {  	s12 =	sadd.s32 $0xFFFFFFFC, s16;
	v3 =	vadd.f32 v8, v3;
	v8 =	vld.idx.msk [tilespmem:v13+s4+$0x0], $0xffff  }
0x105: {  	v16 =	vor.u32 s12, v0  }
0x106: {  	s12 =	sadd.s32 $0xFFFFFFFD, s16;
	v3 =	vadd.f32 v10, v3;
	v10 =	vld.idx.msk [tilespmem:v14+s4+$0x0], $0xffff  }
0x107: {  	v17 =	vor.u32 s12, v0  }
0x108: {  	s12 =	sadd.s32 $0xFFFFFFFE, s16;
	v3 =	vadd.f32 v4, v3;
	v4 =	vld.idx.msk [tilespmem:v15+s4+$0x0], $0xffff  }
0x109: {  	v18 =	vor.u32 s12, v0  }
0x10a: {  	s12 =	sadd.s32 $0xFFFFFFFF, s16;
	v3 =	vadd.f32 v8, v3;
	v8 =	vld.idx.msk [tilespmem:v16+s4+$0x0], $0xffff  }
0x10b: {  	v19 =	vor.u32 s12, v0  }
0x10c: {  	v10 =	vadd.f32 v10, v3;
	v20 =	vld.idx.msk [tilespmem:v17+s4+$0x0], $0xffff  }
0x10d: {  	v3 =	vor.u32 s16, v0;
	s16 =	smov.u32 s11  }
0x10e: {  	v4 =	vadd.f32 v4, v10;
	v10 =	vld.idx.msk [tilespmem:v18+s4+$0x0], $0xffff;
	_ =	sdelay $0x1  }
0x10f: {  	v4 =	vadd.f32 v8, v4;
	v8 =	vld.idx.msk [tilespmem:v19+s4+$0x0], $0xffff;
	_ =	sdelay $0x1  }
0x110: {  	v4 =	vadd.f32 v20, v4;
	v20 =	vld.idx.msk [tilespmem:v3+s4+$0x0], $0xffff;
	_ =	sdelay $0x1  }
0x111: {  	v4 =	vadd.f32 v10, v4;
	_ =	sdelay $0x1  }
0x112: {  	v4 =	vadd.f32 v8, v4;
	_ =	sdelay $0x1  }
0x113: {  	v4 =	vadd.f32 v20, v4;
	_ =	sdelay $0x1  }
0x114: {  	v4 =	vmul.f32 $1.442695020e+00, v4;
	_ =	sdelay $0x1  }
0x115: {  	(erf) = vpow2.f32 v4;
	_ =	sdelay $0x1  }
0x116: {  	v8 =	vld [tilespmem:s13+$0x0];
	_ =	sdelay $0x6  }
0x117: {  	v4 =	vpop (erf)  }
0x118: {  	[tilespmem:v8+s22+$0x0] =	vst.idx.add.f32.msk $0xffff, v4  }
0x119: {  	[tilespmem:v1+s17+$0x0] =	vst.idx.msk $0xffff, v4  }
0x11a: {  	[tilespmem:v2+s17+$0x0] =	vst.idx.msk $0xffff, v4  }
0x11b: {  	[tilespmem:v5+s17+$0x0] =	vst.idx.msk $0xffff, v4  }
0x11c: {  	[tilespmem:v6+s17+$0x0] =	vst.idx.msk $0xffff, v4  }
0x11d: {  	[tilespmem:v7+s17+$0x0] =	vst.idx.msk $0xffff, v4  }
0x11e: {  	[tilespmem:v9+s17+$0x0] =	vst.idx.msk $0xffff, v4  }
0x11f: {  	[tilespmem:v11+s17+$0x0] =	vst.idx.msk $0xffff, v4  }
0x120: {  	[tilespmem:v12+s17+$0x0] =	vst.idx.msk $0xffff, v4  }
0x121: {  	[tilespmem:v13+s17+$0x0] =	vst.idx.msk $0xffff, v4  }
0x122: {  	[tilespmem:v14+s17+$0x0] =	vst.idx.msk $0xffff, v4  }
.Ltmp1:
0x123: {  	s11 =	sadd.s32 $0xFFFFFFF1, s16;
	[tilespmem:v15+s17+$0x0] =	vst.idx.msk $0xffff, v4;
	(pc) =	sbr.rel @p1 .LBB2_5-.Ltmp1, $4  }
0x124: {  	v1 =	vor.u32 s11, v0;
	[tilespmem:v16+s17+$0x0] =	vst.idx.msk $0xffff, v4  }
0x125: {  	s11 =	sadd.s32 $0xFFFFFFF2, s16;
	[tilespmem:v17+s17+$0x0] =	vst.idx.msk $0xffff, v4  }
0x126: {  	v2 =	vor.u32 s11, v0;
	[tilespmem:v18+s17+$0x0] =	vst.idx.msk $0xffff, v4  }
0x127: {  	s11 =	sadd.s32 $0xFFFFFFF3, s16;
	[tilespmem:v19+s17+$0x0] =	vst.idx.msk $0xffff, v4  }
0x128: {  	_ =	sdelay $0x3  }
0x129: {  	v5 =	vor.u32 s11, v0;
	[tilespmem:v3+s17+$0x0] =	vst.idx.msk $0xffff, v4  }
0x12a: {  	s18 =	sadd.s32 $0xFFFFFFF4, s16;
	v3 =	vld.idx.msk [tilespmem:v1+s4+$0x0], $0xffff  }
0x12b: {  	v4 =	vor.u32 s18, v0  }
0x12c: {  	s12 =	sadd.s32 $0xFFFFFFF5, s16;
	v6 =	vld.idx.msk [tilespmem:v2+s4+$0x0], $0xffff  }
0x12d: {  	v7 =	vor.u32 s12, v0  }
0x12e: {  	s17 =	sadd.s32 $0xFFFFFFF6, s16;
	v8 =	vld.idx.msk [tilespmem:v5+s4+$0x0], $0xffff  }
0x12f: {  	v9 =	vor.u32 s17, v0;
	v3 =	vadd.f32 $0.0e+00, v3  }
0x130: {  	s18 =	sadd.s32 $0xFFFFFFF7, s16;
	v10 =	vld.idx.msk [tilespmem:v4+s4+$0x0], $0xffff  }
0x131: {  	v11 =	vor.u32 s18, v0;
	v3 =	vadd.f32 v6, v3  }
0x132: {  	s12 =	sadd.s32 $0xFFFFFFF8, s16;
	v6 =	vld.idx.msk [tilespmem:v7+s4+$0x0], $0xffff  }
0x133: {  	v12 =	vor.u32 s12, v0;
	v3 =	vadd.f32 v8, v3  }
0x134: {  	s17 =	sadd.s32 $0xFFFFFFF9, s16;
	v8 =	vld.idx.msk [tilespmem:v9+s4+$0x0], $0xffff  }
0x135: {  	v13 =	vor.u32 s17, v0;
	v3 =	vadd.f32 v10, v3  }
0x136: {  	s18 =	sadd.s32 $0xFFFFFFFA, s16;
	v10 =	vld.idx.msk [tilespmem:v11+s4+$0x0], $0xffff  }
0x137: {  	v14 =	vor.u32 s18, v0;
	v3 =	vadd.f32 v6, v3  }
0x138: {  	s12 =	sadd.s32 $0xFFFFFFFB, s16;
	v6 =	vld.idx.msk [tilespmem:v12+s4+$0x0], $0xffff  }
0x139: {  	v15 =	vor.u32 s12, v0;
	v3 =	vadd.f32 v8, v3  }
0x13a: {  	s17 =	sadd.s32 $0xFFFFFFFC, s16;
	v8 =	vld.idx.msk [tilespmem:v13+s4+$0x0], $0xffff  }
0x13b: {  	v16 =	vor.u32 s17, v0;
	v3 =	vadd.f32 v10, v3  }
0x13c: {  	s18 =	sadd.s32 $0xFFFFFFFD, s16;
	v10 =	vld.idx.msk [tilespmem:v14+s4+$0x0], $0xffff  }
0x13d: {  	v17 =	vor.u32 s18, v0;
	v3 =	vadd.f32 v6, v3  }
0x13e: {  	s12 =	sadd.s32 $0xFFFFFFFE, s16;
	v6 =	vld.idx.msk [tilespmem:v15+s4+$0x0], $0xffff  }
0x13f: {  	v18 =	vor.u32 s12, v0;
	v3 =	vadd.f32 v8, v3  }
0x140: {  	s17 =	sadd.s32 $0xFFFFFFFF, s16;
	v8 =	vld.idx.msk [tilespmem:v16+s4+$0x0], $0xffff  }
0x141: {  	v19 =	vor.u32 s17, v0;
	v3 =	vadd.f32 v10, v3  }
0x142: {  	v10 =	vld.idx.msk [tilespmem:v17+s4+$0x0], $0xffff  }
0x143: {  	v20 =	vor.u32 s16, v0;
	v3 =	vadd.f32 v6, v3  }
0x144: {  	v6 =	vld.idx.msk [tilespmem:v18+s4+$0x0], $0xffff  }
0x145: {  	v3 =	vadd.f32 v8, v3  }
0x146: {  	v8 =	vld.idx.msk [tilespmem:v19+s4+$0x0], $0xffff  }
0x147: {  	v3 =	vadd.f32 v10, v3  }
0x148: {  	v10 =	vld.idx.msk [tilespmem:v20+s4+$0x0], $0xffff  }
0x149: {  	v3 =	vadd.f32 v6, v3;
	_ =	sdelay $0x1  }
0x14a: {  	v3 =	vadd.f32 v8, v3;
	_ =	sdelay $0x1  }
0x14b: {  	v3 =	vadd.f32 v10, v3;
	_ =	sdelay $0x1  }
0x14c: {  	v3 =	vmul.f32 $1.442695020e+00, v3;
	_ =	sdelay $0x1  }
0x14d: {  	(erf) = vpow2.f32 v3  }
0x14e: {  	s18 =	sadd.s32 $0x10, s13  }
0x14f: {  	v3 =	vld [tilespmem:s18+$0x0];
	_ =	sdelay $0x6  }
0x150: {  	v6 =	vpop (erf)  }
0x151: {  	s16 =	simm.s32 $0x8680;
	[tilespmem:v3+s22+$0x0] =	vst.idx.add.f32.msk $0xffff, v6  }
0x152: {  	[tilespmem:v1+s16+$0x0] =	vst.idx.msk $0xffff, v6  }
0x153: {  	[tilespmem:v2+s16+$0x0] =	vst.idx.msk $0xffff, v6  }
0x154: {  	[tilespmem:v5+s16+$0x0] =	vst.idx.msk $0xffff, v6  }
0x155: {  	[tilespmem:v4+s16+$0x0] =	vst.idx.msk $0xffff, v6  }
0x156: {  	[tilespmem:v7+s16+$0x0] =	vst.idx.msk $0xffff, v6  }
0x157: {  	[tilespmem:v9+s16+$0x0] =	vst.idx.msk $0xffff, v6  }
0x158: {  	[tilespmem:v11+s16+$0x0] =	vst.idx.msk $0xffff, v6  }
0x159: {  	[tilespmem:v12+s16+$0x0] =	vst.idx.msk $0xffff, v6  }
0x15a: {  	[tilespmem:v13+s16+$0x0] =	vst.idx.msk $0xffff, v6  }
0x15b: {  	[tilespmem:v14+s16+$0x0] =	vst.idx.msk $0xffff, v6  }
0x15c: {  	[tilespmem:v15+s16+$0x0] =	vst.idx.msk $0xffff, v6  }
0x15d: {  	[tilespmem:v16+s16+$0x0] =	vst.idx.msk $0xffff, v6  }
0x15e: {  	[tilespmem:v17+s16+$0x0] =	vst.idx.msk $0xffff, v6  }
0x15f: {  	[tilespmem:v18+s16+$0x0] =	vst.idx.msk $0xffff, v6  }
0x160: {  	[tilespmem:v19+s16+$0x0] =	vst.idx.msk $0xffff, v6  }
0x161: {  	s13 =	simm.s32 $0x0;
	[tilespmem:v20+s16+$0x0] =	vst.idx.msk $0xffff, v6  }
0x162: {  	v9 =	vld [tilespmem:s13+$0x42E0]  }
0x163: {  	v12 =	vld [tilespmem:s13+$0x42D0]  }
0x164: {  	v10 =	vld [tilespmem:s13+$0x42F0]  }
0x165: {  	v1 =	vld [tilespmem:s13+$0x4280]  }
0x166: {  	v11 =	vld [tilespmem:s13+$0x62E0]  }
0x167: {  	v13 =	vld [tilespmem:s13+$0x62F0]  }
0x168: {  	v14 =	vld [tilespmem:s13+$0x62D0]  }
0x169: {  	v3 =	vld [tilespmem:s13+$0x42A0]  }
0x16a: {  	v5 =	vld [tilespmem:s13+$0x6290]  }
0x16b: {  	v7 =	vld [tilespmem:s13+$0x4290]  }
0x16c: {  	v4 =	vld [tilespmem:s13+$0x62B0]  }
0x16d: {  	v6 =	vld [tilespmem:s13+$0x62C0]  }
0x16e: {  	v8 =	vld [tilespmem:s13+$0x42C0]  }
0x16f: {  	v2 =	vld [tilespmem:s16+$0x0]  }
0x170: {  	v9 =	vadd.f32 v11, v9;
	v11 =	vld [tilespmem:s13+$0x62A0]  }
0x171: {  	s11 =	simm.s32 $0x200;
	v10 =	vadd.f32 v13, v10;
	v12 =	vadd.f32 v14, v12;
	v13 =	vld [tilespmem:s13+$0x6280]  }
.LBB2_7:
0x172: {  	s17 =	smov.u32 s11  }
0x173: {  	s12 =	sshra.s32 s11, $0x2;
	v14 =	vld [tilespmem:s13+$0x42B0];
	s16 =	sadd.s32 $0x10, s16;
	s17 =	sadd.s32 $0x200, s11  }
0x174: {  	p1 =	sne.s32 s11, $0x7E00;
	v5 =	vadd.f32 v5, v7;
	v15 =	vld [tilespmem:s12+$0x42E0]  }
0x175: {  	v6 =	vadd.f32 v6, v8;
	v7 =	vmul.f32 v9, v2;
	v16 =	vld [tilespmem:s12+$0x42D0]  }
0x176: {  	v9 =	vmul.f32 v12, v2;
	v10 =	vmul.f32 v10, v2;
	v3 =	vadd.f32 v11, v3;
	v8 =	vld [tilespmem:s12+$0x42F0]  }
0x177: {  	v5 =	vmul.f32 v5, v2;
	v6 =	vmul.f32 v6, v2;
	v11 =	vadd.f32 v13, v1;
	v1 =	vld [tilespmem:s12+$0x4280];
	[tilespmem:s13+$0x62E0] =	vst v7  }
0x178: {  	v13 =	vmul.f32 v3, v2;
	v3 =	vadd.f32 v4, v14;
	v12 =	vld [tilespmem:s12+$0x62E0];
	[tilespmem:s13+$0x62F0] =	vst v10  }
0x179: {  	v4 =	vmul.f32 v11, v2;
	v10 =	vld [tilespmem:s12+$0x62F0];
	[tilespmem:s13+$0x62D0] =	vst v9  }
0x17a: {  	v2 =	vmul.f32 v3, v2;
	v11 =	vld [tilespmem:s12+$0x62D0];
	[tilespmem:s13+$0x6290] =	vst v5  }
0x17b: {  	v3 =	vld [tilespmem:s12+$0x42A0];
	[tilespmem:s13+$0x6280] =	vst v4  }
0x17c: {  	v5 =	vld [tilespmem:s12+$0x6290];
	[tilespmem:s13+$0x62B0] =	vst v2  }
0x17d: {  	v7 =	vld [tilespmem:s12+$0x4290];
	v9 =	vadd.f32 v12, v15;
	[tilespmem:s13+$0x62A0] =	vst v13  }
0x17e: {  	v4 =	vld [tilespmem:s12+$0x62B0];
	v10 =	vadd.f32 v10, v8;
	[tilespmem:s13+$0x62C0] =	vst v6;
	s13 =	smov.u32 s12  }
.Ltmp2:
0x17f: {  	v6 =	vld [tilespmem:s13+$0x62C0];
	v12 =	vadd.f32 v11, v16;
	(pc) =	sbr.rel @p1 .LBB2_7-.Ltmp2, $4  }
0x180: {  	v8 =	vld [tilespmem:s13+$0x42C0]  }
0x181: {  	v2 =	vld [tilespmem:s16+$0x0]  }
0x182: {  	v11 =	vld [tilespmem:s13+$0x62A0]  }
0x183: {  	s11 =	smov.u32 s17;
	v13 =	vld [tilespmem:s13+$0x6280]  }
0x184: {  	_ = 	snop  }
0x185: {  	v14 =	vld [tilespmem:s13+$0x42B0]  }
0x186: {  	v9 =	vmul.f32 v9, v2  }
0x187: {  	v5 =	vadd.f32 v5, v7;
	v62 =	vmul.f32 v10, v2  }
0x188: {  	v63 =	vmul.f32 v12, v2;
	v3 =	vadd.f32 v11, v3;
	[tilespmem:s13+$0x62E0] =	vst v9  }
0x189: {  	v5 =	vmul.f32 v5, v2;
	v1 =	vadd.f32 v13, v1;
	[tilespmem:s13+$0x62F0] =	vst v62  }
0x18a: {  	[tilespmem:s13+$0x62D0] =	vst v63;
	v4 =	vadd.f32 v4, v14;
	v3 =	vmul.f32 v3, v2  }
0x18b: {  	v6 =	vadd.f32 v6, v8;
	[tilespmem:s13+$0x6290] =	vst v5;
	v1 =	vmul.f32 v1, v2  }
0x18c: {  	v4 =	vmul.f32 v4, v2;
	[tilespmem:s13+$0x62A0] =	vst v3  }
0x18d: {  	s24 =	sadd.s32 $0x1, s24;
	[tilespmem:s13+$0x6280] =	vst v1;
	v1 =	vmul.f32 v6, v2  }
0x18e: {  	p1 =	sne.s32 s24, $0x9E;
	[tilespmem:s13+$0x62B0] =	vst v4  }
.Ltmp3:
0x18f: {  	[tilespmem:s13+$0x62C0] =	vst v1;
	(pc) =	sbr.rel @p1 .LBB2_2-.Ltmp3, $4  }
0x190: {  	[spmem:s3] =	stream.indirect.scatter.add.f32 [tilespmem:s0], [sflag:$0x2], $0x80, s26, s25, $0xb8;
	[tilespmem:$0x1F600] =	vst v63  }
0x191: {  	_ =	swait.ge [sflag:s20], $0x2000  }
0x192: {  	[sflag:s20] =	ssyncset.done $0x0  }
0x193: {  	[sflag:s20] =	ssyncadd.s32 $0xFFFFE000  }
0x194: {  	s11 =	simm.s32 $0x0  }
0x195: {  	v4 =	vld [tilespmem:s11+$0x8AF0]  }
0x196: {  	v5 =	vld [tilespmem:s11+$0x8A80]  }
0x197: {  	v6 =	vld [tilespmem:s11+$0x8A90]  }
0x198: {  	v3 =	vld [tilespmem:s11+$0x8AA0]  }
0x199: {  	v1 =	vld [tilespmem:s11+$0x8AB0]  }
0x19a: {  	v2 =	vld [tilespmem:s11+$0x8AC0];
	[tilespmem:s11+$0x2F0] =	vst v4  }
0x19b: {  	[tilespmem:s11+$0x280] =	vst v5;
	v4 =	vld [tilespmem:s11+$0x8AD0]  }
0x19c: {  	s13 =	simm.s32 $0x80;
	s16 =	simm.s32 $0x400;
	[tilespmem:s11+$0x290] =	vst v6;
	v5 =	vld [tilespmem:s11+$0x8AE0]  }
.LBB2_10:
0x19d: {  	p1 =	sne.s32 s16, $0x4E00;
	v6 =	vld [tilespmem:s13+$0x8AF0];
	[tilespmem:s11+$0x2A0] =	vst v3  }
0x19e: {  	v7 =	vld [tilespmem:s13+$0x8A80];
	[tilespmem:s11+$0x2B0] =	vst v1  }
0x19f: {  	v8 =	vld [tilespmem:s13+$0x8A90];
	[tilespmem:s11+$0x2C0] =	vst v2  }
.Ltmp4:
0x1a0: {  	v3 =	vld [tilespmem:s13+$0x8AA0];
	[tilespmem:s11+$0x2D0] =	vst v4;
	(pc) =	sbr.rel @p1 .LBB2_10-.Ltmp4, $4  }
0x1a1: {  	v1 =	vld [tilespmem:s13+$0x8AB0];
	[tilespmem:s11+$0x2E0] =	vst v5;
	s11 =	smov.u32 s13  }
0x1a2: {  	v2 =	vld [tilespmem:s11+$0x8AC0];
	[tilespmem:s11+$0x2F0] =	vst v6  }
0x1a3: {  	[tilespmem:s11+$0x280] =	vst v7;
	v4 =	vld [tilespmem:s11+$0x8AD0]  }
0x1a4: {  	s13 =	sshra.s32 s16, $0x2;
	s16 =	sadd.s32 $0x200, s16;
	[tilespmem:s11+$0x290] =	vst v8;
	v5 =	vld [tilespmem:s11+$0x8AE0]  }
0x1a5: {  	v6 =	vld [tilespmem:s13+$0x8AF0];
	[tilespmem:s11+$0x2A0] =	vst v3  }
0x1a6: {  	v3 =	vld [tilespmem:s13+$0x8A80];
	[tilespmem:s11+$0x2B0] =	vst v1  }
0x1a7: {  	v1 =	vld [tilespmem:s13+$0x8A90];
	[tilespmem:s11+$0x2C0] =	vst v2  }
0x1a8: {  	v2 =	vld [tilespmem:s13+$0x8AA0];
	[tilespmem:s11+$0x2D0] =	vst v4  }
0x1a9: {  	v4 =	vld [tilespmem:s13+$0x8AB0];
	[tilespmem:s11+$0x2E0] =	vst v5  }
0x1aa: {  	v5 =	vld [tilespmem:s13+$0x8AC0];
	[tilespmem:s13+$0x2F0] =	vst v6  }
0x1ab: {  	[tilespmem:s13+$0x280] =	vst v3;
	v3 =	vld [tilespmem:s13+$0x8AD0]  }
0x1ac: {  	[tilespmem:s13+$0x290] =	vst v1;
	v1 =	vld [tilespmem:s13+$0x8AE0]  }
0x1ad: {  	[tilespmem:s13+$0x2A0] =	vst v2  }
0x1ae: {  	[tilespmem:s13+$0x2B0] =	vst v4  }
0x1af: {  	[tilespmem:s13+$0x2C0] =	vst v5  }
0x1b0: {  	[tilespmem:s13+$0x2D0] =	vst v3  }
0x1b1: {  	s17 =	simm.s32 $0xB280;
	s12 =	simm.s32 $0x28;
	[tilespmem:s13+$0x2E0] =	vst v1  }
0x1b2: {  	[spmem:s5] =	stream.indirect.scatter.add.f32 [tilespmem:s28], [sflag:$0x2], $0x80, s17, s12, $0xb8;
	[tilespmem:$0x1F600] =	vst v63  }
0x1b3: {  	_ =	swait.ge [sflag:s20], $0x1400  }
0x1b4: {  	[sflag:s20] =	ssyncset.done $0x0  }
0x1b5: {  	s11 =	simm.s32 $0x0;
	[sflag:s20] =	ssyncadd.s32 $0xFFFFEC00  }
0x1b6: {  	v4 =	vld [tilespmem:s11+$0x9EF0]  }
0x1b7: {  	v5 =	vld [tilespmem:s11+$0x9E80]  }
0x1b8: {  	v6 =	vld [tilespmem:s11+$0x9E90]  }
0x1b9: {  	v3 =	vld [tilespmem:s11+$0x9EA0]  }
0x1ba: {  	v1 =	vld [tilespmem:s11+$0x9EB0]  }
0x1bb: {  	v2 =	vld [tilespmem:s11+$0x9EC0];
	[tilespmem:s11+$0x2F0] =	vst v4  }
0x1bc: {  	[tilespmem:s11+$0x280] =	vst v5;
	v4 =	vld [tilespmem:s11+$0x9ED0]  }
0x1bd: {  	s16 =	simm.s32 $0x400;
	s13 =	simm.s32 $0x80;
	[tilespmem:s11+$0x290] =	vst v6;
	v5 =	vld [tilespmem:s11+$0x9EE0]  }
.LBB2_12:
0x1be: {  	p1 =	sne.s32 s16, $0x4E00;
	v6 =	vld [tilespmem:s13+$0x9EF0];
	[tilespmem:s11+$0x2A0] =	vst v3  }
0x1bf: {  	v7 =	vld [tilespmem:s13+$0x9E80];
	[tilespmem:s11+$0x2B0] =	vst v1  }
0x1c0: {  	v8 =	vld [tilespmem:s13+$0x9E90];
	[tilespmem:s11+$0x2C0] =	vst v2  }
.Ltmp5:
0x1c1: {  	v3 =	vld [tilespmem:s13+$0x9EA0];
	[tilespmem:s11+$0x2D0] =	vst v4;
	(pc) =	sbr.rel @p1 .LBB2_12-.Ltmp5, $4  }
0x1c2: {  	v1 =	vld [tilespmem:s13+$0x9EB0];
	[tilespmem:s11+$0x2E0] =	vst v5;
	s11 =	smov.u32 s13  }
0x1c3: {  	v2 =	vld [tilespmem:s11+$0x9EC0];
	[tilespmem:s11+$0x2F0] =	vst v6  }
0x1c4: {  	[tilespmem:s11+$0x280] =	vst v7;
	v4 =	vld [tilespmem:s11+$0x9ED0]  }
0x1c5: {  	s13 =	sshra.s32 s16, $0x2;
	s16 =	sadd.s32 $0x200, s16;
	[tilespmem:s11+$0x290] =	vst v8;
	v5 =	vld [tilespmem:s11+$0x9EE0]  }
0x1c6: {  	v6 =	vld [tilespmem:s13+$0x9EF0];
	[tilespmem:s11+$0x2A0] =	vst v3  }
0x1c7: {  	v3 =	vld [tilespmem:s13+$0x9E80];
	[tilespmem:s11+$0x2B0] =	vst v1  }
0x1c8: {  	v1 =	vld [tilespmem:s13+$0x9E90];
	[tilespmem:s11+$0x2C0] =	vst v2  }
0x1c9: {  	v2 =	vld [tilespmem:s13+$0x9EA0];
	[tilespmem:s11+$0x2D0] =	vst v4  }
0x1ca: {  	v4 =	vld [tilespmem:s13+$0x9EB0];
	[tilespmem:s11+$0x2E0] =	vst v5  }
0x1cb: {  	v5 =	vld [tilespmem:s13+$0x9EC0];
	[tilespmem:s13+$0x2F0] =	vst v6  }
0x1cc: {  	[tilespmem:s13+$0x280] =	vst v3;
	v3 =	vld [tilespmem:s13+$0x9ED0]  }
0x1cd: {  	[tilespmem:s13+$0x290] =	vst v1;
	v1 =	vld [tilespmem:s13+$0x9EE0]  }
0x1ce: {  	[tilespmem:s13+$0x2A0] =	vst v2  }
0x1cf: {  	[tilespmem:s13+$0x2B0] =	vst v4  }
0x1d0: {  	[tilespmem:s13+$0x2C0] =	vst v5  }
0x1d1: {  	[tilespmem:s13+$0x2D0] =	vst v3  }
0x1d2: {  	[tilespmem:s13+$0x2E0] =	vst v1;
	s13 =	simm.s32 $0xB300  }
0x1d3: {  	[spmem:s5] =	stream.indirect.scatter.add.f32 [tilespmem:s28], [sflag:$0x2], $0x80, s13, s12, $0xb8;
	[tilespmem:$0x1F600] =	vst v63  }
0x1d4: {  	_ =	swait.ge [sflag:s20], $0x1400  }
0x1d5: {  	[sflag:s20] =	ssyncset.done $0x0  }
0x1d6: {  	[sflag:s20] =	ssyncadd.s32 $0xFFFFEC00  }
0x1d7: {  	[bflag:$0x0] =	sbarrier.arrive $0xFFFF  }
0x1d8: {  	s18 =	rddreg [dreg:$0x9]  }
0x1d9: {  	[hbm:s18], [sflag:s14] =	dma.local [spmem:s19], $0x2800  }
0x1da: {  	_ =	swait.ge [sflag:s20], $0x2800  }
0x1db: {  	[sflag:s20] =	ssyncset.done $0x0  }
0x1dc: {  	s11 =	rddreg [dreg:$0xa];
	[sflag:s20] =	ssyncadd.s32 $0xFFFFD800  }
0x1dd: {  	[hbm:s11], [sflag:s14] =	dma.local @!p0 [spmem:s21], $0x500  }
0x1de: {  	s11 =	simm.s32 @!p0 $0x2  }
0x1df: {  	_ =	swait.ge @!p0 [sflag:s11], $0x500  }
0x1e0: {  	s23 =	sadd.s32 $0x1, s23;
	s24 =	rddreg [dreg:$0xb]  }
0x1e1: {  	p1 =	sne.s32 s23, s24  }
.Ltmp6:
0x1e2: {  	_ = 	snop;
	(pc) =	sbr.rel @p1 .LBB2_1-.Ltmp6, $3  }
0x1e3: {  	_ =	sdelay $0x1  }
0x1e4: {  	[sflag:s11] =	ssyncset.done @!p0 $0x0  }
0x1e5: {  	[sflag:s11] =	ssyncadd.s32 @!p0 $0xFFFFFB00  }
0x1e6: {  	_ =	sfence.sel $0x180000  }
0x1e7: {  	[bflag:$0x0] =	sbarrier.arrive $0xFFFF  }
0x1e8: {  	_ =	strace $0x9000004D  }
0x1e9: {  	[bflag:$0x2] =	sbarrier.arrive $0xFFFF  }
0x1ea: {  	s0 =	rddreg [dreg:$0x5]  }
0x1eb: {  	s0 =	sadd.s32 @!p0 $0x100000, s0  }
0x1ec: {  	[sflag:s0] =	ssyncadd.tile.s32 @!p0 $0x1;
	_ =	shalt  }
.Lfunc_end2:
_tile_overlayer_lowered:
.L_overlay_start_2:
0x1ed: {  	(tag) =	ssettag $0x2  }
0x1ee: {  	s0 =	rddreg [dreg:$0x0];
	s2 =	stileid.u32  }
0x1ef: {  	s1 =	rddreg [dreg:$0x1];
	p0 =	sne.s32 s2, $0x0  }
0x1f0: {  	s3 =	rddreg [dreg:$0x2];
	[bflag:$0x3] =	sbarrier.arrive $0xFFFF;
	s2 =	simm.s32 @!p0 $0x1C02  }
0x1f1: {  	[timem:s3], [sflag:s2] =	dma.local @!p0 [hbm:s0], s1  }
0x1f2: {  	s0 =	simm.s32 @!p0 $0x2  }
0x1f3: {  	_ =	swait.ge @!p0 [sflag:s0], s1  }
0x1f4: {  	s1 =	ssub.s32 @!p0 $0x0, s1;
	[sflag:s0] =	ssyncset.done @!p0 $0x0  }
0x1f5: {  	[sflag:s0] =	ssyncadd.s32 @!p0 s1  }
0x1f6: {  	[bflag:$0x3] =	sbarrier.arrive $0xFFFF  }
0x1f7: {  	_ =	shalt  }

</sc_bundles>
